<compile_context>
chip_gen: v7x
topology: tpu7x:2x2x1
jax: 0.10.2.dev20260603
libtpu: 0.0.44.dev20260713+nightly
codegen_flags: <defaults>
</compile_context>

<pallas_src>
import functools

import jax
import jax.numpy as jnp
from jax import lax
from jax.experimental import pallas as pl
from jax.experimental.pallas import tpu as pltpu
from jax.experimental.pallas import tpu_sc as plsc

NC, NS = 2, 16
NW = NC * NS
C = 128
R = 1000


def _cdiv(a, b):
    return (a + b - 1) // b


@functools.lru_cache(maxsize=None)
def _make_agg(width, ept, acc_r):
    cpt = ept // C
    rpt = acc_r // NS
    mesh = plsc.VectorSubcoreMesh(core_axis_name="c", subcore_axis_name="s",
                                  num_cores=NC, num_subcores=NS)

    @functools.partial(
        pl.kernel,
        out_type=jax.ShapeDtypeStruct((NC, acc_r, width), jnp.float32),
        mesh=mesh,
        scratch_types=[
            pltpu.VMEM((C,), jnp.int32),
            pltpu.VMEM((C,), jnp.int32),
            pltpu.VMEM((C,), jnp.int32),
            pltpu.VMEM((C, width), jnp.float32),
            pltpu.VMEM((C, width), jnp.float32),
            pltpu.VMEM_SHARED((acc_r, width), jnp.float32),
            pltpu.SemaphoreType.DMA,
            pltpu.SemaphoreType.DMA,
            pltpu.SemaphoreType.DMA,
        ],
    )
    def agg(table, src1d, dst1d, zeros, out,
            src_v, dstb0, dstb1, rows0, rows1, acc, semg, sems0, sems1):
        cid = lax.axis_index("c")
        sid = lax.axis_index("s")
        w = cid * NS + sid
        pltpu.sync_copy(zeros, rows0)
        base_r = sid * rpt
        for k in range(rpt // C):
            pltpu.sync_copy(rows0, acc.at[pl.ds(base_r + k * C, C)])
        plsc.subcore_barrier()

        base_e = w * ept

        def body(jj, carry):
            c0 = base_e + 2 * jj * C
            c1 = c0 + C
            @pl.when(jj > 0)
            def _():
                pltpu.make_async_copy(rows0, acc.at[dstb0], sems0).wait()
            pltpu.sync_copy(src1d.at[pl.ds(c0, C)], src_v)
            pltpu.sync_copy(dst1d.at[pl.ds(c0, C)], dstb0)
            pltpu.async_copy(table.at[src_v], rows0, semg).wait()
            pltpu.async_copy(rows0, acc.at[dstb0], sems0, add=True)

            @pl.when(jj > 0)
            def _():
                pltpu.make_async_copy(rows1, acc.at[dstb1], sems1).wait()
            pltpu.sync_copy(src1d.at[pl.ds(c1, C)], src_v)
            pltpu.sync_copy(dst1d.at[pl.ds(c1, C)], dstb1)
            pltpu.async_copy(table.at[src_v], rows1, semg).wait()
            pltpu.async_copy(rows1, acc.at[dstb1], sems1, add=True)
            return carry

        lax.fori_loop(0, cpt // 2, body, 0)
        pltpu.make_async_copy(rows0, acc.at[dstb0], sems0).wait()
        pltpu.make_async_copy(rows1, acc.at[dstb1], sems1).wait()
        for t in range(cpt - (cpt // 2) * 2):
            off = base_e + (cpt - 1) * C
            pltpu.sync_copy(src1d.at[pl.ds(off, C)], src_v)
            pltpu.sync_copy(dst1d.at[pl.ds(off, C)], dstb0)
            pltpu.async_copy(table.at[src_v], rows0, semg).wait()
            pltpu.sync_copy(rows0, acc.at[dstb0], add=True)
        plsc.subcore_barrier()
        for k in range(rpt // C):
            r0 = base_r + k * C
            pltpu.sync_copy(acc.at[pl.ds(r0, C)], out.at[cid, pl.ds(r0, C)])

    return agg


@functools.lru_cache(maxsize=None)
def _make_deg(width, ept, acc_r):
    cpt = ept // C
    rpt = acc_r // NS
    mesh = plsc.VectorSubcoreMesh(core_axis_name="c", subcore_axis_name="s",
                                  num_cores=NC, num_subcores=NS)

    GB = 8

    @functools.partial(
        pl.kernel,
        out_type=jax.ShapeDtypeStruct((NC, acc_r, width), jnp.float32),
        mesh=mesh,
        scratch_types=[
            [pltpu.VMEM((C,), jnp.int32)] * GB,
            pltpu.VMEM((C, width), jnp.float32),
            pltpu.VMEM_SHARED((acc_r, width), jnp.float32),
            pltpu.SemaphoreType.DMA,
        ],
    )
    def deg(dst1d, zeros, ones, out, dstb, rows_v, acc, sem):
        cid = lax.axis_index("c")
        sid = lax.axis_index("s")
        w = cid * NS + sid
        pltpu.sync_copy(zeros, rows_v)
        base_r = sid * rpt
        for k in range(rpt // C):
            pltpu.sync_copy(rows_v, acc.at[pl.ds(base_r + k * C, C)])
        plsc.subcore_barrier()
        pltpu.sync_copy(ones, rows_v)

        base_e = w * ept
        ngrp = cpt // GB

        def grp(g, carry):
            for b in range(GB):
                off = base_e + (g * GB + b) * C
                pltpu.sync_copy(dst1d.at[pl.ds(off, C)], dstb[b])
                pltpu.async_copy(rows_v, acc.at[dstb[b]], sem, add=True)
            for b in range(GB):
                pltpu.make_async_copy(rows_v, acc.at[dstb[0]], sem).wait()
            return carry

        lax.fori_loop(0, ngrp, grp, 0)
        for t in range(cpt - ngrp * GB):
            off = base_e + (ngrp * GB + t) * C
            pltpu.sync_copy(dst1d.at[pl.ds(off, C)], dstb[0])
            pltpu.sync_copy(rows_v, acc.at[dstb[0]], add=True)
        plsc.subcore_barrier()
        for k in range(rpt // C):
            r0 = base_r + k * C
            pltpu.sync_copy(acc.at[pl.ds(r0, C)], out.at[cid, pl.ds(r0, C)])

    return deg


def _tc0(x, w0, degp, n, f):
    g = n // R

    def body(x_ref, w_ref, d0_ref, d1_ref, g_ref, dinv_ref):
        deg = d0_ref[...][0, :, 0:1] + d1_ref[...][0, :, 0:1] + 1.0
        dinv = lax.rsqrt(deg)
        hw = lax.dot_general(x_ref[...], w_ref[...], (((1,), (1,)), ((), ())),
                             preferred_element_type=jnp.float32)
        g_ref[...] = dinv * hw
        dinv_ref[...] = dinv

    return pl.pallas_call(
        body,
        grid=(g,),
        in_specs=[
            pl.BlockSpec((R, f), lambda i: (i, 0)),
            pl.BlockSpec((f, f), lambda i: (0, 0)),
            pl.BlockSpec((1, R, f), lambda i: (0, i, 0)),
            pl.BlockSpec((1, R, f), lambda i: (1, i, 0)),
        ],
        out_specs=[
            pl.BlockSpec((R, f), lambda i: (i, 0)),
            pl.BlockSpec((R, 1), lambda i: (i, 0)),
        ],
        out_shape=[
            jax.ShapeDtypeStruct((n, f), jnp.float32),
            jax.ShapeDtypeStruct((n, 1), jnp.float32),
        ],
    )(x, w0, degp, degp)


def _tc_mid(p, g_prev, dinv, b_prev, w_next, n, f):
    g = n // R

    def body(p0_ref, p1_ref, g_ref, dinv_ref, b_ref, w_ref, out_ref):
        agg = p0_ref[...][0] + p1_ref[...][0] + g_ref[...]
        h = jax.nn.sigmoid(dinv_ref[...] * agg + b_ref[...])
        hw = lax.dot_general(h, w_ref[...], (((1,), (1,)), ((), ())),
                             preferred_element_type=jnp.float32)
        out_ref[...] = dinv_ref[...] * hw

    return pl.pallas_call(
        body,
        grid=(g,),
        in_specs=[
            pl.BlockSpec((1, R, f), lambda i: (0, i, 0)),
            pl.BlockSpec((1, R, f), lambda i: (1, i, 0)),
            pl.BlockSpec((R, f), lambda i: (i, 0)),
            pl.BlockSpec((R, 1), lambda i: (i, 0)),
            pl.BlockSpec((1, f), lambda i: (0, 0)),
            pl.BlockSpec((f, f), lambda i: (0, 0)),
        ],
        out_shape=jax.ShapeDtypeStruct((n, f), jnp.float32),
        out_specs=pl.BlockSpec((R, f), lambda i: (i, 0)),
    )(p, p, g_prev, dinv, b_prev.reshape(1, f), w_next)


def _tc2(p, g_prev, dinv, b_prev, w2, n, f):
    g = n // R

    def body(p0_ref, p1_ref, g_ref, dinv_ref, b_ref, w_ref, out_ref):
        agg = p0_ref[...][0] + p1_ref[...][0] + g_ref[...]
        h = jax.nn.sigmoid(dinv_ref[...] * agg + b_ref[...])
        s = lax.dot_general(h, w_ref[...], (((1,), (1,)), ((), ())),
                            preferred_element_type=jnp.float32)
        out_ref[...] = jnp.broadcast_to(dinv_ref[...] * s, (R, f))

    return pl.pallas_call(
        body,
        grid=(g,),
        in_specs=[
            pl.BlockSpec((1, R, f), lambda i: (0, i, 0)),
            pl.BlockSpec((1, R, f), lambda i: (1, i, 0)),
            pl.BlockSpec((R, f), lambda i: (i, 0)),
            pl.BlockSpec((R, 1), lambda i: (i, 0)),
            pl.BlockSpec((1, f), lambda i: (0, 0)),
            pl.BlockSpec((1, f), lambda i: (0, 0)),
        ],
        out_shape=jax.ShapeDtypeStruct((n, f), jnp.float32),
        out_specs=pl.BlockSpec((R, f), lambda i: (i, 0)),
    )(p, p, g_prev, dinv, b_prev.reshape(1, f), w2)


def _tc3(p, g2, dinv, b2, n, f):
    g = n // R

    def body(p0_ref, p1_ref, g_ref, dinv_ref, b_ref, out_ref):
        agg = (p0_ref[...][0, :, 0:1] + p1_ref[...][0, :, 0:1]
               + g_ref[...][:, 0:1])
        out_ref[...] = jax.nn.sigmoid(dinv_ref[...] * agg + b_ref[...]) + 1e-6

    return pl.pallas_call(
        body,
        grid=(g,),
        in_specs=[
            pl.BlockSpec((1, R, f), lambda i: (0, i, 0)),
            pl.BlockSpec((1, R, f), lambda i: (1, i, 0)),
            pl.BlockSpec((R, f), lambda i: (i, 0)),
            pl.BlockSpec((R, 1), lambda i: (i, 0)),
            pl.BlockSpec((1, 1), lambda i: (0, 0)),
        ],
        out_shape=jax.ShapeDtypeStruct((n, 1), jnp.float32),
        out_specs=pl.BlockSpec((R, 1), lambda i: (i, 0)),
    )(p, p, g2, dinv, b2.reshape(1, 1))


def kernel(x, edge_index, batch, W0, b0, W1, b1, W2, b2):
    n, f = x.shape
    e = edge_index.shape[1]
    epad = _cdiv(e, NW * C) * NW * C
    ept = epad // NW
    acc_r = _cdiv(n + 1, NS * C) * NS * C

    src = jnp.concatenate(
        [edge_index[0].astype(jnp.int32), jnp.zeros((epad - e,), jnp.int32)])
    dst = jnp.concatenate(
        [edge_index[1].astype(jnp.int32), jnp.full((epad - e,), n, jnp.int32)])
    zeros_f = jnp.zeros((C, f), jnp.float32)
    ones_f = jnp.ones((C, f), jnp.float32)

    agg_f = _make_agg(f, ept, acc_r)
    deg_f = _make_deg(f, ept, acc_r)

    degp = deg_f(dst, zeros_f, ones_f)
    g0, dinv = _tc0(x, W0, degp, n, f)
    p0 = agg_f(g0, src, dst, zeros_f)
    g1 = _tc_mid(p0, g0, dinv, b0, W1, n, f)
    p1 = agg_f(g1, src, dst, zeros_f)
    g2 = _tc2(p1, g1, dinv, b1, W2, n, f)
    p2 = agg_f(g2, src, dst, zeros_f)
    return _tc3(p2, g2, dinv, b2, n, f)

# --- scband reference (transcript-rebuilt; emitter-appended) ---
"""Pipeline reference for scband-local-weight-25752623907304 (READ-ONLY COPY).

The authoritative reference and input builder live on the scoring server;
editing this copy changes nothing except your own understanding.
"""

import jax, jax.numpy as jnp
import numpy as np

N = 10000
E = 320000
F_IN = 128
DIM = 128
TEMP = 1.0


def setup_inputs(seed: int = 0) -> dict:
    key = jax.random.key(seed)
    ks = jax.random.split(key, 10)
    x = jax.random.normal(ks[0], (N, F_IN), dtype=jnp.float32)
    edge_index = jax.random.randint(ks[1], (2, E), 0, N)
    batch = jnp.zeros((N,), dtype=jnp.int32)
    # GCNConv weights: layer0 128->128, layer1 128->128, layer2 128->1 (out_dim=1)
    W0 = jax.random.normal(ks[2], (DIM, F_IN), dtype=jnp.float32) * (1.0 / np.sqrt(F_IN))
    b0 = jnp.zeros((DIM,), dtype=jnp.float32)
    W1 = jax.random.normal(ks[3], (DIM, DIM), dtype=jnp.float32) * (1.0 / np.sqrt(DIM))
    b1 = jnp.zeros((DIM,), dtype=jnp.float32)
    W2 = jax.random.normal(ks[4], (1, DIM), dtype=jnp.float32) * (1.0 / np.sqrt(DIM))
    b2 = jnp.zeros((1,), dtype=jnp.float32)
    return {"x": x, "edge_index": edge_index, "batch": batch,
            "W0": W0, "b0": b0, "W1": W1, "b1": b1, "W2": W2, "b2": b2}


def _gcn_conv(h, edge_index, W, b, n):
    # PyG GCNConv: add self-loops, symmetric degree normalization, linear transform,
    # scatter-add aggregation from src (row) to dst (col), then bias.
    loop = jnp.arange(n)
    src = jnp.concatenate([edge_index[0], loop])
    dst = jnp.concatenate([edge_index[1], loop])
    deg = jnp.zeros((n,), dtype=h.dtype).at[dst].add(1.0)
    dinv = jnp.where(deg > 0, 1.0 / jnp.sqrt(deg), 0.0)
    norm = dinv[src] * dinv[dst]
    hw = h @ W.T
    msg = hw[src] * norm[:, None]
    out = jnp.zeros((n, hw.shape[1]), dtype=h.dtype).at[dst].add(msg)
    return out + b


def reference(x, edge_index, batch, W0, b0, W1, b1, W2, b2):
    n = x.shape[0]
    h = jax.nn.sigmoid(_gcn_conv(x, edge_index, W0, b0, n))
    h = jax.nn.sigmoid(_gcn_conv(h, edge_index, W1, b1, n))
    h = jax.nn.sigmoid(_gcn_conv(h, edge_index, W2, b2, n) / TEMP)
    return h + 1e-06

if __name__ == "__main__":
    import jax
    _d = setup_inputs()
    print(jax.jit(kernel)(*tuple(_d.values())))

</pallas_src>

<mosaic_0001>
#map = affine_map<(d0, d1) -> (0, 0)>
#map1 = affine_map<(d0, d1) -> (0)>
#map2 = affine_map<(d0, d1) -> (0, 0, 0)>
module attributes {stable_mosaic.version = 14 : i64} {
  func.func @agg(%arg0: i32, %arg1: i32, %arg2: memref<10000x128xf32, #tpu.memory_space<hbm>>, %arg3: memref<323584xi32, #tpu.memory_space<hbm>>, %arg4: memref<323584xi32, #tpu.memory_space<hbm>>, %arg5: memref<128x128xf32, #tpu.memory_space<hbm>>, %arg6: memref<2x10240x128xf32, #tpu.memory_space<hbm>>, %arg7: memref<128xi32, #tpu.memory_space<vmem>>, %arg8: memref<128xi32, #tpu.memory_space<vmem>>, %arg9: memref<128xi32, #tpu.memory_space<vmem>>, %arg10: memref<128x128xf32, #tpu.memory_space<vmem>>, %arg11: memref<128x128xf32, #tpu.memory_space<vmem>>, %arg12: memref<10240x128xf32, #tpu.memory_space<vmem_shared>>, %arg13: memref<!tpu.dma_semaphore, #tpu.memory_space<semaphore_mem>>, %arg14: memref<!tpu.dma_semaphore, #tpu.memory_space<semaphore_mem>>, %arg15: memref<!tpu.dma_semaphore, #tpu.memory_space<semaphore_mem>>) attributes {dimension_semantics = [#tpu.dimension_semantics<core_parallel>, #tpu.dimension_semantics<subcore_parallel>], iteration_bounds = array<i64: 2, 16>, scalar_prefetch = 0 : i64, scratch_operands = 9 : i64, tpu.core_type = #tpu.core_type<sc_vector_subcore>, window_params = [{transform_indices = #map}, {transform_indices = #map1}, {transform_indices = #map1}, {transform_indices = #map}, {transform_indices = #map2}]} {
    %mul3A = arith.constant 16 : i32
    %mul3A_0 = arith.muli %arg0, %mul3A : i32
    %add3A = arith.addi %mul3A_0, %arg1 : i32
    "tpu.region"() ({
      %run_scoped3A = tpu.sem_alloc : memref<!tpu.dma_semaphore, #tpu.memory_space<semaphore_mem>>
      tpu.enqueue_dma source(%arg5 : memref<128x128xf32, #tpu.memory_space<hbm>>) target(%arg10 : memref<128x128xf32, #tpu.memory_space<vmem>>) target_semaphore(%run_scoped3A : memref<!tpu.dma_semaphore, #tpu.memory_space<semaphore_mem>>)
      tpu.wait_dma2 semaphore(%run_scoped3A : memref<!tpu.dma_semaphore, #tpu.memory_space<semaphore_mem>>) src(%arg5 : memref<128x128xf32, #tpu.memory_space<hbm>>) dst(%arg10 : memref<128x128xf32, #tpu.memory_space<vmem>>)
      tpu.yield
    }) : () -> ()
    %mul3A_1 = arith.constant 640 : i32
    %mul3A_2 = arith.muli %arg1, %mul3A_1 : i32
    %add3A_3 = arith.constant 0 : i32
    %add3A_4 = arith.addi %mul3A_2, %add3A_3 : i32
    "tpu.region"() ({
      %run_scoped3A = tpu.sem_alloc : memref<!tpu.dma_semaphore, #tpu.memory_space<semaphore_mem>>
      %dma_start3A_43 = arith.constant 0 : i32
      %dma_start3A_44 = tpu.memref_slice %arg12[%add3A_4, %dma_start3A_43] : memref<10240x128xf32, #tpu.memory_space<vmem_shared>> -> memref<128x128xf32, #tpu.memory_space<vmem_shared>>
      %dma_start3A_45 = arith.constant 0 : i32
      %dma_start3A_46 = tpu.memref_slice %arg12[%add3A_4, %dma_start3A_45] : memref<10240x128xf32, #tpu.memory_space<vmem_shared>> -> memref<128x128xf32, #tpu.memory_space<vmem_shared>>
      tpu.enqueue_dma source(%arg10 : memref<128x128xf32, #tpu.memory_space<vmem>>) target(%dma_start3A_46 : memref<128x128xf32, #tpu.memory_space<vmem_shared>>) target_semaphore(%run_scoped3A : memref<!tpu.dma_semaphore, #tpu.memory_space<semaphore_mem>>)
      %dma_wait3A_47 = arith.constant 0 : i32
      %dma_wait3A_48 = tpu.memref_slice %arg12[%add3A_4, %dma_wait3A_47] : memref<10240x128xf32, #tpu.memory_space<vmem_shared>> -> memref<128x128xf32, #tpu.memory_space<vmem_shared>>
      %dma_wait3A_49 = arith.constant 0 : i32
      %dma_wait3A_50 = tpu.memref_slice %arg12[%add3A_4, %dma_wait3A_49] : memref<10240x128xf32, #tpu.memory_space<vmem_shared>> -> memref<128x128xf32, #tpu.memory_space<vmem_shared>>
      tpu.wait_dma2 semaphore(%run_scoped3A : memref<!tpu.dma_semaphore, #tpu.memory_space<semaphore_mem>>) src(%arg10 : memref<128x128xf32, #tpu.memory_space<vmem>>) dst(%dma_wait3A_50 : memref<128x128xf32, #tpu.memory_space<vmem_shared>>)
      tpu.yield
    }) : () -> ()
    %add3A_5 = arith.constant 128 : i32
    %add3A_6 = arith.addi %mul3A_2, %add3A_5 : i32
    "tpu.region"() ({
      %run_scoped3A = tpu.sem_alloc : memref<!tpu.dma_semaphore, #tpu.memory_space<semaphore_mem>>
      %dma_start3A_43 = arith.constant 0 : i32
      %dma_start3A_44 = tpu.memref_slice %arg12[%add3A_6, %dma_start3A_43] : memref<10240x128xf32, #tpu.memory_space<vmem_shared>> -> memref<128x128xf32, #tpu.memory_space<vmem_shared>>
      %dma_start3A_45 = arith.constant 0 : i32
      %dma_start3A_46 = tpu.memref_slice %arg12[%add3A_6, %dma_start3A_45] : memref<10240x128xf32, #tpu.memory_space<vmem_shared>> -> memref<128x128xf32, #tpu.memory_space<vmem_shared>>
      tpu.enqueue_dma source(%arg10 : memref<128x128xf32, #tpu.memory_space<vmem>>) target(%dma_start3A_46 : memref<128x128xf32, #tpu.memory_space<vmem_shared>>) target_semaphore(%run_scoped3A : memref<!tpu.dma_semaphore, #tpu.memory_space<semaphore_mem>>)
      %dma_wait3A_47 = arith.constant 0 : i32
      %dma_wait3A_48 = tpu.memref_slice %arg12[%add3A_6, %dma_wait3A_47] : memref<10240x128xf32, #tpu.memory_space<vmem_shared>> -> memref<128x128xf32, #tpu.memory_space<vmem_shared>>
      %dma_wait3A_49 = arith.constant 0 : i32
      %dma_wait3A_50 = tpu.memref_slice %arg12[%add3A_6, %dma_wait3A_49] : memref<10240x128xf32, #tpu.memory_space<vmem_shared>> -> memref<128x128xf32, #tpu.memory_space<vmem_shared>>
      tpu.wait_dma2 semaphore(%run_scoped3A : memref<!tpu.dma_semaphore, #tpu.memory_space<semaphore_mem>>) src(%arg10 : memref<128x128xf32, #tpu.memory_space<vmem>>) dst(%dma_wait3A_50 : memref<128x128xf32, #tpu.memory_space<vmem_shared>>)
      tpu.yield
    }) : () -> ()
    %add3A_7 = arith.constant 256 : i32
    %add3A_8 = arith.addi %mul3A_2, %add3A_7 : i32
    "tpu.region"() ({
      %run_scoped3A = tpu.sem_alloc : memref<!tpu.dma_semaphore, #tpu.memory_space<semaphore_mem>>
      %dma_start3A_43 = arith.constant 0 : i32
      %dma_start3A_44 = tpu.memref_slice %arg12[%add3A_8, %dma_start3A_43] : memref<10240x128xf32, #tpu.memory_space<vmem_shared>> -> memref<128x128xf32, #tpu.memory_space<vmem_shared>>
      %dma_start3A_45 = arith.constant 0 : i32
      %dma_start3A_46 = tpu.memref_slice %arg12[%add3A_8, %dma_start3A_45] : memref<10240x128xf32, #tpu.memory_space<vmem_shared>> -> memref<128x128xf32, #tpu.memory_space<vmem_shared>>
      tpu.enqueue_dma source(%arg10 : memref<128x128xf32, #tpu.memory_space<vmem>>) target(%dma_start3A_46 : memref<128x128xf32, #tpu.memory_space<vmem_shared>>) target_semaphore(%run_scoped3A : memref<!tpu.dma_semaphore, #tpu.memory_space<semaphore_mem>>)
      %dma_wait3A_47 = arith.constant 0 : i32
      %dma_wait3A_48 = tpu.memref_slice %arg12[%add3A_8, %dma_wait3A_47] : memref<10240x128xf32, #tpu.memory_space<vmem_shared>> -> memref<128x128xf32, #tpu.memory_space<vmem_shared>>
      %dma_wait3A_49 = arith.constant 0 : i32
      %dma_wait3A_50 = tpu.memref_slice %arg12[%add3A_8, %dma_wait3A_49] : memref<10240x128xf32, #tpu.memory_space<vmem_shared>> -> memref<128x128xf32, #tpu.memory_space<vmem_shared>>
      tpu.wait_dma2 semaphore(%run_scoped3A : memref<!tpu.dma_semaphore, #tpu.memory_space<semaphore_mem>>) src(%arg10 : memref<128x128xf32, #tpu.memory_space<vmem>>) dst(%dma_wait3A_50 : memref<128x128xf32, #tpu.memory_space<vmem_shared>>)
      tpu.yield
    }) : () -> ()
    %add3A_9 = arith.constant 384 : i32
    %add3A_10 = arith.addi %mul3A_2, %add3A_9 : i32
    "tpu.region"() ({
      %run_scoped3A = tpu.sem_alloc : memref<!tpu.dma_semaphore, #tpu.memory_space<semaphore_mem>>
      %dma_start3A_43 = arith.constant 0 : i32
      %dma_start3A_44 = tpu.memref_slice %arg12[%add3A_10, %dma_start3A_43] : memref<10240x128xf32, #tpu.memory_space<vmem_shared>> -> memref<128x128xf32, #tpu.memory_space<vmem_shared>>
      %dma_start3A_45 = arith.constant 0 : i32
      %dma_start3A_46 = tpu.memref_slice %arg12[%add3A_10, %dma_start3A_45] : memref<10240x128xf32, #tpu.memory_space<vmem_shared>> -> memref<128x128xf32, #tpu.memory_space<vmem_shared>>
      tpu.enqueue_dma source(%arg10 : memref<128x128xf32, #tpu.memory_space<vmem>>) target(%dma_start3A_46 : memref<128x128xf32, #tpu.memory_space<vmem_shared>>) target_semaphore(%run_scoped3A : memref<!tpu.dma_semaphore, #tpu.memory_space<semaphore_mem>>)
      %dma_wait3A_47 = arith.constant 0 : i32
      %dma_wait3A_48 = tpu.memref_slice %arg12[%add3A_10, %dma_wait3A_47] : memref<10240x128xf32, #tpu.memory_space<vmem_shared>> -> memref<128x128xf32, #tpu.memory_space<vmem_shared>>
      %dma_wait3A_49 = arith.constant 0 : i32
      %dma_wait3A_50 = tpu.memref_slice %arg12[%add3A_10, %dma_wait3A_49] : memref<10240x128xf32, #tpu.memory_space<vmem_shared>> -> memref<128x128xf32, #tpu.memory_space<vmem_shared>>
      tpu.wait_dma2 semaphore(%run_scoped3A : memref<!tpu.dma_semaphore, #tpu.memory_space<semaphore_mem>>) src(%arg10 : memref<128x128xf32, #tpu.memory_space<vmem>>) dst(%dma_wait3A_50 : memref<128x128xf32, #tpu.memory_space<vmem_shared>>)
      tpu.yield
    }) : () -> ()
    %add3A_11 = arith.constant 512 : i32
    %add3A_12 = arith.addi %mul3A_2, %add3A_11 : i32
    "tpu.region"() ({
      %run_scoped3A = tpu.sem_alloc : memref<!tpu.dma_semaphore, #tpu.memory_space<semaphore_mem>>
      %dma_start3A_43 = arith.constant 0 : i32
      %dma_start3A_44 = tpu.memref_slice %arg12[%add3A_12, %dma_start3A_43] : memref<10240x128xf32, #tpu.memory_space<vmem_shared>> -> memref<128x128xf32, #tpu.memory_space<vmem_shared>>
      %dma_start3A_45 = arith.constant 0 : i32
      %dma_start3A_46 = tpu.memref_slice %arg12[%add3A_12, %dma_start3A_45] : memref<10240x128xf32, #tpu.memory_space<vmem_shared>> -> memref<128x128xf32, #tpu.memory_space<vmem_shared>>
      tpu.enqueue_dma source(%arg10 : memref<128x128xf32, #tpu.memory_space<vmem>>) target(%dma_start3A_46 : memref<128x128xf32, #tpu.memory_space<vmem_shared>>) target_semaphore(%run_scoped3A : memref<!tpu.dma_semaphore, #tpu.memory_space<semaphore_mem>>)
      %dma_wait3A_47 = arith.constant 0 : i32
      %dma_wait3A_48 = tpu.memref_slice %arg12[%add3A_12, %dma_wait3A_47] : memref<10240x128xf32, #tpu.memory_space<vmem_shared>> -> memref<128x128xf32, #tpu.memory_space<vmem_shared>>
      %dma_wait3A_49 = arith.constant 0 : i32
      %dma_wait3A_50 = tpu.memref_slice %arg12[%add3A_12, %dma_wait3A_49] : memref<10240x128xf32, #tpu.memory_space<vmem_shared>> -> memref<128x128xf32, #tpu.memory_space<vmem_shared>>
      tpu.wait_dma2 semaphore(%run_scoped3A : memref<!tpu.dma_semaphore, #tpu.memory_space<semaphore_mem>>) src(%arg10 : memref<128x128xf32, #tpu.memory_space<vmem>>) dst(%dma_wait3A_50 : memref<128x128xf32, #tpu.memory_space<vmem_shared>>)
      tpu.yield
    }) : () -> ()
    %barrier3A = arith.constant 0 : index
    tpu.barrier barrier_id(%barrier3A)
    %mul3A_13 = arith.constant 10112 : i32
    %mul3A_14 = arith.muli %add3A, %mul3A_13 : i32
    %scan3A = arith.constant 0 : i32
    %scan3A_15 = arith.constant 0 : i32
    %scan3A_16 = arith.constant 39 : i32
    %scan3A_17 = arith.addi %scan3A_15, %scan3A_16 : i32
    %scan3A_18 = arith.constant 1 : i32
    scf.for %scan3A_43 = %scan3A_15 to %scan3A_17 step %scan3A_18  : i32 {
      %mul3A_44 = arith.constant 2 : i32
      %mul3A_45 = arith.muli %mul3A_44, %scan3A_43 : i32
      %mul3A_46 = arith.constant 128 : i32
      %mul3A_47 = arith.muli %mul3A_45, %mul3A_46 : i32
      %add3A_48 = arith.addi %mul3A_14, %mul3A_47 : i32
      %add3A_49 = arith.constant 128 : i32
      %add3A_50 = arith.addi %add3A_48, %add3A_49 : i32
      %gt3A = arith.constant 0 : i32
      %gt3A_51 = arith.cmpi sgt, %scan3A_43, %gt3A : i32
      %convert_element_type3A = arith.extui %gt3A_51 : i1 to i32
      %cond3A = arith.constant 0 : i32
      %cond3A_52 = arith.cmpi ne, %convert_element_type3A, %cond3A : i32
      scf.if %cond3A_52 {
        %dma_wait3A_76 = arith.constant 0 : i32
        %dma_wait3A_77 = arith.constant 0 : i32
        %dma_wait3A_78 = tpu.memref_slice %arg12[%dma_wait3A_76, %dma_wait3A_77] : memref<10240x128xf32, #tpu.memory_space<vmem_shared>> -> memref<10240x128xf32, #tpu.memory_space<vmem_shared>>
        tpu.wait_indirect_dma semaphore(%arg14 : memref<!tpu.dma_semaphore, #tpu.memory_space<semaphore_mem>>) src(%arg10 : memref<128x128xf32, #tpu.memory_space<vmem>>) dst(%dma_wait3A_78 : memref<10240x128xf32, #tpu.memory_space<vmem_shared>>)
      } else {
      }
      "tpu.region"() ({
        %run_scoped3A = tpu.sem_alloc : memref<!tpu.dma_semaphore, #tpu.memory_space<semaphore_mem>>
        %dma_start3A_76 = tpu.memref_slice %arg3[%add3A_48] : memref<323584xi32, #tpu.memory_space<hbm>> -> memref<128xi32, #tpu.memory_space<hbm>>
        %dma_start3A_77 = tpu.memref_slice %arg3[%add3A_48] : memref<323584xi32, #tpu.memory_space<hbm>> -> memref<128xi32, #tpu.memory_space<hbm>>
        tpu.enqueue_dma source(%dma_start3A_77 : memref<128xi32, #tpu.memory_space<hbm>>) target(%arg7 : memref<128xi32, #tpu.memory_space<vmem>>) target_semaphore(%run_scoped3A : memref<!tpu.dma_semaphore, #tpu.memory_space<semaphore_mem>>)
        %dma_wait3A_78 = tpu.memref_slice %arg3[%add3A_48] : memref<323584xi32, #tpu.memory_space<hbm>> -> memref<128xi32, #tpu.memory_space<hbm>>
        %dma_wait3A_79 = tpu.memref_slice %arg3[%add3A_48] : memref<323584xi32, #tpu.memory_space<hbm>> -> memref<128xi32, #tpu.memory_space<hbm>>
        tpu.wait_dma2 semaphore(%run_scoped3A : memref<!tpu.dma_semaphore, #tpu.memory_space<semaphore_mem>>) src(%dma_wait3A_79 : memref<128xi32, #tpu.memory_space<hbm>>) dst(%arg7 : memref<128xi32, #tpu.memory_space<vmem>>)
        tpu.yield
      }) : () -> ()
      "tpu.region"() ({
        %run_scoped3A = tpu.sem_alloc : memref<!tpu.dma_semaphore, #tpu.memory_space<semaphore_mem>>
        %dma_start3A_76 = tpu.memref_slice %arg4[%add3A_48] : memref<323584xi32, #tpu.memory_space<hbm>> -> memref<128xi32, #tpu.memory_space<hbm>>
        %dma_start3A_77 = tpu.memref_slice %arg4[%add3A_48] : memref<323584xi32, #tpu.memory_space<hbm>> -> memref<128xi32, #tpu.memory_space<hbm>>
        tpu.enqueue_dma source(%dma_start3A_77 : memref<128xi32, #tpu.memory_space<hbm>>) target(%arg8 : memref<128xi32, #tpu.memory_space<vmem>>) target_semaphore(%run_scoped3A : memref<!tpu.dma_semaphore, #tpu.memory_space<semaphore_mem>>)
        %dma_wait3A_78 = tpu.memref_slice %arg4[%add3A_48] : memref<323584xi32, #tpu.memory_space<hbm>> -> memref<128xi32, #tpu.memory_space<hbm>>
        %dma_wait3A_79 = tpu.memref_slice %arg4[%add3A_48] : memref<323584xi32, #tpu.memory_space<hbm>> -> memref<128xi32, #tpu.memory_space<hbm>>
        tpu.wait_dma2 semaphore(%run_scoped3A : memref<!tpu.dma_semaphore, #tpu.memory_space<semaphore_mem>>) src(%dma_wait3A_79 : memref<128xi32, #tpu.memory_space<hbm>>) dst(%arg8 : memref<128xi32, #tpu.memory_space<vmem>>)
        tpu.yield
      }) : () -> ()
      %dma_start3A_53 = arith.constant 0 : i32
      %dma_start3A_54 = arith.constant 0 : i32
      %dma_start3A_55 = tpu.memref_slice %arg2[%dma_start3A_53, %dma_start3A_54] : memref<10000x128xf32, #tpu.memory_space<hbm>> -> memref<10000x128xf32, #tpu.memory_space<hbm>>
      tpu.enqueue_indirect_dma source(%dma_start3A_55 : memref<10000x128xf32, #tpu.memory_space<hbm>>) target(%arg10 : memref<128x128xf32, #tpu.memory_space<vmem>>) offsets(%arg7 : memref<128xi32, #tpu.memory_space<vmem>>) semaphore(%arg13 : memref<!tpu.dma_semaphore, #tpu.memory_space<semaphore_mem>>)
      %dma_wait3A_56 = arith.constant 0 : i32
      %dma_wait3A_57 = arith.constant 0 : i32
      %dma_wait3A_58 = tpu.memref_slice %arg2[%dma_wait3A_56, %dma_wait3A_57] : memref<10000x128xf32, #tpu.memory_space<hbm>> -> memref<10000x128xf32, #tpu.memory_space<hbm>>
      tpu.wait_indirect_dma semaphore(%arg13 : memref<!tpu.dma_semaphore, #tpu.memory_space<semaphore_mem>>) src(%dma_wait3A_58 : memref<10000x128xf32, #tpu.memory_space<hbm>>) dst(%arg10 : memref<128x128xf32, #tpu.memory_space<vmem>>)
      %dma_start3A_59 = arith.constant 0 : i32
      %dma_start3A_60 = arith.constant 0 : i32
      %dma_start3A_61 = tpu.memref_slice %arg12[%dma_start3A_59, %dma_start3A_60] : memref<10240x128xf32, #tpu.memory_space<vmem_shared>> -> memref<10240x128xf32, #tpu.memory_space<vmem_shared>>
      tpu.enqueue_indirect_dma source(%arg10 : memref<128x128xf32, #tpu.memory_space<vmem>>) target(%dma_start3A_61 : memref<10240x128xf32, #tpu.memory_space<vmem_shared>>) offsets(%arg8 : memref<128xi32, #tpu.memory_space<vmem>>) semaphore(%arg14 : memref<!tpu.dma_semaphore, #tpu.memory_space<semaphore_mem>>) {add = true}
      %gt3A_62 = arith.constant 0 : i32
      %gt3A_63 = arith.cmpi sgt, %scan3A_43, %gt3A_62 : i32
      %convert_element_type3A_64 = arith.extui %gt3A_63 : i1 to i32
      %cond3A_65 = arith.constant 0 : i32
      %cond3A_66 = arith.cmpi ne, %convert_element_type3A_64, %cond3A_65 : i32
      scf.if %cond3A_66 {
        %dma_wait3A_76 = arith.constant 0 : i32
        %dma_wait3A_77 = arith.constant 0 : i32
        %dma_wait3A_78 = tpu.memref_slice %arg12[%dma_wait3A_76, %dma_wait3A_77] : memref<10240x128xf32, #tpu.memory_space<vmem_shared>> -> memref<10240x128xf32, #tpu.memory_space<vmem_shared>>
        tpu.wait_indirect_dma semaphore(%arg15 : memref<!tpu.dma_semaphore, #tpu.memory_space<semaphore_mem>>) src(%arg11 : memref<128x128xf32, #tpu.memory_space<vmem>>) dst(%dma_wait3A_78 : memref<10240x128xf32, #tpu.memory_space<vmem_shared>>)
      } else {
      }
      "tpu.region"() ({
        %run_scoped3A = tpu.sem_alloc : memref<!tpu.dma_semaphore, #tpu.memory_space<semaphore_mem>>
        %dma_start3A_76 = tpu.memref_slice %arg3[%add3A_50] : memref<323584xi32, #tpu.memory_space<hbm>> -> memref<128xi32, #tpu.memory_space<hbm>>
        %dma_start3A_77 = tpu.memref_slice %arg3[%add3A_50] : memref<323584xi32, #tpu.memory_space<hbm>> -> memref<128xi32, #tpu.memory_space<hbm>>
        tpu.enqueue_dma source(%dma_start3A_77 : memref<128xi32, #tpu.memory_space<hbm>>) target(%arg7 : memref<128xi32, #tpu.memory_space<vmem>>) target_semaphore(%run_scoped3A : memref<!tpu.dma_semaphore, #tpu.memory_space<semaphore_mem>>)
        %dma_wait3A_78 = tpu.memref_slice %arg3[%add3A_50] : memref<323584xi32, #tpu.memory_space<hbm>> -> memref<128xi32, #tpu.memory_space<hbm>>
        %dma_wait3A_79 = tpu.memref_slice %arg3[%add3A_50] : memref<323584xi32, #tpu.memory_space<hbm>> -> memref<128xi32, #tpu.memory_space<hbm>>
        tpu.wait_dma2 semaphore(%run_scoped3A : memref<!tpu.dma_semaphore, #tpu.memory_space<semaphore_mem>>) src(%dma_wait3A_79 : memref<128xi32, #tpu.memory_space<hbm>>) dst(%arg7 : memref<128xi32, #tpu.memory_space<vmem>>)
        tpu.yield
      }) : () -> ()
      "tpu.region"() ({
        %run_scoped3A = tpu.sem_alloc : memref<!tpu.dma_semaphore, #tpu.memory_space<semaphore_mem>>
        %dma_start3A_76 = tpu.memref_slice %arg4[%add3A_50] : memref<323584xi32, #tpu.memory_space<hbm>> -> memref<128xi32, #tpu.memory_space<hbm>>
        %dma_start3A_77 = tpu.memref_slice %arg4[%add3A_50] : memref<323584xi32, #tpu.memory_space<hbm>> -> memref<128xi32, #tpu.memory_space<hbm>>
        tpu.enqueue_dma source(%dma_start3A_77 : memref<128xi32, #tpu.memory_space<hbm>>) target(%arg9 : memref<128xi32, #tpu.memory_space<vmem>>) target_semaphore(%run_scoped3A : memref<!tpu.dma_semaphore, #tpu.memory_space<semaphore_mem>>)
        %dma_wait3A_78 = tpu.memref_slice %arg4[%add3A_50] : memref<323584xi32, #tpu.memory_space<hbm>> -> memref<128xi32, #tpu.memory_space<hbm>>
        %dma_wait3A_79 = tpu.memref_slice %arg4[%add3A_50] : memref<323584xi32, #tpu.memory_space<hbm>> -> memref<128xi32, #tpu.memory_space<hbm>>
        tpu.wait_dma2 semaphore(%run_scoped3A : memref<!tpu.dma_semaphore, #tpu.memory_space<semaphore_mem>>) src(%dma_wait3A_79 : memref<128xi32, #tpu.memory_space<hbm>>) dst(%arg9 : memref<128xi32, #tpu.memory_space<vmem>>)
        tpu.yield
      }) : () -> ()
      %dma_start3A_67 = arith.constant 0 : i32
      %dma_start3A_68 = arith.constant 0 : i32
      %dma_start3A_69 = tpu.memref_slice %arg2[%dma_start3A_67, %dma_start3A_68] : memref<10000x128xf32, #tpu.memory_space<hbm>> -> memref<10000x128xf32, #tpu.memory_space<hbm>>
      tpu.enqueue_indirect_dma source(%dma_start3A_69 : memref<10000x128xf32, #tpu.memory_space<hbm>>) target(%arg11 : memref<128x128xf32, #tpu.memory_space<vmem>>) offsets(%arg7 : memref<128xi32, #tpu.memory_space<vmem>>) semaphore(%arg13 : memref<!tpu.dma_semaphore, #tpu.memory_space<semaphore_mem>>)
      %dma_wait3A_70 = arith.constant 0 : i32
      %dma_wait3A_71 = arith.constant 0 : i32
      %dma_wait3A_72 = tpu.memref_slice %arg2[%dma_wait3A_70, %dma_wait3A_71] : memref<10000x128xf32, #tpu.memory_space<hbm>> -> memref<10000x128xf32, #tpu.memory_space<hbm>>
      tpu.wait_indirect_dma semaphore(%arg13 : memref<!tpu.dma_semaphore, #tpu.memory_space<semaphore_mem>>) src(%dma_wait3A_72 : memref<10000x128xf32, #tpu.memory_space<hbm>>) dst(%arg11 : memref<128x128xf32, #tpu.memory_space<vmem>>)
      %dma_start3A_73 = arith.constant 0 : i32
      %dma_start3A_74 = arith.constant 0 : i32
      %dma_start3A_75 = tpu.memref_slice %arg12[%dma_start3A_73, %dma_start3A_74] : memref<10240x128xf32, #tpu.memory_space<vmem_shared>> -> memref<10240x128xf32, #tpu.memory_space<vmem_shared>>
      tpu.enqueue_indirect_dma source(%arg11 : memref<128x128xf32, #tpu.memory_space<vmem>>) target(%dma_start3A_75 : memref<10240x128xf32, #tpu.memory_space<vmem_shared>>) offsets(%arg9 : memref<128xi32, #tpu.memory_space<vmem>>) semaphore(%arg15 : memref<!tpu.dma_semaphore, #tpu.memory_space<semaphore_mem>>) {add = true}
    }
    %scan3A_19 = arith.constant 39 : i32
    %dma_wait3A = arith.constant 0 : i32
    %dma_wait3A_20 = arith.constant 0 : i32
    %dma_wait3A_21 = tpu.memref_slice %arg12[%dma_wait3A, %dma_wait3A_20] : memref<10240x128xf32, #tpu.memory_space<vmem_shared>> -> memref<10240x128xf32, #tpu.memory_space<vmem_shared>>
    tpu.wait_indirect_dma semaphore(%arg14 : memref<!tpu.dma_semaphore, #tpu.memory_space<semaphore_mem>>) src(%arg10 : memref<128x128xf32, #tpu.memory_space<vmem>>) dst(%dma_wait3A_21 : memref<10240x128xf32, #tpu.memory_space<vmem_shared>>)
    %dma_wait3A_22 = arith.constant 0 : i32
    %dma_wait3A_23 = arith.constant 0 : i32
    %dma_wait3A_24 = tpu.memref_slice %arg12[%dma_wait3A_22, %dma_wait3A_23] : memref<10240x128xf32, #tpu.memory_space<vmem_shared>> -> memref<10240x128xf32, #tpu.memory_space<vmem_shared>>
    tpu.wait_indirect_dma semaphore(%arg15 : memref<!tpu.dma_semaphore, #tpu.memory_space<semaphore_mem>>) src(%arg11 : memref<128x128xf32, #tpu.memory_space<vmem>>) dst(%dma_wait3A_24 : memref<10240x128xf32, #tpu.memory_space<vmem_shared>>)
    %add3A_25 = arith.constant 9984 : i32
    %add3A_26 = arith.addi %mul3A_14, %add3A_25 : i32
    "tpu.region"() ({
      %run_scoped3A = tpu.sem_alloc : memref<!tpu.dma_semaphore, #tpu.memory_space<semaphore_mem>>
      %dma_start3A_43 = tpu.memref_slice %arg3[%add3A_26] : memref<323584xi32, #tpu.memory_space<hbm>> -> memref<128xi32, #tpu.memory_space<hbm>>
      %dma_start3A_44 = tpu.memref_slice %arg3[%add3A_26] : memref<323584xi32, #tpu.memory_space<hbm>> -> memref<128xi32, #tpu.memory_space<hbm>>
      tpu.enqueue_dma source(%dma_start3A_44 : memref<128xi32, #tpu.memory_space<hbm>>) target(%arg7 : memref<128xi32, #tpu.memory_space<vmem>>) target_semaphore(%run_scoped3A : memref<!tpu.dma_semaphore, #tpu.memory_space<semaphore_mem>>)
      %dma_wait3A_45 = tpu.memref_slice %arg3[%add3A_26] : memref<323584xi32, #tpu.memory_space<hbm>> -> memref<128xi32, #tpu.memory_space<hbm>>
      %dma_wait3A_46 = tpu.memref_slice %arg3[%add3A_26] : memref<323584xi32, #tpu.memory_space<hbm>> -> memref<128xi32, #tpu.memory_space<hbm>>
      tpu.wait_dma2 semaphore(%run_scoped3A : memref<!tpu.dma_semaphore, #tpu.memory_space<semaphore_mem>>) src(%dma_wait3A_46 : memref<128xi32, #tpu.memory_space<hbm>>) dst(%arg7 : memref<128xi32, #tpu.memory_space<vmem>>)
      tpu.yield
    }) : () -> ()
    "tpu.region"() ({
      %run_scoped3A = tpu.sem_alloc : memref<!tpu.dma_semaphore, #tpu.memory_space<semaphore_mem>>
      %dma_start3A_43 = tpu.memref_slice %arg4[%add3A_26] : memref<323584xi32, #tpu.memory_space<hbm>> -> memref<128xi32, #tpu.memory_space<hbm>>
      %dma_start3A_44 = tpu.memref_slice %arg4[%add3A_26] : memref<323584xi32, #tpu.memory_space<hbm>> -> memref<128xi32, #tpu.memory_space<hbm>>
      tpu.enqueue_dma source(%dma_start3A_44 : memref<128xi32, #tpu.memory_space<hbm>>) target(%arg8 : memref<128xi32, #tpu.memory_space<vmem>>) target_semaphore(%run_scoped3A : memref<!tpu.dma_semaphore, #tpu.memory_space<semaphore_mem>>)
      %dma_wait3A_45 = tpu.memref_slice %arg4[%add3A_26] : memref<323584xi32, #tpu.memory_space<hbm>> -> memref<128xi32, #tpu.memory_space<hbm>>
      %dma_wait3A_46 = tpu.memref_slice %arg4[%add3A_26] : memref<323584xi32, #tpu.memory_space<hbm>> -> memref<128xi32, #tpu.memory_space<hbm>>
      tpu.wait_dma2 semaphore(%run_scoped3A : memref<!tpu.dma_semaphore, #tpu.memory_space<semaphore_mem>>) src(%dma_wait3A_46 : memref<128xi32, #tpu.memory_space<hbm>>) dst(%arg8 : memref<128xi32, #tpu.memory_space<vmem>>)
      tpu.yield
    }) : () -> ()
    %dma_start3A = arith.constant 0 : i32
    %dma_start3A_27 = arith.constant 0 : i32
    %dma_start3A_28 = tpu.memref_slice %arg2[%dma_start3A, %dma_start3A_27] : memref<10000x128xf32, #tpu.memory_space<hbm>> -> memref<10000x128xf32, #tpu.memory_space<hbm>>
    tpu.enqueue_indirect_dma source(%dma_start3A_28 : memref<10000x128xf32, #tpu.memory_space<hbm>>) target(%arg10 : memref<128x128xf32, #tpu.memory_space<vmem>>) offsets(%arg7 : memref<128xi32, #tpu.memory_space<vmem>>) semaphore(%arg13 : memref<!tpu.dma_semaphore, #tpu.memory_space<semaphore_mem>>)
    %dma_wait3A_29 = arith.constant 0 : i32
    %dma_wait3A_30 = arith.constant 0 : i32
    %dma_wait3A_31 = tpu.memref_slice %arg2[%dma_wait3A_29, %dma_wait3A_30] : memref<10000x128xf32, #tpu.memory_space<hbm>> -> memref<10000x128xf32, #tpu.memory_space<hbm>>
    tpu.wait_indirect_dma semaphore(%arg13 : memref<!tpu.dma_semaphore, #tpu.memory_space<semaphore_mem>>) src(%dma_wait3A_31 : memref<10000x128xf32, #tpu.memory_space<hbm>>) dst(%arg10 : memref<128x128xf32, #tpu.memory_space<vmem>>)
    "tpu.region"() ({
      %run_scoped3A = tpu.sem_alloc : memref<!tpu.dma_semaphore, #tpu.memory_space<semaphore_mem>>
      %dma_start3A_43 = arith.constant 0 : i32
      %dma_start3A_44 = arith.constant 0 : i32
      %dma_start3A_45 = tpu.memref_slice %arg12[%dma_start3A_43, %dma_start3A_44] : memref<10240x128xf32, #tpu.memory_space<vmem_shared>> -> memref<10240x128xf32, #tpu.memory_space<vmem_shared>>
      tpu.enqueue_indirect_dma source(%arg10 : memref<128x128xf32, #tpu.memory_space<vmem>>) target(%dma_start3A_45 : memref<10240x128xf32, #tpu.memory_space<vmem_shared>>) offsets(%arg8 : memref<128xi32, #tpu.memory_space<vmem>>) semaphore(%run_scoped3A : memref<!tpu.dma_semaphore, #tpu.memory_space<semaphore_mem>>) {add = true}
      %dma_wait3A_46 = arith.constant 0 : i32
      %dma_wait3A_47 = arith.constant 0 : i32
      %dma_wait3A_48 = tpu.memref_slice %arg12[%dma_wait3A_46, %dma_wait3A_47] : memref<10240x128xf32, #tpu.memory_space<vmem_shared>> -> memref<10240x128xf32, #tpu.memory_space<vmem_shared>>
      tpu.wait_indirect_dma semaphore(%run_scoped3A : memref<!tpu.dma_semaphore, #tpu.memory_space<semaphore_mem>>) src(%arg10 : memref<128x128xf32, #tpu.memory_space<vmem>>) dst(%dma_wait3A_48 : memref<10240x128xf32, #tpu.memory_space<vmem_shared>>)
      tpu.yield
    }) : () -> ()
    %barrier3A_32 = arith.constant 0 : index
    tpu.barrier barrier_id(%barrier3A_32)
    %add3A_33 = arith.constant 0 : i32
    %add3A_34 = arith.addi %mul3A_2, %add3A_33 : i32
    "tpu.region"() ({
      %run_scoped3A = tpu.sem_alloc : memref<!tpu.dma_semaphore, #tpu.memory_space<semaphore_mem>>
      %dma_start3A_43 = arith.constant 0 : i32
      %dma_start3A_44 = tpu.memref_slice %arg6[%arg0, %add3A_34, %dma_start3A_43] : memref<2x10240x128xf32, #tpu.memory_space<hbm>> -> memref<1x128x128xf32, #tpu.memory_space<hbm>>
      %dma_start3A_45 = tpu.memref_squeeze %dma_start3A_44 : memref<1x128x128xf32, #tpu.memory_space<hbm>> -> memref<128x128xf32, #tpu.memory_space<hbm>>
      %dma_start3A_46 = arith.constant 0 : i32
      %dma_start3A_47 = tpu.memref_slice %arg12[%add3A_34, %dma_start3A_46] : memref<10240x128xf32, #tpu.memory_space<vmem_shared>> -> memref<128x128xf32, #tpu.memory_space<vmem_shared>>
      tpu.enqueue_dma source(%dma_start3A_47 : memref<128x128xf32, #tpu.memory_space<vmem_shared>>) target(%dma_start3A_45 : memref<128x128xf32, #tpu.memory_space<hbm>>) target_semaphore(%run_scoped3A : memref<!tpu.dma_semaphore, #tpu.memory_space<semaphore_mem>>)
      %dma_wait3A_48 = arith.constant 0 : i32
      %dma_wait3A_49 = tpu.memref_slice %arg6[%arg0, %add3A_34, %dma_wait3A_48] : memref<2x10240x128xf32, #tpu.memory_space<hbm>> -> memref<1x128x128xf32, #tpu.memory_space<hbm>>
      %dma_wait3A_50 = tpu.memref_squeeze %dma_wait3A_49 : memref<1x128x128xf32, #tpu.memory_space<hbm>> -> memref<128x128xf32, #tpu.memory_space<hbm>>
      %dma_wait3A_51 = arith.constant 0 : i32
      %dma_wait3A_52 = tpu.memref_slice %arg12[%add3A_34, %dma_wait3A_51] : memref<10240x128xf32, #tpu.memory_space<vmem_shared>> -> memref<128x128xf32, #tpu.memory_space<vmem_shared>>
      tpu.wait_dma2 semaphore(%run_scoped3A : memref<!tpu.dma_semaphore, #tpu.memory_space<semaphore_mem>>) src(%dma_wait3A_52 : memref<128x128xf32, #tpu.memory_space<vmem_shared>>) dst(%dma_wait3A_50 : memref<128x128xf32, #tpu.memory_space<hbm>>)
      tpu.yield
    }) : () -> ()
    %add3A_35 = arith.constant 128 : i32
    %add3A_36 = arith.addi %mul3A_2, %add3A_35 : i32
    "tpu.region"() ({
      %run_scoped3A = tpu.sem_alloc : memref<!tpu.dma_semaphore, #tpu.memory_space<semaphore_mem>>
      %dma_start3A_43 = arith.constant 0 : i32
      %dma_start3A_44 = tpu.memref_slice %arg6[%arg0, %add3A_36, %dma_start3A_43] : memref<2x10240x128xf32, #tpu.memory_space<hbm>> -> memref<1x128x128xf32, #tpu.memory_space<hbm>>
      %dma_start3A_45 = tpu.memref_squeeze %dma_start3A_44 : memref<1x128x128xf32, #tpu.memory_space<hbm>> -> memref<128x128xf32, #tpu.memory_space<hbm>>
      %dma_start3A_46 = arith.constant 0 : i32
      %dma_start3A_47 = tpu.memref_slice %arg12[%add3A_36, %dma_start3A_46] : memref<10240x128xf32, #tpu.memory_space<vmem_shared>> -> memref<128x128xf32, #tpu.memory_space<vmem_shared>>
      tpu.enqueue_dma source(%dma_start3A_47 : memref<128x128xf32, #tpu.memory_space<vmem_shared>>) target(%dma_start3A_45 : memref<128x128xf32, #tpu.memory_space<hbm>>) target_semaphore(%run_scoped3A : memref<!tpu.dma_semaphore, #tpu.memory_space<semaphore_mem>>)
      %dma_wait3A_48 = arith.constant 0 : i32
      %dma_wait3A_49 = tpu.memref_slice %arg6[%arg0, %add3A_36, %dma_wait3A_48] : memref<2x10240x128xf32, #tpu.memory_space<hbm>> -> memref<1x128x128xf32, #tpu.memory_space<hbm>>
      %dma_wait3A_50 = tpu.memref_squeeze %dma_wait3A_49 : memref<1x128x128xf32, #tpu.memory_space<hbm>> -> memref<128x128xf32, #tpu.memory_space<hbm>>
      %dma_wait3A_51 = arith.constant 0 : i32
      %dma_wait3A_52 = tpu.memref_slice %arg12[%add3A_36, %dma_wait3A_51] : memref<10240x128xf32, #tpu.memory_space<vmem_shared>> -> memref<128x128xf32, #tpu.memory_space<vmem_shared>>
      tpu.wait_dma2 semaphore(%run_scoped3A : memref<!tpu.dma_semaphore, #tpu.memory_space<semaphore_mem>>) src(%dma_wait3A_52 : memref<128x128xf32, #tpu.memory_space<vmem_shared>>) dst(%dma_wait3A_50 : memref<128x128xf32, #tpu.memory_space<hbm>>)
      tpu.yield
    }) : () -> ()
    %add3A_37 = arith.constant 256 : i32
    %add3A_38 = arith.addi %mul3A_2, %add3A_37 : i32
    "tpu.region"() ({
      %run_scoped3A = tpu.sem_alloc : memref<!tpu.dma_semaphore, #tpu.memory_space<semaphore_mem>>
      %dma_start3A_43 = arith.constant 0 : i32
      %dma_start3A_44 = tpu.memref_slice %arg6[%arg0, %add3A_38, %dma_start3A_43] : memref<2x10240x128xf32, #tpu.memory_space<hbm>> -> memref<1x128x128xf32, #tpu.memory_space<hbm>>
      %dma_start3A_45 = tpu.memref_squeeze %dma_start3A_44 : memref<1x128x128xf32, #tpu.memory_space<hbm>> -> memref<128x128xf32, #tpu.memory_space<hbm>>
      %dma_start3A_46 = arith.constant 0 : i32
      %dma_start3A_47 = tpu.memref_slice %arg12[%add3A_38, %dma_start3A_46] : memref<10240x128xf32, #tpu.memory_space<vmem_shared>> -> memref<128x128xf32, #tpu.memory_space<vmem_shared>>
      tpu.enqueue_dma source(%dma_start3A_47 : memref<128x128xf32, #tpu.memory_space<vmem_shared>>) target(%dma_start3A_45 : memref<128x128xf32, #tpu.memory_space<hbm>>) target_semaphore(%run_scoped3A : memref<!tpu.dma_semaphore, #tpu.memory_space<semaphore_mem>>)
      %dma_wait3A_48 = arith.constant 0 : i32
      %dma_wait3A_49 = tpu.memref_slice %arg6[%arg0, %add3A_38, %dma_wait3A_48] : memref<2x10240x128xf32, #tpu.memory_space<hbm>> -> memref<1x128x128xf32, #tpu.memory_space<hbm>>
      %dma_wait3A_50 = tpu.memref_squeeze %dma_wait3A_49 : memref<1x128x128xf32, #tpu.memory_space<hbm>> -> memref<128x128xf32, #tpu.memory_space<hbm>>
      %dma_wait3A_51 = arith.constant 0 : i32
      %dma_wait3A_52 = tpu.memref_slice %arg12[%add3A_38, %dma_wait3A_51] : memref<10240x128xf32, #tpu.memory_space<vmem_shared>> -> memref<128x128xf32, #tpu.memory_space<vmem_shared>>
      tpu.wait_dma2 semaphore(%run_scoped3A : memref<!tpu.dma_semaphore, #tpu.memory_space<semaphore_mem>>) src(%dma_wait3A_52 : memref<128x128xf32, #tpu.memory_space<vmem_shared>>) dst(%dma_wait3A_50 : memref<128x128xf32, #tpu.memory_space<hbm>>)
      tpu.yield
    }) : () -> ()
    %add3A_39 = arith.constant 384 : i32
    %add3A_40 = arith.addi %mul3A_2, %add3A_39 : i32
    "tpu.region"() ({
      %run_scoped3A = tpu.sem_alloc : memref<!tpu.dma_semaphore, #tpu.memory_space<semaphore_mem>>
      %dma_start3A_43 = arith.constant 0 : i32
      %dma_start3A_44 = tpu.memref_slice %arg6[%arg0, %add3A_40, %dma_start3A_43] : memref<2x10240x128xf32, #tpu.memory_space<hbm>> -> memref<1x128x128xf32, #tpu.memory_space<hbm>>
      %dma_start3A_45 = tpu.memref_squeeze %dma_start3A_44 : memref<1x128x128xf32, #tpu.memory_space<hbm>> -> memref<128x128xf32, #tpu.memory_space<hbm>>
      %dma_start3A_46 = arith.constant 0 : i32
      %dma_start3A_47 = tpu.memref_slice %arg12[%add3A_40, %dma_start3A_46] : memref<10240x128xf32, #tpu.memory_space<vmem_shared>> -> memref<128x128xf32, #tpu.memory_space<vmem_shared>>
      tpu.enqueue_dma source(%dma_start3A_47 : memref<128x128xf32, #tpu.memory_space<vmem_shared>>) target(%dma_start3A_45 : memref<128x128xf32, #tpu.memory_space<hbm>>) target_semaphore(%run_scoped3A : memref<!tpu.dma_semaphore, #tpu.memory_space<semaphore_mem>>)
      %dma_wait3A_48 = arith.constant 0 : i32
      %dma_wait3A_49 = tpu.memref_slice %arg6[%arg0, %add3A_40, %dma_wait3A_48] : memref<2x10240x128xf32, #tpu.memory_space<hbm>> -> memref<1x128x128xf32, #tpu.memory_space<hbm>>
      %dma_wait3A_50 = tpu.memref_squeeze %dma_wait3A_49 : memref<1x128x128xf32, #tpu.memory_space<hbm>> -> memref<128x128xf32, #tpu.memory_space<hbm>>
      %dma_wait3A_51 = arith.constant 0 : i32
      %dma_wait3A_52 = tpu.memref_slice %arg12[%add3A_40, %dma_wait3A_51] : memref<10240x128xf32, #tpu.memory_space<vmem_shared>> -> memref<128x128xf32, #tpu.memory_space<vmem_shared>>
      tpu.wait_dma2 semaphore(%run_scoped3A : memref<!tpu.dma_semaphore, #tpu.memory_space<semaphore_mem>>) src(%dma_wait3A_52 : memref<128x128xf32, #tpu.memory_space<vmem_shared>>) dst(%dma_wait3A_50 : memref<128x128xf32, #tpu.memory_space<hbm>>)
      tpu.yield
    }) : () -> ()
    %add3A_41 = arith.constant 512 : i32
    %add3A_42 = arith.addi %mul3A_2, %add3A_41 : i32
    "tpu.region"() ({
      %run_scoped3A = tpu.sem_alloc : memref<!tpu.dma_semaphore, #tpu.memory_space<semaphore_mem>>
      %dma_start3A_43 = arith.constant 0 : i32
      %dma_start3A_44 = tpu.memref_slice %arg6[%arg0, %add3A_42, %dma_start3A_43] : memref<2x10240x128xf32, #tpu.memory_space<hbm>> -> memref<1x128x128xf32, #tpu.memory_space<hbm>>
      %dma_start3A_45 = tpu.memref_squeeze %dma_start3A_44 : memref<1x128x128xf32, #tpu.memory_space<hbm>> -> memref<128x128xf32, #tpu.memory_space<hbm>>
      %dma_start3A_46 = arith.constant 0 : i32
      %dma_start3A_47 = tpu.memref_slice %arg12[%add3A_42, %dma_start3A_46] : memref<10240x128xf32, #tpu.memory_space<vmem_shared>> -> memref<128x128xf32, #tpu.memory_space<vmem_shared>>
      tpu.enqueue_dma source(%dma_start3A_47 : memref<128x128xf32, #tpu.memory_space<vmem_shared>>) target(%dma_start3A_45 : memref<128x128xf32, #tpu.memory_space<hbm>>) target_semaphore(%run_scoped3A : memref<!tpu.dma_semaphore, #tpu.memory_space<semaphore_mem>>)
      %dma_wait3A_48 = arith.constant 0 : i32
      %dma_wait3A_49 = tpu.memref_slice %arg6[%arg0, %add3A_42, %dma_wait3A_48] : memref<2x10240x128xf32, #tpu.memory_space<hbm>> -> memref<1x128x128xf32, #tpu.memory_space<hbm>>
      %dma_wait3A_50 = tpu.memref_squeeze %dma_wait3A_49 : memref<1x128x128xf32, #tpu.memory_space<hbm>> -> memref<128x128xf32, #tpu.memory_space<hbm>>
      %dma_wait3A_51 = arith.constant 0 : i32
      %dma_wait3A_52 = tpu.memref_slice %arg12[%add3A_42, %dma_wait3A_51] : memref<10240x128xf32, #tpu.memory_space<vmem_shared>> -> memref<128x128xf32, #tpu.memory_space<vmem_shared>>
      tpu.wait_dma2 semaphore(%run_scoped3A : memref<!tpu.dma_semaphore, #tpu.memory_space<semaphore_mem>>) src(%dma_wait3A_52 : memref<128x128xf32, #tpu.memory_space<vmem_shared>>) dst(%dma_wait3A_50 : memref<128x128xf32, #tpu.memory_space<hbm>>)
      tpu.yield
    }) : () -> ()
    return
  }
}

#map = affine_map<(d0, d1) -> (0, 0)>
#map1 = affine_map<(d0, d1) -> (0)>
#map2 = affine_map<(d0, d1) -> (0, 0, 0)>
module attributes {stable_mosaic.version = 14 : i64} {
  func.func @agg(%arg0: i32, %arg1: i32, %arg2: memref<10000x128xf32, #tpu.memory_space<hbm>>, %arg3: memref<323584xi32, #tpu.memory_space<hbm>>, %arg4: memref<323584xi32, #tpu.memory_space<hbm>>, %arg5: memref<128x128xf32, #tpu.memory_space<hbm>>, %arg6: memref<2x10240x128xf32, #tpu.memory_space<hbm>>, %arg7: memref<128xi32, #tpu.memory_space<vmem>>, %arg8: memref<128xi32, #tpu.memory_space<vmem>>, %arg9: memref<128xi32, #tpu.memory_space<vmem>>, %arg10: memref<128x128xf32, #tpu.memory_space<vmem>>, %arg11: memref<128x128xf32, #tpu.memory_space<vmem>>, %arg12: memref<10240x128xf32, #tpu.memory_space<vmem_shared>>, %arg13: memref<!tpu.dma_semaphore, #tpu.memory_space<semaphore_mem>>, %arg14: memref<!tpu.dma_semaphore, #tpu.memory_space<semaphore_mem>>, %arg15: memref<!tpu.dma_semaphore, #tpu.memory_space<semaphore_mem>>) attributes {dimension_semantics = [#tpu.dimension_semantics<core_parallel>, #tpu.dimension_semantics<subcore_parallel>], iteration_bounds = array<i64: 2, 16>, scalar_prefetch = 0 : i64, scratch_operands = 9 : i64, tpu.core_type = #tpu.core_type<sc_vector_subcore>, window_params = [{transform_indices = #map}, {transform_indices = #map1}, {transform_indices = #map1}, {transform_indices = #map}, {transform_indices = #map2}]} {
    %mul3A = arith.constant 16 : i32
    %mul3A_0 = arith.muli %arg0, %mul3A : i32
    %add3A = arith.addi %mul3A_0, %arg1 : i32
    "tpu.region"() ({
      %run_scoped3A = tpu.sem_alloc : memref<!tpu.dma_semaphore, #tpu.memory_space<semaphore_mem>>
      tpu.enqueue_dma source(%arg5 : memref<128x128xf32, #tpu.memory_space<hbm>>) target(%arg10 : memref<128x128xf32, #tpu.memory_space<vmem>>) target_semaphore(%run_scoped3A : memref<!tpu.dma_semaphore, #tpu.memory_space<semaphore_mem>>)
      tpu.wait_dma2 semaphore(%run_scoped3A : memref<!tpu.dma_semaphore, #tpu.memory_space<semaphore_mem>>) src(%arg5 : memref<128x128xf32, #tpu.memory_space<hbm>>) dst(%arg10 : memref<128x128xf32, #tpu.memory_space<vmem>>)
      tpu.yield
    }) : () -> ()
    %mul3A_1 = arith.constant 640 : i32
    %mul3A_2 = arith.muli %arg1, %mul3A_1 : i32
    %add3A_3 = arith.constant 0 : i32
    %add3A_4 = arith.addi %mul3A_2, %add3A_3 : i32
    "tpu.region"() ({
      %run_scoped3A = tpu.sem_alloc : memref<!tpu.dma_semaphore, #tpu.memory_space<semaphore_mem>>
      %dma_start3A_43 = arith.constant 0 : i32
      %dma_start3A_44 = tpu.memref_slice %arg12[%add3A_4, %dma_start3A_43] : memref<10240x128xf32, #tpu.memory_space<vmem_shared>> -> memref<128x128xf32, #tpu.memory_space<vmem_shared>>
      %dma_start3A_45 = arith.constant 0 : i32
      %dma_start3A_46 = tpu.memref_slice %arg12[%add3A_4, %dma_start3A_45] : memref<10240x128xf32, #tpu.memory_space<vmem_shared>> -> memref<128x128xf32, #tpu.memory_space<vmem_shared>>
      tpu.enqueue_dma source(%arg10 : memref<128x128xf32, #tpu.memory_space<vmem>>) target(%dma_start3A_46 : memref<128x128xf32, #tpu.memory_space<vmem_shared>>) target_semaphore(%run_scoped3A : memref<!tpu.dma_semaphore, #tpu.memory_space<semaphore_mem>>)
      %dma_wait3A_47 = arith.constant 0 : i32
      %dma_wait3A_48 = tpu.memref_slice %arg12[%add3A_4, %dma_wait3A_47] : memref<10240x128xf32, #tpu.memory_space<vmem_shared>> -> memref<128x128xf32, #tpu.memory_space<vmem_shared>>
      %dma_wait3A_49 = arith.constant 0 : i32
      %dma_wait3A_50 = tpu.memref_slice %arg12[%add3A_4, %dma_wait3A_49] : memref<10240x128xf32, #tpu.memory_space<vmem_shared>> -> memref<128x128xf32, #tpu.memory_space<vmem_shared>>
      tpu.wait_dma2 semaphore(%run_scoped3A : memref<!tpu.dma_semaphore, #tpu.memory_space<semaphore_mem>>) src(%arg10 : memref<128x128xf32, #tpu.memory_space<vmem>>) dst(%dma_wait3A_50 : memref<128x128xf32, #tpu.memory_space<vmem_shared>>)
      tpu.yield
    }) : () -> ()
    %add3A_5 = arith.constant 128 : i32
    %add3A_6 = arith.addi %mul3A_2, %add3A_5 : i32
    "tpu.region"() ({
      %run_scoped3A = tpu.sem_alloc : memref<!tpu.dma_semaphore, #tpu.memory_space<semaphore_mem>>
      %dma_start3A_43 = arith.constant 0 : i32
      %dma_start3A_44 = tpu.memref_slice %arg12[%add3A_6, %dma_start3A_43] : memref<10240x128xf32, #tpu.memory_space<vmem_shared>> -> memref<128x128xf32, #tpu.memory_space<vmem_shared>>
      %dma_start3A_45 = arith.constant 0 : i32
      %dma_start3A_46 = tpu.memref_slice %arg12[%add3A_6, %dma_start3A_45] : memref<10240x128xf32, #tpu.memory_space<vmem_shared>> -> memref<128x128xf32, #tpu.memory_space<vmem_shared>>
      tpu.enqueue_dma source(%arg10 : memref<128x128xf32, #tpu.memory_space<vmem>>) target(%dma_start3A_46 : memref<128x128xf32, #tpu.memory_space<vmem_shared>>) target_semaphore(%run_scoped3A : memref<!tpu.dma_semaphore, #tpu.memory_space<semaphore_mem>>)
      %dma_wait3A_47 = arith.constant 0 : i32
      %dma_wait3A_48 = tpu.memref_slice %arg12[%add3A_6, %dma_wait3A_47] : memref<10240x128xf32, #tpu.memory_space<vmem_shared>> -> memref<128x128xf32, #tpu.memory_space<vmem_shared>>
      %dma_wait3A_49 = arith.constant 0 : i32
      %dma_wait3A_50 = tpu.memref_slice %arg12[%add3A_6, %dma_wait3A_49] : memref<10240x128xf32, #tpu.memory_space<vmem_shared>> -> memref<128x128xf32, #tpu.memory_space<vmem_shared>>
      tpu.wait_dma2 semaphore(%run_scoped3A : memref<!tpu.dma_semaphore, #tpu.memory_space<semaphore_mem>>) src(%arg10 : memref<128x128xf32, #tpu.memory_space<vmem>>) dst(%dma_wait3A_50 : memref<128x128xf32, #tpu.memory_space<vmem_shared>>)
      tpu.yield
    }) : () -> ()
    %add3A_7 = arith.constant 256 : i32
    %add3A_8 = arith.addi %mul3A_2, %add3A_7 : i32
    "tpu.region"() ({
      %run_scoped3A = tpu.sem_alloc : memref<!tpu.dma_semaphore, #tpu.memory_space<semaphore_mem>>
      %dma_start3A_43 = arith.constant 0 : i32
      %dma_start3A_44 = tpu.memref_slice %arg12[%add3A_8, %dma_start3A_43] : memref<10240x128xf32, #tpu.memory_space<vmem_shared>> -> memref<128x128xf32, #tpu.memory_space<vmem_shared>>
      %dma_start3A_45 = arith.constant 0 : i32
      %dma_start3A_46 = tpu.memref_slice %arg12[%add3A_8, %dma_start3A_45] : memref<10240x128xf32, #tpu.memory_space<vmem_shared>> -> memref<128x128xf32, #tpu.memory_space<vmem_shared>>
      tpu.enqueue_dma source(%arg10 : memref<128x128xf32, #tpu.memory_space<vmem>>) target(%dma_start3A_46 : memref<128x128xf32, #tpu.memory_space<vmem_shared>>) target_semaphore(%run_scoped3A : memref<!tpu.dma_semaphore, #tpu.memory_space<semaphore_mem>>)
      %dma_wait3A_47 = arith.constant 0 : i32
      %dma_wait3A_48 = tpu.memref_slice %arg12[%add3A_8, %dma_wait3A_47] : memref<10240x128xf32, #tpu.memory_space<vmem_shared>> -> memref<128x128xf32, #tpu.memory_space<vmem_shared>>
      %dma_wait3A_49 = arith.constant 0 : i32
      %dma_wait3A_50 = tpu.memref_slice %arg12[%add3A_8, %dma_wait3A_49] : memref<10240x128xf32, #tpu.memory_space<vmem_shared>> -> memref<128x128xf32, #tpu.memory_space<vmem_shared>>
      tpu.wait_dma2 semaphore(%run_scoped3A : memref<!tpu.dma_semaphore, #tpu.memory_space<semaphore_mem>>) src(%arg10 : memref<128x128xf32, #tpu.memory_space<vmem>>) dst(%dma_wait3A_50 : memref<128x128xf32, #tpu.memory_space<vmem_shared>>)
      tpu.yield
    }) : () -> ()
    %add3A_9 = arith.constant 384 : i32
    %add3A_10 = arith.addi %mul3A_2, %add3A_9 : i32
    "tpu.region"() ({
      %run_scoped3A = tpu.sem_alloc : memref<!tpu.dma_semaphore, #tpu.memory_space<semaphore_mem>>
      %dma_start3A_43 = arith.constant 0 : i32
      %dma_start3A_44 = tpu.memref_slice %arg12[%add3A_10, %dma_start3A_43] : memref<10240x128xf32, #tpu.memory_space<vmem_shared>> -> memref<128x128xf32, #tpu.memory_space<vmem_shared>>
      %dma_start3A_45 = arith.constant 0 : i32
      %dma_start3A_46 = tpu.memref_slice %arg12[%add3A_10, %dma_start3A_45] : memref<10240x128xf32, #tpu.memory_space<vmem_shared>> -> memref<128x128xf32, #tpu.memory_space<vmem_shared>>
      tpu.enqueue_dma source(%arg10 : memref<128x128xf32, #tpu.memory_space<vmem>>) target(%dma_start3A_46 : memref<128x128xf32, #tpu.memory_space<vmem_shared>>) target_semaphore(%run_scoped3A : memref<!tpu.dma_semaphore, #tpu.memory_space<semaphore_mem>>)
      %dma_wait3A_47 = arith.constant 0 : i32
      %dma_wait3A_48 = tpu.memref_slice %arg12[%add3A_10, %dma_wait3A_47] : memref<10240x128xf32, #tpu.memory_space<vmem_shared>> -> memref<128x128xf32, #tpu.memory_space<vmem_shared>>
      %dma_wait3A_49 = arith.constant 0 : i32
      %dma_wait3A_50 = tpu.memref_slice %arg12[%add3A_10, %dma_wait3A_49] : memref<10240x128xf32, #tpu.memory_space<vmem_shared>> -> memref<128x128xf32, #tpu.memory_space<vmem_shared>>
      tpu.wait_dma2 semaphore(%run_scoped3A : memref<!tpu.dma_semaphore, #tpu.memory_space<semaphore_mem>>) src(%arg10 : memref<128x128xf32, #tpu.memory_space<vmem>>) dst(%dma_wait3A_50 : memref<128x128xf32, #tpu.memory_space<vmem_shared>>)
      tpu.yield
    }) : () -> ()
    %add3A_11 = arith.constant 512 : i32
    %add3A_12 = arith.addi %mul3A_2, %add3A_11 : i32
    "tpu.region"() ({
      %run_scoped3A = tpu.sem_alloc : memref<!tpu.dma_semaphore, #tpu.memory_space<semaphore_mem>>
      %dma_start3A_43 = arith.constant 0 : i32
      %dma_start3A_44 = tpu.memref_slice %arg12[%add3A_12, %dma_start3A_43] : memref<10240x128xf32, #tpu.memory_space<vmem_shared>> -> memref<128x128xf32, #tpu.memory_space<vmem_shared>>
      %dma_start3A_45 = arith.constant 0 : i32
      %dma_start3A_46 = tpu.memref_slice %arg12[%add3A_12, %dma_start3A_45] : memref<10240x128xf32, #tpu.memory_space<vmem_shared>> -> memref<128x128xf32, #tpu.memory_space<vmem_shared>>
      tpu.enqueue_dma source(%arg10 : memref<128x128xf32, #tpu.memory_space<vmem>>) target(%dma_start3A_46 : memref<128x128xf32, #tpu.memory_space<vmem_shared>>) target_semaphore(%run_scoped3A : memref<!tpu.dma_semaphore, #tpu.memory_space<semaphore_mem>>)
      %dma_wait3A_47 = arith.constant 0 : i32
      %dma_wait3A_48 = tpu.memref_slice %arg12[%add3A_12, %dma_wait3A_47] : memref<10240x128xf32, #tpu.memory_space<vmem_shared>> -> memref<128x128xf32, #tpu.memory_space<vmem_shared>>
      %dma_wait3A_49 = arith.constant 0 : i32
      %dma_wait3A_50 = tpu.memref_slice %arg12[%add3A_12, %dma_wait3A_49] : memref<10240x128xf32, #tpu.memory_space<vmem_shared>> -> memref<128x128xf32, #tpu.memory_space<vmem_shared>>
      tpu.wait_dma2 semaphore(%run_scoped3A : memref<!tpu.dma_semaphore, #tpu.memory_space<semaphore_mem>>) src(%arg10 : memref<128x128xf32, #tpu.memory_space<vmem>>) dst(%dma_wait3A_50 : memref<128x128xf32, #tpu.memory_space<vmem_shared>>)
      tpu.yield
    }) : () -> ()
    %barrier3A = arith.constant 0 : index
    tpu.barrier barrier_id(%barrier3A)
    %mul3A_13 = arith.constant 10112 : i32
    %mul3A_14 = arith.muli %add3A, %mul3A_13 : i32
    %scan3A = arith.constant 0 : i32
    %scan3A_15 = arith.constant 0 : i32
    %scan3A_16 = arith.constant 39 : i32
    %scan3A_17 = arith.addi %scan3A_15, %scan3A_16 : i32
    %scan3A_18 = arith.constant 1 : i32
    scf.for %scan3A_43 = %scan3A_15 to %scan3A_17 step %scan3A_18  : i32 {
      %mul3A_44 = arith.constant 2 : i32
      %mul3A_45 = arith.muli %mul3A_44, %scan3A_43 : i32
      %mul3A_46 = arith.constant 128 : i32
      %mul3A_47 = arith.muli %mul3A_45, %mul3A_46 : i32
      %add3A_48 = arith.addi %mul3A_14, %mul3A_47 : i32
      %add3A_49 = arith.constant 128 : i32
      %add3A_50 = arith.addi %add3A_48, %add3A_49 : i32
      %gt3A = arith.constant 0 : i32
      %gt3A_51 = arith.cmpi sgt, %scan3A_43, %gt3A : i32
      %convert_element_type3A = arith.extui %gt3A_51 : i1 to i32
      %cond3A = arith.constant 0 : i32
      %cond3A_52 = arith.cmpi ne, %convert_element_type3A, %cond3A : i32
      scf.if %cond3A_52 {
        %dma_wait3A_76 = arith.constant 0 : i32
        %dma_wait3A_77 = arith.constant 0 : i32
        %dma_wait3A_78 = tpu.memref_slice %arg12[%dma_wait3A_76, %dma_wait3A_77] : memref<10240x128xf32, #tpu.memory_space<vmem_shared>> -> memref<10240x128xf32, #tpu.memory_space<vmem_shared>>
        tpu.wait_indirect_dma semaphore(%arg14 : memref<!tpu.dma_semaphore, #tpu.memory_space<semaphore_mem>>) src(%arg10 : memref<128x128xf32, #tpu.memory_space<vmem>>) dst(%dma_wait3A_78 : memref<10240x128xf32, #tpu.memory_space<vmem_shared>>)
      } else {
      }
      "tpu.region"() ({
        %run_scoped3A = tpu.sem_alloc : memref<!tpu.dma_semaphore, #tpu.memory_space<semaphore_mem>>
        %dma_start3A_76 = tpu.memref_slice %arg3[%add3A_48] : memref<323584xi32, #tpu.memory_space<hbm>> -> memref<128xi32, #tpu.memory_space<hbm>>
        %dma_start3A_77 = tpu.memref_slice %arg3[%add3A_48] : memref<323584xi32, #tpu.memory_space<hbm>> -> memref<128xi32, #tpu.memory_space<hbm>>
        tpu.enqueue_dma source(%dma_start3A_77 : memref<128xi32, #tpu.memory_space<hbm>>) target(%arg7 : memref<128xi32, #tpu.memory_space<vmem>>) target_semaphore(%run_scoped3A : memref<!tpu.dma_semaphore, #tpu.memory_space<semaphore_mem>>)
        %dma_wait3A_78 = tpu.memref_slice %arg3[%add3A_48] : memref<323584xi32, #tpu.memory_space<hbm>> -> memref<128xi32, #tpu.memory_space<hbm>>
        %dma_wait3A_79 = tpu.memref_slice %arg3[%add3A_48] : memref<323584xi32, #tpu.memory_space<hbm>> -> memref<128xi32, #tpu.memory_space<hbm>>
        tpu.wait_dma2 semaphore(%run_scoped3A : memref<!tpu.dma_semaphore, #tpu.memory_space<semaphore_mem>>) src(%dma_wait3A_79 : memref<128xi32, #tpu.memory_space<hbm>>) dst(%arg7 : memref<128xi32, #tpu.memory_space<vmem>>)
        tpu.yield
      }) : () -> ()
      "tpu.region"() ({
        %run_scoped3A = tpu.sem_alloc : memref<!tpu.dma_semaphore, #tpu.memory_space<semaphore_mem>>
        %dma_start3A_76 = tpu.memref_slice %arg4[%add3A_48] : memref<323584xi32, #tpu.memory_space<hbm>> -> memref<128xi32, #tpu.memory_space<hbm>>
        %dma_start3A_77 = tpu.memref_slice %arg4[%add3A_48] : memref<323584xi32, #tpu.memory_space<hbm>> -> memref<128xi32, #tpu.memory_space<hbm>>
        tpu.enqueue_dma source(%dma_start3A_77 : memref<128xi32, #tpu.memory_space<hbm>>) target(%arg8 : memref<128xi32, #tpu.memory_space<vmem>>) target_semaphore(%run_scoped3A : memref<!tpu.dma_semaphore, #tpu.memory_space<semaphore_mem>>)
        %dma_wait3A_78 = tpu.memref_slice %arg4[%add3A_48] : memref<323584xi32, #tpu.memory_space<hbm>> -> memref<128xi32, #tpu.memory_space<hbm>>
        %dma_wait3A_79 = tpu.memref_slice %arg4[%add3A_48] : memref<323584xi32, #tpu.memory_space<hbm>> -> memref<128xi32, #tpu.memory_space<hbm>>
        tpu.wait_dma2 semaphore(%run_scoped3A : memref<!tpu.dma_semaphore, #tpu.memory_space<semaphore_mem>>) src(%dma_wait3A_79 : memref<128xi32, #tpu.memory_space<hbm>>) dst(%arg8 : memref<128xi32, #tpu.memory_space<vmem>>)
        tpu.yield
      }) : () -> ()
      %dma_start3A_53 = arith.constant 0 : i32
      %dma_start3A_54 = arith.constant 0 : i32
      %dma_start3A_55 = tpu.memref_slice %arg2[%dma_start3A_53, %dma_start3A_54] : memref<10000x128xf32, #tpu.memory_space<hbm>> -> memref<10000x128xf32, #tpu.memory_space<hbm>>
      tpu.enqueue_indirect_dma source(%dma_start3A_55 : memref<10000x128xf32, #tpu.memory_space<hbm>>) target(%arg10 : memref<128x128xf32, #tpu.memory_space<vmem>>) offsets(%arg7 : memref<128xi32, #tpu.memory_space<vmem>>) semaphore(%arg13 : memref<!tpu.dma_semaphore, #tpu.memory_space<semaphore_mem>>)
      %dma_wait3A_56 = arith.constant 0 : i32
      %dma_wait3A_57 = arith.constant 0 : i32
      %dma_wait3A_58 = tpu.memref_slice %arg2[%dma_wait3A_56, %dma_wait3A_57] : memref<10000x128xf32, #tpu.memory_space<hbm>> -> memref<10000x128xf32, #tpu.memory_space<hbm>>
      tpu.wait_indirect_dma semaphore(%arg13 : memref<!tpu.dma_semaphore, #tpu.memory_space<semaphore_mem>>) src(%dma_wait3A_58 : memref<10000x128xf32, #tpu.memory_space<hbm>>) dst(%arg10 : memref<128x128xf32, #tpu.memory_space<vmem>>)
      %dma_start3A_59 = arith.constant 0 : i32
      %dma_start3A_60 = arith.constant 0 : i32
      %dma_start3A_61 = tpu.memref_slice %arg12[%dma_start3A_59, %dma_start3A_60] : memref<10240x128xf32, #tpu.memory_space<vmem_shared>> -> memref<10240x128xf32, #tpu.memory_space<vmem_shared>>
      tpu.enqueue_indirect_dma source(%arg10 : memref<128x128xf32, #tpu.memory_space<vmem>>) target(%dma_start3A_61 : memref<10240x128xf32, #tpu.memory_space<vmem_shared>>) offsets(%arg8 : memref<128xi32, #tpu.memory_space<vmem>>) semaphore(%arg14 : memref<!tpu.dma_semaphore, #tpu.memory_space<semaphore_mem>>) {add = true}
      %gt3A_62 = arith.constant 0 : i32
      %gt3A_63 = arith.cmpi sgt, %scan3A_43, %gt3A_62 : i32
      %convert_element_type3A_64 = arith.extui %gt3A_63 : i1 to i32
      %cond3A_65 = arith.constant 0 : i32
      %cond3A_66 = arith.cmpi ne, %convert_element_type3A_64, %cond3A_65 : i32
      scf.if %cond3A_66 {
        %dma_wait3A_76 = arith.constant 0 : i32
        %dma_wait3A_77 = arith.constant 0 : i32
        %dma_wait3A_78 = tpu.memref_slice %arg12[%dma_wait3A_76, %dma_wait3A_77] : memref<10240x128xf32, #tpu.memory_space<vmem_shared>> -> memref<10240x128xf32, #tpu.memory_space<vmem_shared>>
        tpu.wait_indirect_dma semaphore(%arg15 : memref<!tpu.dma_semaphore, #tpu.memory_space<semaphore_mem>>) src(%arg11 : memref<128x128xf32, #tpu.memory_space<vmem>>) dst(%dma_wait3A_78 : memref<10240x128xf32, #tpu.memory_space<vmem_shared>>)
      } else {
      }
      "tpu.region"() ({
        %run_scoped3A = tpu.sem_alloc : memref<!tpu.dma_semaphore, #tpu.memory_space<semaphore_mem>>
        %dma_start3A_76 = tpu.memref_slice %arg3[%add3A_50] : memref<323584xi32, #tpu.memory_space<hbm>> -> memref<128xi32, #tpu.memory_space<hbm>>
        %dma_start3A_77 = tpu.memref_slice %arg3[%add3A_50] : memref<323584xi32, #tpu.memory_space<hbm>> -> memref<128xi32, #tpu.memory_space<hbm>>
        tpu.enqueue_dma source(%dma_start3A_77 : memref<128xi32, #tpu.memory_space<hbm>>) target(%arg7 : memref<128xi32, #tpu.memory_space<vmem>>) target_semaphore(%run_scoped3A : memref<!tpu.dma_semaphore, #tpu.memory_space<semaphore_mem>>)
        %dma_wait3A_78 = tpu.memref_slice %arg3[%add3A_50] : memref<323584xi32, #tpu.memory_space<hbm>> -> memref<128xi32, #tpu.memory_space<hbm>>
        %dma_wait3A_79 = tpu.memref_slice %arg3[%add3A_50] : memref<323584xi32, #tpu.memory_space<hbm>> -> memref<128xi32, #tpu.memory_space<hbm>>
        tpu.wait_dma2 semaphore(%run_scoped3A : memref<!tpu.dma_semaphore, #tpu.memory_space<semaphore_mem>>) src(%dma_wait3A_79 : memref<128xi32, #tpu.memory_space<hbm>>) dst(%arg7 : memref<128xi32, #tpu.memory_space<vmem>>)
        tpu.yield
      }) : () -> ()
      "tpu.region"() ({
        %run_scoped3A = tpu.sem_alloc : memref<!tpu.dma_semaphore, #tpu.memory_space<semaphore_mem>>
        %dma_start3A_76 = tpu.memref_slice %arg4[%add3A_50] : memref<323584xi32, #tpu.memory_space<hbm>> -> memref<128xi32, #tpu.memory_space<hbm>>
        %dma_start3A_77 = tpu.memref_slice %arg4[%add3A_50] : memref<323584xi32, #tpu.memory_space<hbm>> -> memref<128xi32, #tpu.memory_space<hbm>>
        tpu.enqueue_dma source(%dma_start3A_77 : memref<128xi32, #tpu.memory_space<hbm>>) target(%arg9 : memref<128xi32, #tpu.memory_space<vmem>>) target_semaphore(%run_scoped3A : memref<!tpu.dma_semaphore, #tpu.memory_space<semaphore_mem>>)
        %dma_wait3A_78 = tpu.memref_slice %arg4[%add3A_50] : memref<323584xi32, #tpu.memory_space<hbm>> -> memref<128xi32, #tpu.memory_space<hbm>>
        %dma_wait3A_79 = tpu.memref_slice %arg4[%add3A_50] : memref<323584xi32, #tpu.memory_space<hbm>> -> memref<128xi32, #tpu.memory_space<hbm>>
        tpu.wait_dma2 semaphore(%run_scoped3A : memref<!tpu.dma_semaphore, #tpu.memory_space<semaphore_mem>>) src(%dma_wait3A_79 : memref<128xi32, #tpu.memory_space<hbm>>) dst(%arg9 : memref<128xi32, #tpu.memory_space<vmem>>)
        tpu.yield
      }) : () -> ()
      %dma_start3A_67 = arith.constant 0 : i32
      %dma_start3A_68 = arith.constant 0 : i32
      %dma_start3A_69 = tpu.memref_slice %arg2[%dma_start3A_67, %dma_start3A_68] : memref<10000x128xf32, #tpu.memory_space<hbm>> -> memref<10000x128xf32, #tpu.memory_space<hbm>>
      tpu.enqueue_indirect_dma source(%dma_start3A_69 : memref<10000x128xf32, #tpu.memory_space<hbm>>) target(%arg11 : memref<128x128xf32, #tpu.memory_space<vmem>>) offsets(%arg7 : memref<128xi32, #tpu.memory_space<vmem>>) semaphore(%arg13 : memref<!tpu.dma_semaphore, #tpu.memory_space<semaphore_mem>>)
      %dma_wait3A_70 = arith.constant 0 : i32
      %dma_wait3A_71 = arith.constant 0 : i32
      %dma_wait3A_72 = tpu.memref_slice %arg2[%dma_wait3A_70, %dma_wait3A_71] : memref<10000x128xf32, #tpu.memory_space<hbm>> -> memref<10000x128xf32, #tpu.memory_space<hbm>>
      tpu.wait_indirect_dma semaphore(%arg13 : memref<!tpu.dma_semaphore, #tpu.memory_space<semaphore_mem>>) src(%dma_wait3A_72 : memref<10000x128xf32, #tpu.memory_space<hbm>>) dst(%arg11 : memref<128x128xf32, #tpu.memory_space<vmem>>)
      %dma_start3A_73 = arith.constant 0 : i32
      %dma_start3A_74 = arith.constant 0 : i32
      %dma_start3A_75 = tpu.memref_slice %arg12[%dma_start3A_73, %dma_start3A_74] : memref<10240x128xf32, #tpu.memory_space<vmem_shared>> -> memref<10240x128xf32, #tpu.memory_space<vmem_shared>>
      tpu.enqueue_indirect_dma source(%arg11 : memref<128x128xf32, #tpu.memory_space<vmem>>) target(%dma_start3A_75 : memref<10240x128xf32, #tpu.memory_space<vmem_shared>>) offsets(%arg9 : memref<128xi32, #tpu.memory_space<vmem>>) semaphore(%arg15 : memref<!tpu.dma_semaphore, #tpu.memory_space<semaphore_mem>>) {add = true}
    }
    %scan3A_19 = arith.constant 39 : i32
    %dma_wait3A = arith.constant 0 : i32
    %dma_wait3A_20 = arith.constant 0 : i32
    %dma_wait3A_21 = tpu.memref_slice %arg12[%dma_wait3A, %dma_wait3A_20] : memref<10240x128xf32, #tpu.memory_space<vmem_shared>> -> memref<10240x128xf32, #tpu.memory_space<vmem_shared>>
    tpu.wait_indirect_dma semaphore(%arg14 : memref<!tpu.dma_semaphore, #tpu.memory_space<semaphore_mem>>) src(%arg10 : memref<128x128xf32, #tpu.memory_space<vmem>>) dst(%dma_wait3A_21 : memref<10240x128xf32, #tpu.memory_space<vmem_shared>>)
    %dma_wait3A_22 = arith.constant 0 : i32
    %dma_wait3A_23 = arith.constant 0 : i32
    %dma_wait3A_24 = tpu.memref_slice %arg12[%dma_wait3A_22, %dma_wait3A_23] : memref<10240x128xf32, #tpu.memory_space<vmem_shared>> -> memref<10240x128xf32, #tpu.memory_space<vmem_shared>>
    tpu.wait_indirect_dma semaphore(%arg15 : memref<!tpu.dma_semaphore, #tpu.memory_space<semaphore_mem>>) src(%arg11 : memref<128x128xf32, #tpu.memory_space<vmem>>) dst(%dma_wait3A_24 : memref<10240x128xf32, #tpu.memory_space<vmem_shared>>)
    %add3A_25 = arith.constant 9984 : i32
    %add3A_26 = arith.addi %mul3A_14, %add3A_25 : i32
    "tpu.region"() ({
      %run_scoped3A = tpu.sem_alloc : memref<!tpu.dma_semaphore, #tpu.memory_space<semaphore_mem>>
      %dma_start3A_43 = tpu.memref_slice %arg3[%add3A_26] : memref<323584xi32, #tpu.memory_space<hbm>> -> memref<128xi32, #tpu.memory_space<hbm>>
      %dma_start3A_44 = tpu.memref_slice %arg3[%add3A_26] : memref<323584xi32, #tpu.memory_space<hbm>> -> memref<128xi32, #tpu.memory_space<hbm>>
      tpu.enqueue_dma source(%dma_start3A_44 : memref<128xi32, #tpu.memory_space<hbm>>) target(%arg7 : memref<128xi32, #tpu.memory_space<vmem>>) target_semaphore(%run_scoped3A : memref<!tpu.dma_semaphore, #tpu.memory_space<semaphore_mem>>)
      %dma_wait3A_45 = tpu.memref_slice %arg3[%add3A_26] : memref<323584xi32, #tpu.memory_space<hbm>> -> memref<128xi32, #tpu.memory_space<hbm>>
      %dma_wait3A_46 = tpu.memref_slice %arg3[%add3A_26] : memref<323584xi32, #tpu.memory_space<hbm>> -> memref<128xi32, #tpu.memory_space<hbm>>
      tpu.wait_dma2 semaphore(%run_scoped3A : memref<!tpu.dma_semaphore, #tpu.memory_space<semaphore_mem>>) src(%dma_wait3A_46 : memref<128xi32, #tpu.memory_space<hbm>>) dst(%arg7 : memref<128xi32, #tpu.memory_space<vmem>>)
      tpu.yield
    }) : () -> ()
    "tpu.region"() ({
      %run_scoped3A = tpu.sem_alloc : memref<!tpu.dma_semaphore, #tpu.memory_space<semaphore_mem>>
      %dma_start3A_43 = tpu.memref_slice %arg4[%add3A_26] : memref<323584xi32, #tpu.memory_space<hbm>> -> memref<128xi32, #tpu.memory_space<hbm>>
      %dma_start3A_44 = tpu.memref_slice %arg4[%add3A_26] : memref<323584xi32, #tpu.memory_space<hbm>> -> memref<128xi32, #tpu.memory_space<hbm>>
      tpu.enqueue_dma source(%dma_start3A_44 : memref<128xi32, #tpu.memory_space<hbm>>) target(%arg8 : memref<128xi32, #tpu.memory_space<vmem>>) target_semaphore(%run_scoped3A : memref<!tpu.dma_semaphore, #tpu.memory_space<semaphore_mem>>)
      %dma_wait3A_45 = tpu.memref_slice %arg4[%add3A_26] : memref<323584xi32, #tpu.memory_space<hbm>> -> memref<128xi32, #tpu.memory_space<hbm>>
      %dma_wait3A_46 = tpu.memref_slice %arg4[%add3A_26] : memref<323584xi32, #tpu.memory_space<hbm>> -> memref<128xi32, #tpu.memory_space<hbm>>
      tpu.wait_dma2 semaphore(%run_scoped3A : memref<!tpu.dma_semaphore, #tpu.memory_space<semaphore_mem>>) src(%dma_wait3A_46 : memref<128xi32, #tpu.memory_space<hbm>>) dst(%arg8 : memref<128xi32, #tpu.memory_space<vmem>>)
      tpu.yield
    }) : () -> ()
    %dma_start3A = arith.constant 0 : i32
    %dma_start3A_27 = arith.constant 0 : i32
    %dma_start3A_28 = tpu.memref_slice %arg2[%dma_start3A, %dma_start3A_27] : memref<10000x128xf32, #tpu.memory_space<hbm>> -> memref<10000x128xf32, #tpu.memory_space<hbm>>
    tpu.enqueue_indirect_dma source(%dma_start3A_28 : memref<10000x128xf32, #tpu.memory_space<hbm>>) target(%arg10 : memref<128x128xf32, #tpu.memory_space<vmem>>) offsets(%arg7 : memref<128xi32, #tpu.memory_space<vmem>>) semaphore(%arg13 : memref<!tpu.dma_semaphore, #tpu.memory_space<semaphore_mem>>)
    %dma_wait3A_29 = arith.constant 0 : i32
    %dma_wait3A_30 = arith.constant 0 : i32
    %dma_wait3A_31 = tpu.memref_slice %arg2[%dma_wait3A_29, %dma_wait3A_30] : memref<10000x128xf32, #tpu.memory_space<hbm>> -> memref<10000x128xf32, #tpu.memory_space<hbm>>
    tpu.wait_indirect_dma semaphore(%arg13 : memref<!tpu.dma_semaphore, #tpu.memory_space<semaphore_mem>>) src(%dma_wait3A_31 : memref<10000x128xf32, #tpu.memory_space<hbm>>) dst(%arg10 : memref<128x128xf32, #tpu.memory_space<vmem>>)
    "tpu.region"() ({
      %run_scoped3A = tpu.sem_alloc : memref<!tpu.dma_semaphore, #tpu.memory_space<semaphore_mem>>
      %dma_start3A_43 = arith.constant 0 : i32
      %dma_start3A_44 = arith.constant 0 : i32
      %dma_start3A_45 = tpu.memref_slice %arg12[%dma_start3A_43, %dma_start3A_44] : memref<10240x128xf32, #tpu.memory_space<vmem_shared>> -> memref<10240x128xf32, #tpu.memory_space<vmem_shared>>
      tpu.enqueue_indirect_dma source(%arg10 : memref<128x128xf32, #tpu.memory_space<vmem>>) target(%dma_start3A_45 : memref<10240x128xf32, #tpu.memory_space<vmem_shared>>) offsets(%arg8 : memref<128xi32, #tpu.memory_space<vmem>>) semaphore(%run_scoped3A : memref<!tpu.dma_semaphore, #tpu.memory_space<semaphore_mem>>) {add = true}
      %dma_wait3A_46 = arith.constant 0 : i32
      %dma_wait3A_47 = arith.constant 0 : i32
      %dma_wait3A_48 = tpu.memref_slice %arg12[%dma_wait3A_46, %dma_wait3A_47] : memref<10240x128xf32, #tpu.memory_space<vmem_shared>> -> memref<10240x128xf32, #tpu.memory_space<vmem_shared>>
      tpu.wait_indirect_dma semaphore(%run_scoped3A : memref<!tpu.dma_semaphore, #tpu.memory_space<semaphore_mem>>) src(%arg10 : memref<128x128xf32, #tpu.memory_space<vmem>>) dst(%dma_wait3A_48 : memref<10240x128xf32, #tpu.memory_space<vmem_shared>>)
      tpu.yield
    }) : () -> ()
    %barrier3A_32 = arith.constant 0 : index
    tpu.barrier barrier_id(%barrier3A_32)
    %add3A_33 = arith.constant 0 : i32
    %add3A_34 = arith.addi %mul3A_2, %add3A_33 : i32
    "tpu.region"() ({
      %run_scoped3A = tpu.sem_alloc : memref<!tpu.dma_semaphore, #tpu.memory_space<semaphore_mem>>
      %dma_start3A_43 = arith.constant 0 : i32
      %dma_start3A_44 = tpu.memref_slice %arg6[%arg0, %add3A_34, %dma_start3A_43] : memref<2x10240x128xf32, #tpu.memory_space<hbm>> -> memref<1x128x128xf32, #tpu.memory_space<hbm>>
      %dma_start3A_45 = tpu.memref_squeeze %dma_start3A_44 : memref<1x128x128xf32, #tpu.memory_space<hbm>> -> memref<128x128xf32, #tpu.memory_space<hbm>>
      %dma_start3A_46 = arith.constant 0 : i32
      %dma_start3A_47 = tpu.memref_slice %arg12[%add3A_34, %dma_start3A_46] : memref<10240x128xf32, #tpu.memory_space<vmem_shared>> -> memref<128x128xf32, #tpu.memory_space<vmem_shared>>
      tpu.enqueue_dma source(%dma_start3A_47 : memref<128x128xf32, #tpu.memory_space<vmem_shared>>) target(%dma_start3A_45 : memref<128x128xf32, #tpu.memory_space<hbm>>) target_semaphore(%run_scoped3A : memref<!tpu.dma_semaphore, #tpu.memory_space<semaphore_mem>>)
      %dma_wait3A_48 = arith.constant 0 : i32
      %dma_wait3A_49 = tpu.memref_slice %arg6[%arg0, %add3A_34, %dma_wait3A_48] : memref<2x10240x128xf32, #tpu.memory_space<hbm>> -> memref<1x128x128xf32, #tpu.memory_space<hbm>>
      %dma_wait3A_50 = tpu.memref_squeeze %dma_wait3A_49 : memref<1x128x128xf32, #tpu.memory_space<hbm>> -> memref<128x128xf32, #tpu.memory_space<hbm>>
      %dma_wait3A_51 = arith.constant 0 : i32
      %dma_wait3A_52 = tpu.memref_slice %arg12[%add3A_34, %dma_wait3A_51] : memref<10240x128xf32, #tpu.memory_space<vmem_shared>> -> memref<128x128xf32, #tpu.memory_space<vmem_shared>>
      tpu.wait_dma2 semaphore(%run_scoped3A : memref<!tpu.dma_semaphore, #tpu.memory_space<semaphore_mem>>) src(%dma_wait3A_52 : memref<128x128xf32, #tpu.memory_space<vmem_shared>>) dst(%dma_wait3A_50 : memref<128x128xf32, #tpu.memory_space<hbm>>)
      tpu.yield
    }) : () -> ()
    %add3A_35 = arith.constant 128 : i32
    %add3A_36 = arith.addi %mul3A_2, %add3A_35 : i32
    "tpu.region"() ({
      %run_scoped3A = tpu.sem_alloc : memref<!tpu.dma_semaphore, #tpu.memory_space<semaphore_mem>>
      %dma_start3A_43 = arith.constant 0 : i32
      %dma_start3A_44 = tpu.memref_slice %arg6[%arg0, %add3A_36, %dma_start3A_43] : memref<2x10240x128xf32, #tpu.memory_space<hbm>> -> memref<1x128x128xf32, #tpu.memory_space<hbm>>
      %dma_start3A_45 = tpu.memref_squeeze %dma_start3A_44 : memref<1x128x128xf32, #tpu.memory_space<hbm>> -> memref<128x128xf32, #tpu.memory_space<hbm>>
      %dma_start3A_46 = arith.constant 0 : i32
      %dma_start3A_47 = tpu.memref_slice %arg12[%add3A_36, %dma_start3A_46] : memref<10240x128xf32, #tpu.memory_space<vmem_shared>> -> memref<128x128xf32, #tpu.memory_space<vmem_shared>>
      tpu.enqueue_dma source(%dma_start3A_47 : memref<128x128xf32, #tpu.memory_space<vmem_shared>>) target(%dma_start3A_45 : memref<128x128xf32, #tpu.memory_space<hbm>>) target_semaphore(%run_scoped3A : memref<!tpu.dma_semaphore, #tpu.memory_space<semaphore_mem>>)
      %dma_wait3A_48 = arith.constant 0 : i32
      %dma_wait3A_49 = tpu.memref_slice %arg6[%arg0, %add3A_36, %dma_wait3A_48] : memref<2x10240x128xf32, #tpu.memory_space<hbm>> -> memref<1x128x128xf32, #tpu.memory_space<hbm>>
      %dma_wait3A_50 = tpu.memref_squeeze %dma_wait3A_49 : memref<1x128x128xf32, #tpu.memory_space<hbm>> -> memref<128x128xf32, #tpu.memory_space<hbm>>
      %dma_wait3A_51 = arith.constant 0 : i32
      %dma_wait3A_52 = tpu.memref_slice %arg12[%add3A_36, %dma_wait3A_51] : memref<10240x128xf32, #tpu.memory_space<vmem_shared>> -> memref<128x128xf32, #tpu.memory_space<vmem_shared>>
      tpu.wait_dma2 semaphore(%run_scoped3A : memref<!tpu.dma_semaphore, #tpu.memory_space<semaphore_mem>>) src(%dma_wait3A_52 : memref<128x128xf32, #tpu.memory_space<vmem_shared>>) dst(%dma_wait3A_50 : memref<128x128xf32, #tpu.memory_space<hbm>>)
      tpu.yield
    }) : () -> ()
    %add3A_37 = arith.constant 256 : i32
    %add3A_38 = arith.addi %mul3A_2, %add3A_37 : i32
    "tpu.region"() ({
      %run_scoped3A = tpu.sem_alloc : memref<!tpu.dma_semaphore, #tpu.memory_space<semaphore_mem>>
      %dma_start3A_43 = arith.constant 0 : i32
      %dma_start3A_44 = tpu.memref_slice %arg6[%arg0, %add3A_38, %dma_start3A_43] : memref<2x10240x128xf32, #tpu.memory_space<hbm>> -> memref<1x128x128xf32, #tpu.memory_space<hbm>>
      %dma_start3A_45 = tpu.memref_squeeze %dma_start3A_44 : memref<1x128x128xf32, #tpu.memory_space<hbm>> -> memref<128x128xf32, #tpu.memory_space<hbm>>
      %dma_start3A_46 = arith.constant 0 : i32
      %dma_start3A_47 = tpu.memref_slice %arg12[%add3A_38, %dma_start3A_46] : memref<10240x128xf32, #tpu.memory_space<vmem_shared>> -> memref<128x128xf32, #tpu.memory_space<vmem_shared>>
      tpu.enqueue_dma source(%dma_start3A_47 : memref<128x128xf32, #tpu.memory_space<vmem_shared>>) target(%dma_start3A_45 : memref<128x128xf32, #tpu.memory_space<hbm>>) target_semaphore(%run_scoped3A : memref<!tpu.dma_semaphore, #tpu.memory_space<semaphore_mem>>)
      %dma_wait3A_48 = arith.constant 0 : i32
      %dma_wait3A_49 = tpu.memref_slice %arg6[%arg0, %add3A_38, %dma_wait3A_48] : memref<2x10240x128xf32, #tpu.memory_space<hbm>> -> memref<1x128x128xf32, #tpu.memory_space<hbm>>
      %dma_wait3A_50 = tpu.memref_squeeze %dma_wait3A_49 : memref<1x128x128xf32, #tpu.memory_space<hbm>> -> memref<128x128xf32, #tpu.memory_space<hbm>>
      %dma_wait3A_51 = arith.constant 0 : i32
      %dma_wait3A_52 = tpu.memref_slice %arg12[%add3A_38, %dma_wait3A_51] : memref<10240x128xf32, #tpu.memory_space<vmem_shared>> -> memref<128x128xf32, #tpu.memory_space<vmem_shared>>
      tpu.wait_dma2 semaphore(%run_scoped3A : memref<!tpu.dma_semaphore, #tpu.memory_space<semaphore_mem>>) src(%dma_wait3A_52 : memref<128x128xf32, #tpu.memory_space<vmem_shared>>) dst(%dma_wait3A_50 : memref<128x128xf32, #tpu.memory_space<hbm>>)
      tpu.yield
    }) : () -> ()
    %add3A_39 = arith.constant 384 : i32
    %add3A_40 = arith.addi %mul3A_2, %add3A_39 : i32
    "tpu.region"() ({
      %run_scoped3A = tpu.sem_alloc : memref<!tpu.dma_semaphore, #tpu.memory_space<semaphore_mem>>
      %dma_start3A_43 = arith.constant 0 : i32
      %dma_start3A_44 = tpu.memref_slice %arg6[%arg0, %add3A_40, %dma_start3A_43] : memref<2x10240x128xf32, #tpu.memory_space<hbm>> -> memref<1x128x128xf32, #tpu.memory_space<hbm>>
      %dma_start3A_45 = tpu.memref_squeeze %dma_start3A_44 : memref<1x128x128xf32, #tpu.memory_space<hbm>> -> memref<128x128xf32, #tpu.memory_space<hbm>>
      %dma_start3A_46 = arith.constant 0 : i32
      %dma_start3A_47 = tpu.memref_slice %arg12[%add3A_40, %dma_start3A_46] : memref<10240x128xf32, #tpu.memory_space<vmem_shared>> -> memref<128x128xf32, #tpu.memory_space<vmem_shared>>
      tpu.enqueue_dma source(%dma_start3A_47 : memref<128x128xf32, #tpu.memory_space<vmem_shared>>) target(%dma_start3A_45 : memref<128x128xf32, #tpu.memory_space<hbm>>) target_semaphore(%run_scoped3A : memref<!tpu.dma_semaphore, #tpu.memory_space<semaphore_mem>>)
      %dma_wait3A_48 = arith.constant 0 : i32
      %dma_wait3A_49 = tpu.memref_slice %arg6[%arg0, %add3A_40, %dma_wait3A_48] : memref<2x10240x128xf32, #tpu.memory_space<hbm>> -> memref<1x128x128xf32, #tpu.memory_space<hbm>>
      %dma_wait3A_50 = tpu.memref_squeeze %dma_wait3A_49 : memref<1x128x128xf32, #tpu.memory_space<hbm>> -> memref<128x128xf32, #tpu.memory_space<hbm>>
      %dma_wait3A_51 = arith.constant 0 : i32
      %dma_wait3A_52 = tpu.memref_slice %arg12[%add3A_40, %dma_wait3A_51] : memref<10240x128xf32, #tpu.memory_space<vmem_shared>> -> memref<128x128xf32, #tpu.memory_space<vmem_shared>>
      tpu.wait_dma2 semaphore(%run_scoped3A : memref<!tpu.dma_semaphore, #tpu.memory_space<semaphore_mem>>) src(%dma_wait3A_52 : memref<128x128xf32, #tpu.memory_space<vmem_shared>>) dst(%dma_wait3A_50 : memref<128x128xf32, #tpu.memory_space<hbm>>)
      tpu.yield
    }) : () -> ()
    %add3A_41 = arith.constant 512 : i32
    %add3A_42 = arith.addi %mul3A_2, %add3A_41 : i32
    "tpu.region"() ({
      %run_scoped3A = tpu.sem_alloc : memref<!tpu.dma_semaphore, #tpu.memory_space<semaphore_mem>>
      %dma_start3A_43 = arith.constant 0 : i32
      %dma_start3A_44 = tpu.memref_slice %arg6[%arg0, %add3A_42, %dma_start3A_43] : memref<2x10240x128xf32, #tpu.memory_space<hbm>> -> memref<1x128x128xf32, #tpu.memory_space<hbm>>
      %dma_start3A_45 = tpu.memref_squeeze %dma_start3A_44 : memref<1x128x128xf32, #tpu.memory_space<hbm>> -> memref<128x128xf32, #tpu.memory_space<hbm>>
      %dma_start3A_46 = arith.constant 0 : i32
      %dma_start3A_47 = tpu.memref_slice %arg12[%add3A_42, %dma_start3A_46] : memref<10240x128xf32, #tpu.memory_space<vmem_shared>> -> memref<128x128xf32, #tpu.memory_space<vmem_shared>>
      tpu.enqueue_dma source(%dma_start3A_47 : memref<128x128xf32, #tpu.memory_space<vmem_shared>>) target(%dma_start3A_45 : memref<128x128xf32, #tpu.memory_space<hbm>>) target_semaphore(%run_scoped3A : memref<!tpu.dma_semaphore, #tpu.memory_space<semaphore_mem>>)
      %dma_wait3A_48 = arith.constant 0 : i32
      %dma_wait3A_49 = tpu.memref_slice %arg6[%arg0, %add3A_42, %dma_wait3A_48] : memref<2x10240x128xf32, #tpu.memory_space<hbm>> -> memref<1x128x128xf32, #tpu.memory_space<hbm>>
      %dma_wait3A_50 = tpu.memref_squeeze %dma_wait3A_49 : memref<1x128x128xf32, #tpu.memory_space<hbm>> -> memref<128x128xf32, #tpu.memory_space<hbm>>
      %dma_wait3A_51 = arith.constant 0 : i32
      %dma_wait3A_52 = tpu.memref_slice %arg12[%add3A_42, %dma_wait3A_51] : memref<10240x128xf32, #tpu.memory_space<vmem_shared>> -> memref<128x128xf32, #tpu.memory_space<vmem_shared>>
      tpu.wait_dma2 semaphore(%run_scoped3A : memref<!tpu.dma_semaphore, #tpu.memory_space<semaphore_mem>>) src(%dma_wait3A_52 : memref<128x128xf32, #tpu.memory_space<vmem_shared>>) dst(%dma_wait3A_50 : memref<128x128xf32, #tpu.memory_space<hbm>>)
      tpu.yield
    }) : () -> ()
    return
  }
}

#map = affine_map<(d0, d1) -> (0, 0)>
#map1 = affine_map<(d0, d1) -> (0)>
#map2 = affine_map<(d0, d1) -> (0, 0, 0)>
module attributes {stable_mosaic.version = 14 : i64} {
  func.func @agg(%arg0: i32, %arg1: i32, %arg2: memref<10000x128xf32, #tpu.memory_space<hbm>>, %arg3: memref<323584xi32, #tpu.memory_space<hbm>>, %arg4: memref<323584xi32, #tpu.memory_space<hbm>>, %arg5: memref<128x128xf32, #tpu.memory_space<hbm>>, %arg6: memref<2x10240x128xf32, #tpu.memory_space<hbm>>, %arg7: memref<128xi32, #tpu.memory_space<vmem>>, %arg8: memref<128xi32, #tpu.memory_space<vmem>>, %arg9: memref<128xi32, #tpu.memory_space<vmem>>, %arg10: memref<128x128xf32, #tpu.memory_space<vmem>>, %arg11: memref<128x128xf32, #tpu.memory_space<vmem>>, %arg12: memref<10240x128xf32, #tpu.memory_space<vmem_shared>>, %arg13: memref<!tpu.dma_semaphore, #tpu.memory_space<semaphore_mem>>, %arg14: memref<!tpu.dma_semaphore, #tpu.memory_space<semaphore_mem>>, %arg15: memref<!tpu.dma_semaphore, #tpu.memory_space<semaphore_mem>>) attributes {dimension_semantics = [#tpu.dimension_semantics<core_parallel>, #tpu.dimension_semantics<subcore_parallel>], iteration_bounds = array<i64: 2, 16>, scalar_prefetch = 0 : i64, scratch_operands = 9 : i64, tpu.core_type = #tpu.core_type<sc_vector_subcore>, window_params = [{transform_indices = #map}, {transform_indices = #map1}, {transform_indices = #map1}, {transform_indices = #map}, {transform_indices = #map2}]} {
    %mul3A = arith.constant 16 : i32
    %mul3A_0 = arith.muli %arg0, %mul3A : i32
    %add3A = arith.addi %mul3A_0, %arg1 : i32
    "tpu.region"() ({
      %run_scoped3A = tpu.sem_alloc : memref<!tpu.dma_semaphore, #tpu.memory_space<semaphore_mem>>
      tpu.enqueue_dma source(%arg5 : memref<128x128xf32, #tpu.memory_space<hbm>>) target(%arg10 : memref<128x128xf32, #tpu.memory_space<vmem>>) target_semaphore(%run_scoped3A : memref<!tpu.dma_semaphore, #tpu.memory_space<semaphore_mem>>)
      tpu.wait_dma2 semaphore(%run_scoped3A : memref<!tpu.dma_semaphore, #tpu.memory_space<semaphore_mem>>) src(%arg5 : memref<128x128xf32, #tpu.memory_space<hbm>>) dst(%arg10 : memref<128x128xf32, #tpu.memory_space<vmem>>)
      tpu.yield
    }) : () -> ()
    %mul3A_1 = arith.constant 640 : i32
    %mul3A_2 = arith.muli %arg1, %mul3A_1 : i32
    %add3A_3 = arith.constant 0 : i32
    %add3A_4 = arith.addi %mul3A_2, %add3A_3 : i32
    "tpu.region"() ({
      %run_scoped3A = tpu.sem_alloc : memref<!tpu.dma_semaphore, #tpu.memory_space<semaphore_mem>>
      %dma_start3A_43 = arith.constant 0 : i32
      %dma_start3A_44 = tpu.memref_slice %arg12[%add3A_4, %dma_start3A_43] : memref<10240x128xf32, #tpu.memory_space<vmem_shared>> -> memref<128x128xf32, #tpu.memory_space<vmem_shared>>
      %dma_start3A_45 = arith.constant 0 : i32
      %dma_start3A_46 = tpu.memref_slice %arg12[%add3A_4, %dma_start3A_45] : memref<10240x128xf32, #tpu.memory_space<vmem_shared>> -> memref<128x128xf32, #tpu.memory_space<vmem_shared>>
      tpu.enqueue_dma source(%arg10 : memref<128x128xf32, #tpu.memory_space<vmem>>) target(%dma_start3A_46 : memref<128x128xf32, #tpu.memory_space<vmem_shared>>) target_semaphore(%run_scoped3A : memref<!tpu.dma_semaphore, #tpu.memory_space<semaphore_mem>>)
      %dma_wait3A_47 = arith.constant 0 : i32
      %dma_wait3A_48 = tpu.memref_slice %arg12[%add3A_4, %dma_wait3A_47] : memref<10240x128xf32, #tpu.memory_space<vmem_shared>> -> memref<128x128xf32, #tpu.memory_space<vmem_shared>>
      %dma_wait3A_49 = arith.constant 0 : i32
      %dma_wait3A_50 = tpu.memref_slice %arg12[%add3A_4, %dma_wait3A_49] : memref<10240x128xf32, #tpu.memory_space<vmem_shared>> -> memref<128x128xf32, #tpu.memory_space<vmem_shared>>
      tpu.wait_dma2 semaphore(%run_scoped3A : memref<!tpu.dma_semaphore, #tpu.memory_space<semaphore_mem>>) src(%arg10 : memref<128x128xf32, #tpu.memory_space<vmem>>) dst(%dma_wait3A_50 : memref<128x128xf32, #tpu.memory_space<vmem_shared>>)
      tpu.yield
    }) : () -> ()
    %add3A_5 = arith.constant 128 : i32
    %add3A_6 = arith.addi %mul3A_2, %add3A_5 : i32
    "tpu.region"() ({
      %run_scoped3A = tpu.sem_alloc : memref<!tpu.dma_semaphore, #tpu.memory_space<semaphore_mem>>
      %dma_start3A_43 = arith.constant 0 : i32
      %dma_start3A_44 = tpu.memref_slice %arg12[%add3A_6, %dma_start3A_43] : memref<10240x128xf32, #tpu.memory_space<vmem_shared>> -> memref<128x128xf32, #tpu.memory_space<vmem_shared>>
      %dma_start3A_45 = arith.constant 0 : i32
      %dma_start3A_46 = tpu.memref_slice %arg12[%add3A_6, %dma_start3A_45] : memref<10240x128xf32, #tpu.memory_space<vmem_shared>> -> memref<128x128xf32, #tpu.memory_space<vmem_shared>>
      tpu.enqueue_dma source(%arg10 : memref<128x128xf32, #tpu.memory_space<vmem>>) target(%dma_start3A_46 : memref<128x128xf32, #tpu.memory_space<vmem_shared>>) target_semaphore(%run_scoped3A : memref<!tpu.dma_semaphore, #tpu.memory_space<semaphore_mem>>)
      %dma_wait3A_47 = arith.constant 0 : i32
      %dma_wait3A_48 = tpu.memref_slice %arg12[%add3A_6, %dma_wait3A_47] : memref<10240x128xf32, #tpu.memory_space<vmem_shared>> -> memref<128x128xf32, #tpu.memory_space<vmem_shared>>
      %dma_wait3A_49 = arith.constant 0 : i32
      %dma_wait3A_50 = tpu.memref_slice %arg12[%add3A_6, %dma_wait3A_49] : memref<10240x128xf32, #tpu.memory_space<vmem_shared>> -> memref<128x128xf32, #tpu.memory_space<vmem_shared>>
      tpu.wait_dma2 semaphore(%run_scoped3A : memref<!tpu.dma_semaphore, #tpu.memory_space<semaphore_mem>>) src(%arg10 : memref<128x128xf32, #tpu.memory_space<vmem>>) dst(%dma_wait3A_50 : memref<128x128xf32, #tpu.memory_space<vmem_shared>>)
      tpu.yield
    }) : () -> ()
    %add3A_7 = arith.constant 256 : i32
    %add3A_8 = arith.addi %mul3A_2, %add3A_7 : i32
    "tpu.region"() ({
      %run_scoped3A = tpu.sem_alloc : memref<!tpu.dma_semaphore, #tpu.memory_space<semaphore_mem>>
      %dma_start3A_43 = arith.constant 0 : i32
      %dma_start3A_44 = tpu.memref_slice %arg12[%add3A_8, %dma_start3A_43] : memref<10240x128xf32, #tpu.memory_space<vmem_shared>> -> memref<128x128xf32, #tpu.memory_space<vmem_shared>>
      %dma_start3A_45 = arith.constant 0 : i32
      %dma_start3A_46 = tpu.memref_slice %arg12[%add3A_8, %dma_start3A_45] : memref<10240x128xf32, #tpu.memory_space<vmem_shared>> -> memref<128x128xf32, #tpu.memory_space<vmem_shared>>
      tpu.enqueue_dma source(%arg10 : memref<128x128xf32, #tpu.memory_space<vmem>>) target(%dma_start3A_46 : memref<128x128xf32, #tpu.memory_space<vmem_shared>>) target_semaphore(%run_scoped3A : memref<!tpu.dma_semaphore, #tpu.memory_space<semaphore_mem>>)
      %dma_wait3A_47 = arith.constant 0 : i32
      %dma_wait3A_48 = tpu.memref_slice %arg12[%add3A_8, %dma_wait3A_47] : memref<10240x128xf32, #tpu.memory_space<vmem_shared>> -> memref<128x128xf32, #tpu.memory_space<vmem_shared>>
      %dma_wait3A_49 = arith.constant 0 : i32
      %dma_wait3A_50 = tpu.memref_slice %arg12[%add3A_8, %dma_wait3A_49] : memref<10240x128xf32, #tpu.memory_space<vmem_shared>> -> memref<128x128xf32, #tpu.memory_space<vmem_shared>>
      tpu.wait_dma2 semaphore(%run_scoped3A : memref<!tpu.dma_semaphore, #tpu.memory_space<semaphore_mem>>) src(%arg10 : memref<128x128xf32, #tpu.memory_space<vmem>>) dst(%dma_wait3A_50 : memref<128x128xf32, #tpu.memory_space<vmem_shared>>)
      tpu.yield
    }) : () -> ()
    %add3A_9 = arith.constant 384 : i32
    %add3A_10 = arith.addi %mul3A_2, %add3A_9 : i32
    "tpu.region"() ({
      %run_scoped3A = tpu.sem_alloc : memref<!tpu.dma_semaphore, #tpu.memory_space<semaphore_mem>>
      %dma_start3A_43 = arith.constant 0 : i32
      %dma_start3A_44 = tpu.memref_slice %arg12[%add3A_10, %dma_start3A_43] : memref<10240x128xf32, #tpu.memory_space<vmem_shared>> -> memref<128x128xf32, #tpu.memory_space<vmem_shared>>
      %dma_start3A_45 = arith.constant 0 : i32
      %dma_start3A_46 = tpu.memref_slice %arg12[%add3A_10, %dma_start3A_45] : memref<10240x128xf32, #tpu.memory_space<vmem_shared>> -> memref<128x128xf32, #tpu.memory_space<vmem_shared>>
      tpu.enqueue_dma source(%arg10 : memref<128x128xf32, #tpu.memory_space<vmem>>) target(%dma_start3A_46 : memref<128x128xf32, #tpu.memory_space<vmem_shared>>) target_semaphore(%run_scoped3A : memref<!tpu.dma_semaphore, #tpu.memory_space<semaphore_mem>>)
      %dma_wait3A_47 = arith.constant 0 : i32
      %dma_wait3A_48 = tpu.memref_slice %arg12[%add3A_10, %dma_wait3A_47] : memref<10240x128xf32, #tpu.memory_space<vmem_shared>> -> memref<128x128xf32, #tpu.memory_space<vmem_shared>>
      %dma_wait3A_49 = arith.constant 0 : i32
      %dma_wait3A_50 = tpu.memref_slice %arg12[%add3A_10, %dma_wait3A_49] : memref<10240x128xf32, #tpu.memory_space<vmem_shared>> -> memref<128x128xf32, #tpu.memory_space<vmem_shared>>
      tpu.wait_dma2 semaphore(%run_scoped3A : memref<!tpu.dma_semaphore, #tpu.memory_space<semaphore_mem>>) src(%arg10 : memref<128x128xf32, #tpu.memory_space<vmem>>) dst(%dma_wait3A_50 : memref<128x128xf32, #tpu.memory_space<vmem_shared>>)
      tpu.yield
    }) : () -> ()
    %add3A_11 = arith.constant 512 : i32
    %add3A_12 = arith.addi %mul3A_2, %add3A_11 : i32
    "tpu.region"() ({
      %run_scoped3A = tpu.sem_alloc : memref<!tpu.dma_semaphore, #tpu.memory_space<semaphore_mem>>
      %dma_start3A_43 = arith.constant 0 : i32
      %dma_start3A_44 = tpu.memref_slice %arg12[%add3A_12, %dma_start3A_43] : memref<10240x128xf32, #tpu.memory_space<vmem_shared>> -> memref<128x128xf32, #tpu.memory_space<vmem_shared>>
      %dma_start3A_45 = arith.constant 0 : i32
      %dma_start3A_46 = tpu.memref_slice %arg12[%add3A_12, %dma_start3A_45] : memref<10240x128xf32, #tpu.memory_space<vmem_shared>> -> memref<128x128xf32, #tpu.memory_space<vmem_shared>>
      tpu.enqueue_dma source(%arg10 : memref<128x128xf32, #tpu.memory_space<vmem>>) target(%dma_start3A_46 : memref<128x128xf32, #tpu.memory_space<vmem_shared>>) target_semaphore(%run_scoped3A : memref<!tpu.dma_semaphore, #tpu.memory_space<semaphore_mem>>)
      %dma_wait3A_47 = arith.constant 0 : i32
      %dma_wait3A_48 = tpu.memref_slice %arg12[%add3A_12, %dma_wait3A_47] : memref<10240x128xf32, #tpu.memory_space<vmem_shared>> -> memref<128x128xf32, #tpu.memory_space<vmem_shared>>
      %dma_wait3A_49 = arith.constant 0 : i32
      %dma_wait3A_50 = tpu.memref_slice %arg12[%add3A_12, %dma_wait3A_49] : memref<10240x128xf32, #tpu.memory_space<vmem_shared>> -> memref<128x128xf32, #tpu.memory_space<vmem_shared>>
      tpu.wait_dma2 semaphore(%run_scoped3A : memref<!tpu.dma_semaphore, #tpu.memory_space<semaphore_mem>>) src(%arg10 : memref<128x128xf32, #tpu.memory_space<vmem>>) dst(%dma_wait3A_50 : memref<128x128xf32, #tpu.memory_space<vmem_shared>>)
      tpu.yield
    }) : () -> ()
    %barrier3A = arith.constant 0 : index
    tpu.barrier barrier_id(%barrier3A)
    %mul3A_13 = arith.constant 10112 : i32
    %mul3A_14 = arith.muli %add3A, %mul3A_13 : i32
    %scan3A = arith.constant 0 : i32
    %scan3A_15 = arith.constant 0 : i32
    %scan3A_16 = arith.constant 39 : i32
    %scan3A_17 = arith.addi %scan3A_15, %scan3A_16 : i32
    %scan3A_18 = arith.constant 1 : i32
    scf.for %scan3A_43 = %scan3A_15 to %scan3A_17 step %scan3A_18  : i32 {
      %mul3A_44 = arith.constant 2 : i32
      %mul3A_45 = arith.muli %mul3A_44, %scan3A_43 : i32
      %mul3A_46 = arith.constant 128 : i32
      %mul3A_47 = arith.muli %mul3A_45, %mul3A_46 : i32
      %add3A_48 = arith.addi %mul3A_14, %mul3A_47 : i32
      %add3A_49 = arith.constant 128 : i32
      %add3A_50 = arith.addi %add3A_48, %add3A_49 : i32
      %gt3A = arith.constant 0 : i32
      %gt3A_51 = arith.cmpi sgt, %scan3A_43, %gt3A : i32
      %convert_element_type3A = arith.extui %gt3A_51 : i1 to i32
      %cond3A = arith.constant 0 : i32
      %cond3A_52 = arith.cmpi ne, %convert_element_type3A, %cond3A : i32
      scf.if %cond3A_52 {
        %dma_wait3A_76 = arith.constant 0 : i32
        %dma_wait3A_77 = arith.constant 0 : i32
        %dma_wait3A_78 = tpu.memref_slice %arg12[%dma_wait3A_76, %dma_wait3A_77] : memref<10240x128xf32, #tpu.memory_space<vmem_shared>> -> memref<10240x128xf32, #tpu.memory_space<vmem_shared>>
        tpu.wait_indirect_dma semaphore(%arg14 : memref<!tpu.dma_semaphore, #tpu.memory_space<semaphore_mem>>) src(%arg10 : memref<128x128xf32, #tpu.memory_space<vmem>>) dst(%dma_wait3A_78 : memref<10240x128xf32, #tpu.memory_space<vmem_shared>>)
      } else {
      }
      "tpu.region"() ({
        %run_scoped3A = tpu.sem_alloc : memref<!tpu.dma_semaphore, #tpu.memory_space<semaphore_mem>>
        %dma_start3A_76 = tpu.memref_slice %arg3[%add3A_48] : memref<323584xi32, #tpu.memory_space<hbm>> -> memref<128xi32, #tpu.memory_space<hbm>>
        %dma_start3A_77 = tpu.memref_slice %arg3[%add3A_48] : memref<323584xi32, #tpu.memory_space<hbm>> -> memref<128xi32, #tpu.memory_space<hbm>>
        tpu.enqueue_dma source(%dma_start3A_77 : memref<128xi32, #tpu.memory_space<hbm>>) target(%arg7 : memref<128xi32, #tpu.memory_space<vmem>>) target_semaphore(%run_scoped3A : memref<!tpu.dma_semaphore, #tpu.memory_space<semaphore_mem>>)
        %dma_wait3A_78 = tpu.memref_slice %arg3[%add3A_48] : memref<323584xi32, #tpu.memory_space<hbm>> -> memref<128xi32, #tpu.memory_space<hbm>>
        %dma_wait3A_79 = tpu.memref_slice %arg3[%add3A_48] : memref<323584xi32, #tpu.memory_space<hbm>> -> memref<128xi32, #tpu.memory_space<hbm>>
        tpu.wait_dma2 semaphore(%run_scoped3A : memref<!tpu.dma_semaphore, #tpu.memory_space<semaphore_mem>>) src(%dma_wait3A_79 : memref<128xi32, #tpu.memory_space<hbm>>) dst(%arg7 : memref<128xi32, #tpu.memory_space<vmem>>)
        tpu.yield
      }) : () -> ()
      "tpu.region"() ({
        %run_scoped3A = tpu.sem_alloc : memref<!tpu.dma_semaphore, #tpu.memory_space<semaphore_mem>>
        %dma_start3A_76 = tpu.memref_slice %arg4[%add3A_48] : memref<323584xi32, #tpu.memory_space<hbm>> -> memref<128xi32, #tpu.memory_space<hbm>>
        %dma_start3A_77 = tpu.memref_slice %arg4[%add3A_48] : memref<323584xi32, #tpu.memory_space<hbm>> -> memref<128xi32, #tpu.memory_space<hbm>>
        tpu.enqueue_dma source(%dma_start3A_77 : memref<128xi32, #tpu.memory_space<hbm>>) target(%arg8 : memref<128xi32, #tpu.memory_space<vmem>>) target_semaphore(%run_scoped3A : memref<!tpu.dma_semaphore, #tpu.memory_space<semaphore_mem>>)
        %dma_wait3A_78 = tpu.memref_slice %arg4[%add3A_48] : memref<323584xi32, #tpu.memory_space<hbm>> -> memref<128xi32, #tpu.memory_space<hbm>>
        %dma_wait3A_79 = tpu.memref_slice %arg4[%add3A_48] : memref<323584xi32, #tpu.memory_space<hbm>> -> memref<128xi32, #tpu.memory_space<hbm>>
        tpu.wait_dma2 semaphore(%run_scoped3A : memref<!tpu.dma_semaphore, #tpu.memory_space<semaphore_mem>>) src(%dma_wait3A_79 : memref<128xi32, #tpu.memory_space<hbm>>) dst(%arg8 : memref<128xi32, #tpu.memory_space<vmem>>)
        tpu.yield
      }) : () -> ()
      %dma_start3A_53 = arith.constant 0 : i32
      %dma_start3A_54 = arith.constant 0 : i32
      %dma_start3A_55 = tpu.memref_slice %arg2[%dma_start3A_53, %dma_start3A_54] : memref<10000x128xf32, #tpu.memory_space<hbm>> -> memref<10000x128xf32, #tpu.memory_space<hbm>>
      tpu.enqueue_indirect_dma source(%dma_start3A_55 : memref<10000x128xf32, #tpu.memory_space<hbm>>) target(%arg10 : memref<128x128xf32, #tpu.memory_space<vmem>>) offsets(%arg7 : memref<128xi32, #tpu.memory_space<vmem>>) semaphore(%arg13 : memref<!tpu.dma_semaphore, #tpu.memory_space<semaphore_mem>>)
      %dma_wait3A_56 = arith.constant 0 : i32
      %dma_wait3A_57 = arith.constant 0 : i32
      %dma_wait3A_58 = tpu.memref_slice %arg2[%dma_wait3A_56, %dma_wait3A_57] : memref<10000x128xf32, #tpu.memory_space<hbm>> -> memref<10000x128xf32, #tpu.memory_space<hbm>>
      tpu.wait_indirect_dma semaphore(%arg13 : memref<!tpu.dma_semaphore, #tpu.memory_space<semaphore_mem>>) src(%dma_wait3A_58 : memref<10000x128xf32, #tpu.memory_space<hbm>>) dst(%arg10 : memref<128x128xf32, #tpu.memory_space<vmem>>)
      %dma_start3A_59 = arith.constant 0 : i32
      %dma_start3A_60 = arith.constant 0 : i32
      %dma_start3A_61 = tpu.memref_slice %arg12[%dma_start3A_59, %dma_start3A_60] : memref<10240x128xf32, #tpu.memory_space<vmem_shared>> -> memref<10240x128xf32, #tpu.memory_space<vmem_shared>>
      tpu.enqueue_indirect_dma source(%arg10 : memref<128x128xf32, #tpu.memory_space<vmem>>) target(%dma_start3A_61 : memref<10240x128xf32, #tpu.memory_space<vmem_shared>>) offsets(%arg8 : memref<128xi32, #tpu.memory_space<vmem>>) semaphore(%arg14 : memref<!tpu.dma_semaphore, #tpu.memory_space<semaphore_mem>>) {add = true}
      %gt3A_62 = arith.constant 0 : i32
      %gt3A_63 = arith.cmpi sgt, %scan3A_43, %gt3A_62 : i32
      %convert_element_type3A_64 = arith.extui %gt3A_63 : i1 to i32
      %cond3A_65 = arith.constant 0 : i32
      %cond3A_66 = arith.cmpi ne, %convert_element_type3A_64, %cond3A_65 : i32
      scf.if %cond3A_66 {
        %dma_wait3A_76 = arith.constant 0 : i32
        %dma_wait3A_77 = arith.constant 0 : i32
        %dma_wait3A_78 = tpu.memref_slice %arg12[%dma_wait3A_76, %dma_wait3A_77] : memref<10240x128xf32, #tpu.memory_space<vmem_shared>> -> memref<10240x128xf32, #tpu.memory_space<vmem_shared>>
        tpu.wait_indirect_dma semaphore(%arg15 : memref<!tpu.dma_semaphore, #tpu.memory_space<semaphore_mem>>) src(%arg11 : memref<128x128xf32, #tpu.memory_space<vmem>>) dst(%dma_wait3A_78 : memref<10240x128xf32, #tpu.memory_space<vmem_shared>>)
      } else {
      }
      "tpu.region"() ({
        %run_scoped3A = tpu.sem_alloc : memref<!tpu.dma_semaphore, #tpu.memory_space<semaphore_mem>>
        %dma_start3A_76 = tpu.memref_slice %arg3[%add3A_50] : memref<323584xi32, #tpu.memory_space<hbm>> -> memref<128xi32, #tpu.memory_space<hbm>>
        %dma_start3A_77 = tpu.memref_slice %arg3[%add3A_50] : memref<323584xi32, #tpu.memory_space<hbm>> -> memref<128xi32, #tpu.memory_space<hbm>>
        tpu.enqueue_dma source(%dma_start3A_77 : memref<128xi32, #tpu.memory_space<hbm>>) target(%arg7 : memref<128xi32, #tpu.memory_space<vmem>>) target_semaphore(%run_scoped3A : memref<!tpu.dma_semaphore, #tpu.memory_space<semaphore_mem>>)
        %dma_wait3A_78 = tpu.memref_slice %arg3[%add3A_50] : memref<323584xi32, #tpu.memory_space<hbm>> -> memref<128xi32, #tpu.memory_space<hbm>>
        %dma_wait3A_79 = tpu.memref_slice %arg3[%add3A_50] : memref<323584xi32, #tpu.memory_space<hbm>> -> memref<128xi32, #tpu.memory_space<hbm>>
        tpu.wait_dma2 semaphore(%run_scoped3A : memref<!tpu.dma_semaphore, #tpu.memory_space<semaphore_mem>>) src(%dma_wait3A_79 : memref<128xi32, #tpu.memory_space<hbm>>) dst(%arg7 : memref<128xi32, #tpu.memory_space<vmem>>)
        tpu.yield
      }) : () -> ()
      "tpu.region"() ({
        %run_scoped3A = tpu.sem_alloc : memref<!tpu.dma_semaphore, #tpu.memory_space<semaphore_mem>>
        %dma_start3A_76 = tpu.memref_slice %arg4[%add3A_50] : memref<323584xi32, #tpu.memory_space<hbm>> -> memref<128xi32, #tpu.memory_space<hbm>>
        %dma_start3A_77 = tpu.memref_slice %arg4[%add3A_50] : memref<323584xi32, #tpu.memory_space<hbm>> -> memref<128xi32, #tpu.memory_space<hbm>>
        tpu.enqueue_dma source(%dma_start3A_77 : memref<128xi32, #tpu.memory_space<hbm>>) target(%arg9 : memref<128xi32, #tpu.memory_space<vmem>>) target_semaphore(%run_scoped3A : memref<!tpu.dma_semaphore, #tpu.memory_space<semaphore_mem>>)
        %dma_wait3A_78 = tpu.memref_slice %arg4[%add3A_50] : memref<323584xi32, #tpu.memory_space<hbm>> -> memref<128xi32, #tpu.memory_space<hbm>>
        %dma_wait3A_79 = tpu.memref_slice %arg4[%add3A_50] : memref<323584xi32, #tpu.memory_space<hbm>> -> memref<128xi32, #tpu.memory_space<hbm>>
        tpu.wait_dma2 semaphore(%run_scoped3A : memref<!tpu.dma_semaphore, #tpu.memory_space<semaphore_mem>>) src(%dma_wait3A_79 : memref<128xi32, #tpu.memory_space<hbm>>) dst(%arg9 : memref<128xi32, #tpu.memory_space<vmem>>)
        tpu.yield
      }) : () -> ()
      %dma_start3A_67 = arith.constant 0 : i32
      %dma_start3A_68 = arith.constant 0 : i32
      %dma_start3A_69 = tpu.memref_slice %arg2[%dma_start3A_67, %dma_start3A_68] : memref<10000x128xf32, #tpu.memory_space<hbm>> -> memref<10000x128xf32, #tpu.memory_space<hbm>>
      tpu.enqueue_indirect_dma source(%dma_start3A_69 : memref<10000x128xf32, #tpu.memory_space<hbm>>) target(%arg11 : memref<128x128xf32, #tpu.memory_space<vmem>>) offsets(%arg7 : memref<128xi32, #tpu.memory_space<vmem>>) semaphore(%arg13 : memref<!tpu.dma_semaphore, #tpu.memory_space<semaphore_mem>>)
      %dma_wait3A_70 = arith.constant 0 : i32
      %dma_wait3A_71 = arith.constant 0 : i32
      %dma_wait3A_72 = tpu.memref_slice %arg2[%dma_wait3A_70, %dma_wait3A_71] : memref<10000x128xf32, #tpu.memory_space<hbm>> -> memref<10000x128xf32, #tpu.memory_space<hbm>>
      tpu.wait_indirect_dma semaphore(%arg13 : memref<!tpu.dma_semaphore, #tpu.memory_space<semaphore_mem>>) src(%dma_wait3A_72 : memref<10000x128xf32, #tpu.memory_space<hbm>>) dst(%arg11 : memref<128x128xf32, #tpu.memory_space<vmem>>)
      %dma_start3A_73 = arith.constant 0 : i32
      %dma_start3A_74 = arith.constant 0 : i32
      %dma_start3A_75 = tpu.memref_slice %arg12[%dma_start3A_73, %dma_start3A_74] : memref<10240x128xf32, #tpu.memory_space<vmem_shared>> -> memref<10240x128xf32, #tpu.memory_space<vmem_shared>>
      tpu.enqueue_indirect_dma source(%arg11 : memref<128x128xf32, #tpu.memory_space<vmem>>) target(%dma_start3A_75 : memref<10240x128xf32, #tpu.memory_space<vmem_shared>>) offsets(%arg9 : memref<128xi32, #tpu.memory_space<vmem>>) semaphore(%arg15 : memref<!tpu.dma_semaphore, #tpu.memory_space<semaphore_mem>>) {add = true}
    }
    %scan3A_19 = arith.constant 39 : i32
    %dma_wait3A = arith.constant 0 : i32
    %dma_wait3A_20 = arith.constant 0 : i32
    %dma_wait3A_21 = tpu.memref_slice %arg12[%dma_wait3A, %dma_wait3A_20] : memref<10240x128xf32, #tpu.memory_space<vmem_shared>> -> memref<10240x128xf32, #tpu.memory_space<vmem_shared>>
    tpu.wait_indirect_dma semaphore(%arg14 : memref<!tpu.dma_semaphore, #tpu.memory_space<semaphore_mem>>) src(%arg10 : memref<128x128xf32, #tpu.memory_space<vmem>>) dst(%dma_wait3A_21 : memref<10240x128xf32, #tpu.memory_space<vmem_shared>>)
    %dma_wait3A_22 = arith.constant 0 : i32
    %dma_wait3A_23 = arith.constant 0 : i32
    %dma_wait3A_24 = tpu.memref_slice %arg12[%dma_wait3A_22, %dma_wait3A_23] : memref<10240x128xf32, #tpu.memory_space<vmem_shared>> -> memref<10240x128xf32, #tpu.memory_space<vmem_shared>>
    tpu.wait_indirect_dma semaphore(%arg15 : memref<!tpu.dma_semaphore, #tpu.memory_space<semaphore_mem>>) src(%arg11 : memref<128x128xf32, #tpu.memory_space<vmem>>) dst(%dma_wait3A_24 : memref<10240x128xf32, #tpu.memory_space<vmem_shared>>)
    %add3A_25 = arith.constant 9984 : i32
    %add3A_26 = arith.addi %mul3A_14, %add3A_25 : i32
    "tpu.region"() ({
      %run_scoped3A = tpu.sem_alloc : memref<!tpu.dma_semaphore, #tpu.memory_space<semaphore_mem>>
      %dma_start3A_43 = tpu.memref_slice %arg3[%add3A_26] : memref<323584xi32, #tpu.memory_space<hbm>> -> memref<128xi32, #tpu.memory_space<hbm>>
      %dma_start3A_44 = tpu.memref_slice %arg3[%add3A_26] : memref<323584xi32, #tpu.memory_space<hbm>> -> memref<128xi32, #tpu.memory_space<hbm>>
      tpu.enqueue_dma source(%dma_start3A_44 : memref<128xi32, #tpu.memory_space<hbm>>) target(%arg7 : memref<128xi32, #tpu.memory_space<vmem>>) target_semaphore(%run_scoped3A : memref<!tpu.dma_semaphore, #tpu.memory_space<semaphore_mem>>)
      %dma_wait3A_45 = tpu.memref_slice %arg3[%add3A_26] : memref<323584xi32, #tpu.memory_space<hbm>> -> memref<128xi32, #tpu.memory_space<hbm>>
      %dma_wait3A_46 = tpu.memref_slice %arg3[%add3A_26] : memref<323584xi32, #tpu.memory_space<hbm>> -> memref<128xi32, #tpu.memory_space<hbm>>
      tpu.wait_dma2 semaphore(%run_scoped3A : memref<!tpu.dma_semaphore, #tpu.memory_space<semaphore_mem>>) src(%dma_wait3A_46 : memref<128xi32, #tpu.memory_space<hbm>>) dst(%arg7 : memref<128xi32, #tpu.memory_space<vmem>>)
      tpu.yield
    }) : () -> ()
    "tpu.region"() ({
      %run_scoped3A = tpu.sem_alloc : memref<!tpu.dma_semaphore, #tpu.memory_space<semaphore_mem>>
      %dma_start3A_43 = tpu.memref_slice %arg4[%add3A_26] : memref<323584xi32, #tpu.memory_space<hbm>> -> memref<128xi32, #tpu.memory_space<hbm>>
      %dma_start3A_44 = tpu.memref_slice %arg4[%add3A_26] : memref<323584xi32, #tpu.memory_space<hbm>> -> memref<128xi32, #tpu.memory_space<hbm>>
      tpu.enqueue_dma source(%dma_start3A_44 : memref<128xi32, #tpu.memory_space<hbm>>) target(%arg8 : memref<128xi32, #tpu.memory_space<vmem>>) target_semaphore(%run_scoped3A : memref<!tpu.dma_semaphore, #tpu.memory_space<semaphore_mem>>)
      %dma_wait3A_45 = tpu.memref_slice %arg4[%add3A_26] : memref<323584xi32, #tpu.memory_space<hbm>> -> memref<128xi32, #tpu.memory_space<hbm>>
      %dma_wait3A_46 = tpu.memref_slice %arg4[%add3A_26] : memref<323584xi32, #tpu.memory_space<hbm>> -> memref<128xi32, #tpu.memory_space<hbm>>
      tpu.wait_dma2 semaphore(%run_scoped3A : memref<!tpu.dma_semaphore, #tpu.memory_space<semaphore_mem>>) src(%dma_wait3A_46 : memref<128xi32, #tpu.memory_space<hbm>>) dst(%arg8 : memref<128xi32, #tpu.memory_space<vmem>>)
      tpu.yield
    }) : () -> ()
    %dma_start3A = arith.constant 0 : i32
    %dma_start3A_27 = arith.constant 0 : i32
    %dma_start3A_28 = tpu.memref_slice %arg2[%dma_start3A, %dma_start3A_27] : memref<10000x128xf32, #tpu.memory_space<hbm>> -> memref<10000x128xf32, #tpu.memory_space<hbm>>
    tpu.enqueue_indirect_dma source(%dma_start3A_28 : memref<10000x128xf32, #tpu.memory_space<hbm>>) target(%arg10 : memref<128x128xf32, #tpu.memory_space<vmem>>) offsets(%arg7 : memref<128xi32, #tpu.memory_space<vmem>>) semaphore(%arg13 : memref<!tpu.dma_semaphore, #tpu.memory_space<semaphore_mem>>)
    %dma_wait3A_29 = arith.constant 0 : i32
    %dma_wait3A_30 = arith.constant 0 : i32
    %dma_wait3A_31 = tpu.memref_slice %arg2[%dma_wait3A_29, %dma_wait3A_30] : memref<10000x128xf32, #tpu.memory_space<hbm>> -> memref<10000x128xf32, #tpu.memory_space<hbm>>
    tpu.wait_indirect_dma semaphore(%arg13 : memref<!tpu.dma_semaphore, #tpu.memory_space<semaphore_mem>>) src(%dma_wait3A_31 : memref<10000x128xf32, #tpu.memory_space<hbm>>) dst(%arg10 : memref<128x128xf32, #tpu.memory_space<vmem>>)
    "tpu.region"() ({
      %run_scoped3A = tpu.sem_alloc : memref<!tpu.dma_semaphore, #tpu.memory_space<semaphore_mem>>
      %dma_start3A_43 = arith.constant 0 : i32
      %dma_start3A_44 = arith.constant 0 : i32
      %dma_start3A_45 = tpu.memref_slice %arg12[%dma_start3A_43, %dma_start3A_44] : memref<10240x128xf32, #tpu.memory_space<vmem_shared>> -> memref<10240x128xf32, #tpu.memory_space<vmem_shared>>
      tpu.enqueue_indirect_dma source(%arg10 : memref<128x128xf32, #tpu.memory_space<vmem>>) target(%dma_start3A_45 : memref<10240x128xf32, #tpu.memory_space<vmem_shared>>) offsets(%arg8 : memref<128xi32, #tpu.memory_space<vmem>>) semaphore(%run_scoped3A : memref<!tpu.dma_semaphore, #tpu.memory_space<semaphore_mem>>) {add = true}
      %dma_wait3A_46 = arith.constant 0 : i32
      %dma_wait3A_47 = arith.constant 0 : i32
      %dma_wait3A_48 = tpu.memref_slice %arg12[%dma_wait3A_46, %dma_wait3A_47] : memref<10240x128xf32, #tpu.memory_space<vmem_shared>> -> memref<10240x128xf32, #tpu.memory_space<vmem_shared>>
      tpu.wait_indirect_dma semaphore(%run_scoped3A : memref<!tpu.dma_semaphore, #tpu.memory_space<semaphore_mem>>) src(%arg10 : memref<128x128xf32, #tpu.memory_space<vmem>>) dst(%dma_wait3A_48 : memref<10240x128xf32, #tpu.memory_space<vmem_shared>>)
      tpu.yield
    }) : () -> ()
    %barrier3A_32 = arith.constant 0 : index
    tpu.barrier barrier_id(%barrier3A_32)
    %add3A_33 = arith.constant 0 : i32
    %add3A_34 = arith.addi %mul3A_2, %add3A_33 : i32
    "tpu.region"() ({
      %run_scoped3A = tpu.sem_alloc : memref<!tpu.dma_semaphore, #tpu.memory_space<semaphore_mem>>
      %dma_start3A_43 = arith.constant 0 : i32
      %dma_start3A_44 = tpu.memref_slice %arg6[%arg0, %add3A_34, %dma_start3A_43] : memref<2x10240x128xf32, #tpu.memory_space<hbm>> -> memref<1x128x128xf32, #tpu.memory_space<hbm>>
      %dma_start3A_45 = tpu.memref_squeeze %dma_start3A_44 : memref<1x128x128xf32, #tpu.memory_space<hbm>> -> memref<128x128xf32, #tpu.memory_space<hbm>>
      %dma_start3A_46 = arith.constant 0 : i32
      %dma_start3A_47 = tpu.memref_slice %arg12[%add3A_34, %dma_start3A_46] : memref<10240x128xf32, #tpu.memory_space<vmem_shared>> -> memref<128x128xf32, #tpu.memory_space<vmem_shared>>
      tpu.enqueue_dma source(%dma_start3A_47 : memref<128x128xf32, #tpu.memory_space<vmem_shared>>) target(%dma_start3A_45 : memref<128x128xf32, #tpu.memory_space<hbm>>) target_semaphore(%run_scoped3A : memref<!tpu.dma_semaphore, #tpu.memory_space<semaphore_mem>>)
      %dma_wait3A_48 = arith.constant 0 : i32
      %dma_wait3A_49 = tpu.memref_slice %arg6[%arg0, %add3A_34, %dma_wait3A_48] : memref<2x10240x128xf32, #tpu.memory_space<hbm>> -> memref<1x128x128xf32, #tpu.memory_space<hbm>>
      %dma_wait3A_50 = tpu.memref_squeeze %dma_wait3A_49 : memref<1x128x128xf32, #tpu.memory_space<hbm>> -> memref<128x128xf32, #tpu.memory_space<hbm>>
      %dma_wait3A_51 = arith.constant 0 : i32
      %dma_wait3A_52 = tpu.memref_slice %arg12[%add3A_34, %dma_wait3A_51] : memref<10240x128xf32, #tpu.memory_space<vmem_shared>> -> memref<128x128xf32, #tpu.memory_space<vmem_shared>>
      tpu.wait_dma2 semaphore(%run_scoped3A : memref<!tpu.dma_semaphore, #tpu.memory_space<semaphore_mem>>) src(%dma_wait3A_52 : memref<128x128xf32, #tpu.memory_space<vmem_shared>>) dst(%dma_wait3A_50 : memref<128x128xf32, #tpu.memory_space<hbm>>)
      tpu.yield
    }) : () -> ()
    %add3A_35 = arith.constant 128 : i32
    %add3A_36 = arith.addi %mul3A_2, %add3A_35 : i32
    "tpu.region"() ({
      %run_scoped3A = tpu.sem_alloc : memref<!tpu.dma_semaphore, #tpu.memory_space<semaphore_mem>>
      %dma_start3A_43 = arith.constant 0 : i32
      %dma_start3A_44 = tpu.memref_slice %arg6[%arg0, %add3A_36, %dma_start3A_43] : memref<2x10240x128xf32, #tpu.memory_space<hbm>> -> memref<1x128x128xf32, #tpu.memory_space<hbm>>
      %dma_start3A_45 = tpu.memref_squeeze %dma_start3A_44 : memref<1x128x128xf32, #tpu.memory_space<hbm>> -> memref<128x128xf32, #tpu.memory_space<hbm>>
      %dma_start3A_46 = arith.constant 0 : i32
      %dma_start3A_47 = tpu.memref_slice %arg12[%add3A_36, %dma_start3A_46] : memref<10240x128xf32, #tpu.memory_space<vmem_shared>> -> memref<128x128xf32, #tpu.memory_space<vmem_shared>>
      tpu.enqueue_dma source(%dma_start3A_47 : memref<128x128xf32, #tpu.memory_space<vmem_shared>>) target(%dma_start3A_45 : memref<128x128xf32, #tpu.memory_space<hbm>>) target_semaphore(%run_scoped3A : memref<!tpu.dma_semaphore, #tpu.memory_space<semaphore_mem>>)
      %dma_wait3A_48 = arith.constant 0 : i32
      %dma_wait3A_49 = tpu.memref_slice %arg6[%arg0, %add3A_36, %dma_wait3A_48] : memref<2x10240x128xf32, #tpu.memory_space<hbm>> -> memref<1x128x128xf32, #tpu.memory_space<hbm>>
      %dma_wait3A_50 = tpu.memref_squeeze %dma_wait3A_49 : memref<1x128x128xf32, #tpu.memory_space<hbm>> -> memref<128x128xf32, #tpu.memory_space<hbm>>
      %dma_wait3A_51 = arith.constant 0 : i32
      %dma_wait3A_52 = tpu.memref_slice %arg12[%add3A_36, %dma_wait3A_51] : memref<10240x128xf32, #tpu.memory_space<vmem_shared>> -> memref<128x128xf32, #tpu.memory_space<vmem_shared>>
      tpu.wait_dma2 semaphore(%run_scoped3A : memref<!tpu.dma_semaphore, #tpu.memory_space<semaphore_mem>>) src(%dma_wait3A_52 : memref<128x128xf32, #tpu.memory_space<vmem_shared>>) dst(%dma_wait3A_50 : memref<128x128xf32, #tpu.memory_space<hbm>>)
      tpu.yield
    }) : () -> ()
    %add3A_37 = arith.constant 256 : i32
    %add3A_38 = arith.addi %mul3A_2, %add3A_37 : i32
    "tpu.region"() ({
      %run_scoped3A = tpu.sem_alloc : memref<!tpu.dma_semaphore, #tpu.memory_space<semaphore_mem>>
      %dma_start3A_43 = arith.constant 0 : i32
      %dma_start3A_44 = tpu.memref_slice %arg6[%arg0, %add3A_38, %dma_start3A_43] : memref<2x10240x128xf32, #tpu.memory_space<hbm>> -> memref<1x128x128xf32, #tpu.memory_space<hbm>>
      %dma_start3A_45 = tpu.memref_squeeze %dma_start3A_44 : memref<1x128x128xf32, #tpu.memory_space<hbm>> -> memref<128x128xf32, #tpu.memory_space<hbm>>
      %dma_start3A_46 = arith.constant 0 : i32
      %dma_start3A_47 = tpu.memref_slice %arg12[%add3A_38, %dma_start3A_46] : memref<10240x128xf32, #tpu.memory_space<vmem_shared>> -> memref<128x128xf32, #tpu.memory_space<vmem_shared>>
      tpu.enqueue_dma source(%dma_start3A_47 : memref<128x128xf32, #tpu.memory_space<vmem_shared>>) target(%dma_start3A_45 : memref<128x128xf32, #tpu.memory_space<hbm>>) target_semaphore(%run_scoped3A : memref<!tpu.dma_semaphore, #tpu.memory_space<semaphore_mem>>)
      %dma_wait3A_48 = arith.constant 0 : i32
      %dma_wait3A_49 = tpu.memref_slice %arg6[%arg0, %add3A_38, %dma_wait3A_48] : memref<2x10240x128xf32, #tpu.memory_space<hbm>> -> memref<1x128x128xf32, #tpu.memory_space<hbm>>
      %dma_wait3A_50 = tpu.memref_squeeze %dma_wait3A_49 : memref<1x128x128xf32, #tpu.memory_space<hbm>> -> memref<128x128xf32, #tpu.memory_space<hbm>>
      %dma_wait3A_51 = arith.constant 0 : i32
      %dma_wait3A_52 = tpu.memref_slice %arg12[%add3A_38, %dma_wait3A_51] : memref<10240x128xf32, #tpu.memory_space<vmem_shared>> -> memref<128x128xf32, #tpu.memory_space<vmem_shared>>
      tpu.wait_dma2 semaphore(%run_scoped3A : memref<!tpu.dma_semaphore, #tpu.memory_space<semaphore_mem>>) src(%dma_wait3A_52 : memref<128x128xf32, #tpu.memory_space<vmem_shared>>) dst(%dma_wait3A_50 : memref<128x128xf32, #tpu.memory_space<hbm>>)
      tpu.yield
    }) : () -> ()
    %add3A_39 = arith.constant 384 : i32
    %add3A_40 = arith.addi %mul3A_2, %add3A_39 : i32
    "tpu.region"() ({
      %run_scoped3A = tpu.sem_alloc : memref<!tpu.dma_semaphore, #tpu.memory_space<semaphore_mem>>
      %dma_start3A_43 = arith.constant 0 : i32
      %dma_start3A_44 = tpu.memref_slice %arg6[%arg0, %add3A_40, %dma_start3A_43] : memref<2x10240x128xf32, #tpu.memory_space<hbm>> -> memref<1x128x128xf32, #tpu.memory_space<hbm>>
      %dma_start3A_45 = tpu.memref_squeeze %dma_start3A_44 : memref<1x128x128xf32, #tpu.memory_space<hbm>> -> memref<128x128xf32, #tpu.memory_space<hbm>>
      %dma_start3A_46 = arith.constant 0 : i32
      %dma_start3A_47 = tpu.memref_slice %arg12[%add3A_40, %dma_start3A_46] : memref<10240x128xf32, #tpu.memory_space<vmem_shared>> -> memref<128x128xf32, #tpu.memory_space<vmem_shared>>
      tpu.enqueue_dma source(%dma_start3A_47 : memref<128x128xf32, #tpu.memory_space<vmem_shared>>) target(%dma_start3A_45 : memref<128x128xf32, #tpu.memory_space<hbm>>) target_semaphore(%run_scoped3A : memref<!tpu.dma_semaphore, #tpu.memory_space<semaphore_mem>>)
      %dma_wait3A_48 = arith.constant 0 : i32
      %dma_wait3A_49 = tpu.memref_slice %arg6[%arg0, %add3A_40, %dma_wait3A_48] : memref<2x10240x128xf32, #tpu.memory_space<hbm>> -> memref<1x128x128xf32, #tpu.memory_space<hbm>>
      %dma_wait3A_50 = tpu.memref_squeeze %dma_wait3A_49 : memref<1x128x128xf32, #tpu.memory_space<hbm>> -> memref<128x128xf32, #tpu.memory_space<hbm>>
      %dma_wait3A_51 = arith.constant 0 : i32
      %dma_wait3A_52 = tpu.memref_slice %arg12[%add3A_40, %dma_wait3A_51] : memref<10240x128xf32, #tpu.memory_space<vmem_shared>> -> memref<128x128xf32, #tpu.memory_space<vmem_shared>>
      tpu.wait_dma2 semaphore(%run_scoped3A : memref<!tpu.dma_semaphore, #tpu.memory_space<semaphore_mem>>) src(%dma_wait3A_52 : memref<128x128xf32, #tpu.memory_space<vmem_shared>>) dst(%dma_wait3A_50 : memref<128x128xf32, #tpu.memory_space<hbm>>)
      tpu.yield
    }) : () -> ()
    %add3A_41 = arith.constant 512 : i32
    %add3A_42 = arith.addi %mul3A_2, %add3A_41 : i32
    "tpu.region"() ({
      %run_scoped3A = tpu.sem_alloc : memref<!tpu.dma_semaphore, #tpu.memory_space<semaphore_mem>>
      %dma_start3A_43 = arith.constant 0 : i32
      %dma_start3A_44 = tpu.memref_slice %arg6[%arg0, %add3A_42, %dma_start3A_43] : memref<2x10240x128xf32, #tpu.memory_space<hbm>> -> memref<1x128x128xf32, #tpu.memory_space<hbm>>
      %dma_start3A_45 = tpu.memref_squeeze %dma_start3A_44 : memref<1x128x128xf32, #tpu.memory_space<hbm>> -> memref<128x128xf32, #tpu.memory_space<hbm>>
      %dma_start3A_46 = arith.constant 0 : i32
      %dma_start3A_47 = tpu.memref_slice %arg12[%add3A_42, %dma_start3A_46] : memref<10240x128xf32, #tpu.memory_space<vmem_shared>> -> memref<128x128xf32, #tpu.memory_space<vmem_shared>>
      tpu.enqueue_dma source(%dma_start3A_47 : memref<128x128xf32, #tpu.memory_space<vmem_shared>>) target(%dma_start3A_45 : memref<128x128xf32, #tpu.memory_space<hbm>>) target_semaphore(%run_scoped3A : memref<!tpu.dma_semaphore, #tpu.memory_space<semaphore_mem>>)
      %dma_wait3A_48 = arith.constant 0 : i32
      %dma_wait3A_49 = tpu.memref_slice %arg6[%arg0, %add3A_42, %dma_wait3A_48] : memref<2x10240x128xf32, #tpu.memory_space<hbm>> -> memref<1x128x128xf32, #tpu.memory_space<hbm>>
      %dma_wait3A_50 = tpu.memref_squeeze %dma_wait3A_49 : memref<1x128x128xf32, #tpu.memory_space<hbm>> -> memref<128x128xf32, #tpu.memory_space<hbm>>
      %dma_wait3A_51 = arith.constant 0 : i32
      %dma_wait3A_52 = tpu.memref_slice %arg12[%add3A_42, %dma_wait3A_51] : memref<10240x128xf32, #tpu.memory_space<vmem_shared>> -> memref<128x128xf32, #tpu.memory_space<vmem_shared>>
      tpu.wait_dma2 semaphore(%run_scoped3A : memref<!tpu.dma_semaphore, #tpu.memory_space<semaphore_mem>>) src(%dma_wait3A_52 : memref<128x128xf32, #tpu.memory_space<vmem_shared>>) dst(%dma_wait3A_50 : memref<128x128xf32, #tpu.memory_space<hbm>>)
      tpu.yield
    }) : () -> ()
    return
  }
}

#map = affine_map<(d0, d1) -> (0)>
#map1 = affine_map<(d0, d1) -> (0, 0)>
#map2 = affine_map<(d0, d1) -> (0, 0, 0)>
module attributes {stable_mosaic.version = 14 : i64} {
  func.func @deg(%arg0: i32, %arg1: i32, %arg2: memref<323584xi32, #tpu.memory_space<hbm>>, %arg3: memref<128x128xf32, #tpu.memory_space<hbm>>, %arg4: memref<128x128xf32, #tpu.memory_space<hbm>>, %arg5: memref<2x10240x128xf32, #tpu.memory_space<hbm>>, %arg6: memref<128xi32, #tpu.memory_space<vmem>>, %arg7: memref<128xi32, #tpu.memory_space<vmem>>, %arg8: memref<128xi32, #tpu.memory_space<vmem>>, %arg9: memref<128xi32, #tpu.memory_space<vmem>>, %arg10: memref<128xi32, #tpu.memory_space<vmem>>, %arg11: memref<128xi32, #tpu.memory_space<vmem>>, %arg12: memref<128xi32, #tpu.memory_space<vmem>>, %arg13: memref<128xi32, #tpu.memory_space<vmem>>, %arg14: memref<128x128xf32, #tpu.memory_space<vmem>>, %arg15: memref<10240x128xf32, #tpu.memory_space<vmem_shared>>, %arg16: memref<!tpu.dma_semaphore, #tpu.memory_space<semaphore_mem>>) attributes {dimension_semantics = [#tpu.dimension_semantics<core_parallel>, #tpu.dimension_semantics<subcore_parallel>], iteration_bounds = array<i64: 2, 16>, scalar_prefetch = 0 : i64, scratch_operands = 11 : i64, tpu.core_type = #tpu.core_type<sc_vector_subcore>, window_params = [{transform_indices = #map}, {transform_indices = #map1}, {transform_indices = #map1}, {transform_indices = #map2}]} {
    %mul3A = arith.constant 16 : i32
    %mul3A_0 = arith.muli %arg0, %mul3A : i32
    %add3A = arith.addi %mul3A_0, %arg1 : i32
    "tpu.region"() ({
      %run_scoped3A = tpu.sem_alloc : memref<!tpu.dma_semaphore, #tpu.memory_space<semaphore_mem>>
      tpu.enqueue_dma source(%arg3 : memref<128x128xf32, #tpu.memory_space<hbm>>) target(%arg14 : memref<128x128xf32, #tpu.memory_space<vmem>>) target_semaphore(%run_scoped3A : memref<!tpu.dma_semaphore, #tpu.memory_space<semaphore_mem>>)
      tpu.wait_dma2 semaphore(%run_scoped3A : memref<!tpu.dma_semaphore, #tpu.memory_space<semaphore_mem>>) src(%arg3 : memref<128x128xf32, #tpu.memory_space<hbm>>) dst(%arg14 : memref<128x128xf32, #tpu.memory_space<vmem>>)
      tpu.yield
    }) : () -> ()
    %mul3A_1 = arith.constant 640 : i32
    %mul3A_2 = arith.muli %arg1, %mul3A_1 : i32
    %add3A_3 = arith.constant 0 : i32
    %add3A_4 = arith.addi %mul3A_2, %add3A_3 : i32
    "tpu.region"() ({
      %run_scoped3A = tpu.sem_alloc : memref<!tpu.dma_semaphore, #tpu.memory_space<semaphore_mem>>
      %dma_start3A = arith.constant 0 : i32
      %dma_start3A_45 = tpu.memref_slice %arg15[%add3A_4, %dma_start3A] : memref<10240x128xf32, #tpu.memory_space<vmem_shared>> -> memref<128x128xf32, #tpu.memory_space<vmem_shared>>
      %dma_start3A_46 = arith.constant 0 : i32
      %dma_start3A_47 = tpu.memref_slice %arg15[%add3A_4, %dma_start3A_46] : memref<10240x128xf32, #tpu.memory_space<vmem_shared>> -> memref<128x128xf32, #tpu.memory_space<vmem_shared>>
      tpu.enqueue_dma source(%arg14 : memref<128x128xf32, #tpu.memory_space<vmem>>) target(%dma_start3A_47 : memref<128x128xf32, #tpu.memory_space<vmem_shared>>) target_semaphore(%run_scoped3A : memref<!tpu.dma_semaphore, #tpu.memory_space<semaphore_mem>>)
      %dma_wait3A = arith.constant 0 : i32
      %dma_wait3A_48 = tpu.memref_slice %arg15[%add3A_4, %dma_wait3A] : memref<10240x128xf32, #tpu.memory_space<vmem_shared>> -> memref<128x128xf32, #tpu.memory_space<vmem_shared>>
      %dma_wait3A_49 = arith.constant 0 : i32
      %dma_wait3A_50 = tpu.memref_slice %arg15[%add3A_4, %dma_wait3A_49] : memref<10240x128xf32, #tpu.memory_space<vmem_shared>> -> memref<128x128xf32, #tpu.memory_space<vmem_shared>>
      tpu.wait_dma2 semaphore(%run_scoped3A : memref<!tpu.dma_semaphore, #tpu.memory_space<semaphore_mem>>) src(%arg14 : memref<128x128xf32, #tpu.memory_space<vmem>>) dst(%dma_wait3A_50 : memref<128x128xf32, #tpu.memory_space<vmem_shared>>)
      tpu.yield
    }) : () -> ()
    %add3A_5 = arith.constant 128 : i32
    %add3A_6 = arith.addi %mul3A_2, %add3A_5 : i32
    "tpu.region"() ({
      %run_scoped3A = tpu.sem_alloc : memref<!tpu.dma_semaphore, #tpu.memory_space<semaphore_mem>>
      %dma_start3A = arith.constant 0 : i32
      %dma_start3A_45 = tpu.memref_slice %arg15[%add3A_6, %dma_start3A] : memref<10240x128xf32, #tpu.memory_space<vmem_shared>> -> memref<128x128xf32, #tpu.memory_space<vmem_shared>>
      %dma_start3A_46 = arith.constant 0 : i32
      %dma_start3A_47 = tpu.memref_slice %arg15[%add3A_6, %dma_start3A_46] : memref<10240x128xf32, #tpu.memory_space<vmem_shared>> -> memref<128x128xf32, #tpu.memory_space<vmem_shared>>
      tpu.enqueue_dma source(%arg14 : memref<128x128xf32, #tpu.memory_space<vmem>>) target(%dma_start3A_47 : memref<128x128xf32, #tpu.memory_space<vmem_shared>>) target_semaphore(%run_scoped3A : memref<!tpu.dma_semaphore, #tpu.memory_space<semaphore_mem>>)
      %dma_wait3A = arith.constant 0 : i32
      %dma_wait3A_48 = tpu.memref_slice %arg15[%add3A_6, %dma_wait3A] : memref<10240x128xf32, #tpu.memory_space<vmem_shared>> -> memref<128x128xf32, #tpu.memory_space<vmem_shared>>
      %dma_wait3A_49 = arith.constant 0 : i32
      %dma_wait3A_50 = tpu.memref_slice %arg15[%add3A_6, %dma_wait3A_49] : memref<10240x128xf32, #tpu.memory_space<vmem_shared>> -> memref<128x128xf32, #tpu.memory_space<vmem_shared>>
      tpu.wait_dma2 semaphore(%run_scoped3A : memref<!tpu.dma_semaphore, #tpu.memory_space<semaphore_mem>>) src(%arg14 : memref<128x128xf32, #tpu.memory_space<vmem>>) dst(%dma_wait3A_50 : memref<128x128xf32, #tpu.memory_space<vmem_shared>>)
      tpu.yield
    }) : () -> ()
    %add3A_7 = arith.constant 256 : i32
    %add3A_8 = arith.addi %mul3A_2, %add3A_7 : i32
    "tpu.region"() ({
      %run_scoped3A = tpu.sem_alloc : memref<!tpu.dma_semaphore, #tpu.memory_space<semaphore_mem>>
      %dma_start3A = arith.constant 0 : i32
      %dma_start3A_45 = tpu.memref_slice %arg15[%add3A_8, %dma_start3A] : memref<10240x128xf32, #tpu.memory_space<vmem_shared>> -> memref<128x128xf32, #tpu.memory_space<vmem_shared>>
      %dma_start3A_46 = arith.constant 0 : i32
      %dma_start3A_47 = tpu.memref_slice %arg15[%add3A_8, %dma_start3A_46] : memref<10240x128xf32, #tpu.memory_space<vmem_shared>> -> memref<128x128xf32, #tpu.memory_space<vmem_shared>>
      tpu.enqueue_dma source(%arg14 : memref<128x128xf32, #tpu.memory_space<vmem>>) target(%dma_start3A_47 : memref<128x128xf32, #tpu.memory_space<vmem_shared>>) target_semaphore(%run_scoped3A : memref<!tpu.dma_semaphore, #tpu.memory_space<semaphore_mem>>)
      %dma_wait3A = arith.constant 0 : i32
      %dma_wait3A_48 = tpu.memref_slice %arg15[%add3A_8, %dma_wait3A] : memref<10240x128xf32, #tpu.memory_space<vmem_shared>> -> memref<128x128xf32, #tpu.memory_space<vmem_shared>>
      %dma_wait3A_49 = arith.constant 0 : i32
      %dma_wait3A_50 = tpu.memref_slice %arg15[%add3A_8, %dma_wait3A_49] : memref<10240x128xf32, #tpu.memory_space<vmem_shared>> -> memref<128x128xf32, #tpu.memory_space<vmem_shared>>
      tpu.wait_dma2 semaphore(%run_scoped3A : memref<!tpu.dma_semaphore, #tpu.memory_space<semaphore_mem>>) src(%arg14 : memref<128x128xf32, #tpu.memory_space<vmem>>) dst(%dma_wait3A_50 : memref<128x128xf32, #tpu.memory_space<vmem_shared>>)
      tpu.yield
    }) : () -> ()
    %add3A_9 = arith.constant 384 : i32
    %add3A_10 = arith.addi %mul3A_2, %add3A_9 : i32
    "tpu.region"() ({
      %run_scoped3A = tpu.sem_alloc : memref<!tpu.dma_semaphore, #tpu.memory_space<semaphore_mem>>
      %dma_start3A = arith.constant 0 : i32
      %dma_start3A_45 = tpu.memref_slice %arg15[%add3A_10, %dma_start3A] : memref<10240x128xf32, #tpu.memory_space<vmem_shared>> -> memref<128x128xf32, #tpu.memory_space<vmem_shared>>
      %dma_start3A_46 = arith.constant 0 : i32
      %dma_start3A_47 = tpu.memref_slice %arg15[%add3A_10, %dma_start3A_46] : memref<10240x128xf32, #tpu.memory_space<vmem_shared>> -> memref<128x128xf32, #tpu.memory_space<vmem_shared>>
      tpu.enqueue_dma source(%arg14 : memref<128x128xf32, #tpu.memory_space<vmem>>) target(%dma_start3A_47 : memref<128x128xf32, #tpu.memory_space<vmem_shared>>) target_semaphore(%run_scoped3A : memref<!tpu.dma_semaphore, #tpu.memory_space<semaphore_mem>>)
      %dma_wait3A = arith.constant 0 : i32
      %dma_wait3A_48 = tpu.memref_slice %arg15[%add3A_10, %dma_wait3A] : memref<10240x128xf32, #tpu.memory_space<vmem_shared>> -> memref<128x128xf32, #tpu.memory_space<vmem_shared>>
      %dma_wait3A_49 = arith.constant 0 : i32
      %dma_wait3A_50 = tpu.memref_slice %arg15[%add3A_10, %dma_wait3A_49] : memref<10240x128xf32, #tpu.memory_space<vmem_shared>> -> memref<128x128xf32, #tpu.memory_space<vmem_shared>>
      tpu.wait_dma2 semaphore(%run_scoped3A : memref<!tpu.dma_semaphore, #tpu.memory_space<semaphore_mem>>) src(%arg14 : memref<128x128xf32, #tpu.memory_space<vmem>>) dst(%dma_wait3A_50 : memref<128x128xf32, #tpu.memory_space<vmem_shared>>)
      tpu.yield
    }) : () -> ()
    %add3A_11 = arith.constant 512 : i32
    %add3A_12 = arith.addi %mul3A_2, %add3A_11 : i32
    "tpu.region"() ({
      %run_scoped3A = tpu.sem_alloc : memref<!tpu.dma_semaphore, #tpu.memory_space<semaphore_mem>>
      %dma_start3A = arith.constant 0 : i32
      %dma_start3A_45 = tpu.memref_slice %arg15[%add3A_12, %dma_start3A] : memref<10240x128xf32, #tpu.memory_space<vmem_shared>> -> memref<128x128xf32, #tpu.memory_space<vmem_shared>>
      %dma_start3A_46 = arith.constant 0 : i32
      %dma_start3A_47 = tpu.memref_slice %arg15[%add3A_12, %dma_start3A_46] : memref<10240x128xf32, #tpu.memory_space<vmem_shared>> -> memref<128x128xf32, #tpu.memory_space<vmem_shared>>
      tpu.enqueue_dma source(%arg14 : memref<128x128xf32, #tpu.memory_space<vmem>>) target(%dma_start3A_47 : memref<128x128xf32, #tpu.memory_space<vmem_shared>>) target_semaphore(%run_scoped3A : memref<!tpu.dma_semaphore, #tpu.memory_space<semaphore_mem>>)
      %dma_wait3A = arith.constant 0 : i32
      %dma_wait3A_48 = tpu.memref_slice %arg15[%add3A_12, %dma_wait3A] : memref<10240x128xf32, #tpu.memory_space<vmem_shared>> -> memref<128x128xf32, #tpu.memory_space<vmem_shared>>
      %dma_wait3A_49 = arith.constant 0 : i32
      %dma_wait3A_50 = tpu.memref_slice %arg15[%add3A_12, %dma_wait3A_49] : memref<10240x128xf32, #tpu.memory_space<vmem_shared>> -> memref<128x128xf32, #tpu.memory_space<vmem_shared>>
      tpu.wait_dma2 semaphore(%run_scoped3A : memref<!tpu.dma_semaphore, #tpu.memory_space<semaphore_mem>>) src(%arg14 : memref<128x128xf32, #tpu.memory_space<vmem>>) dst(%dma_wait3A_50 : memref<128x128xf32, #tpu.memory_space<vmem_shared>>)
      tpu.yield
    }) : () -> ()
    %barrier3A = arith.constant 0 : index
    tpu.barrier barrier_id(%barrier3A)
    "tpu.region"() ({
      %run_scoped3A = tpu.sem_alloc : memref<!tpu.dma_semaphore, #tpu.memory_space<semaphore_mem>>
      tpu.enqueue_dma source(%arg4 : memref<128x128xf32, #tpu.memory_space<hbm>>) target(%arg14 : memref<128x128xf32, #tpu.memory_space<vmem>>) target_semaphore(%run_scoped3A : memref<!tpu.dma_semaphore, #tpu.memory_space<semaphore_mem>>)
      tpu.wait_dma2 semaphore(%run_scoped3A : memref<!tpu.dma_semaphore, #tpu.memory_space<semaphore_mem>>) src(%arg4 : memref<128x128xf32, #tpu.memory_space<hbm>>) dst(%arg14 : memref<128x128xf32, #tpu.memory_space<vmem>>)
      tpu.yield
    }) : () -> ()
    %mul3A_13 = arith.constant 10112 : i32
    %mul3A_14 = arith.muli %add3A, %mul3A_13 : i32
    %scan3A = arith.constant 0 : i32
    %scan3A_15 = arith.constant 0 : i32
    %scan3A_16 = arith.constant 9 : i32
    %scan3A_17 = arith.addi %scan3A_15, %scan3A_16 : i32
    %scan3A_18 = arith.constant 1 : i32
    scf.for %scan3A_45 = %scan3A_15 to %scan3A_17 step %scan3A_18  : i32 {
      %mul3A_46 = arith.constant 8 : i32
      %mul3A_47 = arith.muli %scan3A_45, %mul3A_46 : i32
      %add3A_48 = arith.constant 0 : i32
      %add3A_49 = arith.addi %mul3A_47, %add3A_48 : i32
      %mul3A_50 = arith.constant 128 : i32
      %mul3A_51 = arith.muli %add3A_49, %mul3A_50 : i32
      %add3A_52 = arith.addi %mul3A_14, %mul3A_51 : i32
      "tpu.region"() ({
        %run_scoped3A = tpu.sem_alloc : memref<!tpu.dma_semaphore, #tpu.memory_space<semaphore_mem>>
        %dma_start3A_148 = tpu.memref_slice %arg2[%add3A_52] : memref<323584xi32, #tpu.memory_space<hbm>> -> memref<128xi32, #tpu.memory_space<hbm>>
        %dma_start3A_149 = tpu.memref_slice %arg2[%add3A_52] : memref<323584xi32, #tpu.memory_space<hbm>> -> memref<128xi32, #tpu.memory_space<hbm>>
        tpu.enqueue_dma source(%dma_start3A_149 : memref<128xi32, #tpu.memory_space<hbm>>) target(%arg6 : memref<128xi32, #tpu.memory_space<vmem>>) target_semaphore(%run_scoped3A : memref<!tpu.dma_semaphore, #tpu.memory_space<semaphore_mem>>)
        %dma_wait3A_150 = tpu.memref_slice %arg2[%add3A_52] : memref<323584xi32, #tpu.memory_space<hbm>> -> memref<128xi32, #tpu.memory_space<hbm>>
        %dma_wait3A_151 = tpu.memref_slice %arg2[%add3A_52] : memref<323584xi32, #tpu.memory_space<hbm>> -> memref<128xi32, #tpu.memory_space<hbm>>
        tpu.wait_dma2 semaphore(%run_scoped3A : memref<!tpu.dma_semaphore, #tpu.memory_space<semaphore_mem>>) src(%dma_wait3A_151 : memref<128xi32, #tpu.memory_space<hbm>>) dst(%arg6 : memref<128xi32, #tpu.memory_space<vmem>>)
        tpu.yield
      }) : () -> ()
      %dma_start3A = arith.constant 0 : i32
      %dma_start3A_53 = arith.constant 0 : i32
      %dma_start3A_54 = tpu.memref_slice %arg15[%dma_start3A, %dma_start3A_53] : memref<10240x128xf32, #tpu.memory_space<vmem_shared>> -> memref<10240x128xf32, #tpu.memory_space<vmem_shared>>
      tpu.enqueue_indirect_dma source(%arg14 : memref<128x128xf32, #tpu.memory_space<vmem>>) target(%dma_start3A_54 : memref<10240x128xf32, #tpu.memory_space<vmem_shared>>) offsets(%arg6 : memref<128xi32, #tpu.memory_space<vmem>>) semaphore(%arg16 : memref<!tpu.dma_semaphore, #tpu.memory_space<semaphore_mem>>) {add = true}
      %mul3A_55 = arith.constant 8 : i32
      %mul3A_56 = arith.muli %scan3A_45, %mul3A_55 : i32
      %add3A_57 = arith.constant 1 : i32
      %add3A_58 = arith.addi %mul3A_56, %add3A_57 : i32
      %mul3A_59 = arith.constant 128 : i32
      %mul3A_60 = arith.muli %add3A_58, %mul3A_59 : i32
      %add3A_61 = arith.addi %mul3A_14, %mul3A_60 : i32
      "tpu.region"() ({
        %run_scoped3A = tpu.sem_alloc : memref<!tpu.dma_semaphore, #tpu.memory_space<semaphore_mem>>
        %dma_start3A_148 = tpu.memref_slice %arg2[%add3A_61] : memref<323584xi32, #tpu.memory_space<hbm>> -> memref<128xi32, #tpu.memory_space<hbm>>
        %dma_start3A_149 = tpu.memref_slice %arg2[%add3A_61] : memref<323584xi32, #tpu.memory_space<hbm>> -> memref<128xi32, #tpu.memory_space<hbm>>
        tpu.enqueue_dma source(%dma_start3A_149 : memref<128xi32, #tpu.memory_space<hbm>>) target(%arg7 : memref<128xi32, #tpu.memory_space<vmem>>) target_semaphore(%run_scoped3A : memref<!tpu.dma_semaphore, #tpu.memory_space<semaphore_mem>>)
        %dma_wait3A_150 = tpu.memref_slice %arg2[%add3A_61] : memref<323584xi32, #tpu.memory_space<hbm>> -> memref<128xi32, #tpu.memory_space<hbm>>
        %dma_wait3A_151 = tpu.memref_slice %arg2[%add3A_61] : memref<323584xi32, #tpu.memory_space<hbm>> -> memref<128xi32, #tpu.memory_space<hbm>>
        tpu.wait_dma2 semaphore(%run_scoped3A : memref<!tpu.dma_semaphore, #tpu.memory_space<semaphore_mem>>) src(%dma_wait3A_151 : memref<128xi32, #tpu.memory_space<hbm>>) dst(%arg7 : memref<128xi32, #tpu.memory_space<vmem>>)
        tpu.yield
      }) : () -> ()
      %dma_start3A_62 = arith.constant 0 : i32
      %dma_start3A_63 = arith.constant 0 : i32
      %dma_start3A_64 = tpu.memref_slice %arg15[%dma_start3A_62, %dma_start3A_63] : memref<10240x128xf32, #tpu.memory_space<vmem_shared>> -> memref<10240x128xf32, #tpu.memory_space<vmem_shared>>
      tpu.enqueue_indirect_dma source(%arg14 : memref<128x128xf32, #tpu.memory_space<vmem>>) target(%dma_start3A_64 : memref<10240x128xf32, #tpu.memory_space<vmem_shared>>) offsets(%arg7 : memref<128xi32, #tpu.memory_space<vmem>>) semaphore(%arg16 : memref<!tpu.dma_semaphore, #tpu.memory_space<semaphore_mem>>) {add = true}
      %mul3A_65 = arith.constant 8 : i32
      %mul3A_66 = arith.muli %scan3A_45, %mul3A_65 : i32
      %add3A_67 = arith.constant 2 : i32
      %add3A_68 = arith.addi %mul3A_66, %add3A_67 : i32
      %mul3A_69 = arith.constant 128 : i32
      %mul3A_70 = arith.muli %add3A_68, %mul3A_69 : i32
      %add3A_71 = arith.addi %mul3A_14, %mul3A_70 : i32
      "tpu.region"() ({
        %run_scoped3A = tpu.sem_alloc : memref<!tpu.dma_semaphore, #tpu.memory_space<semaphore_mem>>
        %dma_start3A_148 = tpu.memref_slice %arg2[%add3A_71] : memref<323584xi32, #tpu.memory_space<hbm>> -> memref<128xi32, #tpu.memory_space<hbm>>
        %dma_start3A_149 = tpu.memref_slice %arg2[%add3A_71] : memref<323584xi32, #tpu.memory_space<hbm>> -> memref<128xi32, #tpu.memory_space<hbm>>
        tpu.enqueue_dma source(%dma_start3A_149 : memref<128xi32, #tpu.memory_space<hbm>>) target(%arg8 : memref<128xi32, #tpu.memory_space<vmem>>) target_semaphore(%run_scoped3A : memref<!tpu.dma_semaphore, #tpu.memory_space<semaphore_mem>>)
        %dma_wait3A_150 = tpu.memref_slice %arg2[%add3A_71] : memref<323584xi32, #tpu.memory_space<hbm>> -> memref<128xi32, #tpu.memory_space<hbm>>
        %dma_wait3A_151 = tpu.memref_slice %arg2[%add3A_71] : memref<323584xi32, #tpu.memory_space<hbm>> -> memref<128xi32, #tpu.memory_space<hbm>>
        tpu.wait_dma2 semaphore(%run_scoped3A : memref<!tpu.dma_semaphore, #tpu.memory_space<semaphore_mem>>) src(%dma_wait3A_151 : memref<128xi32, #tpu.memory_space<hbm>>) dst(%arg8 : memref<128xi32, #tpu.memory_space<vmem>>)
        tpu.yield
      }) : () -> ()
      %dma_start3A_72 = arith.constant 0 : i32
      %dma_start3A_73 = arith.constant 0 : i32
      %dma_start3A_74 = tpu.memref_slice %arg15[%dma_start3A_72, %dma_start3A_73] : memref<10240x128xf32, #tpu.memory_space<vmem_shared>> -> memref<10240x128xf32, #tpu.memory_space<vmem_shared>>
      tpu.enqueue_indirect_dma source(%arg14 : memref<128x128xf32, #tpu.memory_space<vmem>>) target(%dma_start3A_74 : memref<10240x128xf32, #tpu.memory_space<vmem_shared>>) offsets(%arg8 : memref<128xi32, #tpu.memory_space<vmem>>) semaphore(%arg16 : memref<!tpu.dma_semaphore, #tpu.memory_space<semaphore_mem>>) {add = true}
      %mul3A_75 = arith.constant 8 : i32
      %mul3A_76 = arith.muli %scan3A_45, %mul3A_75 : i32
      %add3A_77 = arith.constant 3 : i32
      %add3A_78 = arith.addi %mul3A_76, %add3A_77 : i32
      %mul3A_79 = arith.constant 128 : i32
      %mul3A_80 = arith.muli %add3A_78, %mul3A_79 : i32
      %add3A_81 = arith.addi %mul3A_14, %mul3A_80 : i32
      "tpu.region"() ({
        %run_scoped3A = tpu.sem_alloc : memref<!tpu.dma_semaphore, #tpu.memory_space<semaphore_mem>>
        %dma_start3A_148 = tpu.memref_slice %arg2[%add3A_81] : memref<323584xi32, #tpu.memory_space<hbm>> -> memref<128xi32, #tpu.memory_space<hbm>>
        %dma_start3A_149 = tpu.memref_slice %arg2[%add3A_81] : memref<323584xi32, #tpu.memory_space<hbm>> -> memref<128xi32, #tpu.memory_space<hbm>>
        tpu.enqueue_dma source(%dma_start3A_149 : memref<128xi32, #tpu.memory_space<hbm>>) target(%arg9 : memref<128xi32, #tpu.memory_space<vmem>>) target_semaphore(%run_scoped3A : memref<!tpu.dma_semaphore, #tpu.memory_space<semaphore_mem>>)
        %dma_wait3A_150 = tpu.memref_slice %arg2[%add3A_81] : memref<323584xi32, #tpu.memory_space<hbm>> -> memref<128xi32, #tpu.memory_space<hbm>>
        %dma_wait3A_151 = tpu.memref_slice %arg2[%add3A_81] : memref<323584xi32, #tpu.memory_space<hbm>> -> memref<128xi32, #tpu.memory_space<hbm>>
        tpu.wait_dma2 semaphore(%run_scoped3A : memref<!tpu.dma_semaphore, #tpu.memory_space<semaphore_mem>>) src(%dma_wait3A_151 : memref<128xi32, #tpu.memory_space<hbm>>) dst(%arg9 : memref<128xi32, #tpu.memory_space<vmem>>)
        tpu.yield
      }) : () -> ()
      %dma_start3A_82 = arith.constant 0 : i32
      %dma_start3A_83 = arith.constant 0 : i32
      %dma_start3A_84 = tpu.memref_slice %arg15[%dma_start3A_82, %dma_start3A_83] : memref<10240x128xf32, #tpu.memory_space<vmem_shared>> -> memref<10240x128xf32, #tpu.memory_space<vmem_shared>>
      tpu.enqueue_indirect_dma source(%arg14 : memref<128x128xf32, #tpu.memory_space<vmem>>) target(%dma_start3A_84 : memref<10240x128xf32, #tpu.memory_space<vmem_shared>>) offsets(%arg9 : memref<128xi32, #tpu.memory_space<vmem>>) semaphore(%arg16 : memref<!tpu.dma_semaphore, #tpu.memory_space<semaphore_mem>>) {add = true}
      %mul3A_85 = arith.constant 8 : i32
      %mul3A_86 = arith.muli %scan3A_45, %mul3A_85 : i32
      %add3A_87 = arith.constant 4 : i32
      %add3A_88 = arith.addi %mul3A_86, %add3A_87 : i32
      %mul3A_89 = arith.constant 128 : i32
      %mul3A_90 = arith.muli %add3A_88, %mul3A_89 : i32
      %add3A_91 = arith.addi %mul3A_14, %mul3A_90 : i32
      "tpu.region"() ({
        %run_scoped3A = tpu.sem_alloc : memref<!tpu.dma_semaphore, #tpu.memory_space<semaphore_mem>>
        %dma_start3A_148 = tpu.memref_slice %arg2[%add3A_91] : memref<323584xi32, #tpu.memory_space<hbm>> -> memref<128xi32, #tpu.memory_space<hbm>>
        %dma_start3A_149 = tpu.memref_slice %arg2[%add3A_91] : memref<323584xi32, #tpu.memory_space<hbm>> -> memref<128xi32, #tpu.memory_space<hbm>>
        tpu.enqueue_dma source(%dma_start3A_149 : memref<128xi32, #tpu.memory_space<hbm>>) target(%arg10 : memref<128xi32, #tpu.memory_space<vmem>>) target_semaphore(%run_scoped3A : memref<!tpu.dma_semaphore, #tpu.memory_space<semaphore_mem>>)
        %dma_wait3A_150 = tpu.memref_slice %arg2[%add3A_91] : memref<323584xi32, #tpu.memory_space<hbm>> -> memref<128xi32, #tpu.memory_space<hbm>>
        %dma_wait3A_151 = tpu.memref_slice %arg2[%add3A_91] : memref<323584xi32, #tpu.memory_space<hbm>> -> memref<128xi32, #tpu.memory_space<hbm>>
        tpu.wait_dma2 semaphore(%run_scoped3A : memref<!tpu.dma_semaphore, #tpu.memory_space<semaphore_mem>>) src(%dma_wait3A_151 : memref<128xi32, #tpu.memory_space<hbm>>) dst(%arg10 : memref<128xi32, #tpu.memory_space<vmem>>)
        tpu.yield
      }) : () -> ()
      %dma_start3A_92 = arith.constant 0 : i32
      %dma_start3A_93 = arith.constant 0 : i32
      %dma_start3A_94 = tpu.memref_slice %arg15[%dma_start3A_92, %dma_start3A_93] : memref<10240x128xf32, #tpu.memory_space<vmem_shared>> -> memref<10240x128xf32, #tpu.memory_space<vmem_shared>>
      tpu.enqueue_indirect_dma source(%arg14 : memref<128x128xf32, #tpu.memory_space<vmem>>) target(%dma_start3A_94 : memref<10240x128xf32, #tpu.memory_space<vmem_shared>>) offsets(%arg10 : memref<128xi32, #tpu.memory_space<vmem>>) semaphore(%arg16 : memref<!tpu.dma_semaphore, #tpu.memory_space<semaphore_mem>>) {add = true}
      %mul3A_95 = arith.constant 8 : i32
      %mul3A_96 = arith.muli %scan3A_45, %mul3A_95 : i32
      %add3A_97 = arith.constant 5 : i32
      %add3A_98 = arith.addi %mul3A_96, %add3A_97 : i32
      %mul3A_99 = arith.constant 128 : i32
      %mul3A_100 = arith.muli %add3A_98, %mul3A_99 : i32
      %add3A_101 = arith.addi %mul3A_14, %mul3A_100 : i32
      "tpu.region"() ({
        %run_scoped3A = tpu.sem_alloc : memref<!tpu.dma_semaphore, #tpu.memory_space<semaphore_mem>>
        %dma_start3A_148 = tpu.memref_slice %arg2[%add3A_101] : memref<323584xi32, #tpu.memory_space<hbm>> -> memref<128xi32, #tpu.memory_space<hbm>>
        %dma_start3A_149 = tpu.memref_slice %arg2[%add3A_101] : memref<323584xi32, #tpu.memory_space<hbm>> -> memref<128xi32, #tpu.memory_space<hbm>>
        tpu.enqueue_dma source(%dma_start3A_149 : memref<128xi32, #tpu.memory_space<hbm>>) target(%arg11 : memref<128xi32, #tpu.memory_space<vmem>>) target_semaphore(%run_scoped3A : memref<!tpu.dma_semaphore, #tpu.memory_space<semaphore_mem>>)
        %dma_wait3A_150 = tpu.memref_slice %arg2[%add3A_101] : memref<323584xi32, #tpu.memory_space<hbm>> -> memref<128xi32, #tpu.memory_space<hbm>>
        %dma_wait3A_151 = tpu.memref_slice %arg2[%add3A_101] : memref<323584xi32, #tpu.memory_space<hbm>> -> memref<128xi32, #tpu.memory_space<hbm>>
        tpu.wait_dma2 semaphore(%run_scoped3A : memref<!tpu.dma_semaphore, #tpu.memory_space<semaphore_mem>>) src(%dma_wait3A_151 : memref<128xi32, #tpu.memory_space<hbm>>) dst(%arg11 : memref<128xi32, #tpu.memory_space<vmem>>)
        tpu.yield
      }) : () -> ()
      %dma_start3A_102 = arith.constant 0 : i32
      %dma_start3A_103 = arith.constant 0 : i32
      %dma_start3A_104 = tpu.memref_slice %arg15[%dma_start3A_102, %dma_start3A_103] : memref<10240x128xf32, #tpu.memory_space<vmem_shared>> -> memref<10240x128xf32, #tpu.memory_space<vmem_shared>>
      tpu.enqueue_indirect_dma source(%arg14 : memref<128x128xf32, #tpu.memory_space<vmem>>) target(%dma_start3A_104 : memref<10240x128xf32, #tpu.memory_space<vmem_shared>>) offsets(%arg11 : memref<128xi32, #tpu.memory_space<vmem>>) semaphore(%arg16 : memref<!tpu.dma_semaphore, #tpu.memory_space<semaphore_mem>>) {add = true}
      %mul3A_105 = arith.constant 8 : i32
      %mul3A_106 = arith.muli %scan3A_45, %mul3A_105 : i32
      %add3A_107 = arith.constant 6 : i32
      %add3A_108 = arith.addi %mul3A_106, %add3A_107 : i32
      %mul3A_109 = arith.constant 128 : i32
      %mul3A_110 = arith.muli %add3A_108, %mul3A_109 : i32
      %add3A_111 = arith.addi %mul3A_14, %mul3A_110 : i32
      "tpu.region"() ({
        %run_scoped3A = tpu.sem_alloc : memref<!tpu.dma_semaphore, #tpu.memory_space<semaphore_mem>>
        %dma_start3A_148 = tpu.memref_slice %arg2[%add3A_111] : memref<323584xi32, #tpu.memory_space<hbm>> -> memref<128xi32, #tpu.memory_space<hbm>>
        %dma_start3A_149 = tpu.memref_slice %arg2[%add3A_111] : memref<323584xi32, #tpu.memory_space<hbm>> -> memref<128xi32, #tpu.memory_space<hbm>>
        tpu.enqueue_dma source(%dma_start3A_149 : memref<128xi32, #tpu.memory_space<hbm>>) target(%arg12 : memref<128xi32, #tpu.memory_space<vmem>>) target_semaphore(%run_scoped3A : memref<!tpu.dma_semaphore, #tpu.memory_space<semaphore_mem>>)
        %dma_wait3A_150 = tpu.memref_slice %arg2[%add3A_111] : memref<323584xi32, #tpu.memory_space<hbm>> -> memref<128xi32, #tpu.memory_space<hbm>>
        %dma_wait3A_151 = tpu.memref_slice %arg2[%add3A_111] : memref<323584xi32, #tpu.memory_space<hbm>> -> memref<128xi32, #tpu.memory_space<hbm>>
        tpu.wait_dma2 semaphore(%run_scoped3A : memref<!tpu.dma_semaphore, #tpu.memory_space<semaphore_mem>>) src(%dma_wait3A_151 : memref<128xi32, #tpu.memory_space<hbm>>) dst(%arg12 : memref<128xi32, #tpu.memory_space<vmem>>)
        tpu.yield
      }) : () -> ()
      %dma_start3A_112 = arith.constant 0 : i32
      %dma_start3A_113 = arith.constant 0 : i32
      %dma_start3A_114 = tpu.memref_slice %arg15[%dma_start3A_112, %dma_start3A_113] : memref<10240x128xf32, #tpu.memory_space<vmem_shared>> -> memref<10240x128xf32, #tpu.memory_space<vmem_shared>>
      tpu.enqueue_indirect_dma source(%arg14 : memref<128x128xf32, #tpu.memory_space<vmem>>) target(%dma_start3A_114 : memref<10240x128xf32, #tpu.memory_space<vmem_shared>>) offsets(%arg12 : memref<128xi32, #tpu.memory_space<vmem>>) semaphore(%arg16 : memref<!tpu.dma_semaphore, #tpu.memory_space<semaphore_mem>>) {add = true}
      %mul3A_115 = arith.constant 8 : i32
      %mul3A_116 = arith.muli %scan3A_45, %mul3A_115 : i32
      %add3A_117 = arith.constant 7 : i32
      %add3A_118 = arith.addi %mul3A_116, %add3A_117 : i32
      %mul3A_119 = arith.constant 128 : i32
      %mul3A_120 = arith.muli %add3A_118, %mul3A_119 : i32
      %add3A_121 = arith.addi %mul3A_14, %mul3A_120 : i32
      "tpu.region"() ({
        %run_scoped3A = tpu.sem_alloc : memref<!tpu.dma_semaphore, #tpu.memory_space<semaphore_mem>>
        %dma_start3A_148 = tpu.memref_slice %arg2[%add3A_121] : memref<323584xi32, #tpu.memory_space<hbm>> -> memref<128xi32, #tpu.memory_space<hbm>>
        %dma_start3A_149 = tpu.memref_slice %arg2[%add3A_121] : memref<323584xi32, #tpu.memory_space<hbm>> -> memref<128xi32, #tpu.memory_space<hbm>>
        tpu.enqueue_dma source(%dma_start3A_149 : memref<128xi32, #tpu.memory_space<hbm>>) target(%arg13 : memref<128xi32, #tpu.memory_space<vmem>>) target_semaphore(%run_scoped3A : memref<!tpu.dma_semaphore, #tpu.memory_space<semaphore_mem>>)
        %dma_wait3A_150 = tpu.memref_slice %arg2[%add3A_121] : memref<323584xi32, #tpu.memory_space<hbm>> -> memref<128xi32, #tpu.memory_space<hbm>>
        %dma_wait3A_151 = tpu.memref_slice %arg2[%add3A_121] : memref<323584xi32, #tpu.memory_space<hbm>> -> memref<128xi32, #tpu.memory_space<hbm>>
        tpu.wait_dma2 semaphore(%run_scoped3A : memref<!tpu.dma_semaphore, #tpu.memory_space<semaphore_mem>>) src(%dma_wait3A_151 : memref<128xi32, #tpu.memory_space<hbm>>) dst(%arg13 : memref<128xi32, #tpu.memory_space<vmem>>)
        tpu.yield
      }) : () -> ()
      %dma_start3A_122 = arith.constant 0 : i32
      %dma_start3A_123 = arith.constant 0 : i32
      %dma_start3A_124 = tpu.memref_slice %arg15[%dma_start3A_122, %dma_start3A_123] : memref<10240x128xf32, #tpu.memory_space<vmem_shared>> -> memref<10240x128xf32, #tpu.memory_space<vmem_shared>>
      tpu.enqueue_indirect_dma source(%arg14 : memref<128x128xf32, #tpu.memory_space<vmem>>) target(%dma_start3A_124 : memref<10240x128xf32, #tpu.memory_space<vmem_shared>>) offsets(%arg13 : memref<128xi32, #tpu.memory_space<vmem>>) semaphore(%arg16 : memref<!tpu.dma_semaphore, #tpu.memory_space<semaphore_mem>>) {add = true}
      %dma_wait3A = arith.constant 0 : i32
      %dma_wait3A_125 = arith.constant 0 : i32
      %dma_wait3A_126 = tpu.memref_slice %arg15[%dma_wait3A, %dma_wait3A_125] : memref<10240x128xf32, #tpu.memory_space<vmem_shared>> -> memref<10240x128xf32, #tpu.memory_space<vmem_shared>>
      tpu.wait_indirect_dma semaphore(%arg16 : memref<!tpu.dma_semaphore, #tpu.memory_space<semaphore_mem>>) src(%arg14 : memref<128x128xf32, #tpu.memory_space<vmem>>) dst(%dma_wait3A_126 : memref<10240x128xf32, #tpu.memory_space<vmem_shared>>)
      %dma_wait3A_127 = arith.constant 0 : i32
      %dma_wait3A_128 = arith.constant 0 : i32
      %dma_wait3A_129 = tpu.memref_slice %arg15[%dma_wait3A_127, %dma_wait3A_128] : memref<10240x128xf32, #tpu.memory_space<vmem_shared>> -> memref<10240x128xf32, #tpu.memory_space<vmem_shared>>
      tpu.wait_indirect_dma semaphore(%arg16 : memref<!tpu.dma_semaphore, #tpu.memory_space<semaphore_mem>>) src(%arg14 : memref<128x128xf32, #tpu.memory_space<vmem>>) dst(%dma_wait3A_129 : memref<10240x128xf32, #tpu.memory_space<vmem_shared>>)
      %dma_wait3A_130 = arith.constant 0 : i32
      %dma_wait3A_131 = arith.constant 0 : i32
      %dma_wait3A_132 = tpu.memref_slice %arg15[%dma_wait3A_130, %dma_wait3A_131] : memref<10240x128xf32, #tpu.memory_space<vmem_shared>> -> memref<10240x128xf32, #tpu.memory_space<vmem_shared>>
      tpu.wait_indirect_dma semaphore(%arg16 : memref<!tpu.dma_semaphore, #tpu.memory_space<semaphore_mem>>) src(%arg14 : memref<128x128xf32, #tpu.memory_space<vmem>>) dst(%dma_wait3A_132 : memref<10240x128xf32, #tpu.memory_space<vmem_shared>>)
      %dma_wait3A_133 = arith.constant 0 : i32
      %dma_wait3A_134 = arith.constant 0 : i32
      %dma_wait3A_135 = tpu.memref_slice %arg15[%dma_wait3A_133, %dma_wait3A_134] : memref<10240x128xf32, #tpu.memory_space<vmem_shared>> -> memref<10240x128xf32, #tpu.memory_space<vmem_shared>>
      tpu.wait_indirect_dma semaphore(%arg16 : memref<!tpu.dma_semaphore, #tpu.memory_space<semaphore_mem>>) src(%arg14 : memref<128x128xf32, #tpu.memory_space<vmem>>) dst(%dma_wait3A_135 : memref<10240x128xf32, #tpu.memory_space<vmem_shared>>)
      %dma_wait3A_136 = arith.constant 0 : i32
      %dma_wait3A_137 = arith.constant 0 : i32
      %dma_wait3A_138 = tpu.memref_slice %arg15[%dma_wait3A_136, %dma_wait3A_137] : memref<10240x128xf32, #tpu.memory_space<vmem_shared>> -> memref<10240x128xf32, #tpu.memory_space<vmem_shared>>
      tpu.wait_indirect_dma semaphore(%arg16 : memref<!tpu.dma_semaphore, #tpu.memory_space<semaphore_mem>>) src(%arg14 : memref<128x128xf32, #tpu.memory_space<vmem>>) dst(%dma_wait3A_138 : memref<10240x128xf32, #tpu.memory_space<vmem_shared>>)
      %dma_wait3A_139 = arith.constant 0 : i32
      %dma_wait3A_140 = arith.constant 0 : i32
      %dma_wait3A_141 = tpu.memref_slice %arg15[%dma_wait3A_139, %dma_wait3A_140] : memref<10240x128xf32, #tpu.memory_space<vmem_shared>> -> memref<10240x128xf32, #tpu.memory_space<vmem_shared>>
      tpu.wait_indirect_dma semaphore(%arg16 : memref<!tpu.dma_semaphore, #tpu.memory_space<semaphore_mem>>) src(%arg14 : memref<128x128xf32, #tpu.memory_space<vmem>>) dst(%dma_wait3A_141 : memref<10240x128xf32, #tpu.memory_space<vmem_shared>>)
      %dma_wait3A_142 = arith.constant 0 : i32
      %dma_wait3A_143 = arith.constant 0 : i32
      %dma_wait3A_144 = tpu.memref_slice %arg15[%dma_wait3A_142, %dma_wait3A_143] : memref<10240x128xf32, #tpu.memory_space<vmem_shared>> -> memref<10240x128xf32, #tpu.memory_space<vmem_shared>>
      tpu.wait_indirect_dma semaphore(%arg16 : memref<!tpu.dma_semaphore, #tpu.memory_space<semaphore_mem>>) src(%arg14 : memref<128x128xf32, #tpu.memory_space<vmem>>) dst(%dma_wait3A_144 : memref<10240x128xf32, #tpu.memory_space<vmem_shared>>)
      %dma_wait3A_145 = arith.constant 0 : i32
      %dma_wait3A_146 = arith.constant 0 : i32
      %dma_wait3A_147 = tpu.memref_slice %arg15[%dma_wait3A_145, %dma_wait3A_146] : memref<10240x128xf32, #tpu.memory_space<vmem_shared>> -> memref<10240x128xf32, #tpu.memory_space<vmem_shared>>
      tpu.wait_indirect_dma semaphore(%arg16 : memref<!tpu.dma_semaphore, #tpu.memory_space<semaphore_mem>>) src(%arg14 : memref<128x128xf32, #tpu.memory_space<vmem>>) dst(%dma_wait3A_147 : memref<10240x128xf32, #tpu.memory_space<vmem_shared>>)
    }
    %scan3A_19 = arith.constant 9 : i32
    %add3A_20 = arith.constant 9216 : i32
    %add3A_21 = arith.addi %mul3A_14, %add3A_20 : i32
    "tpu.region"() ({
      %run_scoped3A = tpu.sem_alloc : memref<!tpu.dma_semaphore, #tpu.memory_space<semaphore_mem>>
      %dma_start3A = tpu.memref_slice %arg2[%add3A_21] : memref<323584xi32, #tpu.memory_space<hbm>> -> memref<128xi32, #tpu.memory_space<hbm>>
      %dma_start3A_45 = tpu.memref_slice %arg2[%add3A_21] : memref<323584xi32, #tpu.memory_space<hbm>> -> memref<128xi32, #tpu.memory_space<hbm>>
      tpu.enqueue_dma source(%dma_start3A_45 : memref<128xi32, #tpu.memory_space<hbm>>) target(%arg6 : memref<128xi32, #tpu.memory_space<vmem>>) target_semaphore(%run_scoped3A : memref<!tpu.dma_semaphore, #tpu.memory_space<semaphore_mem>>)
      %dma_wait3A = tpu.memref_slice %arg2[%add3A_21] : memref<323584xi32, #tpu.memory_space<hbm>> -> memref<128xi32, #tpu.memory_space<hbm>>
      %dma_wait3A_46 = tpu.memref_slice %arg2[%add3A_21] : memref<323584xi32, #tpu.memory_space<hbm>> -> memref<128xi32, #tpu.memory_space<hbm>>
      tpu.wait_dma2 semaphore(%run_scoped3A : memref<!tpu.dma_semaphore, #tpu.memory_space<semaphore_mem>>) src(%dma_wait3A_46 : memref<128xi32, #tpu.memory_space<hbm>>) dst(%arg6 : memref<128xi32, #tpu.memory_space<vmem>>)
      tpu.yield
    }) : () -> ()
    "tpu.region"() ({
      %run_scoped3A = tpu.sem_alloc : memref<!tpu.dma_semaphore, #tpu.memory_space<semaphore_mem>>
      %dma_start3A = arith.constant 0 : i32
      %dma_start3A_45 = arith.constant 0 : i32
      %dma_start3A_46 = tpu.memref_slice %arg15[%dma_start3A, %dma_start3A_45] : memref<10240x128xf32, #tpu.memory_space<vmem_shared>> -> memref<10240x128xf32, #tpu.memory_space<vmem_shared>>
      tpu.enqueue_indirect_dma source(%arg14 : memref<128x128xf32, #tpu.memory_space<vmem>>) target(%dma_start3A_46 : memref<10240x128xf32, #tpu.memory_space<vmem_shared>>) offsets(%arg6 : memref<128xi32, #tpu.memory_space<vmem>>) semaphore(%run_scoped3A : memref<!tpu.dma_semaphore, #tpu.memory_space<semaphore_mem>>) {add = true}
      %dma_wait3A = arith.constant 0 : i32
      %dma_wait3A_47 = arith.constant 0 : i32
      %dma_wait3A_48 = tpu.memref_slice %arg15[%dma_wait3A, %dma_wait3A_47] : memref<10240x128xf32, #tpu.memory_space<vmem_shared>> -> memref<10240x128xf32, #tpu.memory_space<vmem_shared>>
      tpu.wait_indirect_dma semaphore(%run_scoped3A : memref<!tpu.dma_semaphore, #tpu.memory_space<semaphore_mem>>) src(%arg14 : memref<128x128xf32, #tpu.memory_space<vmem>>) dst(%dma_wait3A_48 : memref<10240x128xf32, #tpu.memory_space<vmem_shared>>)
      tpu.yield
    }) : () -> ()
    %add3A_22 = arith.constant 9344 : i32
    %add3A_23 = arith.addi %mul3A_14, %add3A_22 : i32
    "tpu.region"() ({
      %run_scoped3A = tpu.sem_alloc : memref<!tpu.dma_semaphore, #tpu.memory_space<semaphore_mem>>
      %dma_start3A = tpu.memref_slice %arg2[%add3A_23] : memref<323584xi32, #tpu.memory_space<hbm>> -> memref<128xi32, #tpu.memory_space<hbm>>
      %dma_start3A_45 = tpu.memref_slice %arg2[%add3A_23] : memref<323584xi32, #tpu.memory_space<hbm>> -> memref<128xi32, #tpu.memory_space<hbm>>
      tpu.enqueue_dma source(%dma_start3A_45 : memref<128xi32, #tpu.memory_space<hbm>>) target(%arg6 : memref<128xi32, #tpu.memory_space<vmem>>) target_semaphore(%run_scoped3A : memref<!tpu.dma_semaphore, #tpu.memory_space<semaphore_mem>>)
      %dma_wait3A = tpu.memref_slice %arg2[%add3A_23] : memref<323584xi32, #tpu.memory_space<hbm>> -> memref<128xi32, #tpu.memory_space<hbm>>
      %dma_wait3A_46 = tpu.memref_slice %arg2[%add3A_23] : memref<323584xi32, #tpu.memory_space<hbm>> -> memref<128xi32, #tpu.memory_space<hbm>>
      tpu.wait_dma2 semaphore(%run_scoped3A : memref<!tpu.dma_semaphore, #tpu.memory_space<semaphore_mem>>) src(%dma_wait3A_46 : memref<128xi32, #tpu.memory_space<hbm>>) dst(%arg6 : memref<128xi32, #tpu.memory_space<vmem>>)
      tpu.yield
    }) : () -> ()
    "tpu.region"() ({
      %run_scoped3A = tpu.sem_alloc : memref<!tpu.dma_semaphore, #tpu.memory_space<semaphore_mem>>
      %dma_start3A = arith.constant 0 : i32
      %dma_start3A_45 = arith.constant 0 : i32
      %dma_start3A_46 = tpu.memref_slice %arg15[%dma_start3A, %dma_start3A_45] : memref<10240x128xf32, #tpu.memory_space<vmem_shared>> -> memref<10240x128xf32, #tpu.memory_space<vmem_shared>>
      tpu.enqueue_indirect_dma source(%arg14 : memref<128x128xf32, #tpu.memory_space<vmem>>) target(%dma_start3A_46 : memref<10240x128xf32, #tpu.memory_space<vmem_shared>>) offsets(%arg6 : memref<128xi32, #tpu.memory_space<vmem>>) semaphore(%run_scoped3A : memref<!tpu.dma_semaphore, #tpu.memory_space<semaphore_mem>>) {add = true}
      %dma_wait3A = arith.constant 0 : i32
      %dma_wait3A_47 = arith.constant 0 : i32
      %dma_wait3A_48 = tpu.memref_slice %arg15[%dma_wait3A, %dma_wait3A_47] : memref<10240x128xf32, #tpu.memory_space<vmem_shared>> -> memref<10240x128xf32, #tpu.memory_space<vmem_shared>>
      tpu.wait_indirect_dma semaphore(%run_scoped3A : memref<!tpu.dma_semaphore, #tpu.memory_space<semaphore_mem>>) src(%arg14 : memref<128x128xf32, #tpu.memory_space<vmem>>) dst(%dma_wait3A_48 : memref<10240x128xf32, #tpu.memory_space<vmem_shared>>)
      tpu.yield
    }) : () -> ()
    %add3A_24 = arith.constant 9472 : i32
    %add3A_25 = arith.addi %mul3A_14, %add3A_24 : i32
    "tpu.region"() ({
      %run_scoped3A = tpu.sem_alloc : memref<!tpu.dma_semaphore, #tpu.memory_space<semaphore_mem>>
      %dma_start3A = tpu.memref_slice %arg2[%add3A_25] : memref<323584xi32, #tpu.memory_space<hbm>> -> memref<128xi32, #tpu.memory_space<hbm>>
      %dma_start3A_45 = tpu.memref_slice %arg2[%add3A_25] : memref<323584xi32, #tpu.memory_space<hbm>> -> memref<128xi32, #tpu.memory_space<hbm>>
      tpu.enqueue_dma source(%dma_start3A_45 : memref<128xi32, #tpu.memory_space<hbm>>) target(%arg6 : memref<128xi32, #tpu.memory_space<vmem>>) target_semaphore(%run_scoped3A : memref<!tpu.dma_semaphore, #tpu.memory_space<semaphore_mem>>)
      %dma_wait3A = tpu.memref_slice %arg2[%add3A_25] : memref<323584xi32, #tpu.memory_space<hbm>> -> memref<128xi32, #tpu.memory_space<hbm>>
      %dma_wait3A_46 = tpu.memref_slice %arg2[%add3A_25] : memref<323584xi32, #tpu.memory_space<hbm>> -> memref<128xi32, #tpu.memory_space<hbm>>
      tpu.wait_dma2 semaphore(%run_scoped3A : memref<!tpu.dma_semaphore, #tpu.memory_space<semaphore_mem>>) src(%dma_wait3A_46 : memref<128xi32, #tpu.memory_space<hbm>>) dst(%arg6 : memref<128xi32, #tpu.memory_space<vmem>>)
      tpu.yield
    }) : () -> ()
    "tpu.region"() ({
      %run_scoped3A = tpu.sem_alloc : memref<!tpu.dma_semaphore, #tpu.memory_space<semaphore_mem>>
      %dma_start3A = arith.constant 0 : i32
      %dma_start3A_45 = arith.constant 0 : i32
      %dma_start3A_46 = tpu.memref_slice %arg15[%dma_start3A, %dma_start3A_45] : memref<10240x128xf32, #tpu.memory_space<vmem_shared>> -> memref<10240x128xf32, #tpu.memory_space<vmem_shared>>
      tpu.enqueue_indirect_dma source(%arg14 : memref<128x128xf32, #tpu.memory_space<vmem>>) target(%dma_start3A_46 : memref<10240x128xf32, #tpu.memory_space<vmem_shared>>) offsets(%arg6 : memref<128xi32, #tpu.memory_space<vmem>>) semaphore(%run_scoped3A : memref<!tpu.dma_semaphore, #tpu.memory_space<semaphore_mem>>) {add = true}
      %dma_wait3A = arith.constant 0 : i32
      %dma_wait3A_47 = arith.constant 0 : i32
      %dma_wait3A_48 = tpu.memref_slice %arg15[%dma_wait3A, %dma_wait3A_47] : memref<10240x128xf32, #tpu.memory_space<vmem_shared>> -> memref<10240x128xf32, #tpu.memory_space<vmem_shared>>
      tpu.wait_indirect_dma semaphore(%run_scoped3A : memref<!tpu.dma_semaphore, #tpu.memory_space<semaphore_mem>>) src(%arg14 : memref<128x128xf32, #tpu.memory_space<vmem>>) dst(%dma_wait3A_48 : memref<10240x128xf32, #tpu.memory_space<vmem_shared>>)
      tpu.yield
    }) : () -> ()
    %add3A_26 = arith.constant 9600 : i32
    %add3A_27 = arith.addi %mul3A_14, %add3A_26 : i32
    "tpu.region"() ({
      %run_scoped3A = tpu.sem_alloc : memref<!tpu.dma_semaphore, #tpu.memory_space<semaphore_mem>>
      %dma_start3A = tpu.memref_slice %arg2[%add3A_27] : memref<323584xi32, #tpu.memory_space<hbm>> -> memref<128xi32, #tpu.memory_space<hbm>>
      %dma_start3A_45 = tpu.memref_slice %arg2[%add3A_27] : memref<323584xi32, #tpu.memory_space<hbm>> -> memref<128xi32, #tpu.memory_space<hbm>>
      tpu.enqueue_dma source(%dma_start3A_45 : memref<128xi32, #tpu.memory_space<hbm>>) target(%arg6 : memref<128xi32, #tpu.memory_space<vmem>>) target_semaphore(%run_scoped3A : memref<!tpu.dma_semaphore, #tpu.memory_space<semaphore_mem>>)
      %dma_wait3A = tpu.memref_slice %arg2[%add3A_27] : memref<323584xi32, #tpu.memory_space<hbm>> -> memref<128xi32, #tpu.memory_space<hbm>>
      %dma_wait3A_46 = tpu.memref_slice %arg2[%add3A_27] : memref<323584xi32, #tpu.memory_space<hbm>> -> memref<128xi32, #tpu.memory_space<hbm>>
      tpu.wait_dma2 semaphore(%run_scoped3A : memref<!tpu.dma_semaphore, #tpu.memory_space<semaphore_mem>>) src(%dma_wait3A_46 : memref<128xi32, #tpu.memory_space<hbm>>) dst(%arg6 : memref<128xi32, #tpu.memory_space<vmem>>)
      tpu.yield
    }) : () -> ()
    "tpu.region"() ({
      %run_scoped3A = tpu.sem_alloc : memref<!tpu.dma_semaphore, #tpu.memory_space<semaphore_mem>>
      %dma_start3A = arith.constant 0 : i32
      %dma_start3A_45 = arith.constant 0 : i32
      %dma_start3A_46 = tpu.memref_slice %arg15[%dma_start3A, %dma_start3A_45] : memref<10240x128xf32, #tpu.memory_space<vmem_shared>> -> memref<10240x128xf32, #tpu.memory_space<vmem_shared>>
      tpu.enqueue_indirect_dma source(%arg14 : memref<128x128xf32, #tpu.memory_space<vmem>>) target(%dma_start3A_46 : memref<10240x128xf32, #tpu.memory_space<vmem_shared>>) offsets(%arg6 : memref<128xi32, #tpu.memory_space<vmem>>) semaphore(%run_scoped3A : memref<!tpu.dma_semaphore, #tpu.memory_space<semaphore_mem>>) {add = true}
      %dma_wait3A = arith.constant 0 : i32
      %dma_wait3A_47 = arith.constant 0 : i32
      %dma_wait3A_48 = tpu.memref_slice %arg15[%dma_wait3A, %dma_wait3A_47] : memref<10240x128xf32, #tpu.memory_space<vmem_shared>> -> memref<10240x128xf32, #tpu.memory_space<vmem_shared>>
      tpu.wait_indirect_dma semaphore(%run_scoped3A : memref<!tpu.dma_semaphore, #tpu.memory_space<semaphore_mem>>) src(%arg14 : memref<128x128xf32, #tpu.memory_space<vmem>>) dst(%dma_wait3A_48 : memref<10240x128xf32, #tpu.memory_space<vmem_shared>>)
      tpu.yield
    }) : () -> ()
    %add3A_28 = arith.constant 9728 : i32
    %add3A_29 = arith.addi %mul3A_14, %add3A_28 : i32
    "tpu.region"() ({
      %run_scoped3A = tpu.sem_alloc : memref<!tpu.dma_semaphore, #tpu.memory_space<semaphore_mem>>
      %dma_start3A = tpu.memref_slice %arg2[%add3A_29] : memref<323584xi32, #tpu.memory_space<hbm>> -> memref<128xi32, #tpu.memory_space<hbm>>
      %dma_start3A_45 = tpu.memref_slice %arg2[%add3A_29] : memref<323584xi32, #tpu.memory_space<hbm>> -> memref<128xi32, #tpu.memory_space<hbm>>
      tpu.enqueue_dma source(%dma_start3A_45 : memref<128xi32, #tpu.memory_space<hbm>>) target(%arg6 : memref<128xi32, #tpu.memory_space<vmem>>) target_semaphore(%run_scoped3A : memref<!tpu.dma_semaphore, #tpu.memory_space<semaphore_mem>>)
      %dma_wait3A = tpu.memref_slice %arg2[%add3A_29] : memref<323584xi32, #tpu.memory_space<hbm>> -> memref<128xi32, #tpu.memory_space<hbm>>
      %dma_wait3A_46 = tpu.memref_slice %arg2[%add3A_29] : memref<323584xi32, #tpu.memory_space<hbm>> -> memref<128xi32, #tpu.memory_space<hbm>>
      tpu.wait_dma2 semaphore(%run_scoped3A : memref<!tpu.dma_semaphore, #tpu.memory_space<semaphore_mem>>) src(%dma_wait3A_46 : memref<128xi32, #tpu.memory_space<hbm>>) dst(%arg6 : memref<128xi32, #tpu.memory_space<vmem>>)
      tpu.yield
    }) : () -> ()
    "tpu.region"() ({
      %run_scoped3A = tpu.sem_alloc : memref<!tpu.dma_semaphore, #tpu.memory_space<semaphore_mem>>
      %dma_start3A = arith.constant 0 : i32
      %dma_start3A_45 = arith.constant 0 : i32
      %dma_start3A_46 = tpu.memref_slice %arg15[%dma_start3A, %dma_start3A_45] : memref<10240x128xf32, #tpu.memory_space<vmem_shared>> -> memref<10240x128xf32, #tpu.memory_space<vmem_shared>>
      tpu.enqueue_indirect_dma source(%arg14 : memref<128x128xf32, #tpu.memory_space<vmem>>) target(%dma_start3A_46 : memref<10240x128xf32, #tpu.memory_space<vmem_shared>>) offsets(%arg6 : memref<128xi32, #tpu.memory_space<vmem>>) semaphore(%run_scoped3A : memref<!tpu.dma_semaphore, #tpu.memory_space<semaphore_mem>>) {add = true}
      %dma_wait3A = arith.constant 0 : i32
      %dma_wait3A_47 = arith.constant 0 : i32
      %dma_wait3A_48 = tpu.memref_slice %arg15[%dma_wait3A, %dma_wait3A_47] : memref<10240x128xf32, #tpu.memory_space<vmem_shared>> -> memref<10240x128xf32, #tpu.memory_space<vmem_shared>>
      tpu.wait_indirect_dma semaphore(%run_scoped3A : memref<!tpu.dma_semaphore, #tpu.memory_space<semaphore_mem>>) src(%arg14 : memref<128x128xf32, #tpu.memory_space<vmem>>) dst(%dma_wait3A_48 : memref<10240x128xf32, #tpu.memory_space<vmem_shared>>)
      tpu.yield
    }) : () -> ()
    %add3A_30 = arith.constant 9856 : i32
    %add3A_31 = arith.addi %mul3A_14, %add3A_30 : i32
    "tpu.region"() ({
      %run_scoped3A = tpu.sem_alloc : memref<!tpu.dma_semaphore, #tpu.memory_space<semaphore_mem>>
      %dma_start3A = tpu.memref_slice %arg2[%add3A_31] : memref<323584xi32, #tpu.memory_space<hbm>> -> memref<128xi32, #tpu.memory_space<hbm>>
      %dma_start3A_45 = tpu.memref_slice %arg2[%add3A_31] : memref<323584xi32, #tpu.memory_space<hbm>> -> memref<128xi32, #tpu.memory_space<hbm>>
      tpu.enqueue_dma source(%dma_start3A_45 : memref<128xi32, #tpu.memory_space<hbm>>) target(%arg6 : memref<128xi32, #tpu.memory_space<vmem>>) target_semaphore(%run_scoped3A : memref<!tpu.dma_semaphore, #tpu.memory_space<semaphore_mem>>)
      %dma_wait3A = tpu.memref_slice %arg2[%add3A_31] : memref<323584xi32, #tpu.memory_space<hbm>> -> memref<128xi32, #tpu.memory_space<hbm>>
      %dma_wait3A_46 = tpu.memref_slice %arg2[%add3A_31] : memref<323584xi32, #tpu.memory_space<hbm>> -> memref<128xi32, #tpu.memory_space<hbm>>
      tpu.wait_dma2 semaphore(%run_scoped3A : memref<!tpu.dma_semaphore, #tpu.memory_space<semaphore_mem>>) src(%dma_wait3A_46 : memref<128xi32, #tpu.memory_space<hbm>>) dst(%arg6 : memref<128xi32, #tpu.memory_space<vmem>>)
      tpu.yield
    }) : () -> ()
    "tpu.region"() ({
      %run_scoped3A = tpu.sem_alloc : memref<!tpu.dma_semaphore, #tpu.memory_space<semaphore_mem>>
      %dma_start3A = arith.constant 0 : i32
      %dma_start3A_45 = arith.constant 0 : i32
      %dma_start3A_46 = tpu.memref_slice %arg15[%dma_start3A, %dma_start3A_45] : memref<10240x128xf32, #tpu.memory_space<vmem_shared>> -> memref<10240x128xf32, #tpu.memory_space<vmem_shared>>
      tpu.enqueue_indirect_dma source(%arg14 : memref<128x128xf32, #tpu.memory_space<vmem>>) target(%dma_start3A_46 : memref<10240x128xf32, #tpu.memory_space<vmem_shared>>) offsets(%arg6 : memref<128xi32, #tpu.memory_space<vmem>>) semaphore(%run_scoped3A : memref<!tpu.dma_semaphore, #tpu.memory_space<semaphore_mem>>) {add = true}
      %dma_wait3A = arith.constant 0 : i32
      %dma_wait3A_47 = arith.constant 0 : i32
      %dma_wait3A_48 = tpu.memref_slice %arg15[%dma_wait3A, %dma_wait3A_47] : memref<10240x128xf32, #tpu.memory_space<vmem_shared>> -> memref<10240x128xf32, #tpu.memory_space<vmem_shared>>
      tpu.wait_indirect_dma semaphore(%run_scoped3A : memref<!tpu.dma_semaphore, #tpu.memory_space<semaphore_mem>>) src(%arg14 : memref<128x128xf32, #tpu.memory_space<vmem>>) dst(%dma_wait3A_48 : memref<10240x128xf32, #tpu.memory_space<vmem_shared>>)
      tpu.yield
    }) : () -> ()
    %add3A_32 = arith.constant 9984 : i32
    %add3A_33 = arith.addi %mul3A_14, %add3A_32 : i32
    "tpu.region"() ({
      %run_scoped3A = tpu.sem_alloc : memref<!tpu.dma_semaphore, #tpu.memory_space<semaphore_mem>>
      %dma_start3A = tpu.memref_slice %arg2[%add3A_33] : memref<323584xi32, #tpu.memory_space<hbm>> -> memref<128xi32, #tpu.memory_space<hbm>>
      %dma_start3A_45 = tpu.memref_slice %arg2[%add3A_33] : memref<323584xi32, #tpu.memory_space<hbm>> -> memref<128xi32, #tpu.memory_space<hbm>>
      tpu.enqueue_dma source(%dma_start3A_45 : memref<128xi32, #tpu.memory_space<hbm>>) target(%arg6 : memref<128xi32, #tpu.memory_space<vmem>>) target_semaphore(%run_scoped3A : memref<!tpu.dma_semaphore, #tpu.memory_space<semaphore_mem>>)
      %dma_wait3A = tpu.memref_slice %arg2[%add3A_33] : memref<323584xi32, #tpu.memory_space<hbm>> -> memref<128xi32, #tpu.memory_space<hbm>>
      %dma_wait3A_46 = tpu.memref_slice %arg2[%add3A_33] : memref<323584xi32, #tpu.memory_space<hbm>> -> memref<128xi32, #tpu.memory_space<hbm>>
      tpu.wait_dma2 semaphore(%run_scoped3A : memref<!tpu.dma_semaphore, #tpu.memory_space<semaphore_mem>>) src(%dma_wait3A_46 : memref<128xi32, #tpu.memory_space<hbm>>) dst(%arg6 : memref<128xi32, #tpu.memory_space<vmem>>)
      tpu.yield
    }) : () -> ()
    "tpu.region"() ({
      %run_scoped3A = tpu.sem_alloc : memref<!tpu.dma_semaphore, #tpu.memory_space<semaphore_mem>>
      %dma_start3A = arith.constant 0 : i32
      %dma_start3A_45 = arith.constant 0 : i32
      %dma_start3A_46 = tpu.memref_slice %arg15[%dma_start3A, %dma_start3A_45] : memref<10240x128xf32, #tpu.memory_space<vmem_shared>> -> memref<10240x128xf32, #tpu.memory_space<vmem_shared>>
      tpu.enqueue_indirect_dma source(%arg14 : memref<128x128xf32, #tpu.memory_space<vmem>>) target(%dma_start3A_46 : memref<10240x128xf32, #tpu.memory_space<vmem_shared>>) offsets(%arg6 : memref<128xi32, #tpu.memory_space<vmem>>) semaphore(%run_scoped3A : memref<!tpu.dma_semaphore, #tpu.memory_space<semaphore_mem>>) {add = true}
      %dma_wait3A = arith.constant 0 : i32
      %dma_wait3A_47 = arith.constant 0 : i32
      %dma_wait3A_48 = tpu.memref_slice %arg15[%dma_wait3A, %dma_wait3A_47] : memref<10240x128xf32, #tpu.memory_space<vmem_shared>> -> memref<10240x128xf32, #tpu.memory_space<vmem_shared>>
      tpu.wait_indirect_dma semaphore(%run_scoped3A : memref<!tpu.dma_semaphore, #tpu.memory_space<semaphore_mem>>) src(%arg14 : memref<128x128xf32, #tpu.memory_space<vmem>>) dst(%dma_wait3A_48 : memref<10240x128xf32, #tpu.memory_space<vmem_shared>>)
      tpu.yield
    }) : () -> ()
    %barrier3A_34 = arith.constant 0 : index
    tpu.barrier barrier_id(%barrier3A_34)
    %add3A_35 = arith.constant 0 : i32
    %add3A_36 = arith.addi %mul3A_2, %add3A_35 : i32
    "tpu.region"() ({
      %run_scoped3A = tpu.sem_alloc : memref<!tpu.dma_semaphore, #tpu.memory_space<semaphore_mem>>
      %dma_start3A = arith.constant 0 : i32
      %dma_start3A_45 = tpu.memref_slice %arg5[%arg0, %add3A_36, %dma_start3A] : memref<2x10240x128xf32, #tpu.memory_space<hbm>> -> memref<1x128x128xf32, #tpu.memory_space<hbm>>
      %dma_start3A_46 = tpu.memref_squeeze %dma_start3A_45 : memref<1x128x128xf32, #tpu.memory_space<hbm>> -> memref<128x128xf32, #tpu.memory_space<hbm>>
      %dma_start3A_47 = arith.constant 0 : i32
      %dma_start3A_48 = tpu.memref_slice %arg15[%add3A_36, %dma_start3A_47] : memref<10240x128xf32, #tpu.memory_space<vmem_shared>> -> memref<128x128xf32, #tpu.memory_space<vmem_shared>>
      tpu.enqueue_dma source(%dma_start3A_48 : memref<128x128xf32, #tpu.memory_space<vmem_shared>>) target(%dma_start3A_46 : memref<128x128xf32, #tpu.memory_space<hbm>>) target_semaphore(%run_scoped3A : memref<!tpu.dma_semaphore, #tpu.memory_space<semaphore_mem>>)
      %dma_wait3A = arith.constant 0 : i32
      %dma_wait3A_49 = tpu.memref_slice %arg5[%arg0, %add3A_36, %dma_wait3A] : memref<2x10240x128xf32, #tpu.memory_space<hbm>> -> memref<1x128x128xf32, #tpu.memory_space<hbm>>
      %dma_wait3A_50 = tpu.memref_squeeze %dma_wait3A_49 : memref<1x128x128xf32, #tpu.memory_space<hbm>> -> memref<128x128xf32, #tpu.memory_space<hbm>>
      %dma_wait3A_51 = arith.constant 0 : i32
      %dma_wait3A_52 = tpu.memref_slice %arg15[%add3A_36, %dma_wait3A_51] : memref<10240x128xf32, #tpu.memory_space<vmem_shared>> -> memref<128x128xf32, #tpu.memory_space<vmem_shared>>
      tpu.wait_dma2 semaphore(%run_scoped3A : memref<!tpu.dma_semaphore, #tpu.memory_space<semaphore_mem>>) src(%dma_wait3A_52 : memref<128x128xf32, #tpu.memory_space<vmem_shared>>) dst(%dma_wait3A_50 : memref<128x128xf32, #tpu.memory_space<hbm>>)
      tpu.yield
    }) : () -> ()
    %add3A_37 = arith.constant 128 : i32
    %add3A_38 = arith.addi %mul3A_2, %add3A_37 : i32
    "tpu.region"() ({
      %run_scoped3A = tpu.sem_alloc : memref<!tpu.dma_semaphore, #tpu.memory_space<semaphore_mem>>
      %dma_start3A = arith.constant 0 : i32
      %dma_start3A_45 = tpu.memref_slice %arg5[%arg0, %add3A_38, %dma_start3A] : memref<2x10240x128xf32, #tpu.memory_space<hbm>> -> memref<1x128x128xf32, #tpu.memory_space<hbm>>
      %dma_start3A_46 = tpu.memref_squeeze %dma_start3A_45 : memref<1x128x128xf32, #tpu.memory_space<hbm>> -> memref<128x128xf32, #tpu.memory_space<hbm>>
      %dma_start3A_47 = arith.constant 0 : i32
      %dma_start3A_48 = tpu.memref_slice %arg15[%add3A_38, %dma_start3A_47] : memref<10240x128xf32, #tpu.memory_space<vmem_shared>> -> memref<128x128xf32, #tpu.memory_space<vmem_shared>>
      tpu.enqueue_dma source(%dma_start3A_48 : memref<128x128xf32, #tpu.memory_space<vmem_shared>>) target(%dma_start3A_46 : memref<128x128xf32, #tpu.memory_space<hbm>>) target_semaphore(%run_scoped3A : memref<!tpu.dma_semaphore, #tpu.memory_space<semaphore_mem>>)
      %dma_wait3A = arith.constant 0 : i32
      %dma_wait3A_49 = tpu.memref_slice %arg5[%arg0, %add3A_38, %dma_wait3A] : memref<2x10240x128xf32, #tpu.memory_space<hbm>> -> memref<1x128x128xf32, #tpu.memory_space<hbm>>
      %dma_wait3A_50 = tpu.memref_squeeze %dma_wait3A_49 : memref<1x128x128xf32, #tpu.memory_space<hbm>> -> memref<128x128xf32, #tpu.memory_space<hbm>>
      %dma_wait3A_51 = arith.constant 0 : i32
      %dma_wait3A_52 = tpu.memref_slice %arg15[%add3A_38, %dma_wait3A_51] : memref<10240x128xf32, #tpu.memory_space<vmem_shared>> -> memref<128x128xf32, #tpu.memory_space<vmem_shared>>
      tpu.wait_dma2 semaphore(%run_scoped3A : memref<!tpu.dma_semaphore, #tpu.memory_space<semaphore_mem>>) src(%dma_wait3A_52 : memref<128x128xf32, #tpu.memory_space<vmem_shared>>) dst(%dma_wait3A_50 : memref<128x128xf32, #tpu.memory_space<hbm>>)
      tpu.yield
    }) : () -> ()
    %add3A_39 = arith.constant 256 : i32
    %add3A_40 = arith.addi %mul3A_2, %add3A_39 : i32
    "tpu.region"() ({
      %run_scoped3A = tpu.sem_alloc : memref<!tpu.dma_semaphore, #tpu.memory_space<semaphore_mem>>
      %dma_start3A = arith.constant 0 : i32
      %dma_start3A_45 = tpu.memref_slice %arg5[%arg0, %add3A_40, %dma_start3A] : memref<2x10240x128xf32, #tpu.memory_space<hbm>> -> memref<1x128x128xf32, #tpu.memory_space<hbm>>
      %dma_start3A_46 = tpu.memref_squeeze %dma_start3A_45 : memref<1x128x128xf32, #tpu.memory_space<hbm>> -> memref<128x128xf32, #tpu.memory_space<hbm>>
      %dma_start3A_47 = arith.constant 0 : i32
      %dma_start3A_48 = tpu.memref_slice %arg15[%add3A_40, %dma_start3A_47] : memref<10240x128xf32, #tpu.memory_space<vmem_shared>> -> memref<128x128xf32, #tpu.memory_space<vmem_shared>>
      tpu.enqueue_dma source(%dma_start3A_48 : memref<128x128xf32, #tpu.memory_space<vmem_shared>>) target(%dma_start3A_46 : memref<128x128xf32, #tpu.memory_space<hbm>>) target_semaphore(%run_scoped3A : memref<!tpu.dma_semaphore, #tpu.memory_space<semaphore_mem>>)
      %dma_wait3A = arith.constant 0 : i32
      %dma_wait3A_49 = tpu.memref_slice %arg5[%arg0, %add3A_40, %dma_wait3A] : memref<2x10240x128xf32, #tpu.memory_space<hbm>> -> memref<1x128x128xf32, #tpu.memory_space<hbm>>
      %dma_wait3A_50 = tpu.memref_squeeze %dma_wait3A_49 : memref<1x128x128xf32, #tpu.memory_space<hbm>> -> memref<128x128xf32, #tpu.memory_space<hbm>>
      %dma_wait3A_51 = arith.constant 0 : i32
      %dma_wait3A_52 = tpu.memref_slice %arg15[%add3A_40, %dma_wait3A_51] : memref<10240x128xf32, #tpu.memory_space<vmem_shared>> -> memref<128x128xf32, #tpu.memory_space<vmem_shared>>
      tpu.wait_dma2 semaphore(%run_scoped3A : memref<!tpu.dma_semaphore, #tpu.memory_space<semaphore_mem>>) src(%dma_wait3A_52 : memref<128x128xf32, #tpu.memory_space<vmem_shared>>) dst(%dma_wait3A_50 : memref<128x128xf32, #tpu.memory_space<hbm>>)
      tpu.yield
    }) : () -> ()
    %add3A_41 = arith.constant 384 : i32
    %add3A_42 = arith.addi %mul3A_2, %add3A_41 : i32
    "tpu.region"() ({
      %run_scoped3A = tpu.sem_alloc : memref<!tpu.dma_semaphore, #tpu.memory_space<semaphore_mem>>
      %dma_start3A = arith.constant 0 : i32
      %dma_start3A_45 = tpu.memref_slice %arg5[%arg0, %add3A_42, %dma_start3A] : memref<2x10240x128xf32, #tpu.memory_space<hbm>> -> memref<1x128x128xf32, #tpu.memory_space<hbm>>
      %dma_start3A_46 = tpu.memref_squeeze %dma_start3A_45 : memref<1x128x128xf32, #tpu.memory_space<hbm>> -> memref<128x128xf32, #tpu.memory_space<hbm>>
      %dma_start3A_47 = arith.constant 0 : i32
      %dma_start3A_48 = tpu.memref_slice %arg15[%add3A_42, %dma_start3A_47] : memref<10240x128xf32, #tpu.memory_space<vmem_shared>> -> memref<128x128xf32, #tpu.memory_space<vmem_shared>>
      tpu.enqueue_dma source(%dma_start3A_48 : memref<128x128xf32, #tpu.memory_space<vmem_shared>>) target(%dma_start3A_46 : memref<128x128xf32, #tpu.memory_space<hbm>>) target_semaphore(%run_scoped3A : memref<!tpu.dma_semaphore, #tpu.memory_space<semaphore_mem>>)
      %dma_wait3A = arith.constant 0 : i32
      %dma_wait3A_49 = tpu.memref_slice %arg5[%arg0, %add3A_42, %dma_wait3A] : memref<2x10240x128xf32, #tpu.memory_space<hbm>> -> memref<1x128x128xf32, #tpu.memory_space<hbm>>
      %dma_wait3A_50 = tpu.memref_squeeze %dma_wait3A_49 : memref<1x128x128xf32, #tpu.memory_space<hbm>> -> memref<128x128xf32, #tpu.memory_space<hbm>>
      %dma_wait3A_51 = arith.constant 0 : i32
      %dma_wait3A_52 = tpu.memref_slice %arg15[%add3A_42, %dma_wait3A_51] : memref<10240x128xf32, #tpu.memory_space<vmem_shared>> -> memref<128x128xf32, #tpu.memory_space<vmem_shared>>
      tpu.wait_dma2 semaphore(%run_scoped3A : memref<!tpu.dma_semaphore, #tpu.memory_space<semaphore_mem>>) src(%dma_wait3A_52 : memref<128x128xf32, #tpu.memory_space<vmem_shared>>) dst(%dma_wait3A_50 : memref<128x128xf32, #tpu.memory_space<hbm>>)
      tpu.yield
    }) : () -> ()
    %add3A_43 = arith.constant 512 : i32
    %add3A_44 = arith.addi %mul3A_2, %add3A_43 : i32
    "tpu.region"() ({
      %run_scoped3A = tpu.sem_alloc : memref<!tpu.dma_semaphore, #tpu.memory_space<semaphore_mem>>
      %dma_start3A = arith.constant 0 : i32
      %dma_start3A_45 = tpu.memref_slice %arg5[%arg0, %add3A_44, %dma_start3A] : memref<2x10240x128xf32, #tpu.memory_space<hbm>> -> memref<1x128x128xf32, #tpu.memory_space<hbm>>
      %dma_start3A_46 = tpu.memref_squeeze %dma_start3A_45 : memref<1x128x128xf32, #tpu.memory_space<hbm>> -> memref<128x128xf32, #tpu.memory_space<hbm>>
      %dma_start3A_47 = arith.constant 0 : i32
      %dma_start3A_48 = tpu.memref_slice %arg15[%add3A_44, %dma_start3A_47] : memref<10240x128xf32, #tpu.memory_space<vmem_shared>> -> memref<128x128xf32, #tpu.memory_space<vmem_shared>>
      tpu.enqueue_dma source(%dma_start3A_48 : memref<128x128xf32, #tpu.memory_space<vmem_shared>>) target(%dma_start3A_46 : memref<128x128xf32, #tpu.memory_space<hbm>>) target_semaphore(%run_scoped3A : memref<!tpu.dma_semaphore, #tpu.memory_space<semaphore_mem>>)
      %dma_wait3A = arith.constant 0 : i32
      %dma_wait3A_49 = tpu.memref_slice %arg5[%arg0, %add3A_44, %dma_wait3A] : memref<2x10240x128xf32, #tpu.memory_space<hbm>> -> memref<1x128x128xf32, #tpu.memory_space<hbm>>
      %dma_wait3A_50 = tpu.memref_squeeze %dma_wait3A_49 : memref<1x128x128xf32, #tpu.memory_space<hbm>> -> memref<128x128xf32, #tpu.memory_space<hbm>>
      %dma_wait3A_51 = arith.constant 0 : i32
      %dma_wait3A_52 = tpu.memref_slice %arg15[%add3A_44, %dma_wait3A_51] : memref<10240x128xf32, #tpu.memory_space<vmem_shared>> -> memref<128x128xf32, #tpu.memory_space<vmem_shared>>
      tpu.wait_dma2 semaphore(%run_scoped3A : memref<!tpu.dma_semaphore, #tpu.memory_space<semaphore_mem>>) src(%dma_wait3A_52 : memref<128x128xf32, #tpu.memory_space<vmem_shared>>) dst(%dma_wait3A_50 : memref<128x128xf32, #tpu.memory_space<hbm>>)
      tpu.yield
    }) : () -> ()
    return
  }
}

module attributes {stable_mosaic.version = 14 : i64} {
  func.func @body(%arg0: i32, %arg1: memref<1000x128xf32, #tpu.memory_space<vmem>>, %arg2: memref<128x128xf32, #tpu.memory_space<vmem>>, %arg3: memref<1x1000x128xf32, #tpu.memory_space<vmem>>, %arg4: memref<1x1000x128xf32, #tpu.memory_space<vmem>>, %arg5: memref<1000x128xf32, #tpu.memory_space<vmem>>, %arg6: memref<1000x1xf32, #tpu.memory_space<vmem>>) attributes {dimension_semantics = [#tpu.dimension_semantics<arbitrary>], iteration_bounds = array<i64: 10>, scalar_prefetch = 0 : i64, scratch_operands = 0 : i64, tpu.core_type = #tpu.core_type<tc>, window_params = [{transform_indices = @transform_0, window_bounds = array<i64: 1000, 128>}, {pipeline_mode = #tpu.pipeline_mode<synchronous>, transform_indices = @transform_1, window_bounds = array<i64: 128, 128>}, {transform_indices = @transform_2, window_bounds = array<i64: 1, 1000, 128>}, {transform_indices = @transform_3, window_bounds = array<i64: 1, 1000, 128>}, {transform_indices = @transform_4, window_bounds = array<i64: 1000, 128>}, {transform_indices = @transform_5, window_bounds = array<i64: 1000, 1>}]} {
    %get3A = arith.constant 0 : index
    %get3A_0 = arith.constant 0 : index
    %get3A_1 = arith.constant 0 : index
    %get3A_2 = vector.load %arg3[%get3A, %get3A_0, %get3A_1] : memref<1x1000x128xf32, #tpu.memory_space<vmem>>, vector<1x1000x128xf32>
    %slice3A = vector.extract_strided_slice %get3A_2 {offsets = [0, 0, 0], sizes = [1, 1000, 1], strides = [1, 1, 1]} : vector<1x1000x128xf32> to vector<1x1000x1xf32>
    %squeeze3A = vector.shape_cast %slice3A : vector<1x1000x1xf32> to vector<1000x1xf32>
    %get3A_3 = arith.constant 0 : index
    %get3A_4 = arith.constant 0 : index
    %get3A_5 = arith.constant 0 : index
    %get3A_6 = vector.load %arg4[%get3A_3, %get3A_4, %get3A_5] : memref<1x1000x128xf32, #tpu.memory_space<vmem>>, vector<1x1000x128xf32>
    %slice3A_7 = vector.extract_strided_slice %get3A_6 {offsets = [0, 0, 0], sizes = [1, 1000, 1], strides = [1, 1, 1]} : vector<1x1000x128xf32> to vector<1x1000x1xf32>
    %squeeze3A_8 = vector.shape_cast %slice3A_7 : vector<1x1000x1xf32> to vector<1000x1xf32>
    %add3A = arith.addf %squeeze3A, %squeeze3A_8 : vector<1000x1xf32>
    %add3A_9 = arith.constant 1.000000e+00 : f32
    %add3A_10 = vector.broadcast %add3A_9 : f32 to vector<1000x1xf32>
    %add3A_11 = arith.addf %add3A, %add3A_10 : vector<1000x1xf32>
    %rsqrt3A = math.rsqrt %add3A_11 : vector<1000x1xf32>
    %get3A_12 = arith.constant 0 : index
    %get3A_13 = arith.constant 0 : index
    %get3A_14 = vector.load %arg1[%get3A_12, %get3A_13] : memref<1000x128xf32, #tpu.memory_space<vmem>>, vector<1000x128xf32>
    %get3A_15 = arith.constant 0 : index
    %get3A_16 = arith.constant 0 : index
    %get3A_17 = vector.load %arg2[%get3A_15, %get3A_16] : memref<128x128xf32, #tpu.memory_space<vmem>>, vector<128x128xf32>
    %dot_general3A = arith.constant dense<0.000000e+00> : vector<1000x128xf32>
    %dot_general3A_18 = tpu.matmul %get3A_14, %get3A_17, %dot_general3A {dimension_numbers = #tpu.dot_dimension_numbers<[1], [1], [0], [0], [0, 0, 1, 0], [], []>, transpose_lhs_hint = false} : vector<1000x128xf32>, vector<128x128xf32>, vector<1000x128xf32> -> vector<1000x128xf32>
    %mul3A = vector.broadcast %rsqrt3A : vector<1000x1xf32> to vector<1000x128xf32>
    %mul3A_19 = arith.mulf %mul3A, %dot_general3A_18 : vector<1000x128xf32>
    %swap3A = arith.constant 0 : index
    %swap3A_20 = arith.constant 0 : index
    %swap3A_21 = vector.load %arg5[%swap3A, %swap3A_20] : memref<1000x128xf32, #tpu.memory_space<vmem>>, vector<1000x128xf32>
    tpu.vector_store %arg5[%swap3A, %swap3A_20], %mul3A_19 {strides = array<i32>} : memref<1000x128xf32, #tpu.memory_space<vmem>>, vector<1000x128xf32>,
    %swap3A_22 = arith.constant 0 : index
    %swap3A_23 = arith.constant 0 : index
    %swap3A_24 = vector.load %arg6[%swap3A_22, %swap3A_23] : memref<1000x1xf32, #tpu.memory_space<vmem>>, vector<1000x1xf32>
    tpu.vector_store %arg6[%swap3A_22, %swap3A_23], %rsqrt3A {strides = array<i32>} : memref<1000x1xf32, #tpu.memory_space<vmem>>, vector<1000x1xf32>,
    return
  }
  func.func @transform_0(%arg0: i32) -> (i32, i32) {
    %c0_i32 = arith.constant 0 : i32
    %c0_i32_0 = arith.constant 0 : i32
    return %arg0, %c0_i32 : i32, i32
  }
  func.func @transform_1(%arg0: i32) -> (i32, i32) {
    %c0_i32 = arith.constant 0 : i32
    %c0_i32_0 = arith.constant 0 : i32
    %c0_i32_1 = arith.constant 0 : i32
    return %c0_i32, %c0_i32_0 : i32, i32
  }
  func.func @transform_2(%arg0: i32) -> (i32, i32, i32) {
    %c0_i32 = arith.constant 0 : i32
    %c0_i32_0 = arith.constant 0 : i32
    %c0_i32_1 = arith.constant 0 : i32
    return %c0_i32, %arg0, %c0_i32_0 : i32, i32, i32
  }
  func.func @transform_3(%arg0: i32) -> (i32, i32, i32) {
    %c1_i32 = arith.constant 1 : i32
    %c0_i32 = arith.constant 0 : i32
    %c0_i32_0 = arith.constant 0 : i32
    return %c1_i32, %arg0, %c0_i32 : i32, i32, i32
  }
  func.func @transform_4(%arg0: i32) -> (i32, i32) {
    %c0_i32 = arith.constant 0 : i32
    %c0_i32_0 = arith.constant 0 : i32
    return %arg0, %c0_i32 : i32, i32
  }
  func.func @transform_5(%arg0: i32) -> (i32, i32) {
    %c0_i32 = arith.constant 0 : i32
    %c0_i32_0 = arith.constant 0 : i32
    return %arg0, %c0_i32 : i32, i32
  }
}

module attributes {stable_mosaic.version = 14 : i64} {
  func.func @body(%arg0: i32, %arg1: memref<1x1000x128xf32, #tpu.memory_space<vmem>>, %arg2: memref<1x1000x128xf32, #tpu.memory_space<vmem>>, %arg3: memref<1000x128xf32, #tpu.memory_space<vmem>>, %arg4: memref<1000x1xf32, #tpu.memory_space<vmem>>, %arg5: memref<1x128xf32, #tpu.memory_space<vmem>>, %arg6: memref<128x128xf32, #tpu.memory_space<vmem>>, %arg7: memref<1000x128xf32, #tpu.memory_space<vmem>>) attributes {dimension_semantics = [#tpu.dimension_semantics<arbitrary>], iteration_bounds = array<i64: 10>, scalar_prefetch = 0 : i64, scratch_operands = 0 : i64, tpu.core_type = #tpu.core_type<tc>, window_params = [{transform_indices = @transform_0, window_bounds = array<i64: 1, 1000, 128>}, {transform_indices = @transform_1, window_bounds = array<i64: 1, 1000, 128>}, {transform_indices = @transform_2, window_bounds = array<i64: 1000, 128>}, {transform_indices = @transform_3, window_bounds = array<i64: 1000, 1>}, {pipeline_mode = #tpu.pipeline_mode<synchronous>, transform_indices = @transform_4, window_bounds = array<i64: 1, 128>}, {pipeline_mode = #tpu.pipeline_mode<synchronous>, transform_indices = @transform_5, window_bounds = array<i64: 128, 128>}, {transform_indices = @transform_6, window_bounds = array<i64: 1000, 128>}]} {
    %get3A = arith.constant 0 : index
    %get3A_0 = arith.constant 0 : index
    %get3A_1 = arith.constant 0 : index
    %get3A_2 = vector.load %arg1[%get3A, %get3A_0, %get3A_1] : memref<1x1000x128xf32, #tpu.memory_space<vmem>>, vector<1x1000x128xf32>
    %squeeze3A = vector.shape_cast %get3A_2 : vector<1x1000x128xf32> to vector<1000x128xf32>
    %get3A_3 = arith.constant 0 : index
    %get3A_4 = arith.constant 0 : index
    %get3A_5 = arith.constant 0 : index
    %get3A_6 = vector.load %arg2[%get3A_3, %get3A_4, %get3A_5] : memref<1x1000x128xf32, #tpu.memory_space<vmem>>, vector<1x1000x128xf32>
    %squeeze3A_7 = vector.shape_cast %get3A_6 : vector<1x1000x128xf32> to vector<1000x128xf32>
    %add3A = arith.addf %squeeze3A, %squeeze3A_7 : vector<1000x128xf32>
    %get3A_8 = arith.constant 0 : index
    %get3A_9 = arith.constant 0 : index
    %get3A_10 = vector.load %arg3[%get3A_8, %get3A_9] : memref<1000x128xf32, #tpu.memory_space<vmem>>, vector<1000x128xf32>
    %add3A_11 = arith.addf %add3A, %get3A_10 : vector<1000x128xf32>
    %get3A_12 = arith.constant 0 : index
    %get3A_13 = arith.constant 0 : index
    %get3A_14 = vector.load %arg4[%get3A_12, %get3A_13] : memref<1000x1xf32, #tpu.memory_space<vmem>>, vector<1000x1xf32>
    %mul3A = vector.broadcast %get3A_14 : vector<1000x1xf32> to vector<1000x128xf32>
    %mul3A_15 = arith.mulf %mul3A, %add3A_11 : vector<1000x128xf32>
    %get3A_16 = arith.constant 0 : index
    %get3A_17 = arith.constant 0 : index
    %get3A_18 = vector.load %arg5[%get3A_16, %get3A_17] : memref<1x128xf32, #tpu.memory_space<vmem>>, vector<1x128xf32>
    %add3A_19 = vector.broadcast %get3A_18 : vector<1x128xf32> to vector<1000x128xf32>
    %add3A_20 = arith.addf %mul3A_15, %add3A_19 : vector<1000x128xf32>
    %logistic3A = arith.negf %add3A_20 : vector<1000x128xf32>
    %logistic3A_21 = math.exp %logistic3A : vector<1000x128xf32>
    %logistic3A_22 = arith.constant 1.000000e+00 : f32
    %logistic3A_23 = vector.broadcast %logistic3A_22 : f32 to vector<1000x128xf32>
    %logistic3A_24 = arith.addf %logistic3A_23, %logistic3A_21 : vector<1000x128xf32>
    %logistic3A_25 = arith.divf %logistic3A_23, %logistic3A_24 : vector<1000x128xf32>
    %get3A_26 = arith.constant 0 : index
    %get3A_27 = arith.constant 0 : index
    %get3A_28 = vector.load %arg6[%get3A_26, %get3A_27] : memref<128x128xf32, #tpu.memory_space<vmem>>, vector<128x128xf32>
    %dot_general3A = arith.constant dense<0.000000e+00> : vector<1000x128xf32>
    %dot_general3A_29 = tpu.matmul %logistic3A_25, %get3A_28, %dot_general3A {dimension_numbers = #tpu.dot_dimension_numbers<[1], [1], [0], [0], [0, 0, 1, 0], [], []>, transpose_lhs_hint = false} : vector<1000x128xf32>, vector<128x128xf32>, vector<1000x128xf32> -> vector<1000x128xf32>
    %get3A_30 = arith.constant 0 : index
    %get3A_31 = arith.constant 0 : index
    %get3A_32 = vector.load %arg4[%get3A_30, %get3A_31] : memref<1000x1xf32, #tpu.memory_space<vmem>>, vector<1000x1xf32>
    %mul3A_33 = vector.broadcast %get3A_32 : vector<1000x1xf32> to vector<1000x128xf32>
    %mul3A_34 = arith.mulf %mul3A_33, %dot_general3A_29 : vector<1000x128xf32>
    %swap3A = arith.constant 0 : index
    %swap3A_35 = arith.constant 0 : index
    %swap3A_36 = vector.load %arg7[%swap3A, %swap3A_35] : memref<1000x128xf32, #tpu.memory_space<vmem>>, vector<1000x128xf32>
    tpu.vector_store %arg7[%swap3A, %swap3A_35], %mul3A_34 {strides = array<i32>} : memref<1000x128xf32, #tpu.memory_space<vmem>>, vector<1000x128xf32>,
    return
  }
  func.func @transform_0(%arg0: i32) -> (i32, i32, i32) {
    %c0_i32 = arith.constant 0 : i32
    %c0_i32_0 = arith.constant 0 : i32
    %c0_i32_1 = arith.constant 0 : i32
    return %c0_i32, %arg0, %c0_i32_0 : i32, i32, i32
  }
  func.func @transform_1(%arg0: i32) -> (i32, i32, i32) {
    %c1_i32 = arith.constant 1 : i32
    %c0_i32 = arith.constant 0 : i32
    %c0_i32_0 = arith.constant 0 : i32
    return %c1_i32, %arg0, %c0_i32 : i32, i32, i32
  }
  func.func @transform_2(%arg0: i32) -> (i32, i32) {
    %c0_i32 = arith.constant 0 : i32
    %c0_i32_0 = arith.constant 0 : i32
    return %arg0, %c0_i32 : i32, i32
  }
  func.func @transform_3(%arg0: i32) -> (i32, i32) {
    %c0_i32 = arith.constant 0 : i32
    %c0_i32_0 = arith.constant 0 : i32
    return %arg0, %c0_i32 : i32, i32
  }
  func.func @transform_4(%arg0: i32) -> (i32, i32) {
    %c0_i32 = arith.constant 0 : i32
    %c0_i32_0 = arith.constant 0 : i32
    %c0_i32_1 = arith.constant 0 : i32
    return %c0_i32, %c0_i32_0 : i32, i32
  }
  func.func @transform_5(%arg0: i32) -> (i32, i32) {
    %c0_i32 = arith.constant 0 : i32
    %c0_i32_0 = arith.constant 0 : i32
    %c0_i32_1 = arith.constant 0 : i32
    return %c0_i32, %c0_i32_0 : i32, i32
  }
  func.func @transform_6(%arg0: i32) -> (i32, i32) {
    %c0_i32 = arith.constant 0 : i32
    %c0_i32_0 = arith.constant 0 : i32
    return %arg0, %c0_i32 : i32, i32
  }
}

module attributes {stable_mosaic.version = 14 : i64} {
  func.func @body(%arg0: i32, %arg1: memref<1x1000x128xf32, #tpu.memory_space<vmem>>, %arg2: memref<1x1000x128xf32, #tpu.memory_space<vmem>>, %arg3: memref<1000x128xf32, #tpu.memory_space<vmem>>, %arg4: memref<1000x1xf32, #tpu.memory_space<vmem>>, %arg5: memref<1x128xf32, #tpu.memory_space<vmem>>, %arg6: memref<1x128xf32, #tpu.memory_space<vmem>>, %arg7: memref<1000x128xf32, #tpu.memory_space<vmem>>) attributes {dimension_semantics = [#tpu.dimension_semantics<arbitrary>], iteration_bounds = array<i64: 10>, scalar_prefetch = 0 : i64, scratch_operands = 0 : i64, tpu.core_type = #tpu.core_type<tc>, window_params = [{transform_indices = @transform_0, window_bounds = array<i64: 1, 1000, 128>}, {transform_indices = @transform_1, window_bounds = array<i64: 1, 1000, 128>}, {transform_indices = @transform_2, window_bounds = array<i64: 1000, 128>}, {transform_indices = @transform_3, window_bounds = array<i64: 1000, 1>}, {pipeline_mode = #tpu.pipeline_mode<synchronous>, transform_indices = @transform_4, window_bounds = array<i64: 1, 128>}, {pipeline_mode = #tpu.pipeline_mode<synchronous>, transform_indices = @transform_5, window_bounds = array<i64: 1, 128>}, {transform_indices = @transform_6, window_bounds = array<i64: 1000, 128>}]} {
    %get3A = arith.constant 0 : index
    %get3A_0 = arith.constant 0 : index
    %get3A_1 = arith.constant 0 : index
    %get3A_2 = vector.load %arg1[%get3A, %get3A_0, %get3A_1] : memref<1x1000x128xf32, #tpu.memory_space<vmem>>, vector<1x1000x128xf32>
    %squeeze3A = vector.shape_cast %get3A_2 : vector<1x1000x128xf32> to vector<1000x128xf32>
    %get3A_3 = arith.constant 0 : index
    %get3A_4 = arith.constant 0 : index
    %get3A_5 = arith.constant 0 : index
    %get3A_6 = vector.load %arg2[%get3A_3, %get3A_4, %get3A_5] : memref<1x1000x128xf32, #tpu.memory_space<vmem>>, vector<1x1000x128xf32>
    %squeeze3A_7 = vector.shape_cast %get3A_6 : vector<1x1000x128xf32> to vector<1000x128xf32>
    %add3A = arith.addf %squeeze3A, %squeeze3A_7 : vector<1000x128xf32>
    %get3A_8 = arith.constant 0 : index
    %get3A_9 = arith.constant 0 : index
    %get3A_10 = vector.load %arg3[%get3A_8, %get3A_9] : memref<1000x128xf32, #tpu.memory_space<vmem>>, vector<1000x128xf32>
    %add3A_11 = arith.addf %add3A, %get3A_10 : vector<1000x128xf32>
    %get3A_12 = arith.constant 0 : index
    %get3A_13 = arith.constant 0 : index
    %get3A_14 = vector.load %arg4[%get3A_12, %get3A_13] : memref<1000x1xf32, #tpu.memory_space<vmem>>, vector<1000x1xf32>
    %mul3A = vector.broadcast %get3A_14 : vector<1000x1xf32> to vector<1000x128xf32>
    %mul3A_15 = arith.mulf %mul3A, %add3A_11 : vector<1000x128xf32>
    %get3A_16 = arith.constant 0 : index
    %get3A_17 = arith.constant 0 : index
    %get3A_18 = vector.load %arg5[%get3A_16, %get3A_17] : memref<1x128xf32, #tpu.memory_space<vmem>>, vector<1x128xf32>
    %add3A_19 = vector.broadcast %get3A_18 : vector<1x128xf32> to vector<1000x128xf32>
    %add3A_20 = arith.addf %mul3A_15, %add3A_19 : vector<1000x128xf32>
    %logistic3A = arith.negf %add3A_20 : vector<1000x128xf32>
    %logistic3A_21 = math.exp %logistic3A : vector<1000x128xf32>
    %logistic3A_22 = arith.constant 1.000000e+00 : f32
    %logistic3A_23 = vector.broadcast %logistic3A_22 : f32 to vector<1000x128xf32>
    %logistic3A_24 = arith.addf %logistic3A_23, %logistic3A_21 : vector<1000x128xf32>
    %logistic3A_25 = arith.divf %logistic3A_23, %logistic3A_24 : vector<1000x128xf32>
    %get3A_26 = arith.constant 0 : index
    %get3A_27 = arith.constant 0 : index
    %get3A_28 = vector.load %arg6[%get3A_26, %get3A_27] : memref<1x128xf32, #tpu.memory_space<vmem>>, vector<1x128xf32>
    %dot_general3A = arith.constant dense<0.000000e+00> : vector<1000x1xf32>
    %dot_general3A_29 = tpu.matmul %logistic3A_25, %get3A_28, %dot_general3A {dimension_numbers = #tpu.dot_dimension_numbers<[1], [1], [0], [0], [0, 0, 1, 0], [], []>, transpose_lhs_hint = false} : vector<1000x128xf32>, vector<1x128xf32>, vector<1000x1xf32> -> vector<1000x1xf32>
    %get3A_30 = arith.constant 0 : index
    %get3A_31 = arith.constant 0 : index
    %get3A_32 = vector.load %arg4[%get3A_30, %get3A_31] : memref<1000x1xf32, #tpu.memory_space<vmem>>, vector<1000x1xf32>
    %mul3A_33 = arith.mulf %get3A_32, %dot_general3A_29 : vector<1000x1xf32>
    %broadcast_in_dim3A = vector.shape_cast %mul3A_33 : vector<1000x1xf32> to vector<1000x1xf32>
    %broadcast_in_dim3A_34 = vector.broadcast %broadcast_in_dim3A : vector<1000x1xf32> to vector<1000x128xf32>
    %swap3A = arith.constant 0 : index
    %swap3A_35 = arith.constant 0 : index
    %swap3A_36 = vector.load %arg7[%swap3A, %swap3A_35] : memref<1000x128xf32, #tpu.memory_space<vmem>>, vector<1000x128xf32>
    tpu.vector_store %arg7[%swap3A, %swap3A_35], %broadcast_in_dim3A_34 {strides = array<i32>} : memref<1000x128xf32, #tpu.memory_space<vmem>>, vector<1000x128xf32>,
    return
  }
  func.func @transform_0(%arg0: i32) -> (i32, i32, i32) {
    %c0_i32 = arith.constant 0 : i32
    %c0_i32_0 = arith.constant 0 : i32
    %c0_i32_1 = arith.constant 0 : i32
    return %c0_i32, %arg0, %c0_i32_0 : i32, i32, i32
  }
  func.func @transform_1(%arg0: i32) -> (i32, i32, i32) {
    %c1_i32 = arith.constant 1 : i32
    %c0_i32 = arith.constant 0 : i32
    %c0_i32_0 = arith.constant 0 : i32
    return %c1_i32, %arg0, %c0_i32 : i32, i32, i32
  }
  func.func @transform_2(%arg0: i32) -> (i32, i32) {
    %c0_i32 = arith.constant 0 : i32
    %c0_i32_0 = arith.constant 0 : i32
    return %arg0, %c0_i32 : i32, i32
  }
  func.func @transform_3(%arg0: i32) -> (i32, i32) {
    %c0_i32 = arith.constant 0 : i32
    %c0_i32_0 = arith.constant 0 : i32
    return %arg0, %c0_i32 : i32, i32
  }
  func.func @transform_4(%arg0: i32) -> (i32, i32) {
    %c0_i32 = arith.constant 0 : i32
    %c0_i32_0 = arith.constant 0 : i32
    %c0_i32_1 = arith.constant 0 : i32
    return %c0_i32, %c0_i32_0 : i32, i32
  }
  func.func @transform_5(%arg0: i32) -> (i32, i32) {
    %c0_i32 = arith.constant 0 : i32
    %c0_i32_0 = arith.constant 0 : i32
    %c0_i32_1 = arith.constant 0 : i32
    return %c0_i32, %c0_i32_0 : i32, i32
  }
  func.func @transform_6(%arg0: i32) -> (i32, i32) {
    %c0_i32 = arith.constant 0 : i32
    %c0_i32_0 = arith.constant 0 : i32
    return %arg0, %c0_i32 : i32, i32
  }
}

module attributes {stable_mosaic.version = 14 : i64} {
  func.func @body(%arg0: i32, %arg1: memref<1x1000x128xf32, #tpu.memory_space<vmem>>, %arg2: memref<1x1000x128xf32, #tpu.memory_space<vmem>>, %arg3: memref<1000x128xf32, #tpu.memory_space<vmem>>, %arg4: memref<1000x1xf32, #tpu.memory_space<vmem>>, %arg5: memref<1x1xf32, #tpu.memory_space<vmem>>, %arg6: memref<1000x1xf32, #tpu.memory_space<vmem>>) attributes {dimension_semantics = [#tpu.dimension_semantics<arbitrary>], iteration_bounds = array<i64: 10>, scalar_prefetch = 0 : i64, scratch_operands = 0 : i64, tpu.core_type = #tpu.core_type<tc>, window_params = [{transform_indices = @transform_0, window_bounds = array<i64: 1, 1000, 128>}, {transform_indices = @transform_1, window_bounds = array<i64: 1, 1000, 128>}, {transform_indices = @transform_2, window_bounds = array<i64: 1000, 128>}, {transform_indices = @transform_3, window_bounds = array<i64: 1000, 1>}, {pipeline_mode = #tpu.pipeline_mode<synchronous>, transform_indices = @transform_4, window_bounds = array<i64: 1, 1>}, {transform_indices = @transform_5, window_bounds = array<i64: 1000, 1>}]} {
    %get3A = arith.constant 0 : index
    %get3A_0 = arith.constant 0 : index
    %get3A_1 = arith.constant 0 : index
    %get3A_2 = vector.load %arg1[%get3A, %get3A_0, %get3A_1] : memref<1x1000x128xf32, #tpu.memory_space<vmem>>, vector<1x1000x128xf32>
    %slice3A = vector.extract_strided_slice %get3A_2 {offsets = [0, 0, 0], sizes = [1, 1000, 1], strides = [1, 1, 1]} : vector<1x1000x128xf32> to vector<1x1000x1xf32>
    %squeeze3A = vector.shape_cast %slice3A : vector<1x1000x1xf32> to vector<1000x1xf32>
    %get3A_3 = arith.constant 0 : index
    %get3A_4 = arith.constant 0 : index
    %get3A_5 = arith.constant 0 : index
    %get3A_6 = vector.load %arg2[%get3A_3, %get3A_4, %get3A_5] : memref<1x1000x128xf32, #tpu.memory_space<vmem>>, vector<1x1000x128xf32>
    %slice3A_7 = vector.extract_strided_slice %get3A_6 {offsets = [0, 0, 0], sizes = [1, 1000, 1], strides = [1, 1, 1]} : vector<1x1000x128xf32> to vector<1x1000x1xf32>
    %squeeze3A_8 = vector.shape_cast %slice3A_7 : vector<1x1000x1xf32> to vector<1000x1xf32>
    %add3A = arith.addf %squeeze3A, %squeeze3A_8 : vector<1000x1xf32>
    %get3A_9 = arith.constant 0 : index
    %get3A_10 = arith.constant 0 : index
    %get3A_11 = vector.load %arg3[%get3A_9, %get3A_10] : memref<1000x128xf32, #tpu.memory_space<vmem>>, vector<1000x128xf32>
    %slice3A_12 = vector.extract_strided_slice %get3A_11 {offsets = [0, 0], sizes = [1000, 1], strides = [1, 1]} : vector<1000x128xf32> to vector<1000x1xf32>
    %add3A_13 = arith.addf %add3A, %slice3A_12 : vector<1000x1xf32>
    %get3A_14 = arith.constant 0 : index
    %get3A_15 = arith.constant 0 : index
    %get3A_16 = vector.load %arg4[%get3A_14, %get3A_15] : memref<1000x1xf32, #tpu.memory_space<vmem>>, vector<1000x1xf32>
    %mul3A = arith.mulf %get3A_16, %add3A_13 : vector<1000x1xf32>
    %get3A_17 = arith.constant 0 : index
    %get3A_18 = arith.constant 0 : index
    %get3A_19 = vector.load %arg5[%get3A_17, %get3A_18] : memref<1x1xf32, #tpu.memory_space<vmem>>, vector<1x1xf32>
    %add3A_20 = vector.broadcast %get3A_19 : vector<1x1xf32> to vector<1000x1xf32>
    %add3A_21 = arith.addf %mul3A, %add3A_20 : vector<1000x1xf32>
    %logistic3A = arith.negf %add3A_21 : vector<1000x1xf32>
    %logistic3A_22 = math.exp %logistic3A : vector<1000x1xf32>
    %logistic3A_23 = arith.constant 1.000000e+00 : f32
    %logistic3A_24 = vector.broadcast %logistic3A_23 : f32 to vector<1000x1xf32>
    %logistic3A_25 = arith.addf %logistic3A_24, %logistic3A_22 : vector<1000x1xf32>
    %logistic3A_26 = arith.divf %logistic3A_24, %logistic3A_25 : vector<1000x1xf32>
    %add3A_27 = arith.constant 9.99999997E-7 : f32
    %add3A_28 = vector.broadcast %add3A_27 : f32 to vector<1000x1xf32>
    %add3A_29 = arith.addf %logistic3A_26, %add3A_28 : vector<1000x1xf32>
    %swap3A = arith.constant 0 : index
    %swap3A_30 = arith.constant 0 : index
    %swap3A_31 = vector.load %arg6[%swap3A, %swap3A_30] : memref<1000x1xf32, #tpu.memory_space<vmem>>, vector<1000x1xf32>
    tpu.vector_store %arg6[%swap3A, %swap3A_30], %add3A_29 {strides = array<i32>} : memref<1000x1xf32, #tpu.memory_space<vmem>>, vector<1000x1xf32>,
    return
  }
  func.func @transform_0(%arg0: i32) -> (i32, i32, i32) {
    %c0_i32 = arith.constant 0 : i32
    %c0_i32_0 = arith.constant 0 : i32
    %c0_i32_1 = arith.constant 0 : i32
    return %c0_i32, %arg0, %c0_i32_0 : i32, i32, i32
  }
  func.func @transform_1(%arg0: i32) -> (i32, i32, i32) {
    %c1_i32 = arith.constant 1 : i32
    %c0_i32 = arith.constant 0 : i32
    %c0_i32_0 = arith.constant 0 : i32
    return %c1_i32, %arg0, %c0_i32 : i32, i32, i32
  }
  func.func @transform_2(%arg0: i32) -> (i32, i32) {
    %c0_i32 = arith.constant 0 : i32
    %c0_i32_0 = arith.constant 0 : i32
    return %arg0, %c0_i32 : i32, i32
  }
  func.func @transform_3(%arg0: i32) -> (i32, i32) {
    %c0_i32 = arith.constant 0 : i32
    %c0_i32_0 = arith.constant 0 : i32
    return %arg0, %c0_i32 : i32, i32
  }
  func.func @transform_4(%arg0: i32) -> (i32, i32) {
    %c0_i32 = arith.constant 0 : i32
    %c0_i32_0 = arith.constant 0 : i32
    %c0_i32_1 = arith.constant 0 : i32
    return %c0_i32, %c0_i32_0 : i32, i32
  }
  func.func @transform_5(%arg0: i32) -> (i32, i32) {
    %c0_i32 = arith.constant 0 : i32
    %c0_i32_0 = arith.constant 0 : i32
    return %arg0, %c0_i32 : i32, i32
  }
}

</mosaic_0001>

<sc_bundles>
// kernel: kernel.10.cloned.1.call-start
scs
__scs_entry_jumppad:
0x0: {  	(pc) =	sbr.rel $0x88, $3  }
0x1: {  	(tag) =	ssettag $0x0;
	lr =	simm.s32 $0x1  }
0x2: {  	[smem:$0x3F99] =	sst lr;
	_ =	strace $0xD0000000  }
0x3: {  	_ = 	snop  }
0x4: {  	_ = 	snop  }
0x5: {  	_ = 	snop  }
0x6: {  	_ = 	snop  }
0x7: {  	_ = 	snop  }
__scs_overlays_trampoline_lowered:
0x8: {  	[smem:$0x3FA8] =	sst s0  }
0x9: {  	[smem:$0x3FA9] =	sst s1  }
0xa: {  	[smem:$0x3FAA] =	sst s2  }
0xb: {  	[smem:$0x3FAB] =	sst s3  }
0xc: {  	[smem:$0x3FAC] =	sst s4  }
0xd: {  	[smem:$0x3FAD] =	sst s5  }
0xe: {  	[smem:$0x3FAE] =	sst s6  }
0xf: {  	[smem:$0x3FAF] =	sst s7  }
0x10: {  	[smem:$0x3FB0] =	sst s8  }
0x11: {  	[smem:$0x3FB1] =	sst s9;
	s0 =	simm.s32 @!p0 $0x0  }
0x12: {  	s1 =	sld [smem:$0x3F97];
	s0 =	simm.s32 @p0 $0x1  }
0x13: {  	[smem:$0x3FB2] =	sst s0;
	s0 =	simm.s32 @!p1 $0x0  }
0x14: {  	s2 =	sld [smem:$0x3F96];
	s0 =	simm.s32 @p1 $0x1  }
0x15: {  	[smem:$0x3FB3] =	sst s0;
	s0 =	simm.s32 @!p2 $0x0  }
0x16: {  	s3 =	sld [smem:$0x3FDB];
	s0 =	simm.s32 @p2 $0x1  }
0x17: {  	s4 =	simm.s32 $0x1BF5;
	[smem:$0x3FB5] =	sst s0  }
0x18: {  	s0 =	sld [smem:$0x3F98];
	_ =	swait.ge [sflag:s4], $0x0  }
0x19: {  	s7 =	sld [smem:$0x3F99]  }
0x1a: {  	s8 =	sadd.s32 $0xFFFFE003, lr  }
0x1b: {  	s9 =	sadd.s32 $0xFFFFFEF7, lr;
	s5 =	simm.s32 $0xFFFFFFFF;
	p2 =	slt.u32 s8, $0xFFFFF086  }
0x1c: {  	p1 =	slt.u32 s9, $0xF7A;
	s5 =	simm.s32 @!p2 $0x0  }
0x1d: {  	s5 =	simm.s32 @p1 $0x1;
	p0 =	seq.s32 s7, s2  }
0x1e: {  	s7 =	smul.u32 @!p0 $0xF7A, s2;
	p2 =	seq.s32 @!p0 s5, $0x0  }
0x1f: {  	s9 =	smul.u32 $0xF7A, s1;
	s8 =	simm.s32 @!p0 $0x1BF5;
	p2 =	por !p2, p0  }
0x20: {  	[sflag:s8] =	ssyncset.s32 @!p0 $0xFFFFF086;
	s6 =	sadd.s32 @!p0 s3, s7;
	s7 =	simm.s32 @!p0 $0x108  }
0x21: {  	s3 =	sadd.s32 s3, s9;
	s6 =	sadd.s32 @!p0 $0x88, s6;
	s7 =	simm.s32 @p2 $0x1082  }
0x22: {  	[simem:s7], [sflag:s8] =	dma.local @!p0 [hbm:s6], $0xF7A  }
0x23: {  	s9 =	sor.u32 $0xD0000000, s2;
	s6 =	simm.s32 $0x108;
	_ =	swait.ge @!p0 [sflag:s8], $0x0  }
0x24: {  	s3 =	sadd.s32 $0x88, s3;
	s6 =	simm.s32 @!p1 $0x1082;
	[sflag:s4] =	ssyncset.s32 $0xFFFFF086  }
0x25: {  	[simem:s6], [sflag:s4] =	dma.local [hbm:s3], $0xF7A  }
0x26: {  	[smem:$0x3F99] =	sst s1;
	(tag) =	ssettag s2;
	_ =	strace s9  }
0x27: {  	s1 =	sld [smem:$0x3FA9]  }
0x28: {  	s2 =	sld [smem:$0x3FAA]  }
0x29: {  	s4 =	sld [smem:$0x3FAC]  }
0x2a: {  	p0 =	seq.s32 s5, $0x0;
	s5 =	sld [smem:$0x3FAD]  }
0x2b: {  	s6 =	sld [smem:$0x3FAE]  }
0x2c: {  	s7 =	sld [smem:$0x3FAF]  }
0x2d: {  	s3 =	simm.s32 $0x108;
	s8 =	sld [smem:$0x3FB0]  }
0x2e: {  	s3 =	simm.s32 @!p0 $0x1082;
	s9 =	sld [smem:$0x3FB1]  }
0x2f: {  	lr =	sadd.s32 s0, s3;
	s0 =	sld [smem:$0x3FA8]  }
0x30: {  	s3 =	sld [smem:$0x3FAB]  }
0x31: {  	[smem:$0x3FB4] =	sst s10  }
0x32: {  	s10 =	sld [smem:$0x3FB2];
	_ =	sdelay $0x3  }
0x33: {  	p0 =	seq.s32 s10, $0x1;
	s10 =	sld [smem:$0x3FB4];
	_ =	sdelay $0x3  }
0x34: {  	[smem:$0x3FB4] =	sst s10  }
0x35: {  	s10 =	sld [smem:$0x3FB3];
	_ =	sdelay $0x3  }
0x36: {  	p1 =	seq.s32 s10, $0x1;
	s10 =	sld [smem:$0x3FB4];
	_ =	sdelay $0x3  }
0x37: {  	[smem:$0x3FB4] =	sst s10  }
0x38: {  	s10 =	sld [smem:$0x3FB5]  }
0x39: {  	_ = 	snop;
	(pc) =	sbr.ind lr, $3  }
0x3a: {  	_ = 	snop  }
0x3b: {  	_ = 	snop  }
0x3c: {  	p2 =	seq.s32 s10, $0x1;
	s10 =	sld [smem:$0x3FB4]  }
0x3d: {  	_ =	shalt  }
0x3e: {  	_ =	shalt  }
0x3f: {  	_ =	shalt  }
0x40: {  	_ =	shalt  }
0x41: {  	_ =	shalt  }
0x42: {  	_ =	shalt  }
0x43: {  	_ =	shalt  }
0x44: {  	_ =	shalt  }
0x45: {  	_ =	shalt  }
0x46: {  	_ =	shalt  }
0x47: {  	_ =	shalt  }
0x48: {  	_ =	shalt  }
0x49: {  	_ =	shalt  }
0x4a: {  	_ =	shalt  }
0x4b: {  	_ =	shalt  }
0x4c: {  	_ =	shalt  }
0x4d: {  	_ =	shalt  }
0x4e: {  	_ =	shalt  }
0x4f: {  	_ =	shalt  }
0x50: {  	_ =	shalt  }
0x51: {  	_ =	shalt  }
0x52: {  	_ =	shalt  }
0x53: {  	_ =	shalt  }
0x54: {  	_ =	shalt  }
0x55: {  	_ =	shalt  }
0x56: {  	_ =	shalt  }
0x57: {  	_ =	shalt  }
0x58: {  	_ =	shalt  }
0x59: {  	_ =	shalt  }
0x5a: {  	_ =	shalt  }
0x5b: {  	_ =	shalt  }
0x5c: {  	_ =	shalt  }
0x5d: {  	_ =	shalt  }
0x5e: {  	_ =	shalt  }
0x5f: {  	_ =	shalt  }
0x60: {  	_ =	shalt  }
0x61: {  	_ =	shalt  }
0x62: {  	_ =	shalt  }
0x63: {  	_ =	shalt  }
0x64: {  	_ =	shalt  }
0x65: {  	_ =	shalt  }
0x66: {  	_ =	shalt  }
0x67: {  	_ =	shalt  }
0x68: {  	_ =	shalt  }
0x69: {  	_ =	shalt  }
0x6a: {  	_ =	shalt  }
0x6b: {  	_ =	shalt  }
0x6c: {  	_ =	shalt  }
0x6d: {  	_ =	shalt  }
0x6e: {  	_ =	shalt  }
0x6f: {  	_ =	shalt  }
0x70: {  	_ =	shalt  }
0x71: {  	_ =	shalt  }
0x72: {  	_ =	shalt  }
0x73: {  	_ =	shalt  }
0x74: {  	_ =	shalt  }
0x75: {  	_ =	shalt  }
0x76: {  	_ =	shalt  }
0x77: {  	_ =	shalt  }
0x78: {  	_ =	shalt  }
0x79: {  	_ =	shalt  }
0x7a: {  	_ =	shalt  }
0x7b: {  	_ =	shalt  }
0x7c: {  	_ =	shalt  }
0x7d: {  	_ =	shalt  }
0x7e: {  	_ =	shalt  }
0x7f: {  	_ =	shalt  }
0x80: {  	_ =	shalt  }
0x81: {  	_ =	shalt  }
0x82: {  	_ =	shalt  }
0x83: {  	_ =	shalt  }
0x84: {  	_ =	shalt  }
0x85: {  	_ =	shalt  }
0x86: {  	_ =	shalt  }
0x87: {  	_ =	shalt  }
.Lfunc_end0:
.L_simem_size_0:
called_computation_lowered:
.L_overlay_start_0:
0x88: {  	s2 =	sld [smem:$0x3FD9]  }
0x89: {  	s3 =	sld [smem:$0x3FFE];
	_ =	sdelay $0x1  }
0x8a: {  	s1 =	srdreg.scid  }
0x8b: {  	s0 =	sand.u32 $0x1, s1  }
0x8c: {  	s16 =	sshll.u32 s0, $0xA;
	s2 =	sadd.s32 s3, s2  }
0x8d: {  	s2 =	sadd.s32 s2, s16  }
0x8e: {  	[smem:$0x3FC0] =	sst s2  }
0x8f: {  	_ = 	snop  }
0x90: {  	(tm) =	ssettm $0x1  }
0x91: {  	s17 =	sld [smem:$0x3FFB];
	_ =	sdelay $0x3  }
0x92: {  	_ =	strace s17  }
0x93: {  	s2 =	sld [smem:$0x3FFC];
	_ =	sdelay $0x3  }
0x94: {  	_ =	strace s2  }
0x95: {  	s2 =	sld [smem:$0x3FFD];
	_ =	sdelay $0x3  }
0x96: {  	_ =	strace s2  }
0x97: {  	_ =	strace $0x8FFFFFFF  }
0x98: {  	s18 =	sld [smem:$0x3FDB];
	_ =	sdelay $0x1  }
0x99: {  	s19 =	simm.s32 $_scs_section_size  }
0x9a: {  	s4 =	simm.s32 $_size__tile_overlayer_lowered;
	s5 =	simm.s32 $_tile_overlayer_lowered  }
0x9b: {  	s22 =	simm.s32 $0x1BFF;
	s21 =	sshll.u32 s5, $0x1;
	s2 =	sadd.s32 s19, s18  }
0x9c: {  	s6 =	simm.s32 $0x0;
	s20 =	sshll.u32 s4, $0x1;
	s4 =	sadd.s32 s21, s2  }
0x9d: {  	[timem:s6], [sflag:s22] =	dma.local [hbm:s4], s20  }
0x9e: {  	_ =	swait.ge [sflag:s22], s20  }
0x9f: {  	s3 =	ssub.s32 $0x0, s20;
	[sflag:s22] =	ssyncset.done $0x0  }
0xa0: {  	[sflag:s22] =	ssyncadd.s32 s3;
	_ =	sdelay $0x1  }
0xa1: {  	s23 =	simm.s32 $0x1B8B  }
0xa2: {  	_ =	swait.ge [sflag:s23], $0x1  }
0xa3: {  	[sflag:s23] =	ssyncset.done $0x0  }
0xa4: {  	s25 =	simm.s32 $0x1B8E;
	s24 =	sld [smem:$0x3FFE];
	[sflag:s23] =	ssyncadd.s32 $0xFFFFFFFF  }
0xa5: {  	s26 =	simm.s32 $execute0_lowered;
	[smem:$0x3FD2] =	sst s25  }
0xa6: {  	s4 =	sshll.u32 s26, $0x1;
	_ =	strace $0x80000046;
	[dreg:$0x1] =	wrdreg $0xFFFFFFFF  }
0xa7: {  	s28 =	simm.s32 $_size_execute0_lowered;
	s2 =	sadd.s32 s2, s4;
	[dreg:$0x0] =	wrdreg $0x0  }
0xa8: {  	s4 =	sshll.u32 s28, $0x1;
	[dreg:$0x2] =	wrdreg s2  }
0xa9: {  	[dreg:$0x3] =	wrdreg s4  }
0xaa: {  	[dreg:$0x4] =	wrdreg $0xC0  }
0xab: {  	_ =	task [dreg:s6], $0x5FFFF  }
0xac: {  	[dreg:$0x1] =	wrdreg $0xFFFFFFFF  }
0xad: {  	[dreg:$0x0] =	wrdreg $0x60  }
0xae: {  	[dreg:$0x2] =	wrdreg s24  }
0xaf: {  	[dreg:$0x3] =	wrdreg $0x44000  }
0xb0: {  	[dreg:$0x4] =	wrdreg $0x9  }
0xb1: {  	_ =	task.clear_ibuf [dreg:s6], $0x5FFFF;
	_ =	strace $0x90000046  }
0xb2: {  	s29 =	simm.s32 $0x9;
	_ =	strace $0x80000048  }
0xb3: {  	_ =	swait.ge [sflag:s29], $0x1  }
0xb4: {  	[sflag:s29] =	ssyncadd.s32 $0xFFFFFFFF  }
0xb5: {  	_ =	strace $0x90000048  }
0xb6: {  	_ =	sfence  }
0xb7: {  	s30 =	sld [smem:$0x0];
	_ =	sdelay $0x2  }
0xb8: {  	s31 =	sshll.u32 s1, $0xD;
	s1 =	sshrl.u32 s1, $0x2  }
0xb9: {  	s3 =	sand.u32 $0x4000, s31;
	s1 =	sadd.s32 s1, s30  }
0xba: {  	s0 =	sor.u32 s3, s0;
	s1 =	sshll.u32 s1, $0x11  }
0xbb: {  	s0 =	sor.u32 s1, s0  }
0xbc: {  	s0 =	sadd.s32 $0x8F2B, s0  }
0xbd: {  	[sflag:s0] =	ssyncadd.remote.s32 $0x1  }
0xbe: {  	_ =	sfence.sel $0xFFFF  }
0xbf: {  	[dreg:$0x0] =	wrdreg $0xFFFFFFFF;
	(pc) =	sbr.abs _section_cstart, $3  }
0xc0: {  	[dreg:$0x1] =	wrdreg $0xFFFFFFFF  }
0xc1: {  	_ =	task.clear_ibuf [dreg:s6], $0x2FFFF;
	_ =	strace $0x9FFFFFFF  }
0xc2: {  	(tm) =	ssettm $0x7FFFFFFF  }
0xc3: {  	_ =	shalt  }
tec
execute0_lowered:
.L_overlay_start_1:
0x0: {  	(tag) =	ssettag $0x1  }
0x1: {  	s0 =	rddreg [dreg:$0x0]  }
0x2: {  	s1 =	rddreg [dreg:$0x1];
	s2 =	simm.s32 $0x0;
	s3 =	srdreg.scid  }
0x3: {  	s12 =	stileid.u32;
	[smem:$0x7FF] =	sst s2  }
0x4: {  	s4 =	sand.u32 $0x1, s3;
	s6 =	smul.u32 $0x14000, s12;
	s7 =	sadd.s32 $0x2800, s0  }
0x5: {  	s10 =	sadd.s32 $0xD600, s0;
	_ =	strace $0x80000047;
	s31 =	smul.u32 $0x140000, s4  }
0x6: {  	s3 =	sshll.u32 s4, $0x4;
	s5 =	ssub.s32 $0x2, s4;
	s4 =	smul.u32 $0x27800, s4  }
0x7: {  	s3 =	sor.u32 s12, s3;
	s8 =	sshrl.u32 s5, $0x1;
	s17 =	sadd.s32 $0x4000, s6  }
0x8: {  	s18 =	sadd.s32 $0x8000, s6;
	s22 =	sadd.s32 $0xC000, s6;
	s9 =	smul.u32 $0x2780, s3  }
0x9: {  	s3 =	ssub.s32 s5, s8;
	s8 =	smul.u32 $0x50000, s12;
	s11 =	sadd.s32 s6, s31  }
0xa: {  	s6 =	sadd.s32 $0x10000, s6;
	s14 =	sadd.s32 s31, s17;
	s15 =	sadd.s32 s31, s18  }
0xb: {  	s12 =	smul.u32 $0x2780, s12;
	s19 =	sadd.s32 s31, s22;
	s22 =	sadd.s32 s22, s1  }
0xc: {  	s13 =	sshrl.u32 s11, $0x3;
	s16 =	sshrl.u32 s15, $0x3;
	s20 =	sshrl.u32 s19, $0x3  }
0xd: {  	s5 =	sadd.s32 s31, s6;
	s9 =	sshrl.u32 s9, $0x3;
	s4 =	sadd.s32 s12, s4  }
0xe: {  	s5 =	sshrl.u32 s5, $0x3;
	s8 =	sshrl.u32 s8, $0x2;
	s24 =	sadd.s32 s7, s9  }
0xf: {  	s9 =	sadd.s32 s10, s13;
	s21 =	sadd.s32 $0x380, s4;
	s23 =	sadd.s32 $0x300, s4  }
0x10: {  	s5 =	sadd.s32 s10, s5;
	s26 =	sadd.s32 $0x280, s4;
	s28 =	sadd.s32 $0x200, s4  }
0x11: {  	s13 =	sadd.s32 $0x180, s4;
	s31 =	sadd.s32 $0x100, s4;
	s19 =	sadd.s32 s8, s1  }
0x12: {  	s8 =	simm.s32 $0x200;
	[dreg:$0x3] =	wrdreg s9;
	s9 =	sshrl.u32 s14, $0x3  }
0x13: {  	[dreg:$0x7] =	wrdreg s5;
	s25 =	sshrl.u32 s23, $0x3;
	s5 =	sshrl.u32 s26, $0x3  }
0x14: {  	s29 =	sshrl.u32 s28, $0x3;
	s30 =	sshrl.u32 s13, $0x3;
	s14 =	sadd.s32 $0x80, s4  }
0x15: {  	s4 =	sshrl.u32 s4, $0x3;
	s23 =	sadd.s32 s6, s1;
	s26 =	sadd.s32 $0x4B0, s24  }
0x16: {  	s28 =	sadd.s32 $0x4C0, s24;
	s6 =	simm.s32 $0x100;
	s9 =	sadd.s32 s10, s9  }
0x17: {  	s11 =	sadd.s32 s5, s7;
	s12 =	sadd.s32 s29, s7;
	s13 =	sadd.s32 s30, s7  }
0x18: {  	s5 =	sshrl.u32 s31, $0x3;
	s15 =	sshrl.u32 s14, $0x3;
	[dreg:$0xd] =	wrdreg s26  }
0x19: {  	[dreg:$0xe] =	wrdreg s28;
	s29 =	sadd.s32 $0x4D0, s24;
	s30 =	sadd.s32 $0x4E0, s24  }
0x1a: {  	s31 =	smax.u32 s3, $0x1;
	s3 =	simm.s32 $0x400;
	[dreg:$0x4] =	wrdreg s9  }
0x1b: {  	s26 =	simm.s32 $0x0;
	s9 =	sadd.s32 s10, s16;
	[dreg:$0xf] =	wrdreg s29  }
0x1c: {  	s14 =	sadd.s32 s5, s7;
	s15 =	sadd.s32 s15, s7;
	[dreg:$0x10] =	wrdreg s30  }
0x1d: {  	s16 =	sadd.s32 s4, s7;
	[dreg:$0x11] =	wrdreg s31;
	s4 =	simm.s32 $0x2  }
0x1e: {  	s5 =	simm.s32 $0x80;
	[dreg:$0x5] =	wrdreg s9;
	s9 =	sadd.s32 s10, s20  }
0x1f: {  	s10 =	sadd.s32 s25, s7;
	s20 =	sadd.s32 s17, s1;
	s17 =	sadd.s32 $0x480, s24  }
0x20: {  	s25 =	sadd.s32 $0x4A0, s24;
	[dreg:$0x6] =	wrdreg s9;
	s9 =	sshrl.u32 s21, $0x3  }
0x21: {  	s21 =	sadd.s32 s18, s1;
	[dreg:$0xa] =	wrdreg s17;
	s18 =	sadd.s32 $0x490, s24  }
0x22: {  	[dreg:$0xc] =	wrdreg s25;
	s17 =	simm.s32 $0x280;
	s24 =	simm.s32 $0x380  }
0x23: {  	s9 =	sadd.s32 s9, s7;
	s7 =	sadd.s32 $0xC600, s0;
	[dreg:$0xb] =	wrdreg s18  }
0x24: {  	s25 =	simm.s32 $0x1;
	s0 =	sadd.s32 $0xCE00, s0;
	[dreg:$0x8] =	wrdreg s7  }
0x25: {  	s18 =	simm.s32 $0x300;
	[dreg:$0x9] =	wrdreg s0;
	s7 =	simm.s32 $0x180  }
.LBB2_1:
0x26: {  	s0 =	rddreg [dreg:$0x8]  }
0x27: {  	[tilespmem:s3], [sflag:$0x2] =	stream.linear.gather [hbm4b:s0+s2], $0x4000, $0x38;
	[tilespmem:$0x18400] =	vst v63  }
0x28: {  	_ =	swait.ge [sflag:s4], $0x4000  }
0x29: {  	[sflag:s4] =	ssyncset.done $0x0  }
0x2a: {  	[sflag:s4] =	ssyncadd.s32 $0xFFFFC000  }
0x2b: {  	[spmem:s19] =	stream.linear.scatter [tilespmem:s3], [sflag:$0x2], $0x4000, $0x38;
	[tilespmem:$0x18400] =	vst v63  }
0x2c: {  	_ =	swait.ge [sflag:s4], $0x4000  }
0x2d: {  	[sflag:s4] =	ssyncset.done $0x0  }
0x2e: {  	[sflag:s4] =	ssyncadd.s32 $0xFFFFC000  }
0x2f: {  	[spmem:s20] =	stream.linear.scatter [tilespmem:s3], [sflag:$0x2], $0x4000, $0x38;
	[tilespmem:$0x18400] =	vst v63  }
0x30: {  	_ =	swait.ge [sflag:s4], $0x4000  }
0x31: {  	[sflag:s4] =	ssyncset.done $0x0  }
0x32: {  	[sflag:s4] =	ssyncadd.s32 $0xFFFFC000  }
0x33: {  	[spmem:s21] =	stream.linear.scatter [tilespmem:s3], [sflag:$0x2], $0x4000, $0x38;
	[tilespmem:$0x18400] =	vst v63  }
0x34: {  	_ =	swait.ge [sflag:s4], $0x4000  }
0x35: {  	[sflag:s4] =	ssyncset.done $0x0  }
0x36: {  	[sflag:s4] =	ssyncadd.s32 $0xFFFFC000  }
0x37: {  	[spmem:s22] =	stream.linear.scatter [tilespmem:s3], [sflag:$0x2], $0x4000, $0x38;
	[tilespmem:$0x18400] =	vst v63  }
0x38: {  	_ =	swait.ge [sflag:s4], $0x4000  }
0x39: {  	[sflag:s4] =	ssyncset.done $0x0  }
0x3a: {  	[sflag:s4] =	ssyncadd.s32 $0xFFFFC000  }
0x3b: {  	[spmem:s23] =	stream.linear.scatter [tilespmem:s3], [sflag:$0x2], $0x4000, $0x38;
	[tilespmem:$0x18400] =	vst v63  }
0x3c: {  	_ =	swait.ge [sflag:s4], $0x4000  }
0x3d: {  	[sflag:s4] =	ssyncset.done $0x0  }
0x3e: {  	[sflag:s4] =	ssyncadd.s32 $0xFFFFC000  }
0x3f: {  	[bflag:$0x0] =	sbarrier.arrive $0xFFFF  }
0x40: {  	s31 =	rddreg [dreg:$0x9]  }
0x41: {  	[tilespmem:s3], [sflag:$0x2] =	stream.linear.gather [hbm4b:s31+s2], $0x4000, $0x38;
	[tilespmem:$0x18400] =	vst v63  }
0x42: {  	_ =	swait.ge [sflag:s4], $0x4000  }
0x43: {  	[sflag:s4] =	ssyncset.done $0x0  }
0x44: {  	s28 =	sadd.s32 $0x0, s16;
	[sflag:s4] =	ssyncadd.s32 $0xFFFFC000  }
0x45: {  	[tilespmem:s2], [sflag:$0x2] =	stream.linear.gather [hbm4b:s28+s2], $0x80, $0x38;
	[tilespmem:$0x18400] =	vst v63  }
0x46: {  	_ =	swait.ge [sflag:s4], $0x80  }
0x47: {  	[sflag:s4] =	ssyncset.done $0x0  }
0x48: {  	[sflag:s4] =	ssyncadd.s32 $0xFFFFFF80  }
0x49: {  	[spmem:s1] =	stream.indirect.scatter.add.f32 [tilespmem:s3], [sflag:$0x1], $0x80, s2, s5, $0xb8;
	[tilespmem:$0x18400] =	vst v63  }
0x4a: {  	s28 =	sadd.s32 $0x0, s15  }
0x4b: {  	[tilespmem:s5], [sflag:$0x2] =	stream.linear.gather [hbm4b:s28+s2], $0x80, $0x38;
	[tilespmem:$0x18400] =	vst v63  }
0x4c: {  	_ =	swait.ge [sflag:s4], $0x80  }
0x4d: {  	[sflag:s4] =	ssyncset.done $0x0  }
0x4e: {  	[sflag:s4] =	ssyncadd.s32 $0xFFFFFF80  }
0x4f: {  	[spmem:s1] =	stream.indirect.scatter.add.f32 [tilespmem:s3], [sflag:$0x1], $0x80, s5, s5, $0xb8;
	[tilespmem:$0x18400] =	vst v63  }
0x50: {  	s28 =	sadd.s32 $0x0, s14  }
0x51: {  	[tilespmem:s6], [sflag:$0x2] =	stream.linear.gather [hbm4b:s28+s2], $0x80, $0x38;
	[tilespmem:$0x18400] =	vst v63  }
0x52: {  	_ =	swait.ge [sflag:s4], $0x80  }
0x53: {  	[sflag:s4] =	ssyncset.done $0x0  }
0x54: {  	[sflag:s4] =	ssyncadd.s32 $0xFFFFFF80  }
0x55: {  	[spmem:s1] =	stream.indirect.scatter.add.f32 [tilespmem:s3], [sflag:$0x1], $0x80, s6, s5, $0xb8;
	[tilespmem:$0x18400] =	vst v63  }
0x56: {  	s28 =	sadd.s32 $0x0, s13  }
0x57: {  	[tilespmem:s7], [sflag:$0x2] =	stream.linear.gather [hbm4b:s28+s2], $0x80, $0x38;
	[tilespmem:$0x18400] =	vst v63  }
0x58: {  	_ =	swait.ge [sflag:s4], $0x80  }
0x59: {  	[sflag:s4] =	ssyncset.done $0x0  }
0x5a: {  	[sflag:s4] =	ssyncadd.s32 $0xFFFFFF80  }
0x5b: {  	[spmem:s1] =	stream.indirect.scatter.add.f32 [tilespmem:s3], [sflag:$0x1], $0x80, s7, s5, $0xb8;
	[tilespmem:$0x18400] =	vst v63  }
0x5c: {  	s28 =	sadd.s32 $0x0, s12  }
0x5d: {  	[tilespmem:s8], [sflag:$0x2] =	stream.linear.gather [hbm4b:s28+s2], $0x80, $0x38;
	[tilespmem:$0x18400] =	vst v63  }
0x5e: {  	_ =	swait.ge [sflag:s4], $0x80  }
0x5f: {  	[sflag:s4] =	ssyncset.done $0x0  }
0x60: {  	[sflag:s4] =	ssyncadd.s32 $0xFFFFFF80  }
0x61: {  	[spmem:s1] =	stream.indirect.scatter.add.f32 [tilespmem:s3], [sflag:$0x1], $0x80, s8, s5, $0xb8;
	[tilespmem:$0x18400] =	vst v63  }
0x62: {  	s28 =	sadd.s32 $0x0, s11  }
0x63: {  	[tilespmem:s17], [sflag:$0x2] =	stream.linear.gather [hbm4b:s28+s2], $0x80, $0x38;
	[tilespmem:$0x18400] =	vst v63  }
0x64: {  	_ =	swait.ge [sflag:s4], $0x80  }
0x65: {  	[sflag:s4] =	ssyncset.done $0x0  }
0x66: {  	[sflag:s4] =	ssyncadd.s32 $0xFFFFFF80  }
0x67: {  	[spmem:s1] =	stream.indirect.scatter.add.f32 [tilespmem:s3], [sflag:$0x1], $0x80, s17, s5, $0xb8;
	[tilespmem:$0x18400] =	vst v63  }
0x68: {  	s28 =	sadd.s32 $0x0, s10  }
0x69: {  	[tilespmem:s18], [sflag:$0x2] =	stream.linear.gather [hbm4b:s28+s2], $0x80, $0x38;
	[tilespmem:$0x18400] =	vst v63  }
0x6a: {  	_ =	swait.ge [sflag:s4], $0x80  }
0x6b: {  	[sflag:s4] =	ssyncset.done $0x0  }
0x6c: {  	[sflag:s4] =	ssyncadd.s32 $0xFFFFFF80  }
0x6d: {  	[spmem:s1] =	stream.indirect.scatter.add.f32 [tilespmem:s3], [sflag:$0x1], $0x80, s18, s5, $0xb8;
	[tilespmem:$0x18400] =	vst v63  }
0x6e: {  	s28 =	sadd.s32 $0x0, s9  }
0x6f: {  	[tilespmem:s24], [sflag:$0x2] =	stream.linear.gather [hbm4b:s28+s2], $0x80, $0x38;
	[tilespmem:$0x18400] =	vst v63  }
0x70: {  	_ =	swait.ge [sflag:s4], $0x80  }
0x71: {  	[sflag:s4] =	ssyncset.done $0x0  }
0x72: {  	[sflag:s4] =	ssyncadd.s32 $0xFFFFFF80  }
0x73: {  	[spmem:s1] =	stream.indirect.scatter.add.f32 [tilespmem:s3], [sflag:$0x1], $0x80, s24, s5, $0xb8;
	[tilespmem:$0x18400] =	vst v63  }
0x74: {  	_ =	swait.ge [sflag:s25], $0x4000  }
0x75: {  	[sflag:s25] =	ssyncset.done $0x0  }
0x76: {  	[sflag:s25] =	ssyncadd.s32 $0xFFFFC000  }
0x77: {  	_ =	swait.ge [sflag:s25], $0x4000  }
0x78: {  	[sflag:s25] =	ssyncset.done $0x0  }
0x79: {  	[sflag:s25] =	ssyncadd.s32 $0xFFFFC000  }
0x7a: {  	_ =	swait.ge [sflag:s25], $0x4000  }
0x7b: {  	[sflag:s25] =	ssyncset.done $0x0  }
0x7c: {  	[sflag:s25] =	ssyncadd.s32 $0xFFFFC000  }
0x7d: {  	_ =	swait.ge [sflag:s25], $0x4000  }
0x7e: {  	[sflag:s25] =	ssyncset.done $0x0  }
0x7f: {  	[sflag:s25] =	ssyncadd.s32 $0xFFFFC000  }
0x80: {  	_ =	swait.ge [sflag:s25], $0x4000  }
0x81: {  	[sflag:s25] =	ssyncset.done $0x0  }
0x82: {  	[sflag:s25] =	ssyncadd.s32 $0xFFFFC000  }
0x83: {  	_ =	swait.ge [sflag:s25], $0x4000  }
0x84: {  	[sflag:s25] =	ssyncset.done $0x0  }
0x85: {  	[sflag:s25] =	ssyncadd.s32 $0xFFFFC000  }
0x86: {  	_ =	swait.ge [sflag:s25], $0x4000  }
0x87: {  	[sflag:s25] =	ssyncset.done $0x0  }
0x88: {  	[sflag:s25] =	ssyncadd.s32 $0xFFFFC000  }
0x89: {  	_ =	swait.ge [sflag:s25], $0x4000  }
0x8a: {  	s29 =	simm.s32 $0x100;
	s28 =	simm.s32 $0x80;
	[sflag:s25] =	ssyncset.done $0x0  }
.LBB2_2:
0x8b: {  	s0 =	sadd.s32 s28, s16  }
0x8c: {  	[sflag:s25] =	ssyncadd.s32 $0xFFFFC000;
	s30 =	smov.u32 s29;
	s31 =	sadd.s32 $0x80, s29  }
0x8d: {  	[tilespmem:s2], [sflag:$0x2] =	stream.linear.gather [hbm4b:s0+s2], $0x80, $0x38;
	[tilespmem:$0x18400] =	vst v63  }
0x8e: {  	p0 =	sne.s32 s29, $0x400;
	_ =	swait.ge [sflag:s4], $0x80  }
0x8f: {  	[sflag:s4] =	ssyncset.done $0x0  }
0x90: {  	[sflag:s4] =	ssyncadd.s32 $0xFFFFFF80  }
0x91: {  	[spmem:s1] =	stream.indirect.scatter.add.f32 [tilespmem:s3], [sflag:$0x1], $0x80, s2, s5, $0xb8;
	[tilespmem:$0x18400] =	vst v63  }
0x92: {  	s0 =	sadd.s32 s28, s15  }
0x93: {  	[tilespmem:s5], [sflag:$0x2] =	stream.linear.gather [hbm4b:s0+s2], $0x80, $0x38;
	[tilespmem:$0x18400] =	vst v63  }
0x94: {  	_ =	swait.ge [sflag:s4], $0x80  }
0x95: {  	[sflag:s4] =	ssyncset.done $0x0  }
0x96: {  	[sflag:s4] =	ssyncadd.s32 $0xFFFFFF80  }
0x97: {  	[spmem:s1] =	stream.indirect.scatter.add.f32 [tilespmem:s3], [sflag:$0x1], $0x80, s5, s5, $0xb8;
	[tilespmem:$0x18400] =	vst v63  }
0x98: {  	s0 =	sadd.s32 s28, s14  }
0x99: {  	[tilespmem:s6], [sflag:$0x2] =	stream.linear.gather [hbm4b:s0+s2], $0x80, $0x38;
	[tilespmem:$0x18400] =	vst v63  }
0x9a: {  	_ =	swait.ge [sflag:s4], $0x80  }
0x9b: {  	[sflag:s4] =	ssyncset.done $0x0  }
0x9c: {  	[sflag:s4] =	ssyncadd.s32 $0xFFFFFF80  }
0x9d: {  	[spmem:s1] =	stream.indirect.scatter.add.f32 [tilespmem:s3], [sflag:$0x1], $0x80, s6, s5, $0xb8;
	[tilespmem:$0x18400] =	vst v63  }
0x9e: {  	s0 =	sadd.s32 s28, s13  }
0x9f: {  	[tilespmem:s7], [sflag:$0x2] =	stream.linear.gather [hbm4b:s0+s2], $0x80, $0x38;
	[tilespmem:$0x18400] =	vst v63  }
0xa0: {  	_ =	swait.ge [sflag:s4], $0x80  }
0xa1: {  	[sflag:s4] =	ssyncset.done $0x0  }
0xa2: {  	[sflag:s4] =	ssyncadd.s32 $0xFFFFFF80  }
0xa3: {  	[spmem:s1] =	stream.indirect.scatter.add.f32 [tilespmem:s3], [sflag:$0x1], $0x80, s7, s5, $0xb8;
	[tilespmem:$0x18400] =	vst v63  }
0xa4: {  	s0 =	sadd.s32 s28, s12  }
0xa5: {  	[tilespmem:s8], [sflag:$0x2] =	stream.linear.gather [hbm4b:s0+s2], $0x80, $0x38;
	[tilespmem:$0x18400] =	vst v63  }
0xa6: {  	_ =	swait.ge [sflag:s4], $0x80  }
0xa7: {  	[sflag:s4] =	ssyncset.done $0x0  }
0xa8: {  	[sflag:s4] =	ssyncadd.s32 $0xFFFFFF80  }
0xa9: {  	[spmem:s1] =	stream.indirect.scatter.add.f32 [tilespmem:s3], [sflag:$0x1], $0x80, s8, s5, $0xb8;
	[tilespmem:$0x18400] =	vst v63  }
0xaa: {  	s0 =	sadd.s32 s28, s11  }
0xab: {  	[tilespmem:s17], [sflag:$0x2] =	stream.linear.gather [hbm4b:s0+s2], $0x80, $0x38;
	[tilespmem:$0x18400] =	vst v63  }
0xac: {  	_ =	swait.ge [sflag:s4], $0x80  }
0xad: {  	[sflag:s4] =	ssyncset.done $0x0  }
0xae: {  	[sflag:s4] =	ssyncadd.s32 $0xFFFFFF80  }
0xaf: {  	[spmem:s1] =	stream.indirect.scatter.add.f32 [tilespmem:s3], [sflag:$0x1], $0x80, s17, s5, $0xb8;
	[tilespmem:$0x18400] =	vst v63  }
0xb0: {  	s0 =	sadd.s32 s28, s10  }
0xb1: {  	[tilespmem:s18], [sflag:$0x2] =	stream.linear.gather [hbm4b:s0+s2], $0x80, $0x38;
	[tilespmem:$0x18400] =	vst v63  }
0xb2: {  	_ =	swait.ge [sflag:s4], $0x80  }
0xb3: {  	[sflag:s4] =	ssyncset.done $0x0  }
0xb4: {  	[sflag:s4] =	ssyncadd.s32 $0xFFFFFF80  }
0xb5: {  	[spmem:s1] =	stream.indirect.scatter.add.f32 [tilespmem:s3], [sflag:$0x1], $0x80, s18, s5, $0xb8;
	[tilespmem:$0x18400] =	vst v63  }
0xb6: {  	s0 =	sadd.s32 s28, s9;
	s28 =	smov.u32 s30  }
0xb7: {  	[tilespmem:s24], [sflag:$0x2] =	stream.linear.gather [hbm4b:s0+s2], $0x80, $0x38;
	[tilespmem:$0x18400] =	vst v63  }
0xb8: {  	_ =	swait.ge [sflag:s4], $0x80  }
0xb9: {  	[sflag:s4] =	ssyncset.done $0x0  }
0xba: {  	[sflag:s4] =	ssyncadd.s32 $0xFFFFFF80  }
0xbb: {  	[spmem:s1] =	stream.indirect.scatter.add.f32 [tilespmem:s3], [sflag:$0x1], $0x80, s24, s5, $0xb8;
	[tilespmem:$0x18400] =	vst v63  }
0xbc: {  	_ =	swait.ge [sflag:s25], $0x4000  }
0xbd: {  	[sflag:s25] =	ssyncset.done $0x0  }
0xbe: {  	[sflag:s25] =	ssyncadd.s32 $0xFFFFC000  }
0xbf: {  	_ =	swait.ge [sflag:s25], $0x4000  }
0xc0: {  	[sflag:s25] =	ssyncset.done $0x0  }
0xc1: {  	[sflag:s25] =	ssyncadd.s32 $0xFFFFC000  }
0xc2: {  	_ =	swait.ge [sflag:s25], $0x4000  }
0xc3: {  	[sflag:s25] =	ssyncset.done $0x0  }
0xc4: {  	[sflag:s25] =	ssyncadd.s32 $0xFFFFC000  }
0xc5: {  	_ =	swait.ge [sflag:s25], $0x4000  }
0xc6: {  	[sflag:s25] =	ssyncset.done $0x0  }
0xc7: {  	[sflag:s25] =	ssyncadd.s32 $0xFFFFC000  }
0xc8: {  	_ =	swait.ge [sflag:s25], $0x4000  }
0xc9: {  	[sflag:s25] =	ssyncset.done $0x0  }
0xca: {  	[sflag:s25] =	ssyncadd.s32 $0xFFFFC000  }
0xcb: {  	_ =	swait.ge [sflag:s25], $0x4000  }
0xcc: {  	[sflag:s25] =	ssyncset.done $0x0  }
0xcd: {  	[sflag:s25] =	ssyncadd.s32 $0xFFFFC000  }
.Ltmp0:
0xce: {  	_ =	swait.ge [sflag:s25], $0x4000;
	(pc) =	sbr.rel @p0 .LBB2_2-.Ltmp0, $4  }
0xcf: {  	[sflag:s25] =	ssyncset.done $0x0  }
0xd0: {  	[sflag:s25] =	ssyncadd.s32 $0xFFFFC000  }
0xd1: {  	_ =	swait.ge [sflag:s25], $0x4000  }
0xd2: {  	s29 =	smov.u32 s31;
	[sflag:s25] =	ssyncset.done $0x0  }
0xd3: {  	s0 =	sadd.s32 s28, s16;
	[sflag:s25] =	ssyncadd.s32 $0xFFFFC000  }
0xd4: {  	[tilespmem:s2], [sflag:$0x2] =	stream.linear.gather [hbm4b:s0+s2], $0x80, $0x38;
	[tilespmem:$0x18400] =	vst v63  }
0xd5: {  	_ =	swait.ge [sflag:s4], $0x80  }
0xd6: {  	[sflag:s4] =	ssyncset.done $0x0  }
0xd7: {  	[sflag:s4] =	ssyncadd.s32 $0xFFFFFF80  }
0xd8: {  	[spmem:s1] =	stream.indirect.scatter.add.f32 [tilespmem:s3], [sflag:$0x1], $0x80, s2, s5, $0xb8;
	[tilespmem:$0x18400] =	vst v63  }
0xd9: {  	s29 =	sadd.s32 s28, s15  }
0xda: {  	[tilespmem:s5], [sflag:$0x2] =	stream.linear.gather [hbm4b:s29+s2], $0x80, $0x38;
	[tilespmem:$0x18400] =	vst v63  }
0xdb: {  	_ =	swait.ge [sflag:s4], $0x80  }
0xdc: {  	[sflag:s4] =	ssyncset.done $0x0  }
0xdd: {  	[sflag:s4] =	ssyncadd.s32 $0xFFFFFF80  }
0xde: {  	[spmem:s1] =	stream.indirect.scatter.add.f32 [tilespmem:s3], [sflag:$0x1], $0x80, s5, s5, $0xb8;
	[tilespmem:$0x18400] =	vst v63  }
0xdf: {  	s30 =	sadd.s32 s28, s14  }
0xe0: {  	[tilespmem:s6], [sflag:$0x2] =	stream.linear.gather [hbm4b:s30+s2], $0x80, $0x38;
	[tilespmem:$0x18400] =	vst v63  }
0xe1: {  	_ =	swait.ge [sflag:s4], $0x80  }
0xe2: {  	[sflag:s4] =	ssyncset.done $0x0  }
0xe3: {  	[sflag:s4] =	ssyncadd.s32 $0xFFFFFF80  }
0xe4: {  	[spmem:s1] =	stream.indirect.scatter.add.f32 [tilespmem:s3], [sflag:$0x1], $0x80, s6, s5, $0xb8;
	[tilespmem:$0x18400] =	vst v63  }
0xe5: {  	s31 =	sadd.s32 s28, s13  }
0xe6: {  	[tilespmem:s7], [sflag:$0x2] =	stream.linear.gather [hbm4b:s31+s2], $0x80, $0x38;
	[tilespmem:$0x18400] =	vst v63  }
0xe7: {  	_ =	swait.ge [sflag:s4], $0x80  }
0xe8: {  	[sflag:s4] =	ssyncset.done $0x0  }
0xe9: {  	[sflag:s4] =	ssyncadd.s32 $0xFFFFFF80  }
0xea: {  	[spmem:s1] =	stream.indirect.scatter.add.f32 [tilespmem:s3], [sflag:$0x1], $0x80, s7, s5, $0xb8;
	[tilespmem:$0x18400] =	vst v63  }
0xeb: {  	s29 =	sadd.s32 s28, s12  }
0xec: {  	[tilespmem:s8], [sflag:$0x2] =	stream.linear.gather [hbm4b:s29+s2], $0x80, $0x38;
	[tilespmem:$0x18400] =	vst v63  }
0xed: {  	_ =	swait.ge [sflag:s4], $0x80  }
0xee: {  	[sflag:s4] =	ssyncset.done $0x0  }
0xef: {  	[sflag:s4] =	ssyncadd.s32 $0xFFFFFF80  }
0xf0: {  	[spmem:s1] =	stream.indirect.scatter.add.f32 [tilespmem:s3], [sflag:$0x1], $0x80, s8, s5, $0xb8;
	[tilespmem:$0x18400] =	vst v63  }
0xf1: {  	s30 =	sadd.s32 s28, s11  }
0xf2: {  	[tilespmem:s17], [sflag:$0x2] =	stream.linear.gather [hbm4b:s30+s2], $0x80, $0x38;
	[tilespmem:$0x18400] =	vst v63  }
0xf3: {  	_ =	swait.ge [sflag:s4], $0x80  }
0xf4: {  	[sflag:s4] =	ssyncset.done $0x0  }
0xf5: {  	[sflag:s4] =	ssyncadd.s32 $0xFFFFFF80  }
0xf6: {  	[spmem:s1] =	stream.indirect.scatter.add.f32 [tilespmem:s3], [sflag:$0x1], $0x80, s17, s5, $0xb8;
	[tilespmem:$0x18400] =	vst v63  }
0xf7: {  	s31 =	sadd.s32 s28, s10  }
0xf8: {  	[tilespmem:s18], [sflag:$0x2] =	stream.linear.gather [hbm4b:s31+s2], $0x80, $0x38;
	[tilespmem:$0x18400] =	vst v63  }
0xf9: {  	_ =	swait.ge [sflag:s4], $0x80  }
0xfa: {  	[sflag:s4] =	ssyncset.done $0x0  }
0xfb: {  	[sflag:s4] =	ssyncadd.s32 $0xFFFFFF80  }
0xfc: {  	[spmem:s1] =	stream.indirect.scatter.add.f32 [tilespmem:s3], [sflag:$0x1], $0x80, s18, s5, $0xb8;
	[tilespmem:$0x18400] =	vst v63  }
0xfd: {  	s29 =	sadd.s32 s28, s9  }
0xfe: {  	[tilespmem:s24], [sflag:$0x2] =	stream.linear.gather [hbm4b:s29+s2], $0x80, $0x38;
	[tilespmem:$0x18400] =	vst v63  }
0xff: {  	_ =	swait.ge [sflag:s4], $0x80  }
0x100: {  	[sflag:s4] =	ssyncset.done $0x0  }
0x101: {  	[sflag:s4] =	ssyncadd.s32 $0xFFFFFF80  }
0x102: {  	[spmem:s1] =	stream.indirect.scatter.add.f32 [tilespmem:s3], [sflag:$0x1], $0x80, s24, s5, $0xb8;
	[tilespmem:$0x18400] =	vst v63  }
0x103: {  	_ =	swait.ge [sflag:s25], $0x4000  }
0x104: {  	[sflag:s25] =	ssyncset.done $0x0  }
0x105: {  	[sflag:s25] =	ssyncadd.s32 $0xFFFFC000  }
0x106: {  	_ =	swait.ge [sflag:s25], $0x4000  }
0x107: {  	[sflag:s25] =	ssyncset.done $0x0  }
0x108: {  	[sflag:s25] =	ssyncadd.s32 $0xFFFFC000  }
0x109: {  	_ =	swait.ge [sflag:s25], $0x4000  }
0x10a: {  	[sflag:s25] =	ssyncset.done $0x0  }
0x10b: {  	[sflag:s25] =	ssyncadd.s32 $0xFFFFC000  }
0x10c: {  	_ =	swait.ge [sflag:s25], $0x4000  }
0x10d: {  	[sflag:s25] =	ssyncset.done $0x0  }
0x10e: {  	[sflag:s25] =	ssyncadd.s32 $0xFFFFC000  }
0x10f: {  	_ =	swait.ge [sflag:s25], $0x4000  }
0x110: {  	[sflag:s25] =	ssyncset.done $0x0  }
0x111: {  	[sflag:s25] =	ssyncadd.s32 $0xFFFFC000  }
0x112: {  	_ =	swait.ge [sflag:s25], $0x4000  }
0x113: {  	[sflag:s25] =	ssyncset.done $0x0  }
0x114: {  	[sflag:s25] =	ssyncadd.s32 $0xFFFFC000  }
0x115: {  	_ =	swait.ge [sflag:s25], $0x4000  }
0x116: {  	[sflag:s25] =	ssyncset.done $0x0  }
0x117: {  	[sflag:s25] =	ssyncadd.s32 $0xFFFFC000  }
0x118: {  	_ =	swait.ge [sflag:s25], $0x4000  }
0x119: {  	[sflag:s25] =	ssyncset.done $0x0  }
0x11a: {  	s30 =	rddreg [dreg:$0xa];
	[sflag:s25] =	ssyncadd.s32 $0xFFFFC000  }
0x11b: {  	[tilespmem:s2], [sflag:$0x2] =	stream.linear.gather [hbm4b:s30+s2], $0x80, $0x38;
	[tilespmem:$0x18400] =	vst v63  }
0x11c: {  	_ =	swait.ge [sflag:s4], $0x80  }
0x11d: {  	[sflag:s4] =	ssyncset.done $0x0  }
0x11e: {  	[sflag:s4] =	ssyncadd.s32 $0xFFFFFF80  }
0x11f: {  	[spmem:s1] =	stream.indirect.scatter.add.f32 [tilespmem:s3], [sflag:$0x2], $0x80, s2, s5, $0xb8;
	[tilespmem:$0x18400] =	vst v63  }
0x120: {  	_ =	swait.ge [sflag:s4], $0x4000  }
0x121: {  	[sflag:s4] =	ssyncset.done $0x0  }
0x122: {  	s31 =	rddreg [dreg:$0xb];
	[sflag:s4] =	ssyncadd.s32 $0xFFFFC000  }
0x123: {  	[tilespmem:s2], [sflag:$0x2] =	stream.linear.gather [hbm4b:s31+s2], $0x80, $0x38;
	[tilespmem:$0x18400] =	vst v63  }
0x124: {  	_ =	swait.ge [sflag:s4], $0x80  }
0x125: {  	[sflag:s4] =	ssyncset.done $0x0  }
0x126: {  	[sflag:s4] =	ssyncadd.s32 $0xFFFFFF80  }
0x127: {  	[spmem:s1] =	stream.indirect.scatter.add.f32 [tilespmem:s3], [sflag:$0x2], $0x80, s2, s5, $0xb8;
	[tilespmem:$0x18400] =	vst v63  }
0x128: {  	_ =	swait.ge [sflag:s4], $0x4000  }
0x129: {  	[sflag:s4] =	ssyncset.done $0x0  }
0x12a: {  	s28 =	rddreg [dreg:$0xc];
	[sflag:s4] =	ssyncadd.s32 $0xFFFFC000  }
0x12b: {  	[tilespmem:s2], [sflag:$0x2] =	stream.linear.gather [hbm4b:s28+s2], $0x80, $0x38;
	[tilespmem:$0x18400] =	vst v63  }
0x12c: {  	_ =	swait.ge [sflag:s4], $0x80  }
0x12d: {  	[sflag:s4] =	ssyncset.done $0x0  }
0x12e: {  	[sflag:s4] =	ssyncadd.s32 $0xFFFFFF80  }
0x12f: {  	[spmem:s1] =	stream.indirect.scatter.add.f32 [tilespmem:s3], [sflag:$0x2], $0x80, s2, s5, $0xb8;
	[tilespmem:$0x18400] =	vst v63  }
0x130: {  	_ =	swait.ge [sflag:s4], $0x4000  }
0x131: {  	[sflag:s4] =	ssyncset.done $0x0  }
0x132: {  	s29 =	rddreg [dreg:$0xd];
	[sflag:s4] =	ssyncadd.s32 $0xFFFFC000  }
0x133: {  	[tilespmem:s2], [sflag:$0x2] =	stream.linear.gather [hbm4b:s29+s2], $0x80, $0x38;
	[tilespmem:$0x18400] =	vst v63  }
0x134: {  	_ =	swait.ge [sflag:s4], $0x80  }
0x135: {  	[sflag:s4] =	ssyncset.done $0x0  }
0x136: {  	[sflag:s4] =	ssyncadd.s32 $0xFFFFFF80  }
0x137: {  	[spmem:s1] =	stream.indirect.scatter.add.f32 [tilespmem:s3], [sflag:$0x2], $0x80, s2, s5, $0xb8;
	[tilespmem:$0x18400] =	vst v63  }
0x138: {  	_ =	swait.ge [sflag:s4], $0x4000  }
0x139: {  	[sflag:s4] =	ssyncset.done $0x0  }
0x13a: {  	s30 =	rddreg [dreg:$0xe];
	[sflag:s4] =	ssyncadd.s32 $0xFFFFC000  }
0x13b: {  	[tilespmem:s2], [sflag:$0x2] =	stream.linear.gather [hbm4b:s30+s2], $0x80, $0x38;
	[tilespmem:$0x18400] =	vst v63  }
0x13c: {  	_ =	swait.ge [sflag:s4], $0x80  }
0x13d: {  	[sflag:s4] =	ssyncset.done $0x0  }
0x13e: {  	[sflag:s4] =	ssyncadd.s32 $0xFFFFFF80  }
0x13f: {  	[spmem:s1] =	stream.indirect.scatter.add.f32 [tilespmem:s3], [sflag:$0x2], $0x80, s2, s5, $0xb8;
	[tilespmem:$0x18400] =	vst v63  }
0x140: {  	_ =	swait.ge [sflag:s4], $0x4000  }
0x141: {  	[sflag:s4] =	ssyncset.done $0x0  }
0x142: {  	s31 =	rddreg [dreg:$0xf];
	[sflag:s4] =	ssyncadd.s32 $0xFFFFC000  }
0x143: {  	[tilespmem:s2], [sflag:$0x2] =	stream.linear.gather [hbm4b:s31+s2], $0x80, $0x38;
	[tilespmem:$0x18400] =	vst v63  }
0x144: {  	_ =	swait.ge [sflag:s4], $0x80  }
0x145: {  	[sflag:s4] =	ssyncset.done $0x0  }
0x146: {  	[sflag:s4] =	ssyncadd.s32 $0xFFFFFF80  }
0x147: {  	[spmem:s1] =	stream.indirect.scatter.add.f32 [tilespmem:s3], [sflag:$0x2], $0x80, s2, s5, $0xb8;
	[tilespmem:$0x18400] =	vst v63  }
0x148: {  	_ =	swait.ge [sflag:s4], $0x4000  }
0x149: {  	[sflag:s4] =	ssyncset.done $0x0  }
0x14a: {  	s28 =	rddreg [dreg:$0x10];
	[sflag:s4] =	ssyncadd.s32 $0xFFFFC000  }
0x14b: {  	[tilespmem:s2], [sflag:$0x2] =	stream.linear.gather [hbm4b:s28+s2], $0x80, $0x38;
	[tilespmem:$0x18400] =	vst v63  }
0x14c: {  	_ =	swait.ge [sflag:s4], $0x80  }
0x14d: {  	[sflag:s4] =	ssyncset.done $0x0  }
0x14e: {  	[sflag:s4] =	ssyncadd.s32 $0xFFFFFF80  }
0x14f: {  	[spmem:s1] =	stream.indirect.scatter.add.f32 [tilespmem:s3], [sflag:$0x2], $0x80, s2, s5, $0xb8;
	[tilespmem:$0x18400] =	vst v63  }
0x150: {  	_ =	swait.ge [sflag:s4], $0x4000  }
0x151: {  	[sflag:s4] =	ssyncset.done $0x0  }
0x152: {  	s29 =	stileid.u32;
	[sflag:s4] =	ssyncadd.s32 $0xFFFFC000  }
0x153: {  	s0 =	sshll.u32 s29, $0x6;
	[bflag:$0x0] =	sbarrier.arrive $0xFFFF  }
0x154: {  	s0 =	sor.u32 $0x1C02, s0;
	s30 =	sshrl.u32 s19, $0x3;
	s29 =	rddreg [dreg:$0x3]  }
0x155: {  	[hbm:s29], [sflag:s0] =	dma.local [spmem:s30], $0x800  }
0x156: {  	_ =	swait.ge [sflag:s4], $0x800  }
0x157: {  	[sflag:s4] =	ssyncset.done $0x0  }
0x158: {  	s31 =	sshrl.u32 s20, $0x3;
	s30 =	rddreg [dreg:$0x4];
	[sflag:s4] =	ssyncadd.s32 $0xFFFFF800  }
0x159: {  	[hbm:s30], [sflag:s0] =	dma.local [spmem:s31], $0x800  }
0x15a: {  	_ =	swait.ge [sflag:s4], $0x800  }
0x15b: {  	[sflag:s4] =	ssyncset.done $0x0  }
0x15c: {  	s31 =	sshrl.u32 s21, $0x3;
	s30 =	rddreg [dreg:$0x5];
	[sflag:s4] =	ssyncadd.s32 $0xFFFFF800  }
0x15d: {  	[hbm:s30], [sflag:s0] =	dma.local [spmem:s31], $0x800  }
0x15e: {  	_ =	swait.ge [sflag:s4], $0x800  }
0x15f: {  	[sflag:s4] =	ssyncset.done $0x0  }
0x160: {  	s31 =	sshrl.u32 s22, $0x3;
	s30 =	rddreg [dreg:$0x6];
	[sflag:s4] =	ssyncadd.s32 $0xFFFFF800  }
0x161: {  	[hbm:s30], [sflag:s0] =	dma.local [spmem:s31], $0x800  }
0x162: {  	_ =	swait.ge [sflag:s4], $0x800  }
0x163: {  	[sflag:s4] =	ssyncset.done $0x0  }
0x164: {  	s31 =	sshrl.u32 s23, $0x3;
	s30 =	rddreg [dreg:$0x7];
	[sflag:s4] =	ssyncadd.s32 $0xFFFFF800  }
0x165: {  	[hbm:s30], [sflag:s0] =	dma.local [spmem:s31], $0x800  }
0x166: {  	_ =	swait.ge [sflag:s4], $0x800  }
0x167: {  	s26 =	sadd.s32 $0x1, s26;
	s31 =	rddreg [dreg:$0x11]  }
0x168: {  	p0 =	sne.s32 s26, s31  }
.Ltmp1:
0x169: {  	_ = 	snop;
	(pc) =	sbr.rel @p0 .LBB2_1-.Ltmp1, $3  }
0x16a: {  	_ =	sdelay $0x1  }
0x16b: {  	[sflag:s4] =	ssyncset.done $0x0  }
0x16c: {  	[sflag:s4] =	ssyncadd.s32 $0xFFFFF800  }
0x16d: {  	_ =	sfence.sel $0x180000  }
0x16e: {  	[bflag:$0x0] =	sbarrier.arrive $0xFFFF  }
0x16f: {  	_ =	strace $0x90000047  }
0x170: {  	s0 =	stileid.u32;
	[bflag:$0x2] =	sbarrier.arrive $0xFFFF  }
0x171: {  	p0 =	sne.s32 s0, $0x0;
	s0 =	rddreg [dreg:$0x2]  }
0x172: {  	s0 =	sadd.s32 @!p0 $0x100000, s0  }
0x173: {  	[sflag:s0] =	ssyncadd.tile.s32 @!p0 $0x1;
	_ =	shalt  }
.Lfunc_end2:
_tile_overlayer_lowered:
.L_overlay_start_2:
0x174: {  	(tag) =	ssettag $0x2  }
0x175: {  	s0 =	rddreg [dreg:$0x0];
	s2 =	stileid.u32  }
0x176: {  	s1 =	rddreg [dreg:$0x1];
	p0 =	sne.s32 s2, $0x0  }
0x177: {  	s3 =	rddreg [dreg:$0x2];
	[bflag:$0x3] =	sbarrier.arrive $0xFFFF;
	s2 =	simm.s32 @!p0 $0x1C02  }
0x178: {  	[timem:s3], [sflag:s2] =	dma.local @!p0 [hbm:s0], s1  }
0x179: {  	s0 =	simm.s32 @!p0 $0x2  }
0x17a: {  	_ =	swait.ge @!p0 [sflag:s0], s1  }
0x17b: {  	s1 =	ssub.s32 @!p0 $0x0, s1;
	[sflag:s0] =	ssyncset.done @!p0 $0x0  }
0x17c: {  	[sflag:s0] =	ssyncadd.s32 @!p0 s1  }
0x17d: {  	[bflag:$0x3] =	sbarrier.arrive $0xFFFF  }
0x17e: {  	_ =	shalt  }

// kernel: kernel.13.cloned.1.call-start
scs
__scs_entry_jumppad:
0x0: {  	(pc) =	sbr.rel $0x88, $3  }
0x1: {  	(tag) =	ssettag $0x0;
	lr =	simm.s32 $0x1  }
0x2: {  	[smem:$0x3F99] =	sst lr;
	_ =	strace $0xD0000000  }
0x3: {  	_ = 	snop  }
0x4: {  	_ = 	snop  }
0x5: {  	_ = 	snop  }
0x6: {  	_ = 	snop  }
0x7: {  	_ = 	snop  }
__scs_overlays_trampoline_lowered:
0x8: {  	[smem:$0x3FA8] =	sst s0  }
0x9: {  	[smem:$0x3FA9] =	sst s1  }
0xa: {  	[smem:$0x3FAA] =	sst s2  }
0xb: {  	[smem:$0x3FAB] =	sst s3  }
0xc: {  	[smem:$0x3FAC] =	sst s4  }
0xd: {  	[smem:$0x3FAD] =	sst s5  }
0xe: {  	[smem:$0x3FAE] =	sst s6  }
0xf: {  	[smem:$0x3FAF] =	sst s7  }
0x10: {  	[smem:$0x3FB0] =	sst s8  }
0x11: {  	[smem:$0x3FB1] =	sst s9;
	s0 =	simm.s32 @!p0 $0x0  }
0x12: {  	s1 =	sld [smem:$0x3F97];
	s0 =	simm.s32 @p0 $0x1  }
0x13: {  	[smem:$0x3FB2] =	sst s0;
	s0 =	simm.s32 @!p1 $0x0  }
0x14: {  	s2 =	sld [smem:$0x3F96];
	s0 =	simm.s32 @p1 $0x1  }
0x15: {  	[smem:$0x3FB3] =	sst s0;
	s0 =	simm.s32 @!p2 $0x0  }
0x16: {  	s3 =	sld [smem:$0x3FDB];
	s0 =	simm.s32 @p2 $0x1  }
0x17: {  	s4 =	simm.s32 $0x1BF5;
	[smem:$0x3FB5] =	sst s0  }
0x18: {  	s0 =	sld [smem:$0x3F98];
	_ =	swait.ge [sflag:s4], $0x0  }
0x19: {  	s7 =	sld [smem:$0x3F99]  }
0x1a: {  	s8 =	sadd.s32 $0xFFFFE003, lr  }
0x1b: {  	s9 =	sadd.s32 $0xFFFFFEF7, lr;
	s5 =	simm.s32 $0xFFFFFFFF;
	p2 =	slt.u32 s8, $0xFFFFF086  }
0x1c: {  	p1 =	slt.u32 s9, $0xF7A;
	s5 =	simm.s32 @!p2 $0x0  }
0x1d: {  	s5 =	simm.s32 @p1 $0x1;
	p0 =	seq.s32 s7, s2  }
0x1e: {  	s7 =	smul.u32 @!p0 $0xF7A, s2;
	p2 =	seq.s32 @!p0 s5, $0x0  }
0x1f: {  	s9 =	smul.u32 $0xF7A, s1;
	s8 =	simm.s32 @!p0 $0x1BF5;
	p2 =	por !p2, p0  }
0x20: {  	[sflag:s8] =	ssyncset.s32 @!p0 $0xFFFFF086;
	s6 =	sadd.s32 @!p0 s3, s7;
	s7 =	simm.s32 @!p0 $0x108  }
0x21: {  	s3 =	sadd.s32 s3, s9;
	s6 =	sadd.s32 @!p0 $0x88, s6;
	s7 =	simm.s32 @p2 $0x1082  }
0x22: {  	[simem:s7], [sflag:s8] =	dma.local @!p0 [hbm:s6], $0xF7A  }
0x23: {  	s9 =	sor.u32 $0xD0000000, s2;
	s6 =	simm.s32 $0x108;
	_ =	swait.ge @!p0 [sflag:s8], $0x0  }
0x24: {  	s3 =	sadd.s32 $0x88, s3;
	s6 =	simm.s32 @!p1 $0x1082;
	[sflag:s4] =	ssyncset.s32 $0xFFFFF086  }
0x25: {  	[simem:s6], [sflag:s4] =	dma.local [hbm:s3], $0xF7A  }
0x26: {  	[smem:$0x3F99] =	sst s1;
	(tag) =	ssettag s2;
	_ =	strace s9  }
0x27: {  	s1 =	sld [smem:$0x3FA9]  }
0x28: {  	s2 =	sld [smem:$0x3FAA]  }
0x29: {  	s4 =	sld [smem:$0x3FAC]  }
0x2a: {  	p0 =	seq.s32 s5, $0x0;
	s5 =	sld [smem:$0x3FAD]  }
0x2b: {  	s6 =	sld [smem:$0x3FAE]  }
0x2c: {  	s7 =	sld [smem:$0x3FAF]  }
0x2d: {  	s3 =	simm.s32 $0x108;
	s8 =	sld [smem:$0x3FB0]  }
0x2e: {  	s3 =	simm.s32 @!p0 $0x1082;
	s9 =	sld [smem:$0x3FB1]  }
0x2f: {  	lr =	sadd.s32 s0, s3;
	s0 =	sld [smem:$0x3FA8]  }
0x30: {  	s3 =	sld [smem:$0x3FAB]  }
0x31: {  	[smem:$0x3FB4] =	sst s10  }
0x32: {  	s10 =	sld [smem:$0x3FB2];
	_ =	sdelay $0x3  }
0x33: {  	p0 =	seq.s32 s10, $0x1;
	s10 =	sld [smem:$0x3FB4];
	_ =	sdelay $0x3  }
0x34: {  	[smem:$0x3FB4] =	sst s10  }
0x35: {  	s10 =	sld [smem:$0x3FB3];
	_ =	sdelay $0x3  }
0x36: {  	p1 =	seq.s32 s10, $0x1;
	s10 =	sld [smem:$0x3FB4];
	_ =	sdelay $0x3  }
0x37: {  	[smem:$0x3FB4] =	sst s10  }
0x38: {  	s10 =	sld [smem:$0x3FB5]  }
0x39: {  	_ = 	snop;
	(pc) =	sbr.ind lr, $3  }
0x3a: {  	_ = 	snop  }
0x3b: {  	_ = 	snop  }
0x3c: {  	p2 =	seq.s32 s10, $0x1;
	s10 =	sld [smem:$0x3FB4]  }
0x3d: {  	_ =	shalt  }
0x3e: {  	_ =	shalt  }
0x3f: {  	_ =	shalt  }
0x40: {  	_ =	shalt  }
0x41: {  	_ =	shalt  }
0x42: {  	_ =	shalt  }
0x43: {  	_ =	shalt  }
0x44: {  	_ =	shalt  }
0x45: {  	_ =	shalt  }
0x46: {  	_ =	shalt  }
0x47: {  	_ =	shalt  }
0x48: {  	_ =	shalt  }
0x49: {  	_ =	shalt  }
0x4a: {  	_ =	shalt  }
0x4b: {  	_ =	shalt  }
0x4c: {  	_ =	shalt  }
0x4d: {  	_ =	shalt  }
0x4e: {  	_ =	shalt  }
0x4f: {  	_ =	shalt  }
0x50: {  	_ =	shalt  }
0x51: {  	_ =	shalt  }
0x52: {  	_ =	shalt  }
0x53: {  	_ =	shalt  }
0x54: {  	_ =	shalt  }
0x55: {  	_ =	shalt  }
0x56: {  	_ =	shalt  }
0x57: {  	_ =	shalt  }
0x58: {  	_ =	shalt  }
0x59: {  	_ =	shalt  }
0x5a: {  	_ =	shalt  }
0x5b: {  	_ =	shalt  }
0x5c: {  	_ =	shalt  }
0x5d: {  	_ =	shalt  }
0x5e: {  	_ =	shalt  }
0x5f: {  	_ =	shalt  }
0x60: {  	_ =	shalt  }
0x61: {  	_ =	shalt  }
0x62: {  	_ =	shalt  }
0x63: {  	_ =	shalt  }
0x64: {  	_ =	shalt  }
0x65: {  	_ =	shalt  }
0x66: {  	_ =	shalt  }
0x67: {  	_ =	shalt  }
0x68: {  	_ =	shalt  }
0x69: {  	_ =	shalt  }
0x6a: {  	_ =	shalt  }
0x6b: {  	_ =	shalt  }
0x6c: {  	_ =	shalt  }
0x6d: {  	_ =	shalt  }
0x6e: {  	_ =	shalt  }
0x6f: {  	_ =	shalt  }
0x70: {  	_ =	shalt  }
0x71: {  	_ =	shalt  }
0x72: {  	_ =	shalt  }
0x73: {  	_ =	shalt  }
0x74: {  	_ =	shalt  }
0x75: {  	_ =	shalt  }
0x76: {  	_ =	shalt  }
0x77: {  	_ =	shalt  }
0x78: {  	_ =	shalt  }
0x79: {  	_ =	shalt  }
0x7a: {  	_ =	shalt  }
0x7b: {  	_ =	shalt  }
0x7c: {  	_ =	shalt  }
0x7d: {  	_ =	shalt  }
0x7e: {  	_ =	shalt  }
0x7f: {  	_ =	shalt  }
0x80: {  	_ =	shalt  }
0x81: {  	_ =	shalt  }
0x82: {  	_ =	shalt  }
0x83: {  	_ =	shalt  }
0x84: {  	_ =	shalt  }
0x85: {  	_ =	shalt  }
0x86: {  	_ =	shalt  }
0x87: {  	_ =	shalt  }
.Lfunc_end0:
.L_simem_size_0:
called_computation.1_lowered:
.L_overlay_start_0:
0x88: {  	s2 =	sld [smem:$0x3FD9]  }
0x89: {  	s3 =	sld [smem:$0x3FFE];
	_ =	sdelay $0x1  }
0x8a: {  	s1 =	srdreg.scid  }
0x8b: {  	s0 =	sand.u32 $0x1, s1  }
0x8c: {  	s16 =	sshll.u32 s0, $0xA;
	s2 =	sadd.s32 s3, s2  }
0x8d: {  	s2 =	sadd.s32 s2, s16  }
0x8e: {  	[smem:$0x3FC0] =	sst s2  }
0x8f: {  	_ = 	snop  }
0x90: {  	(tm) =	ssettm $0x1  }
0x91: {  	s17 =	sld [smem:$0x3FFB];
	_ =	sdelay $0x3  }
0x92: {  	_ =	strace s17  }
0x93: {  	s2 =	sld [smem:$0x3FFC];
	_ =	sdelay $0x3  }
0x94: {  	_ =	strace s2  }
0x95: {  	s2 =	sld [smem:$0x3FFD];
	_ =	sdelay $0x3  }
0x96: {  	_ =	strace s2  }
0x97: {  	_ =	strace $0x8FFFFFFF  }
0x98: {  	s18 =	sld [smem:$0x3FDB];
	_ =	sdelay $0x1  }
0x99: {  	s19 =	simm.s32 $_scs_section_size  }
0x9a: {  	s4 =	simm.s32 $_size__tile_overlayer_lowered;
	s5 =	simm.s32 $_tile_overlayer_lowered  }
0x9b: {  	s22 =	simm.s32 $0x1BFF;
	s21 =	sshll.u32 s5, $0x1;
	s2 =	sadd.s32 s19, s18  }
0x9c: {  	s6 =	simm.s32 $0x0;
	s20 =	sshll.u32 s4, $0x1;
	s4 =	sadd.s32 s21, s2  }
0x9d: {  	[timem:s6], [sflag:s22] =	dma.local [hbm:s4], s20  }
0x9e: {  	_ =	swait.ge [sflag:s22], s20  }
0x9f: {  	s3 =	ssub.s32 $0x0, s20;
	[sflag:s22] =	ssyncset.done $0x0  }
0xa0: {  	[sflag:s22] =	ssyncadd.s32 s3;
	_ =	sdelay $0x1  }
0xa1: {  	s23 =	simm.s32 $0x1B8B  }
0xa2: {  	_ =	swait.ge [sflag:s23], $0x1  }
0xa3: {  	[sflag:s23] =	ssyncset.done $0x0  }
0xa4: {  	s25 =	simm.s32 $0x1B8E;
	s24 =	sld [smem:$0x3FFE];
	[sflag:s23] =	ssyncadd.s32 $0xFFFFFFFF  }
0xa5: {  	s26 =	simm.s32 $execute0_lowered;
	[smem:$0x3FD2] =	sst s25  }
0xa6: {  	s4 =	sshll.u32 s26, $0x1;
	_ =	strace $0x80000049;
	[dreg:$0x1] =	wrdreg $0xFFFFFFFF  }
0xa7: {  	s28 =	simm.s32 $_size_execute0_lowered;
	s2 =	sadd.s32 s2, s4;
	[dreg:$0x0] =	wrdreg $0x0  }
0xa8: {  	s4 =	sshll.u32 s28, $0x1;
	[dreg:$0x2] =	wrdreg s2  }
0xa9: {  	[dreg:$0x3] =	wrdreg s4  }
0xaa: {  	[dreg:$0x4] =	wrdreg $0xC0  }
0xab: {  	_ =	task [dreg:s6], $0x5FFFF  }
0xac: {  	[dreg:$0x1] =	wrdreg $0xFFFFFFFF  }
0xad: {  	[dreg:$0x0] =	wrdreg $0x60  }
0xae: {  	[dreg:$0x2] =	wrdreg s24  }
0xaf: {  	[dreg:$0x3] =	wrdreg $0x81800  }
0xb0: {  	[dreg:$0x4] =	wrdreg $0x9  }
0xb1: {  	_ =	task.clear_ibuf [dreg:s6], $0x5FFFF;
	_ =	strace $0x90000049  }
0xb2: {  	s29 =	simm.s32 $0x9;
	_ =	strace $0x8000004B  }
0xb3: {  	_ =	swait.ge [sflag:s29], $0x1  }
0xb4: {  	[sflag:s29] =	ssyncadd.s32 $0xFFFFFFFF  }
0xb5: {  	_ =	strace $0x9000004B  }
0xb6: {  	_ =	sfence  }
0xb7: {  	s30 =	sld [smem:$0x0];
	_ =	sdelay $0x2  }
0xb8: {  	s31 =	sshll.u32 s1, $0xD;
	s1 =	sshrl.u32 s1, $0x2  }
0xb9: {  	s3 =	sand.u32 $0x4000, s31;
	s1 =	sadd.s32 s1, s30  }
0xba: {  	s0 =	sor.u32 s3, s0;
	s1 =	sshll.u32 s1, $0x11  }
0xbb: {  	s0 =	sor.u32 s1, s0  }
0xbc: {  	s0 =	sadd.s32 $0x8F2B, s0  }
0xbd: {  	[sflag:s0] =	ssyncadd.remote.s32 $0x1  }
0xbe: {  	_ =	sfence.sel $0xFFFF  }
0xbf: {  	[dreg:$0x0] =	wrdreg $0xFFFFFFFF;
	(pc) =	sbr.abs _section_cstart, $3  }
0xc0: {  	[dreg:$0x1] =	wrdreg $0xFFFFFFFF  }
0xc1: {  	_ =	task.clear_ibuf [dreg:s6], $0x2FFFF;
	_ =	strace $0x9FFFFFFF  }
0xc2: {  	(tm) =	ssettm $0x7FFFFFFF  }
0xc3: {  	_ =	shalt  }
tec
execute0_lowered:
.L_overlay_start_1:
0x0: {  	(tag) =	ssettag $0x1  }
0x1: {  	s0 =	rddreg [dreg:$0x0]  }
0x2: {  	s1 =	rddreg [dreg:$0x1]  }
0x3: {  	s2 =	simm.s32 $0x0;
	s3 =	srdreg.scid;
	s21 =	stileid.u32  }
0x4: {  	s29 =	simm.s32 $0x180;
	s30 =	simm.s32 $0x4;
	s31 =	simm.s32 $0x80  }
0x5: {  	[smem:$0x7FF] =	sst s2;
	s4 =	sadd.s32 $0xCE00, s0;
	s5 =	sadd.s32 $0x5D600, s0  }
0x6: {  	s6 =	sadd.s32 $0x2800, s0;
	s3 =	sand.u32 $0x1, s3;
	s8 =	smul.u32 $0x50000, s21  }
0x7: {  	s7 =	sadd.s32 $0xC600, s0;
	s13 =	smul.u32 $0x14000, s21;
	s0 =	sadd.s32 $0x67400, s0  }
0x8: {  	s26 =	smul.u32 $0x2780, s21;
	_ =	strace $0x8000004A;
	s19 =	ssub.s32 $0x2, s3  }
0x9: {  	[dreg:$0x3] =	wrdreg s7;
	s10 =	sshll.u32 s3, $0x4;
	s9 =	sshrl.u32 s19, $0x1  }
0xa: {  	s20 =	sor.u32 s21, s10;
	s8 =	sshrl.u32 s8, $0x2;
	s14 =	sadd.s32 $0x4000, s13  }
0xb: {  	s15 =	sadd.s32 $0x8000, s13;
	s16 =	sadd.s32 $0xC000, s13;
	s18 =	sadd.s32 $0x10000, s13  }
0xc: {  	s7 =	ssub.s32 s19, s9;
	s11 =	smul.u32 $0x2780, s20;
	s8 =	sadd.s32 s8, s1  }
0xd: {  	s9 =	sadd.s32 s14, s1;
	s10 =	sadd.s32 s15, s1;
	s20 =	smul.u32 $0x140000, s3  }
0xe: {  	s12 =	sadd.s32 s18, s1;
	s3 =	smul.u32 $0x27800, s3;
	s17 =	sshrl.u32 s11, $0x3  }
0xf: {  	s11 =	sadd.s32 s16, s1;
	s13 =	sadd.s32 s13, s20;
	s14 =	sadd.s32 s20, s14  }
0x10: {  	s15 =	sadd.s32 s20, s15;
	s24 =	sadd.s32 s20, s16;
	s25 =	sadd.s32 s20, s18  }
0x11: {  	s16 =	sadd.s32 s26, s3;
	s3 =	simm.s32 $0x100;
	s19 =	sadd.s32 $0x4E0, s17  }
0x12: {  	s13 =	sshrl.u32 s13, $0x3;
	s14 =	sshrl.u32 s14, $0x3;
	s23 =	sshrl.u32 s15, $0x3  }
0x13: {  	s15 =	sshrl.u32 s25, $0x3;
	s21 =	sadd.s32 s5, s17;
	s22 =	sadd.s32 s5, s19  }
0x14: {  	s18 =	sadd.s32 $0x10, s17;
	s19 =	sadd.s32 s6, s19;
	[dreg:$0x4] =	wrdreg s22  }
0x15: {  	s25 =	sadd.s32 $0x100, s16;
	s13 =	sadd.s32 s0, s13;
	[dreg:$0x5] =	wrdreg s19  }
0x16: {  	[dreg:$0x6] =	wrdreg s13;
	s22 =	sadd.s32 s0, s14;
	s14 =	sshrl.u32 s24, $0x3  }
0x17: {  	s13 =	sadd.s32 s0, s23;
	s19 =	sadd.s32 $0x180, s16;
	[dreg:$0x7] =	wrdreg s22  }
0x18: {  	s23 =	sadd.s32 s5, s18;
	s24 =	sadd.s32 s6, s18;
	[dreg:$0x8] =	wrdreg s13  }
0x19: {  	s14 =	sadd.s32 s0, s14;
	s0 =	sadd.s32 s0, s15;
	s15 =	smax.u32 s7, $0x1  }
0x1a: {  	s22 =	sadd.s32 s6, s17;
	s20 =	sshrl.u32 s19, $0x3;
	[dreg:$0x9] =	wrdreg s14  }
0x1b: {  	s7 =	simm.s32 $0x4180;
	s13 =	simm.s32 $0x2;
	[dreg:$0xa] =	wrdreg s0  }
0x1c: {  	[dreg:$0xb] =	wrdreg s15;
	s26 =	sadd.s32 s20, s6;
	s28 =	sadd.s32 s20, s5  }
0x1d: {  	s0 =	simm.s32 $0x1;
	s14 =	simm.s32 $0x3;
	s15 =	simm.s32 $0x0  }
.LBB2_1:
0x1e: {  	s16 =	rddreg [dreg:$0x3]  }
0x1f: {  	[tilespmem:s29], [sflag:$0x4] =	stream.linear.gather [hbm4b:s16+s2], $0x4000, $0x38;
	[tilespmem:$0x1C180] =	vst v63  }
0x20: {  	_ =	swait.ge [sflag:s30], $0x4000  }
0x21: {  	[sflag:s30] =	ssyncset.done $0x0  }
0x22: {  	[sflag:s30] =	ssyncadd.s32 $0xFFFFC000  }
0x23: {  	[spmem:s8] =	stream.linear.scatter [tilespmem:s29], [sflag:$0x4], $0x4000, $0x38;
	[tilespmem:$0x1C180] =	vst v63  }
0x24: {  	_ =	swait.ge [sflag:s30], $0x4000  }
0x25: {  	[sflag:s30] =	ssyncset.done $0x0  }
0x26: {  	[sflag:s30] =	ssyncadd.s32 $0xFFFFC000  }
0x27: {  	[spmem:s9] =	stream.linear.scatter [tilespmem:s29], [sflag:$0x4], $0x4000, $0x38;
	[tilespmem:$0x1C180] =	vst v63  }
0x28: {  	_ =	swait.ge [sflag:s30], $0x4000  }
0x29: {  	[sflag:s30] =	ssyncset.done $0x0  }
0x2a: {  	[sflag:s30] =	ssyncadd.s32 $0xFFFFC000  }
0x2b: {  	[spmem:s10] =	stream.linear.scatter [tilespmem:s29], [sflag:$0x4], $0x4000, $0x38;
	[tilespmem:$0x1C180] =	vst v63  }
0x2c: {  	_ =	swait.ge [sflag:s30], $0x4000  }
0x2d: {  	[sflag:s30] =	ssyncset.done $0x0  }
0x2e: {  	[sflag:s30] =	ssyncadd.s32 $0xFFFFC000  }
0x2f: {  	[spmem:s11] =	stream.linear.scatter [tilespmem:s29], [sflag:$0x4], $0x4000, $0x38;
	[tilespmem:$0x1C180] =	vst v63  }
0x30: {  	_ =	swait.ge [sflag:s30], $0x4000  }
0x31: {  	[sflag:s30] =	ssyncset.done $0x0  }
0x32: {  	[sflag:s30] =	ssyncadd.s32 $0xFFFFC000  }
0x33: {  	[spmem:s12] =	stream.linear.scatter [tilespmem:s29], [sflag:$0x4], $0x4000, $0x38;
	[tilespmem:$0x1C180] =	vst v63  }
0x34: {  	_ =	swait.ge [sflag:s30], $0x4000  }
0x35: {  	[sflag:s30] =	ssyncset.done $0x0  }
0x36: {  	[sflag:s30] =	ssyncadd.s32 $0xFFFFC000  }
0x37: {  	[bflag:$0x0] =	sbarrier.arrive $0xFFFF  }
0x38: {  	[tilespmem:s2], [sflag:$0x4] =	stream.linear.gather [hbm4b:s21+s2], $0x80, $0x38;
	[tilespmem:$0x1C180] =	vst v63  }
0x39: {  	_ =	swait.ge [sflag:s30], $0x80  }
0x3a: {  	[sflag:s30] =	ssyncset.done $0x0  }
0x3b: {  	[sflag:s30] =	ssyncadd.s32 $0xFFFFFF80  }
0x3c: {  	[tilespmem:s31], [sflag:$0x4] =	stream.linear.gather [hbm4b:s22+s2], $0x80, $0x38;
	[tilespmem:$0x1C180] =	vst v63  }
0x3d: {  	_ =	swait.ge [sflag:s30], $0x80  }
0x3e: {  	[sflag:s30] =	ssyncset.done $0x0  }
0x3f: {  	[sflag:s30] =	ssyncadd.s32 $0xFFFFFF80  }
0x40: {  	[tilespmem:s29], [sflag:$0x1] =	stream.indirect.gather [hbm4b:s4+s31], $0x80, s2, s31, $0xb8;
	[tilespmem:$0x1C180] =	vst v63  }
0x41: {  	_ =	swait.ge [sflag:s0], $0x4000  }
0x42: {  	[sflag:s0] =	ssyncset.done $0x0  }
0x43: {  	[sflag:s0] =	ssyncadd.s32 $0xFFFFC000  }
0x44: {  	[spmem:s1] =	stream.indirect.scatter.add.f32 [tilespmem:s29], [sflag:$0x2], $0x80, s31, s31, $0xb8;
	[tilespmem:$0x1C180] =	vst v63  }
0x45: {  	_ = 	snop  }
0x46: {  	[tilespmem:s2], [sflag:$0x4] =	stream.linear.gather [hbm4b:s23+s2], $0x80, $0x38;
	[tilespmem:$0x1C180] =	vst v63  }
0x47: {  	_ =	swait.ge [sflag:s30], $0x80  }
0x48: {  	[sflag:s30] =	ssyncset.done $0x0  }
0x49: {  	[sflag:s30] =	ssyncadd.s32 $0xFFFFFF80  }
0x4a: {  	[tilespmem:s3], [sflag:$0x4] =	stream.linear.gather [hbm4b:s24+s2], $0x80, $0x38;
	[tilespmem:$0x1C180] =	vst v63  }
0x4b: {  	_ =	swait.ge [sflag:s30], $0x80  }
0x4c: {  	[sflag:s30] =	ssyncset.done $0x0  }
0x4d: {  	[sflag:s30] =	ssyncadd.s32 $0xFFFFFF80  }
0x4e: {  	[tilespmem:s7], [sflag:$0x1] =	stream.indirect.gather [hbm4b:s4+s31], $0x80, s2, s31, $0xb8;
	[tilespmem:$0x1C180] =	vst v63  }
0x4f: {  	_ =	swait.ge [sflag:s0], $0x4000  }
0x50: {  	[sflag:s0] =	ssyncset.done $0x0  }
0x51: {  	[sflag:s0] =	ssyncadd.s32 $0xFFFFC000  }
0x52: {  	[spmem:s1] =	stream.indirect.scatter.add.f32 [tilespmem:s7], [sflag:$0x3], $0x80, s3, s31, $0xb8;
	[tilespmem:$0x1C180] =	vst v63  }
0x53: {  	_ =	swait.ge [sflag:s13], $0x4000  }
0x54: {  	s18 =	sshrl.u32 s25, $0x3;
	[sflag:s13] =	ssyncset.done $0x0  }
0x55: {  	s17 =	sadd.s32 s5, s18;
	[sflag:s13] =	ssyncadd.s32 $0xFFFFC000  }
0x56: {  	[tilespmem:s2], [sflag:$0x4] =	stream.linear.gather [hbm4b:s17+s2], $0x80, $0x38;
	[tilespmem:$0x1C180] =	vst v63  }
0x57: {  	_ =	swait.ge [sflag:s30], $0x80  }
0x58: {  	[sflag:s30] =	ssyncset.done $0x0  }
0x59: {  	s16 =	sadd.s32 s6, s18;
	[sflag:s30] =	ssyncadd.s32 $0xFFFFFF80  }
0x5a: {  	[tilespmem:s31], [sflag:$0x4] =	stream.linear.gather [hbm4b:s16+s2], $0x80, $0x38;
	[tilespmem:$0x1C180] =	vst v63  }
0x5b: {  	_ =	swait.ge [sflag:s30], $0x80  }
0x5c: {  	[sflag:s30] =	ssyncset.done $0x0  }
0x5d: {  	[sflag:s30] =	ssyncadd.s32 $0xFFFFFF80  }
0x5e: {  	[tilespmem:s29], [sflag:$0x1] =	stream.indirect.gather [hbm4b:s4+s31], $0x80, s2, s31, $0xb8;
	[tilespmem:$0x1C180] =	vst v63  }
0x5f: {  	_ =	swait.ge [sflag:s0], $0x4000  }
0x60: {  	[sflag:s0] =	ssyncset.done $0x0  }
0x61: {  	[sflag:s0] =	ssyncadd.s32 $0xFFFFC000  }
0x62: {  	[spmem:s1] =	stream.indirect.scatter.add.f32 [tilespmem:s29], [sflag:$0x2], $0x80, s31, s31, $0xb8;
	[tilespmem:$0x1C180] =	vst v63  }
0x63: {  	_ =	swait.ge [sflag:s14], $0x4000  }
0x64: {  	[sflag:s14] =	ssyncset.done $0x0  }
0x65: {  	s19 =	sadd.s32 $0x0, s28;
	[sflag:s14] =	ssyncadd.s32 $0xFFFFC000  }
0x66: {  	[tilespmem:s2], [sflag:$0x4] =	stream.linear.gather [hbm4b:s19+s2], $0x80, $0x38;
	[tilespmem:$0x1C180] =	vst v63  }
0x67: {  	_ =	swait.ge [sflag:s30], $0x80  }
0x68: {  	[sflag:s30] =	ssyncset.done $0x0  }
0x69: {  	s20 =	sadd.s32 $0x0, s26;
	[sflag:s30] =	ssyncadd.s32 $0xFFFFFF80  }
0x6a: {  	[tilespmem:s3], [sflag:$0x4] =	stream.linear.gather [hbm4b:s20+s2], $0x80, $0x38;
	[tilespmem:$0x1C180] =	vst v63  }
0x6b: {  	_ =	swait.ge [sflag:s30], $0x80  }
0x6c: {  	[sflag:s30] =	ssyncset.done $0x0  }
0x6d: {  	[sflag:s30] =	ssyncadd.s32 $0xFFFFFF80  }
0x6e: {  	[tilespmem:s7], [sflag:$0x1] =	stream.indirect.gather [hbm4b:s4+s31], $0x80, s2, s31, $0xb8;
	[tilespmem:$0x1C180] =	vst v63  }
0x6f: {  	_ =	swait.ge [sflag:s0], $0x4000  }
0x70: {  	[sflag:s0] =	ssyncset.done $0x0  }
0x71: {  	s17 =	sadd.s32 $0x100, s25;
	s16 =	simm.s32 $0x20;
	[sflag:s0] =	ssyncadd.s32 $0xFFFFC000  }
.LBB2_2:
0x72: {  	[spmem:s1] =	stream.indirect.scatter.add.f32 [tilespmem:s7], [sflag:$0x3], $0x80, s3, s31, $0xb8;
	[tilespmem:$0x1C180] =	vst v63  }
0x73: {  	s18 =	smov.u32 s16  }
0x74: {  	p0 =	sne.s32 s16, $0x4A0;
	s16 =	sadd.s32 $0x20, s16;
	_ =	swait.ge [sflag:s13], $0x4000  }
0x75: {  	s19 =	sshrl.u32 s17, $0x3;
	[sflag:s13] =	ssyncset.done $0x0  }
0x76: {  	s20 =	sadd.s32 s5, s19;
	[sflag:s13] =	ssyncadd.s32 $0xFFFFC000  }
0x77: {  	[tilespmem:s2], [sflag:$0x4] =	stream.linear.gather [hbm4b:s20+s2], $0x80, $0x38;
	[tilespmem:$0x1C180] =	vst v63  }
0x78: {  	_ =	swait.ge [sflag:s30], $0x80  }
0x79: {  	[sflag:s30] =	ssyncset.done $0x0  }
0x7a: {  	s19 =	sadd.s32 s6, s19;
	[sflag:s30] =	ssyncadd.s32 $0xFFFFFF80  }
0x7b: {  	[tilespmem:s31], [sflag:$0x4] =	stream.linear.gather [hbm4b:s19+s2], $0x80, $0x38;
	[tilespmem:$0x1C180] =	vst v63  }
0x7c: {  	_ =	swait.ge [sflag:s30], $0x80  }
0x7d: {  	[sflag:s30] =	ssyncset.done $0x0  }
0x7e: {  	[sflag:s30] =	ssyncadd.s32 $0xFFFFFF80  }
0x7f: {  	[tilespmem:s29], [sflag:$0x1] =	stream.indirect.gather [hbm4b:s4+s31], $0x80, s2, s31, $0xb8;
	[tilespmem:$0x1C180] =	vst v63  }
0x80: {  	_ =	swait.ge [sflag:s0], $0x4000  }
0x81: {  	[sflag:s0] =	ssyncset.done $0x0  }
0x82: {  	[sflag:s0] =	ssyncadd.s32 $0xFFFFC000  }
0x83: {  	[spmem:s1] =	stream.indirect.scatter.add.f32 [tilespmem:s29], [sflag:$0x2], $0x80, s31, s31, $0xb8;
	[tilespmem:$0x1C180] =	vst v63  }
0x84: {  	_ =	swait.ge [sflag:s14], $0x4000  }
0x85: {  	[sflag:s14] =	ssyncset.done $0x0  }
0x86: {  	s19 =	sadd.s32 s18, s28;
	[sflag:s14] =	ssyncadd.s32 $0xFFFFC000  }
0x87: {  	[tilespmem:s2], [sflag:$0x4] =	stream.linear.gather [hbm4b:s19+s2], $0x80, $0x38;
	[tilespmem:$0x1C180] =	vst v63  }
0x88: {  	_ =	swait.ge [sflag:s30], $0x80  }
0x89: {  	[sflag:s30] =	ssyncset.done $0x0  }
0x8a: {  	s18 =	sadd.s32 s18, s26;
	[sflag:s30] =	ssyncadd.s32 $0xFFFFFF80  }
0x8b: {  	[tilespmem:s3], [sflag:$0x4] =	stream.linear.gather [hbm4b:s18+s2], $0x80, $0x38;
	[tilespmem:$0x1C180] =	vst v63  }
0x8c: {  	_ =	swait.ge [sflag:s30], $0x80  }
0x8d: {  	[sflag:s30] =	ssyncset.done $0x0  }
.Ltmp0:
0x8e: {  	[sflag:s30] =	ssyncadd.s32 $0xFFFFFF80;
	(pc) =	sbr.rel @p0 .LBB2_2-.Ltmp0, $4  }
0x8f: {  	[tilespmem:s7], [sflag:$0x1] =	stream.indirect.gather [hbm4b:s4+s31], $0x80, s2, s31, $0xb8;
	[tilespmem:$0x1C180] =	vst v63  }
0x90: {  	_ =	swait.ge [sflag:s0], $0x4000  }
0x91: {  	[sflag:s0] =	ssyncset.done $0x0  }
0x92: {  	s17 =	sadd.s32 $0x100, s17;
	[sflag:s0] =	ssyncadd.s32 $0xFFFFC000  }
0x93: {  	[spmem:s1] =	stream.indirect.scatter.add.f32 [tilespmem:s7], [sflag:$0x3], $0x80, s3, s31, $0xb8;
	[tilespmem:$0x1C180] =	vst v63  }
0x94: {  	_ =	swait.ge [sflag:s13], $0x4000  }
0x95: {  	[sflag:s13] =	ssyncset.done $0x0  }
0x96: {  	[sflag:s13] =	ssyncadd.s32 $0xFFFFC000  }
0x97: {  	_ =	swait.ge [sflag:s14], $0x4000  }
0x98: {  	[sflag:s14] =	ssyncset.done $0x0  }
0x99: {  	s16 =	rddreg [dreg:$0x4];
	[sflag:s14] =	ssyncadd.s32 $0xFFFFC000  }
0x9a: {  	[tilespmem:s2], [sflag:$0x4] =	stream.linear.gather [hbm4b:s16+s2], $0x80, $0x38;
	[tilespmem:$0x1C180] =	vst v63  }
0x9b: {  	_ =	swait.ge [sflag:s30], $0x80  }
0x9c: {  	[sflag:s30] =	ssyncset.done $0x0  }
0x9d: {  	s17 =	rddreg [dreg:$0x5];
	[sflag:s30] =	ssyncadd.s32 $0xFFFFFF80  }
0x9e: {  	[tilespmem:s31], [sflag:$0x4] =	stream.linear.gather [hbm4b:s17+s2], $0x80, $0x38;
	[tilespmem:$0x1C180] =	vst v63  }
0x9f: {  	_ =	swait.ge [sflag:s30], $0x80  }
0xa0: {  	[sflag:s30] =	ssyncset.done $0x0  }
0xa1: {  	[sflag:s30] =	ssyncadd.s32 $0xFFFFFF80  }
0xa2: {  	[tilespmem:s29], [sflag:$0x1] =	stream.indirect.gather [hbm4b:s4+s31], $0x80, s2, s31, $0xb8;
	[tilespmem:$0x1C180] =	vst v63  }
0xa3: {  	_ =	swait.ge [sflag:s0], $0x4000  }
0xa4: {  	[sflag:s0] =	ssyncset.done $0x0  }
0xa5: {  	[sflag:s0] =	ssyncadd.s32 $0xFFFFC000  }
0xa6: {  	[spmem:s1] =	stream.indirect.scatter.add.f32 [tilespmem:s29], [sflag:$0x4], $0x80, s31, s31, $0xb8;
	[tilespmem:$0x1C180] =	vst v63  }
0xa7: {  	_ =	swait.ge [sflag:s30], $0x4000  }
0xa8: {  	[sflag:s30] =	ssyncset.done $0x0  }
0xa9: {  	s18 =	stileid.u32;
	[sflag:s30] =	ssyncadd.s32 $0xFFFFC000  }
0xaa: {  	s16 =	sshll.u32 s18, $0x6;
	[bflag:$0x0] =	sbarrier.arrive $0xFFFF  }
0xab: {  	s16 =	sor.u32 $0x1C04, s16;
	s17 =	sshrl.u32 s8, $0x3;
	s18 =	rddreg [dreg:$0x6]  }
0xac: {  	[hbm:s18], [sflag:s16] =	dma.local [spmem:s17], $0x800  }
0xad: {  	_ =	swait.ge [sflag:s30], $0x800  }
0xae: {  	[sflag:s30] =	ssyncset.done $0x0  }
0xaf: {  	s19 =	sshrl.u32 s9, $0x3;
	s20 =	rddreg [dreg:$0x7];
	[sflag:s30] =	ssyncadd.s32 $0xFFFFF800  }
0xb0: {  	[hbm:s20], [sflag:s16] =	dma.local [spmem:s19], $0x800  }
0xb1: {  	_ =	swait.ge [sflag:s30], $0x800  }
0xb2: {  	[sflag:s30] =	ssyncset.done $0x0  }
0xb3: {  	s19 =	sshrl.u32 s10, $0x3;
	s20 =	rddreg [dreg:$0x8];
	[sflag:s30] =	ssyncadd.s32 $0xFFFFF800  }
0xb4: {  	[hbm:s20], [sflag:s16] =	dma.local [spmem:s19], $0x800  }
0xb5: {  	_ =	swait.ge [sflag:s30], $0x800  }
0xb6: {  	[sflag:s30] =	ssyncset.done $0x0  }
0xb7: {  	s19 =	sshrl.u32 s11, $0x3;
	s20 =	rddreg [dreg:$0x9];
	[sflag:s30] =	ssyncadd.s32 $0xFFFFF800  }
0xb8: {  	[hbm:s20], [sflag:s16] =	dma.local [spmem:s19], $0x800  }
0xb9: {  	_ =	swait.ge [sflag:s30], $0x800  }
0xba: {  	[sflag:s30] =	ssyncset.done $0x0  }
0xbb: {  	s18 =	sshrl.u32 s12, $0x3;
	s19 =	rddreg [dreg:$0xa];
	[sflag:s30] =	ssyncadd.s32 $0xFFFFF800  }
0xbc: {  	[hbm:s19], [sflag:s16] =	dma.local [spmem:s18], $0x800  }
0xbd: {  	_ =	swait.ge [sflag:s30], $0x800  }
0xbe: {  	s15 =	sadd.s32 $0x1, s15;
	s20 =	rddreg [dreg:$0xb]  }
0xbf: {  	p0 =	sne.s32 s15, s20  }
.Ltmp1:
0xc0: {  	_ = 	snop;
	(pc) =	sbr.rel @p0 .LBB2_1-.Ltmp1, $3  }
0xc1: {  	_ =	sdelay $0x1  }
0xc2: {  	[sflag:s30] =	ssyncset.done $0x0  }
0xc3: {  	[sflag:s30] =	ssyncadd.s32 $0xFFFFF800  }
0xc4: {  	_ =	sfence.sel $0x180000  }
0xc5: {  	[bflag:$0x0] =	sbarrier.arrive $0xFFFF  }
0xc6: {  	_ =	strace $0x9000004A  }
0xc7: {  	s0 =	stileid.u32;
	[bflag:$0x2] =	sbarrier.arrive $0xFFFF  }
0xc8: {  	p0 =	sne.s32 s0, $0x0;
	s0 =	rddreg [dreg:$0x2]  }
0xc9: {  	s0 =	sadd.s32 @!p0 $0x100000, s0  }
0xca: {  	[sflag:s0] =	ssyncadd.tile.s32 @!p0 $0x1;
	_ =	shalt  }
.Lfunc_end2:
_tile_overlayer_lowered:
.L_overlay_start_2:
0xcb: {  	(tag) =	ssettag $0x2  }
0xcc: {  	s0 =	rddreg [dreg:$0x0];
	s2 =	stileid.u32  }
0xcd: {  	s1 =	rddreg [dreg:$0x1];
	p0 =	sne.s32 s2, $0x0  }
0xce: {  	s3 =	rddreg [dreg:$0x2];
	[bflag:$0x3] =	sbarrier.arrive $0xFFFF;
	s2 =	simm.s32 @!p0 $0x1C04  }
0xcf: {  	[timem:s3], [sflag:s2] =	dma.local @!p0 [hbm:s0], s1  }
0xd0: {  	s0 =	simm.s32 @!p0 $0x4  }
0xd1: {  	_ =	swait.ge @!p0 [sflag:s0], s1  }
0xd2: {  	s1 =	ssub.s32 @!p0 $0x0, s1;
	[sflag:s0] =	ssyncset.done @!p0 $0x0  }
0xd3: {  	[sflag:s0] =	ssyncadd.s32 @!p0 s1  }
0xd4: {  	[bflag:$0x3] =	sbarrier.arrive $0xFFFF  }
0xd5: {  	_ =	shalt  }

// kernel: kernel.16.cloned.1.call-start
scs
__scs_entry_jumppad:
0x0: {  	(pc) =	sbr.rel $0x88, $3  }
0x1: {  	(tag) =	ssettag $0x0;
	lr =	simm.s32 $0x1  }
0x2: {  	[smem:$0x3F99] =	sst lr;
	_ =	strace $0xD0000000  }
0x3: {  	_ = 	snop  }
0x4: {  	_ = 	snop  }
0x5: {  	_ = 	snop  }
0x6: {  	_ = 	snop  }
0x7: {  	_ = 	snop  }
__scs_overlays_trampoline_lowered:
0x8: {  	[smem:$0x3FA8] =	sst s0  }
0x9: {  	[smem:$0x3FA9] =	sst s1  }
0xa: {  	[smem:$0x3FAA] =	sst s2  }
0xb: {  	[smem:$0x3FAB] =	sst s3  }
0xc: {  	[smem:$0x3FAC] =	sst s4  }
0xd: {  	[smem:$0x3FAD] =	sst s5  }
0xe: {  	[smem:$0x3FAE] =	sst s6  }
0xf: {  	[smem:$0x3FAF] =	sst s7  }
0x10: {  	[smem:$0x3FB0] =	sst s8  }
0x11: {  	[smem:$0x3FB1] =	sst s9;
	s0 =	simm.s32 @!p0 $0x0  }
0x12: {  	s1 =	sld [smem:$0x3F97];
	s0 =	simm.s32 @p0 $0x1  }
0x13: {  	[smem:$0x3FB2] =	sst s0;
	s0 =	simm.s32 @!p1 $0x0  }
0x14: {  	s2 =	sld [smem:$0x3F96];
	s0 =	simm.s32 @p1 $0x1  }
0x15: {  	[smem:$0x3FB3] =	sst s0;
	s0 =	simm.s32 @!p2 $0x0  }
0x16: {  	s3 =	sld [smem:$0x3FDB];
	s0 =	simm.s32 @p2 $0x1  }
0x17: {  	s4 =	simm.s32 $0x1BF5;
	[smem:$0x3FB5] =	sst s0  }
0x18: {  	s0 =	sld [smem:$0x3F98];
	_ =	swait.ge [sflag:s4], $0x0  }
0x19: {  	s7 =	sld [smem:$0x3F99]  }
0x1a: {  	s8 =	sadd.s32 $0xFFFFE003, lr  }
0x1b: {  	s9 =	sadd.s32 $0xFFFFFEF7, lr;
	s5 =	simm.s32 $0xFFFFFFFF;
	p2 =	slt.u32 s8, $0xFFFFF086  }
0x1c: {  	p1 =	slt.u32 s9, $0xF7A;
	s5 =	simm.s32 @!p2 $0x0  }
0x1d: {  	s5 =	simm.s32 @p1 $0x1;
	p0 =	seq.s32 s7, s2  }
0x1e: {  	s7 =	smul.u32 @!p0 $0xF7A, s2;
	p2 =	seq.s32 @!p0 s5, $0x0  }
0x1f: {  	s9 =	smul.u32 $0xF7A, s1;
	s8 =	simm.s32 @!p0 $0x1BF5;
	p2 =	por !p2, p0  }
0x20: {  	[sflag:s8] =	ssyncset.s32 @!p0 $0xFFFFF086;
	s6 =	sadd.s32 @!p0 s3, s7;
	s7 =	simm.s32 @!p0 $0x108  }
0x21: {  	s3 =	sadd.s32 s3, s9;
	s6 =	sadd.s32 @!p0 $0x88, s6;
	s7 =	simm.s32 @p2 $0x1082  }
0x22: {  	[simem:s7], [sflag:s8] =	dma.local @!p0 [hbm:s6], $0xF7A  }
0x23: {  	s9 =	sor.u32 $0xD0000000, s2;
	s6 =	simm.s32 $0x108;
	_ =	swait.ge @!p0 [sflag:s8], $0x0  }
0x24: {  	s3 =	sadd.s32 $0x88, s3;
	s6 =	simm.s32 @!p1 $0x1082;
	[sflag:s4] =	ssyncset.s32 $0xFFFFF086  }
0x25: {  	[simem:s6], [sflag:s4] =	dma.local [hbm:s3], $0xF7A  }
0x26: {  	[smem:$0x3F99] =	sst s1;
	(tag) =	ssettag s2;
	_ =	strace s9  }
0x27: {  	s1 =	sld [smem:$0x3FA9]  }
0x28: {  	s2 =	sld [smem:$0x3FAA]  }
0x29: {  	s4 =	sld [smem:$0x3FAC]  }
0x2a: {  	p0 =	seq.s32 s5, $0x0;
	s5 =	sld [smem:$0x3FAD]  }
0x2b: {  	s6 =	sld [smem:$0x3FAE]  }
0x2c: {  	s7 =	sld [smem:$0x3FAF]  }
0x2d: {  	s3 =	simm.s32 $0x108;
	s8 =	sld [smem:$0x3FB0]  }
0x2e: {  	s3 =	simm.s32 @!p0 $0x1082;
	s9 =	sld [smem:$0x3FB1]  }
0x2f: {  	lr =	sadd.s32 s0, s3;
	s0 =	sld [smem:$0x3FA8]  }
0x30: {  	s3 =	sld [smem:$0x3FAB]  }
0x31: {  	[smem:$0x3FB4] =	sst s10  }
0x32: {  	s10 =	sld [smem:$0x3FB2];
	_ =	sdelay $0x3  }
0x33: {  	p0 =	seq.s32 s10, $0x1;
	s10 =	sld [smem:$0x3FB4];
	_ =	sdelay $0x3  }
0x34: {  	[smem:$0x3FB4] =	sst s10  }
0x35: {  	s10 =	sld [smem:$0x3FB3];
	_ =	sdelay $0x3  }
0x36: {  	p1 =	seq.s32 s10, $0x1;
	s10 =	sld [smem:$0x3FB4];
	_ =	sdelay $0x3  }
0x37: {  	[smem:$0x3FB4] =	sst s10  }
0x38: {  	s10 =	sld [smem:$0x3FB5]  }
0x39: {  	_ = 	snop;
	(pc) =	sbr.ind lr, $3  }
0x3a: {  	_ = 	snop  }
0x3b: {  	_ = 	snop  }
0x3c: {  	p2 =	seq.s32 s10, $0x1;
	s10 =	sld [smem:$0x3FB4]  }
0x3d: {  	_ =	shalt  }
0x3e: {  	_ =	shalt  }
0x3f: {  	_ =	shalt  }
0x40: {  	_ =	shalt  }
0x41: {  	_ =	shalt  }
0x42: {  	_ =	shalt  }
0x43: {  	_ =	shalt  }
0x44: {  	_ =	shalt  }
0x45: {  	_ =	shalt  }
0x46: {  	_ =	shalt  }
0x47: {  	_ =	shalt  }
0x48: {  	_ =	shalt  }
0x49: {  	_ =	shalt  }
0x4a: {  	_ =	shalt  }
0x4b: {  	_ =	shalt  }
0x4c: {  	_ =	shalt  }
0x4d: {  	_ =	shalt  }
0x4e: {  	_ =	shalt  }
0x4f: {  	_ =	shalt  }
0x50: {  	_ =	shalt  }
0x51: {  	_ =	shalt  }
0x52: {  	_ =	shalt  }
0x53: {  	_ =	shalt  }
0x54: {  	_ =	shalt  }
0x55: {  	_ =	shalt  }
0x56: {  	_ =	shalt  }
0x57: {  	_ =	shalt  }
0x58: {  	_ =	shalt  }
0x59: {  	_ =	shalt  }
0x5a: {  	_ =	shalt  }
0x5b: {  	_ =	shalt  }
0x5c: {  	_ =	shalt  }
0x5d: {  	_ =	shalt  }
0x5e: {  	_ =	shalt  }
0x5f: {  	_ =	shalt  }
0x60: {  	_ =	shalt  }
0x61: {  	_ =	shalt  }
0x62: {  	_ =	shalt  }
0x63: {  	_ =	shalt  }
0x64: {  	_ =	shalt  }
0x65: {  	_ =	shalt  }
0x66: {  	_ =	shalt  }
0x67: {  	_ =	shalt  }
0x68: {  	_ =	shalt  }
0x69: {  	_ =	shalt  }
0x6a: {  	_ =	shalt  }
0x6b: {  	_ =	shalt  }
0x6c: {  	_ =	shalt  }
0x6d: {  	_ =	shalt  }
0x6e: {  	_ =	shalt  }
0x6f: {  	_ =	shalt  }
0x70: {  	_ =	shalt  }
0x71: {  	_ =	shalt  }
0x72: {  	_ =	shalt  }
0x73: {  	_ =	shalt  }
0x74: {  	_ =	shalt  }
0x75: {  	_ =	shalt  }
0x76: {  	_ =	shalt  }
0x77: {  	_ =	shalt  }
0x78: {  	_ =	shalt  }
0x79: {  	_ =	shalt  }
0x7a: {  	_ =	shalt  }
0x7b: {  	_ =	shalt  }
0x7c: {  	_ =	shalt  }
0x7d: {  	_ =	shalt  }
0x7e: {  	_ =	shalt  }
0x7f: {  	_ =	shalt  }
0x80: {  	_ =	shalt  }
0x81: {  	_ =	shalt  }
0x82: {  	_ =	shalt  }
0x83: {  	_ =	shalt  }
0x84: {  	_ =	shalt  }
0x85: {  	_ =	shalt  }
0x86: {  	_ =	shalt  }
0x87: {  	_ =	shalt  }
.Lfunc_end0:
.L_simem_size_0:
called_computation.2_lowered:
.L_overlay_start_0:
0x88: {  	s2 =	sld [smem:$0x3FD9]  }
0x89: {  	s3 =	sld [smem:$0x3FFE];
	_ =	sdelay $0x1  }
0x8a: {  	s1 =	srdreg.scid  }
0x8b: {  	s0 =	sand.u32 $0x1, s1  }
0x8c: {  	s16 =	sshll.u32 s0, $0xA;
	s2 =	sadd.s32 s3, s2  }
0x8d: {  	s2 =	sadd.s32 s2, s16  }
0x8e: {  	[smem:$0x3FC0] =	sst s2  }
0x8f: {  	_ = 	snop  }
0x90: {  	(tm) =	ssettm $0x1  }
0x91: {  	s17 =	sld [smem:$0x3FFB];
	_ =	sdelay $0x3  }
0x92: {  	_ =	strace s17  }
0x93: {  	s2 =	sld [smem:$0x3FFC];
	_ =	sdelay $0x3  }
0x94: {  	_ =	strace s2  }
0x95: {  	s2 =	sld [smem:$0x3FFD];
	_ =	sdelay $0x3  }
0x96: {  	_ =	strace s2  }
0x97: {  	_ =	strace $0x8FFFFFFF  }
0x98: {  	s18 =	sld [smem:$0x3FDB];
	_ =	sdelay $0x1  }
0x99: {  	s19 =	simm.s32 $_scs_section_size  }
0x9a: {  	s4 =	simm.s32 $_size__tile_overlayer_lowered;
	s5 =	simm.s32 $_tile_overlayer_lowered  }
0x9b: {  	s22 =	simm.s32 $0x1BFF;
	s21 =	sshll.u32 s5, $0x1;
	s2 =	sadd.s32 s19, s18  }
0x9c: {  	s6 =	simm.s32 $0x0;
	s20 =	sshll.u32 s4, $0x1;
	s4 =	sadd.s32 s21, s2  }
0x9d: {  	[timem:s6], [sflag:s22] =	dma.local [hbm:s4], s20  }
0x9e: {  	_ =	swait.ge [sflag:s22], s20  }
0x9f: {  	s3 =	ssub.s32 $0x0, s20;
	[sflag:s22] =	ssyncset.done $0x0  }
0xa0: {  	[sflag:s22] =	ssyncadd.s32 s3;
	_ =	sdelay $0x1  }
0xa1: {  	s23 =	simm.s32 $0x1B8B  }
0xa2: {  	_ =	swait.ge [sflag:s23], $0x1  }
0xa3: {  	[sflag:s23] =	ssyncset.done $0x0  }
0xa4: {  	s25 =	simm.s32 $0x1B8E;
	s24 =	sld [smem:$0x3FFE];
	[sflag:s23] =	ssyncadd.s32 $0xFFFFFFFF  }
0xa5: {  	s26 =	simm.s32 $execute0_lowered;
	[smem:$0x3FD2] =	sst s25  }
0xa6: {  	s4 =	sshll.u32 s26, $0x1;
	_ =	strace $0x8000004C;
	[dreg:$0x1] =	wrdreg $0xFFFFFFFF  }
0xa7: {  	s28 =	simm.s32 $_size_execute0_lowered;
	s2 =	sadd.s32 s2, s4;
	[dreg:$0x0] =	wrdreg $0x0  }
0xa8: {  	s4 =	sshll.u32 s28, $0x1;
	[dreg:$0x2] =	wrdreg s2  }
0xa9: {  	[dreg:$0x3] =	wrdreg s4  }
0xaa: {  	[dreg:$0x4] =	wrdreg $0xC0  }
0xab: {  	_ =	task [dreg:s6], $0x5FFFF  }
0xac: {  	[dreg:$0x1] =	wrdreg $0xFFFFFFFF  }
0xad: {  	[dreg:$0x0] =	wrdreg $0x60  }
0xae: {  	[dreg:$0x2] =	wrdreg s24  }
0xaf: {  	[dreg:$0x3] =	wrdreg $0x81800  }
0xb0: {  	[dreg:$0x4] =	wrdreg $0x9  }
0xb1: {  	_ =	task.clear_ibuf [dreg:s6], $0x5FFFF;
	_ =	strace $0x9000004C  }
0xb2: {  	s29 =	simm.s32 $0x9;
	_ =	strace $0x8000004E  }
0xb3: {  	_ =	swait.ge [sflag:s29], $0x1  }
0xb4: {  	[sflag:s29] =	ssyncadd.s32 $0xFFFFFFFF  }
0xb5: {  	_ =	strace $0x9000004E  }
0xb6: {  	_ =	sfence  }
0xb7: {  	s30 =	sld [smem:$0x0];
	_ =	sdelay $0x2  }
0xb8: {  	s31 =	sshll.u32 s1, $0xD;
	s1 =	sshrl.u32 s1, $0x2  }
0xb9: {  	s3 =	sand.u32 $0x4000, s31;
	s1 =	sadd.s32 s1, s30  }
0xba: {  	s0 =	sor.u32 s3, s0;
	s1 =	sshll.u32 s1, $0x11  }
0xbb: {  	s0 =	sor.u32 s1, s0  }
0xbc: {  	s0 =	sadd.s32 $0x8F2B, s0  }
0xbd: {  	[sflag:s0] =	ssyncadd.remote.s32 $0x1  }
0xbe: {  	_ =	sfence.sel $0xFFFF  }
0xbf: {  	[dreg:$0x0] =	wrdreg $0xFFFFFFFF;
	(pc) =	sbr.abs _section_cstart, $3  }
0xc0: {  	[dreg:$0x1] =	wrdreg $0xFFFFFFFF  }
0xc1: {  	_ =	task.clear_ibuf [dreg:s6], $0x2FFFF;
	_ =	strace $0x9FFFFFFF  }
0xc2: {  	(tm) =	ssettm $0x7FFFFFFF  }
0xc3: {  	_ =	shalt  }
tec
execute0_lowered:
.L_overlay_start_1:
0x0: {  	(tag) =	ssettag $0x1  }
0x1: {  	s0 =	rddreg [dreg:$0x0]  }
0x2: {  	s1 =	rddreg [dreg:$0x1]  }
0x3: {  	s2 =	simm.s32 $0x0;
	s3 =	srdreg.scid;
	s21 =	stileid.u32  }
0x4: {  	s29 =	simm.s32 $0x180;
	s30 =	simm.s32 $0x4;
	s31 =	simm.s32 $0x80  }
0x5: {  	[smem:$0x7FF] =	sst s2;
	s4 =	sadd.s32 $0xCE00, s0;
	s5 =	sadd.s32 $0x5D600, s0  }
0x6: {  	s6 =	sadd.s32 $0x2800, s0;
	s3 =	sand.u32 $0x1, s3;
	s8 =	smul.u32 $0x50000, s21  }
0x7: {  	s7 =	sadd.s32 $0xC600, s0;
	s13 =	smul.u32 $0x14000, s21;
	s0 =	sadd.s32 $0x67400, s0  }
0x8: {  	s26 =	smul.u32 $0x2780, s21;
	_ =	strace $0x8000004D;
	s19 =	ssub.s32 $0x2, s3  }
0x9: {  	[dreg:$0x3] =	wrdreg s7;
	s10 =	sshll.u32 s3, $0x4;
	s9 =	sshrl.u32 s19, $0x1  }
0xa: {  	s20 =	sor.u32 s21, s10;
	s8 =	sshrl.u32 s8, $0x2;
	s14 =	sadd.s32 $0x4000, s13  }
0xb: {  	s15 =	sadd.s32 $0x8000, s13;
	s16 =	sadd.s32 $0xC000, s13;
	s18 =	sadd.s32 $0x10000, s13  }
0xc: {  	s7 =	ssub.s32 s19, s9;
	s11 =	smul.u32 $0x2780, s20;
	s8 =	sadd.s32 s8, s1  }
0xd: {  	s9 =	sadd.s32 s14, s1;
	s10 =	sadd.s32 s15, s1;
	s20 =	smul.u32 $0x140000, s3  }
0xe: {  	s12 =	sadd.s32 s18, s1;
	s3 =	smul.u32 $0x27800, s3;
	s17 =	sshrl.u32 s11, $0x3  }
0xf: {  	s11 =	sadd.s32 s16, s1;
	s13 =	sadd.s32 s13, s20;
	s14 =	sadd.s32 s20, s14  }
0x10: {  	s15 =	sadd.s32 s20, s15;
	s24 =	sadd.s32 s20, s16;
	s25 =	sadd.s32 s20, s18  }
0x11: {  	s16 =	sadd.s32 s26, s3;
	s3 =	simm.s32 $0x100;
	s19 =	sadd.s32 $0x4E0, s17  }
0x12: {  	s13 =	sshrl.u32 s13, $0x3;
	s14 =	sshrl.u32 s14, $0x3;
	s23 =	sshrl.u32 s15, $0x3  }
0x13: {  	s15 =	sshrl.u32 s25, $0x3;
	s21 =	sadd.s32 s5, s17;
	s22 =	sadd.s32 s5, s19  }
0x14: {  	s18 =	sadd.s32 $0x10, s17;
	s19 =	sadd.s32 s6, s19;
	[dreg:$0x4] =	wrdreg s22  }
0x15: {  	s25 =	sadd.s32 $0x100, s16;
	s13 =	sadd.s32 s0, s13;
	[dreg:$0x5] =	wrdreg s19  }
0x16: {  	[dreg:$0x6] =	wrdreg s13;
	s22 =	sadd.s32 s0, s14;
	s14 =	sshrl.u32 s24, $0x3  }
0x17: {  	s13 =	sadd.s32 s0, s23;
	s19 =	sadd.s32 $0x180, s16;
	[dreg:$0x7] =	wrdreg s22  }
0x18: {  	s23 =	sadd.s32 s5, s18;
	s24 =	sadd.s32 s6, s18;
	[dreg:$0x8] =	wrdreg s13  }
0x19: {  	s14 =	sadd.s32 s0, s14;
	s0 =	sadd.s32 s0, s15;
	s15 =	smax.u32 s7, $0x1  }
0x1a: {  	s22 =	sadd.s32 s6, s17;
	s20 =	sshrl.u32 s19, $0x3;
	[dreg:$0x9] =	wrdreg s14  }
0x1b: {  	s7 =	simm.s32 $0x4180;
	s13 =	simm.s32 $0x2;
	[dreg:$0xa] =	wrdreg s0  }
0x1c: {  	[dreg:$0xb] =	wrdreg s15;
	s26 =	sadd.s32 s20, s6;
	s28 =	sadd.s32 s20, s5  }
0x1d: {  	s0 =	simm.s32 $0x1;
	s14 =	simm.s32 $0x3;
	s15 =	simm.s32 $0x0  }
.LBB2_1:
0x1e: {  	s16 =	rddreg [dreg:$0x3]  }
0x1f: {  	[tilespmem:s29], [sflag:$0x4] =	stream.linear.gather [hbm4b:s16+s2], $0x4000, $0x38;
	[tilespmem:$0x1C180] =	vst v63  }
0x20: {  	_ =	swait.ge [sflag:s30], $0x4000  }
0x21: {  	[sflag:s30] =	ssyncset.done $0x0  }
0x22: {  	[sflag:s30] =	ssyncadd.s32 $0xFFFFC000  }
0x23: {  	[spmem:s8] =	stream.linear.scatter [tilespmem:s29], [sflag:$0x4], $0x4000, $0x38;
	[tilespmem:$0x1C180] =	vst v63  }
0x24: {  	_ =	swait.ge [sflag:s30], $0x4000  }
0x25: {  	[sflag:s30] =	ssyncset.done $0x0  }
0x26: {  	[sflag:s30] =	ssyncadd.s32 $0xFFFFC000  }
0x27: {  	[spmem:s9] =	stream.linear.scatter [tilespmem:s29], [sflag:$0x4], $0x4000, $0x38;
	[tilespmem:$0x1C180] =	vst v63  }
0x28: {  	_ =	swait.ge [sflag:s30], $0x4000  }
0x29: {  	[sflag:s30] =	ssyncset.done $0x0  }
0x2a: {  	[sflag:s30] =	ssyncadd.s32 $0xFFFFC000  }
0x2b: {  	[spmem:s10] =	stream.linear.scatter [tilespmem:s29], [sflag:$0x4], $0x4000, $0x38;
	[tilespmem:$0x1C180] =	vst v63  }
0x2c: {  	_ =	swait.ge [sflag:s30], $0x4000  }
0x2d: {  	[sflag:s30] =	ssyncset.done $0x0  }
0x2e: {  	[sflag:s30] =	ssyncadd.s32 $0xFFFFC000  }
0x2f: {  	[spmem:s11] =	stream.linear.scatter [tilespmem:s29], [sflag:$0x4], $0x4000, $0x38;
	[tilespmem:$0x1C180] =	vst v63  }
0x30: {  	_ =	swait.ge [sflag:s30], $0x4000  }
0x31: {  	[sflag:s30] =	ssyncset.done $0x0  }
0x32: {  	[sflag:s30] =	ssyncadd.s32 $0xFFFFC000  }
0x33: {  	[spmem:s12] =	stream.linear.scatter [tilespmem:s29], [sflag:$0x4], $0x4000, $0x38;
	[tilespmem:$0x1C180] =	vst v63  }
0x34: {  	_ =	swait.ge [sflag:s30], $0x4000  }
0x35: {  	[sflag:s30] =	ssyncset.done $0x0  }
0x36: {  	[sflag:s30] =	ssyncadd.s32 $0xFFFFC000  }
0x37: {  	[bflag:$0x0] =	sbarrier.arrive $0xFFFF  }
0x38: {  	[tilespmem:s2], [sflag:$0x4] =	stream.linear.gather [hbm4b:s21+s2], $0x80, $0x38;
	[tilespmem:$0x1C180] =	vst v63  }
0x39: {  	_ =	swait.ge [sflag:s30], $0x80  }
0x3a: {  	[sflag:s30] =	ssyncset.done $0x0  }
0x3b: {  	[sflag:s30] =	ssyncadd.s32 $0xFFFFFF80  }
0x3c: {  	[tilespmem:s31], [sflag:$0x4] =	stream.linear.gather [hbm4b:s22+s2], $0x80, $0x38;
	[tilespmem:$0x1C180] =	vst v63  }
0x3d: {  	_ =	swait.ge [sflag:s30], $0x80  }
0x3e: {  	[sflag:s30] =	ssyncset.done $0x0  }
0x3f: {  	[sflag:s30] =	ssyncadd.s32 $0xFFFFFF80  }
0x40: {  	[tilespmem:s29], [sflag:$0x1] =	stream.indirect.gather [hbm4b:s4+s31], $0x80, s2, s31, $0xb8;
	[tilespmem:$0x1C180] =	vst v63  }
0x41: {  	_ =	swait.ge [sflag:s0], $0x4000  }
0x42: {  	[sflag:s0] =	ssyncset.done $0x0  }
0x43: {  	[sflag:s0] =	ssyncadd.s32 $0xFFFFC000  }
0x44: {  	[spmem:s1] =	stream.indirect.scatter.add.f32 [tilespmem:s29], [sflag:$0x2], $0x80, s31, s31, $0xb8;
	[tilespmem:$0x1C180] =	vst v63  }
0x45: {  	_ = 	snop  }
0x46: {  	[tilespmem:s2], [sflag:$0x4] =	stream.linear.gather [hbm4b:s23+s2], $0x80, $0x38;
	[tilespmem:$0x1C180] =	vst v63  }
0x47: {  	_ =	swait.ge [sflag:s30], $0x80  }
0x48: {  	[sflag:s30] =	ssyncset.done $0x0  }
0x49: {  	[sflag:s30] =	ssyncadd.s32 $0xFFFFFF80  }
0x4a: {  	[tilespmem:s3], [sflag:$0x4] =	stream.linear.gather [hbm4b:s24+s2], $0x80, $0x38;
	[tilespmem:$0x1C180] =	vst v63  }
0x4b: {  	_ =	swait.ge [sflag:s30], $0x80  }
0x4c: {  	[sflag:s30] =	ssyncset.done $0x0  }
0x4d: {  	[sflag:s30] =	ssyncadd.s32 $0xFFFFFF80  }
0x4e: {  	[tilespmem:s7], [sflag:$0x1] =	stream.indirect.gather [hbm4b:s4+s31], $0x80, s2, s31, $0xb8;
	[tilespmem:$0x1C180] =	vst v63  }
0x4f: {  	_ =	swait.ge [sflag:s0], $0x4000  }
0x50: {  	[sflag:s0] =	ssyncset.done $0x0  }
0x51: {  	[sflag:s0] =	ssyncadd.s32 $0xFFFFC000  }
0x52: {  	[spmem:s1] =	stream.indirect.scatter.add.f32 [tilespmem:s7], [sflag:$0x3], $0x80, s3, s31, $0xb8;
	[tilespmem:$0x1C180] =	vst v63  }
0x53: {  	_ =	swait.ge [sflag:s13], $0x4000  }
0x54: {  	s18 =	sshrl.u32 s25, $0x3;
	[sflag:s13] =	ssyncset.done $0x0  }
0x55: {  	s17 =	sadd.s32 s5, s18;
	[sflag:s13] =	ssyncadd.s32 $0xFFFFC000  }
0x56: {  	[tilespmem:s2], [sflag:$0x4] =	stream.linear.gather [hbm4b:s17+s2], $0x80, $0x38;
	[tilespmem:$0x1C180] =	vst v63  }
0x57: {  	_ =	swait.ge [sflag:s30], $0x80  }
0x58: {  	[sflag:s30] =	ssyncset.done $0x0  }
0x59: {  	s16 =	sadd.s32 s6, s18;
	[sflag:s30] =	ssyncadd.s32 $0xFFFFFF80  }
0x5a: {  	[tilespmem:s31], [sflag:$0x4] =	stream.linear.gather [hbm4b:s16+s2], $0x80, $0x38;
	[tilespmem:$0x1C180] =	vst v63  }
0x5b: {  	_ =	swait.ge [sflag:s30], $0x80  }
0x5c: {  	[sflag:s30] =	ssyncset.done $0x0  }
0x5d: {  	[sflag:s30] =	ssyncadd.s32 $0xFFFFFF80  }
0x5e: {  	[tilespmem:s29], [sflag:$0x1] =	stream.indirect.gather [hbm4b:s4+s31], $0x80, s2, s31, $0xb8;
	[tilespmem:$0x1C180] =	vst v63  }
0x5f: {  	_ =	swait.ge [sflag:s0], $0x4000  }
0x60: {  	[sflag:s0] =	ssyncset.done $0x0  }
0x61: {  	[sflag:s0] =	ssyncadd.s32 $0xFFFFC000  }
0x62: {  	[spmem:s1] =	stream.indirect.scatter.add.f32 [tilespmem:s29], [sflag:$0x2], $0x80, s31, s31, $0xb8;
	[tilespmem:$0x1C180] =	vst v63  }
0x63: {  	_ =	swait.ge [sflag:s14], $0x4000  }
0x64: {  	[sflag:s14] =	ssyncset.done $0x0  }
0x65: {  	s19 =	sadd.s32 $0x0, s28;
	[sflag:s14] =	ssyncadd.s32 $0xFFFFC000  }
0x66: {  	[tilespmem:s2], [sflag:$0x4] =	stream.linear.gather [hbm4b:s19+s2], $0x80, $0x38;
	[tilespmem:$0x1C180] =	vst v63  }
0x67: {  	_ =	swait.ge [sflag:s30], $0x80  }
0x68: {  	[sflag:s30] =	ssyncset.done $0x0  }
0x69: {  	s20 =	sadd.s32 $0x0, s26;
	[sflag:s30] =	ssyncadd.s32 $0xFFFFFF80  }
0x6a: {  	[tilespmem:s3], [sflag:$0x4] =	stream.linear.gather [hbm4b:s20+s2], $0x80, $0x38;
	[tilespmem:$0x1C180] =	vst v63  }
0x6b: {  	_ =	swait.ge [sflag:s30], $0x80  }
0x6c: {  	[sflag:s30] =	ssyncset.done $0x0  }
0x6d: {  	[sflag:s30] =	ssyncadd.s32 $0xFFFFFF80  }
0x6e: {  	[tilespmem:s7], [sflag:$0x1] =	stream.indirect.gather [hbm4b:s4+s31], $0x80, s2, s31, $0xb8;
	[tilespmem:$0x1C180] =	vst v63  }
0x6f: {  	_ =	swait.ge [sflag:s0], $0x4000  }
0x70: {  	[sflag:s0] =	ssyncset.done $0x0  }
0x71: {  	s17 =	sadd.s32 $0x100, s25;
	s16 =	simm.s32 $0x20;
	[sflag:s0] =	ssyncadd.s32 $0xFFFFC000  }
.LBB2_2:
0x72: {  	[spmem:s1] =	stream.indirect.scatter.add.f32 [tilespmem:s7], [sflag:$0x3], $0x80, s3, s31, $0xb8;
	[tilespmem:$0x1C180] =	vst v63  }
0x73: {  	s18 =	smov.u32 s16  }
0x74: {  	p0 =	sne.s32 s16, $0x4A0;
	s16 =	sadd.s32 $0x20, s16;
	_ =	swait.ge [sflag:s13], $0x4000  }
0x75: {  	s19 =	sshrl.u32 s17, $0x3;
	[sflag:s13] =	ssyncset.done $0x0  }
0x76: {  	s20 =	sadd.s32 s5, s19;
	[sflag:s13] =	ssyncadd.s32 $0xFFFFC000  }
0x77: {  	[tilespmem:s2], [sflag:$0x4] =	stream.linear.gather [hbm4b:s20+s2], $0x80, $0x38;
	[tilespmem:$0x1C180] =	vst v63  }
0x78: {  	_ =	swait.ge [sflag:s30], $0x80  }
0x79: {  	[sflag:s30] =	ssyncset.done $0x0  }
0x7a: {  	s19 =	sadd.s32 s6, s19;
	[sflag:s30] =	ssyncadd.s32 $0xFFFFFF80  }
0x7b: {  	[tilespmem:s31], [sflag:$0x4] =	stream.linear.gather [hbm4b:s19+s2], $0x80, $0x38;
	[tilespmem:$0x1C180] =	vst v63  }
0x7c: {  	_ =	swait.ge [sflag:s30], $0x80  }
0x7d: {  	[sflag:s30] =	ssyncset.done $0x0  }
0x7e: {  	[sflag:s30] =	ssyncadd.s32 $0xFFFFFF80  }
0x7f: {  	[tilespmem:s29], [sflag:$0x1] =	stream.indirect.gather [hbm4b:s4+s31], $0x80, s2, s31, $0xb8;
	[tilespmem:$0x1C180] =	vst v63  }
0x80: {  	_ =	swait.ge [sflag:s0], $0x4000  }
0x81: {  	[sflag:s0] =	ssyncset.done $0x0  }
0x82: {  	[sflag:s0] =	ssyncadd.s32 $0xFFFFC000  }
0x83: {  	[spmem:s1] =	stream.indirect.scatter.add.f32 [tilespmem:s29], [sflag:$0x2], $0x80, s31, s31, $0xb8;
	[tilespmem:$0x1C180] =	vst v63  }
0x84: {  	_ =	swait.ge [sflag:s14], $0x4000  }
0x85: {  	[sflag:s14] =	ssyncset.done $0x0  }
0x86: {  	s19 =	sadd.s32 s18, s28;
	[sflag:s14] =	ssyncadd.s32 $0xFFFFC000  }
0x87: {  	[tilespmem:s2], [sflag:$0x4] =	stream.linear.gather [hbm4b:s19+s2], $0x80, $0x38;
	[tilespmem:$0x1C180] =	vst v63  }
0x88: {  	_ =	swait.ge [sflag:s30], $0x80  }
0x89: {  	[sflag:s30] =	ssyncset.done $0x0  }
0x8a: {  	s18 =	sadd.s32 s18, s26;
	[sflag:s30] =	ssyncadd.s32 $0xFFFFFF80  }
0x8b: {  	[tilespmem:s3], [sflag:$0x4] =	stream.linear.gather [hbm4b:s18+s2], $0x80, $0x38;
	[tilespmem:$0x1C180] =	vst v63  }
0x8c: {  	_ =	swait.ge [sflag:s30], $0x80  }
0x8d: {  	[sflag:s30] =	ssyncset.done $0x0  }
.Ltmp0:
0x8e: {  	[sflag:s30] =	ssyncadd.s32 $0xFFFFFF80;
	(pc) =	sbr.rel @p0 .LBB2_2-.Ltmp0, $4  }
0x8f: {  	[tilespmem:s7], [sflag:$0x1] =	stream.indirect.gather [hbm4b:s4+s31], $0x80, s2, s31, $0xb8;
	[tilespmem:$0x1C180] =	vst v63  }
0x90: {  	_ =	swait.ge [sflag:s0], $0x4000  }
0x91: {  	[sflag:s0] =	ssyncset.done $0x0  }
0x92: {  	s17 =	sadd.s32 $0x100, s17;
	[sflag:s0] =	ssyncadd.s32 $0xFFFFC000  }
0x93: {  	[spmem:s1] =	stream.indirect.scatter.add.f32 [tilespmem:s7], [sflag:$0x3], $0x80, s3, s31, $0xb8;
	[tilespmem:$0x1C180] =	vst v63  }
0x94: {  	_ =	swait.ge [sflag:s13], $0x4000  }
0x95: {  	[sflag:s13] =	ssyncset.done $0x0  }
0x96: {  	[sflag:s13] =	ssyncadd.s32 $0xFFFFC000  }
0x97: {  	_ =	swait.ge [sflag:s14], $0x4000  }
0x98: {  	[sflag:s14] =	ssyncset.done $0x0  }
0x99: {  	s16 =	rddreg [dreg:$0x4];
	[sflag:s14] =	ssyncadd.s32 $0xFFFFC000  }
0x9a: {  	[tilespmem:s2], [sflag:$0x4] =	stream.linear.gather [hbm4b:s16+s2], $0x80, $0x38;
	[tilespmem:$0x1C180] =	vst v63  }
0x9b: {  	_ =	swait.ge [sflag:s30], $0x80  }
0x9c: {  	[sflag:s30] =	ssyncset.done $0x0  }
0x9d: {  	s17 =	rddreg [dreg:$0x5];
	[sflag:s30] =	ssyncadd.s32 $0xFFFFFF80  }
0x9e: {  	[tilespmem:s31], [sflag:$0x4] =	stream.linear.gather [hbm4b:s17+s2], $0x80, $0x38;
	[tilespmem:$0x1C180] =	vst v63  }
0x9f: {  	_ =	swait.ge [sflag:s30], $0x80  }
0xa0: {  	[sflag:s30] =	ssyncset.done $0x0  }
0xa1: {  	[sflag:s30] =	ssyncadd.s32 $0xFFFFFF80  }
0xa2: {  	[tilespmem:s29], [sflag:$0x1] =	stream.indirect.gather [hbm4b:s4+s31], $0x80, s2, s31, $0xb8;
	[tilespmem:$0x1C180] =	vst v63  }
0xa3: {  	_ =	swait.ge [sflag:s0], $0x4000  }
0xa4: {  	[sflag:s0] =	ssyncset.done $0x0  }
0xa5: {  	[sflag:s0] =	ssyncadd.s32 $0xFFFFC000  }
0xa6: {  	[spmem:s1] =	stream.indirect.scatter.add.f32 [tilespmem:s29], [sflag:$0x4], $0x80, s31, s31, $0xb8;
	[tilespmem:$0x1C180] =	vst v63  }
0xa7: {  	_ =	swait.ge [sflag:s30], $0x4000  }
0xa8: {  	[sflag:s30] =	ssyncset.done $0x0  }
0xa9: {  	s18 =	stileid.u32;
	[sflag:s30] =	ssyncadd.s32 $0xFFFFC000  }
0xaa: {  	s16 =	sshll.u32 s18, $0x6;
	[bflag:$0x0] =	sbarrier.arrive $0xFFFF  }
0xab: {  	s16 =	sor.u32 $0x1C04, s16;
	s17 =	sshrl.u32 s8, $0x3;
	s18 =	rddreg [dreg:$0x6]  }
0xac: {  	[hbm:s18], [sflag:s16] =	dma.local [spmem:s17], $0x800  }
0xad: {  	_ =	swait.ge [sflag:s30], $0x800  }
0xae: {  	[sflag:s30] =	ssyncset.done $0x0  }
0xaf: {  	s19 =	sshrl.u32 s9, $0x3;
	s20 =	rddreg [dreg:$0x7];
	[sflag:s30] =	ssyncadd.s32 $0xFFFFF800  }
0xb0: {  	[hbm:s20], [sflag:s16] =	dma.local [spmem:s19], $0x800  }
0xb1: {  	_ =	swait.ge [sflag:s30], $0x800  }
0xb2: {  	[sflag:s30] =	ssyncset.done $0x0  }
0xb3: {  	s19 =	sshrl.u32 s10, $0x3;
	s20 =	rddreg [dreg:$0x8];
	[sflag:s30] =	ssyncadd.s32 $0xFFFFF800  }
0xb4: {  	[hbm:s20], [sflag:s16] =	dma.local [spmem:s19], $0x800  }
0xb5: {  	_ =	swait.ge [sflag:s30], $0x800  }
0xb6: {  	[sflag:s30] =	ssyncset.done $0x0  }
0xb7: {  	s19 =	sshrl.u32 s11, $0x3;
	s20 =	rddreg [dreg:$0x9];
	[sflag:s30] =	ssyncadd.s32 $0xFFFFF800  }
0xb8: {  	[hbm:s20], [sflag:s16] =	dma.local [spmem:s19], $0x800  }
0xb9: {  	_ =	swait.ge [sflag:s30], $0x800  }
0xba: {  	[sflag:s30] =	ssyncset.done $0x0  }
0xbb: {  	s18 =	sshrl.u32 s12, $0x3;
	s19 =	rddreg [dreg:$0xa];
	[sflag:s30] =	ssyncadd.s32 $0xFFFFF800  }
0xbc: {  	[hbm:s19], [sflag:s16] =	dma.local [spmem:s18], $0x800  }
0xbd: {  	_ =	swait.ge [sflag:s30], $0x800  }
0xbe: {  	s15 =	sadd.s32 $0x1, s15;
	s20 =	rddreg [dreg:$0xb]  }
0xbf: {  	p0 =	sne.s32 s15, s20  }
.Ltmp1:
0xc0: {  	_ = 	snop;
	(pc) =	sbr.rel @p0 .LBB2_1-.Ltmp1, $3  }
0xc1: {  	_ =	sdelay $0x1  }
0xc2: {  	[sflag:s30] =	ssyncset.done $0x0  }
0xc3: {  	[sflag:s30] =	ssyncadd.s32 $0xFFFFF800  }
0xc4: {  	_ =	sfence.sel $0x180000  }
0xc5: {  	[bflag:$0x0] =	sbarrier.arrive $0xFFFF  }
0xc6: {  	_ =	strace $0x9000004D  }
0xc7: {  	s0 =	stileid.u32;
	[bflag:$0x2] =	sbarrier.arrive $0xFFFF  }
0xc8: {  	p0 =	sne.s32 s0, $0x0;
	s0 =	rddreg [dreg:$0x2]  }
0xc9: {  	s0 =	sadd.s32 @!p0 $0x100000, s0  }
0xca: {  	[sflag:s0] =	ssyncadd.tile.s32 @!p0 $0x1;
	_ =	shalt  }
.Lfunc_end2:
_tile_overlayer_lowered:
.L_overlay_start_2:
0xcb: {  	(tag) =	ssettag $0x2  }
0xcc: {  	s0 =	rddreg [dreg:$0x0];
	s2 =	stileid.u32  }
0xcd: {  	s1 =	rddreg [dreg:$0x1];
	p0 =	sne.s32 s2, $0x0  }
0xce: {  	s3 =	rddreg [dreg:$0x2];
	[bflag:$0x3] =	sbarrier.arrive $0xFFFF;
	s2 =	simm.s32 @!p0 $0x1C04  }
0xcf: {  	[timem:s3], [sflag:s2] =	dma.local @!p0 [hbm:s0], s1  }
0xd0: {  	s0 =	simm.s32 @!p0 $0x4  }
0xd1: {  	_ =	swait.ge @!p0 [sflag:s0], s1  }
0xd2: {  	s1 =	ssub.s32 @!p0 $0x0, s1;
	[sflag:s0] =	ssyncset.done @!p0 $0x0  }
0xd3: {  	[sflag:s0] =	ssyncadd.s32 @!p0 s1  }
0xd4: {  	[bflag:$0x3] =	sbarrier.arrive $0xFFFF  }
0xd5: {  	_ =	shalt  }

// kernel: kernel.19.cloned.1.call-start
scs
__scs_entry_jumppad:
0x0: {  	(pc) =	sbr.rel $0x88, $3  }
0x1: {  	(tag) =	ssettag $0x0;
	lr =	simm.s32 $0x1  }
0x2: {  	[smem:$0x3F99] =	sst lr;
	_ =	strace $0xD0000000  }
0x3: {  	_ = 	snop  }
0x4: {  	_ = 	snop  }
0x5: {  	_ = 	snop  }
0x6: {  	_ = 	snop  }
0x7: {  	_ = 	snop  }
__scs_overlays_trampoline_lowered:
0x8: {  	[smem:$0x3FA8] =	sst s0  }
0x9: {  	[smem:$0x3FA9] =	sst s1  }
0xa: {  	[smem:$0x3FAA] =	sst s2  }
0xb: {  	[smem:$0x3FAB] =	sst s3  }
0xc: {  	[smem:$0x3FAC] =	sst s4  }
0xd: {  	[smem:$0x3FAD] =	sst s5  }
0xe: {  	[smem:$0x3FAE] =	sst s6  }
0xf: {  	[smem:$0x3FAF] =	sst s7  }
0x10: {  	[smem:$0x3FB0] =	sst s8  }
0x11: {  	[smem:$0x3FB1] =	sst s9;
	s0 =	simm.s32 @!p0 $0x0  }
0x12: {  	s1 =	sld [smem:$0x3F97];
	s0 =	simm.s32 @p0 $0x1  }
0x13: {  	[smem:$0x3FB2] =	sst s0;
	s0 =	simm.s32 @!p1 $0x0  }
0x14: {  	s2 =	sld [smem:$0x3F96];
	s0 =	simm.s32 @p1 $0x1  }
0x15: {  	[smem:$0x3FB3] =	sst s0;
	s0 =	simm.s32 @!p2 $0x0  }
0x16: {  	s3 =	sld [smem:$0x3FDB];
	s0 =	simm.s32 @p2 $0x1  }
0x17: {  	s4 =	simm.s32 $0x1BF5;
	[smem:$0x3FB5] =	sst s0  }
0x18: {  	s0 =	sld [smem:$0x3F98];
	_ =	swait.ge [sflag:s4], $0x0  }
0x19: {  	s7 =	sld [smem:$0x3F99]  }
0x1a: {  	s8 =	sadd.s32 $0xFFFFE003, lr  }
0x1b: {  	s9 =	sadd.s32 $0xFFFFFEF7, lr;
	s5 =	simm.s32 $0xFFFFFFFF;
	p2 =	slt.u32 s8, $0xFFFFF086  }
0x1c: {  	p1 =	slt.u32 s9, $0xF7A;
	s5 =	simm.s32 @!p2 $0x0  }
0x1d: {  	s5 =	simm.s32 @p1 $0x1;
	p0 =	seq.s32 s7, s2  }
0x1e: {  	s7 =	smul.u32 @!p0 $0xF7A, s2;
	p2 =	seq.s32 @!p0 s5, $0x0  }
0x1f: {  	s9 =	smul.u32 $0xF7A, s1;
	s8 =	simm.s32 @!p0 $0x1BF5;
	p2 =	por !p2, p0  }
0x20: {  	[sflag:s8] =	ssyncset.s32 @!p0 $0xFFFFF086;
	s6 =	sadd.s32 @!p0 s3, s7;
	s7 =	simm.s32 @!p0 $0x108  }
0x21: {  	s3 =	sadd.s32 s3, s9;
	s6 =	sadd.s32 @!p0 $0x88, s6;
	s7 =	simm.s32 @p2 $0x1082  }
0x22: {  	[simem:s7], [sflag:s8] =	dma.local @!p0 [hbm:s6], $0xF7A  }
0x23: {  	s9 =	sor.u32 $0xD0000000, s2;
	s6 =	simm.s32 $0x108;
	_ =	swait.ge @!p0 [sflag:s8], $0x0  }
0x24: {  	s3 =	sadd.s32 $0x88, s3;
	s6 =	simm.s32 @!p1 $0x1082;
	[sflag:s4] =	ssyncset.s32 $0xFFFFF086  }
0x25: {  	[simem:s6], [sflag:s4] =	dma.local [hbm:s3], $0xF7A  }
0x26: {  	[smem:$0x3F99] =	sst s1;
	(tag) =	ssettag s2;
	_ =	strace s9  }
0x27: {  	s1 =	sld [smem:$0x3FA9]  }
0x28: {  	s2 =	sld [smem:$0x3FAA]  }
0x29: {  	s4 =	sld [smem:$0x3FAC]  }
0x2a: {  	p0 =	seq.s32 s5, $0x0;
	s5 =	sld [smem:$0x3FAD]  }
0x2b: {  	s6 =	sld [smem:$0x3FAE]  }
0x2c: {  	s7 =	sld [smem:$0x3FAF]  }
0x2d: {  	s3 =	simm.s32 $0x108;
	s8 =	sld [smem:$0x3FB0]  }
0x2e: {  	s3 =	simm.s32 @!p0 $0x1082;
	s9 =	sld [smem:$0x3FB1]  }
0x2f: {  	lr =	sadd.s32 s0, s3;
	s0 =	sld [smem:$0x3FA8]  }
0x30: {  	s3 =	sld [smem:$0x3FAB]  }
0x31: {  	[smem:$0x3FB4] =	sst s10  }
0x32: {  	s10 =	sld [smem:$0x3FB2];
	_ =	sdelay $0x3  }
0x33: {  	p0 =	seq.s32 s10, $0x1;
	s10 =	sld [smem:$0x3FB4];
	_ =	sdelay $0x3  }
0x34: {  	[smem:$0x3FB4] =	sst s10  }
0x35: {  	s10 =	sld [smem:$0x3FB3];
	_ =	sdelay $0x3  }
0x36: {  	p1 =	seq.s32 s10, $0x1;
	s10 =	sld [smem:$0x3FB4];
	_ =	sdelay $0x3  }
0x37: {  	[smem:$0x3FB4] =	sst s10  }
0x38: {  	s10 =	sld [smem:$0x3FB5]  }
0x39: {  	_ = 	snop;
	(pc) =	sbr.ind lr, $3  }
0x3a: {  	_ = 	snop  }
0x3b: {  	_ = 	snop  }
0x3c: {  	p2 =	seq.s32 s10, $0x1;
	s10 =	sld [smem:$0x3FB4]  }
0x3d: {  	_ =	shalt  }
0x3e: {  	_ =	shalt  }
0x3f: {  	_ =	shalt  }
0x40: {  	_ =	shalt  }
0x41: {  	_ =	shalt  }
0x42: {  	_ =	shalt  }
0x43: {  	_ =	shalt  }
0x44: {  	_ =	shalt  }
0x45: {  	_ =	shalt  }
0x46: {  	_ =	shalt  }
0x47: {  	_ =	shalt  }
0x48: {  	_ =	shalt  }
0x49: {  	_ =	shalt  }
0x4a: {  	_ =	shalt  }
0x4b: {  	_ =	shalt  }
0x4c: {  	_ =	shalt  }
0x4d: {  	_ =	shalt  }
0x4e: {  	_ =	shalt  }
0x4f: {  	_ =	shalt  }
0x50: {  	_ =	shalt  }
0x51: {  	_ =	shalt  }
0x52: {  	_ =	shalt  }
0x53: {  	_ =	shalt  }
0x54: {  	_ =	shalt  }
0x55: {  	_ =	shalt  }
0x56: {  	_ =	shalt  }
0x57: {  	_ =	shalt  }
0x58: {  	_ =	shalt  }
0x59: {  	_ =	shalt  }
0x5a: {  	_ =	shalt  }
0x5b: {  	_ =	shalt  }
0x5c: {  	_ =	shalt  }
0x5d: {  	_ =	shalt  }
0x5e: {  	_ =	shalt  }
0x5f: {  	_ =	shalt  }
0x60: {  	_ =	shalt  }
0x61: {  	_ =	shalt  }
0x62: {  	_ =	shalt  }
0x63: {  	_ =	shalt  }
0x64: {  	_ =	shalt  }
0x65: {  	_ =	shalt  }
0x66: {  	_ =	shalt  }
0x67: {  	_ =	shalt  }
0x68: {  	_ =	shalt  }
0x69: {  	_ =	shalt  }
0x6a: {  	_ =	shalt  }
0x6b: {  	_ =	shalt  }
0x6c: {  	_ =	shalt  }
0x6d: {  	_ =	shalt  }
0x6e: {  	_ =	shalt  }
0x6f: {  	_ =	shalt  }
0x70: {  	_ =	shalt  }
0x71: {  	_ =	shalt  }
0x72: {  	_ =	shalt  }
0x73: {  	_ =	shalt  }
0x74: {  	_ =	shalt  }
0x75: {  	_ =	shalt  }
0x76: {  	_ =	shalt  }
0x77: {  	_ =	shalt  }
0x78: {  	_ =	shalt  }
0x79: {  	_ =	shalt  }
0x7a: {  	_ =	shalt  }
0x7b: {  	_ =	shalt  }
0x7c: {  	_ =	shalt  }
0x7d: {  	_ =	shalt  }
0x7e: {  	_ =	shalt  }
0x7f: {  	_ =	shalt  }
0x80: {  	_ =	shalt  }
0x81: {  	_ =	shalt  }
0x82: {  	_ =	shalt  }
0x83: {  	_ =	shalt  }
0x84: {  	_ =	shalt  }
0x85: {  	_ =	shalt  }
0x86: {  	_ =	shalt  }
0x87: {  	_ =	shalt  }
.Lfunc_end0:
.L_simem_size_0:
called_computation.3_lowered:
.L_overlay_start_0:
0x88: {  	s2 =	sld [smem:$0x3FD9]  }
0x89: {  	s3 =	sld [smem:$0x3FFE];
	_ =	sdelay $0x1  }
0x8a: {  	s1 =	srdreg.scid  }
0x8b: {  	s0 =	sand.u32 $0x1, s1  }
0x8c: {  	s16 =	sshll.u32 s0, $0xA;
	s2 =	sadd.s32 s3, s2  }
0x8d: {  	s2 =	sadd.s32 s2, s16  }
0x8e: {  	[smem:$0x3FC0] =	sst s2  }
0x8f: {  	_ = 	snop  }
0x90: {  	(tm) =	ssettm $0x1  }
0x91: {  	s17 =	sld [smem:$0x3FFB];
	_ =	sdelay $0x3  }
0x92: {  	_ =	strace s17  }
0x93: {  	s2 =	sld [smem:$0x3FFC];
	_ =	sdelay $0x3  }
0x94: {  	_ =	strace s2  }
0x95: {  	s2 =	sld [smem:$0x3FFD];
	_ =	sdelay $0x3  }
0x96: {  	_ =	strace s2  }
0x97: {  	_ =	strace $0x8FFFFFFF  }
0x98: {  	s18 =	sld [smem:$0x3FDB];
	_ =	sdelay $0x1  }
0x99: {  	s19 =	simm.s32 $_scs_section_size  }
0x9a: {  	s4 =	simm.s32 $_size__tile_overlayer_lowered;
	s5 =	simm.s32 $_tile_overlayer_lowered  }
0x9b: {  	s22 =	simm.s32 $0x1BFF;
	s21 =	sshll.u32 s5, $0x1;
	s2 =	sadd.s32 s19, s18  }
0x9c: {  	s6 =	simm.s32 $0x0;
	s20 =	sshll.u32 s4, $0x1;
	s4 =	sadd.s32 s21, s2  }
0x9d: {  	[timem:s6], [sflag:s22] =	dma.local [hbm:s4], s20  }
0x9e: {  	_ =	swait.ge [sflag:s22], s20  }
0x9f: {  	s3 =	ssub.s32 $0x0, s20;
	[sflag:s22] =	ssyncset.done $0x0  }
0xa0: {  	[sflag:s22] =	ssyncadd.s32 s3;
	_ =	sdelay $0x1  }
0xa1: {  	s23 =	simm.s32 $0x1B8B  }
0xa2: {  	_ =	swait.ge [sflag:s23], $0x1  }
0xa3: {  	[sflag:s23] =	ssyncset.done $0x0  }
0xa4: {  	s25 =	simm.s32 $0x1B8E;
	s24 =	sld [smem:$0x3FFE];
	[sflag:s23] =	ssyncadd.s32 $0xFFFFFFFF  }
0xa5: {  	s26 =	simm.s32 $execute0_lowered;
	[smem:$0x3FD2] =	sst s25  }
0xa6: {  	s4 =	sshll.u32 s26, $0x1;
	_ =	strace $0x8000004F;
	[dreg:$0x1] =	wrdreg $0xFFFFFFFF  }
0xa7: {  	s28 =	simm.s32 $_size_execute0_lowered;
	s2 =	sadd.s32 s2, s4;
	[dreg:$0x0] =	wrdreg $0x0  }
0xa8: {  	s4 =	sshll.u32 s28, $0x1;
	[dreg:$0x2] =	wrdreg s2  }
0xa9: {  	[dreg:$0x3] =	wrdreg s4  }
0xaa: {  	[dreg:$0x4] =	wrdreg $0xC0  }
0xab: {  	_ =	task [dreg:s6], $0x5FFFF  }
0xac: {  	[dreg:$0x1] =	wrdreg $0xFFFFFFFF  }
0xad: {  	[dreg:$0x0] =	wrdreg $0x60  }
0xae: {  	[dreg:$0x2] =	wrdreg s24  }
0xaf: {  	[dreg:$0x3] =	wrdreg $0x81800  }
0xb0: {  	[dreg:$0x4] =	wrdreg $0x9  }
0xb1: {  	_ =	task.clear_ibuf [dreg:s6], $0x5FFFF;
	_ =	strace $0x9000004F  }
0xb2: {  	s29 =	simm.s32 $0x9;
	_ =	strace $0x80000051  }
0xb3: {  	_ =	swait.ge [sflag:s29], $0x1  }
0xb4: {  	[sflag:s29] =	ssyncadd.s32 $0xFFFFFFFF  }
0xb5: {  	_ =	strace $0x90000051  }
0xb6: {  	_ =	sfence  }
0xb7: {  	s30 =	sld [smem:$0x0];
	_ =	sdelay $0x2  }
0xb8: {  	s31 =	sshll.u32 s1, $0xD;
	s1 =	sshrl.u32 s1, $0x2  }
0xb9: {  	s3 =	sand.u32 $0x4000, s31;
	s1 =	sadd.s32 s1, s30  }
0xba: {  	s0 =	sor.u32 s3, s0;
	s1 =	sshll.u32 s1, $0x11  }
0xbb: {  	s0 =	sor.u32 s1, s0  }
0xbc: {  	s0 =	sadd.s32 $0x8F2B, s0  }
0xbd: {  	[sflag:s0] =	ssyncadd.remote.s32 $0x1  }
0xbe: {  	_ =	sfence.sel $0xFFFF  }
0xbf: {  	[dreg:$0x0] =	wrdreg $0xFFFFFFFF;
	(pc) =	sbr.abs _section_cstart, $3  }
0xc0: {  	[dreg:$0x1] =	wrdreg $0xFFFFFFFF  }
0xc1: {  	_ =	task.clear_ibuf [dreg:s6], $0x2FFFF;
	_ =	strace $0x9FFFFFFF  }
0xc2: {  	(tm) =	ssettm $0x7FFFFFFF  }
0xc3: {  	_ =	shalt  }
tec
execute0_lowered:
.L_overlay_start_1:
0x0: {  	(tag) =	ssettag $0x1  }
0x1: {  	s0 =	rddreg [dreg:$0x0]  }
0x2: {  	s1 =	rddreg [dreg:$0x1]  }
0x3: {  	s2 =	simm.s32 $0x0;
	s3 =	srdreg.scid;
	s21 =	stileid.u32  }
0x4: {  	s29 =	simm.s32 $0x180;
	s30 =	simm.s32 $0x4;
	s31 =	simm.s32 $0x80  }
0x5: {  	[smem:$0x7FF] =	sst s2;
	s4 =	sadd.s32 $0xCE00, s0;
	s5 =	sadd.s32 $0x5D600, s0  }
0x6: {  	s6 =	sadd.s32 $0x2800, s0;
	s3 =	sand.u32 $0x1, s3;
	s8 =	smul.u32 $0x50000, s21  }
0x7: {  	s7 =	sadd.s32 $0xC600, s0;
	s13 =	smul.u32 $0x14000, s21;
	s0 =	sadd.s32 $0x67400, s0  }
0x8: {  	s26 =	smul.u32 $0x2780, s21;
	_ =	strace $0x80000050;
	s19 =	ssub.s32 $0x2, s3  }
0x9: {  	[dreg:$0x3] =	wrdreg s7;
	s10 =	sshll.u32 s3, $0x4;
	s9 =	sshrl.u32 s19, $0x1  }
0xa: {  	s20 =	sor.u32 s21, s10;
	s8 =	sshrl.u32 s8, $0x2;
	s14 =	sadd.s32 $0x4000, s13  }
0xb: {  	s15 =	sadd.s32 $0x8000, s13;
	s16 =	sadd.s32 $0xC000, s13;
	s18 =	sadd.s32 $0x10000, s13  }
0xc: {  	s7 =	ssub.s32 s19, s9;
	s11 =	smul.u32 $0x2780, s20;
	s8 =	sadd.s32 s8, s1  }
0xd: {  	s9 =	sadd.s32 s14, s1;
	s10 =	sadd.s32 s15, s1;
	s20 =	smul.u32 $0x140000, s3  }
0xe: {  	s12 =	sadd.s32 s18, s1;
	s3 =	smul.u32 $0x27800, s3;
	s17 =	sshrl.u32 s11, $0x3  }
0xf: {  	s11 =	sadd.s32 s16, s1;
	s13 =	sadd.s32 s13, s20;
	s14 =	sadd.s32 s20, s14  }
0x10: {  	s15 =	sadd.s32 s20, s15;
	s24 =	sadd.s32 s20, s16;
	s25 =	sadd.s32 s20, s18  }
0x11: {  	s16 =	sadd.s32 s26, s3;
	s3 =	simm.s32 $0x100;
	s19 =	sadd.s32 $0x4E0, s17  }
0x12: {  	s13 =	sshrl.u32 s13, $0x3;
	s14 =	sshrl.u32 s14, $0x3;
	s23 =	sshrl.u32 s15, $0x3  }
0x13: {  	s15 =	sshrl.u32 s25, $0x3;
	s21 =	sadd.s32 s5, s17;
	s22 =	sadd.s32 s5, s19  }
0x14: {  	s18 =	sadd.s32 $0x10, s17;
	s19 =	sadd.s32 s6, s19;
	[dreg:$0x4] =	wrdreg s22  }
0x15: {  	s25 =	sadd.s32 $0x100, s16;
	s13 =	sadd.s32 s0, s13;
	[dreg:$0x5] =	wrdreg s19  }
0x16: {  	[dreg:$0x6] =	wrdreg s13;
	s22 =	sadd.s32 s0, s14;
	s14 =	sshrl.u32 s24, $0x3  }
0x17: {  	s13 =	sadd.s32 s0, s23;
	s19 =	sadd.s32 $0x180, s16;
	[dreg:$0x7] =	wrdreg s22  }
0x18: {  	s23 =	sadd.s32 s5, s18;
	s24 =	sadd.s32 s6, s18;
	[dreg:$0x8] =	wrdreg s13  }
0x19: {  	s14 =	sadd.s32 s0, s14;
	s0 =	sadd.s32 s0, s15;
	s15 =	smax.u32 s7, $0x1  }
0x1a: {  	s22 =	sadd.s32 s6, s17;
	s20 =	sshrl.u32 s19, $0x3;
	[dreg:$0x9] =	wrdreg s14  }
0x1b: {  	s7 =	simm.s32 $0x4180;
	s13 =	simm.s32 $0x2;
	[dreg:$0xa] =	wrdreg s0  }
0x1c: {  	[dreg:$0xb] =	wrdreg s15;
	s26 =	sadd.s32 s20, s6;
	s28 =	sadd.s32 s20, s5  }
0x1d: {  	s0 =	simm.s32 $0x1;
	s14 =	simm.s32 $0x3;
	s15 =	simm.s32 $0x0  }
.LBB2_1:
0x1e: {  	s16 =	rddreg [dreg:$0x3]  }
0x1f: {  	[tilespmem:s29], [sflag:$0x4] =	stream.linear.gather [hbm4b:s16+s2], $0x4000, $0x38;
	[tilespmem:$0x1C180] =	vst v63  }
0x20: {  	_ =	swait.ge [sflag:s30], $0x4000  }
0x21: {  	[sflag:s30] =	ssyncset.done $0x0  }
0x22: {  	[sflag:s30] =	ssyncadd.s32 $0xFFFFC000  }
0x23: {  	[spmem:s8] =	stream.linear.scatter [tilespmem:s29], [sflag:$0x4], $0x4000, $0x38;
	[tilespmem:$0x1C180] =	vst v63  }
0x24: {  	_ =	swait.ge [sflag:s30], $0x4000  }
0x25: {  	[sflag:s30] =	ssyncset.done $0x0  }
0x26: {  	[sflag:s30] =	ssyncadd.s32 $0xFFFFC000  }
0x27: {  	[spmem:s9] =	stream.linear.scatter [tilespmem:s29], [sflag:$0x4], $0x4000, $0x38;
	[tilespmem:$0x1C180] =	vst v63  }
0x28: {  	_ =	swait.ge [sflag:s30], $0x4000  }
0x29: {  	[sflag:s30] =	ssyncset.done $0x0  }
0x2a: {  	[sflag:s30] =	ssyncadd.s32 $0xFFFFC000  }
0x2b: {  	[spmem:s10] =	stream.linear.scatter [tilespmem:s29], [sflag:$0x4], $0x4000, $0x38;
	[tilespmem:$0x1C180] =	vst v63  }
0x2c: {  	_ =	swait.ge [sflag:s30], $0x4000  }
0x2d: {  	[sflag:s30] =	ssyncset.done $0x0  }
0x2e: {  	[sflag:s30] =	ssyncadd.s32 $0xFFFFC000  }
0x2f: {  	[spmem:s11] =	stream.linear.scatter [tilespmem:s29], [sflag:$0x4], $0x4000, $0x38;
	[tilespmem:$0x1C180] =	vst v63  }
0x30: {  	_ =	swait.ge [sflag:s30], $0x4000  }
0x31: {  	[sflag:s30] =	ssyncset.done $0x0  }
0x32: {  	[sflag:s30] =	ssyncadd.s32 $0xFFFFC000  }
0x33: {  	[spmem:s12] =	stream.linear.scatter [tilespmem:s29], [sflag:$0x4], $0x4000, $0x38;
	[tilespmem:$0x1C180] =	vst v63  }
0x34: {  	_ =	swait.ge [sflag:s30], $0x4000  }
0x35: {  	[sflag:s30] =	ssyncset.done $0x0  }
0x36: {  	[sflag:s30] =	ssyncadd.s32 $0xFFFFC000  }
0x37: {  	[bflag:$0x0] =	sbarrier.arrive $0xFFFF  }
0x38: {  	[tilespmem:s2], [sflag:$0x4] =	stream.linear.gather [hbm4b:s21+s2], $0x80, $0x38;
	[tilespmem:$0x1C180] =	vst v63  }
0x39: {  	_ =	swait.ge [sflag:s30], $0x80  }
0x3a: {  	[sflag:s30] =	ssyncset.done $0x0  }
0x3b: {  	[sflag:s30] =	ssyncadd.s32 $0xFFFFFF80  }
0x3c: {  	[tilespmem:s31], [sflag:$0x4] =	stream.linear.gather [hbm4b:s22+s2], $0x80, $0x38;
	[tilespmem:$0x1C180] =	vst v63  }
0x3d: {  	_ =	swait.ge [sflag:s30], $0x80  }
0x3e: {  	[sflag:s30] =	ssyncset.done $0x0  }
0x3f: {  	[sflag:s30] =	ssyncadd.s32 $0xFFFFFF80  }
0x40: {  	[tilespmem:s29], [sflag:$0x1] =	stream.indirect.gather [hbm4b:s4+s31], $0x80, s2, s31, $0xb8;
	[tilespmem:$0x1C180] =	vst v63  }
0x41: {  	_ =	swait.ge [sflag:s0], $0x4000  }
0x42: {  	[sflag:s0] =	ssyncset.done $0x0  }
0x43: {  	[sflag:s0] =	ssyncadd.s32 $0xFFFFC000  }
0x44: {  	[spmem:s1] =	stream.indirect.scatter.add.f32 [tilespmem:s29], [sflag:$0x2], $0x80, s31, s31, $0xb8;
	[tilespmem:$0x1C180] =	vst v63  }
0x45: {  	_ = 	snop  }
0x46: {  	[tilespmem:s2], [sflag:$0x4] =	stream.linear.gather [hbm4b:s23+s2], $0x80, $0x38;
	[tilespmem:$0x1C180] =	vst v63  }
0x47: {  	_ =	swait.ge [sflag:s30], $0x80  }
0x48: {  	[sflag:s30] =	ssyncset.done $0x0  }
0x49: {  	[sflag:s30] =	ssyncadd.s32 $0xFFFFFF80  }
0x4a: {  	[tilespmem:s3], [sflag:$0x4] =	stream.linear.gather [hbm4b:s24+s2], $0x80, $0x38;
	[tilespmem:$0x1C180] =	vst v63  }
0x4b: {  	_ =	swait.ge [sflag:s30], $0x80  }
0x4c: {  	[sflag:s30] =	ssyncset.done $0x0  }
0x4d: {  	[sflag:s30] =	ssyncadd.s32 $0xFFFFFF80  }
0x4e: {  	[tilespmem:s7], [sflag:$0x1] =	stream.indirect.gather [hbm4b:s4+s31], $0x80, s2, s31, $0xb8;
	[tilespmem:$0x1C180] =	vst v63  }
0x4f: {  	_ =	swait.ge [sflag:s0], $0x4000  }
0x50: {  	[sflag:s0] =	ssyncset.done $0x0  }
0x51: {  	[sflag:s0] =	ssyncadd.s32 $0xFFFFC000  }
0x52: {  	[spmem:s1] =	stream.indirect.scatter.add.f32 [tilespmem:s7], [sflag:$0x3], $0x80, s3, s31, $0xb8;
	[tilespmem:$0x1C180] =	vst v63  }
0x53: {  	_ =	swait.ge [sflag:s13], $0x4000  }
0x54: {  	s18 =	sshrl.u32 s25, $0x3;
	[sflag:s13] =	ssyncset.done $0x0  }
0x55: {  	s17 =	sadd.s32 s5, s18;
	[sflag:s13] =	ssyncadd.s32 $0xFFFFC000  }
0x56: {  	[tilespmem:s2], [sflag:$0x4] =	stream.linear.gather [hbm4b:s17+s2], $0x80, $0x38;
	[tilespmem:$0x1C180] =	vst v63  }
0x57: {  	_ =	swait.ge [sflag:s30], $0x80  }
0x58: {  	[sflag:s30] =	ssyncset.done $0x0  }
0x59: {  	s16 =	sadd.s32 s6, s18;
	[sflag:s30] =	ssyncadd.s32 $0xFFFFFF80  }
0x5a: {  	[tilespmem:s31], [sflag:$0x4] =	stream.linear.gather [hbm4b:s16+s2], $0x80, $0x38;
	[tilespmem:$0x1C180] =	vst v63  }
0x5b: {  	_ =	swait.ge [sflag:s30], $0x80  }
0x5c: {  	[sflag:s30] =	ssyncset.done $0x0  }
0x5d: {  	[sflag:s30] =	ssyncadd.s32 $0xFFFFFF80  }
0x5e: {  	[tilespmem:s29], [sflag:$0x1] =	stream.indirect.gather [hbm4b:s4+s31], $0x80, s2, s31, $0xb8;
	[tilespmem:$0x1C180] =	vst v63  }
0x5f: {  	_ =	swait.ge [sflag:s0], $0x4000  }
0x60: {  	[sflag:s0] =	ssyncset.done $0x0  }
0x61: {  	[sflag:s0] =	ssyncadd.s32 $0xFFFFC000  }
0x62: {  	[spmem:s1] =	stream.indirect.scatter.add.f32 [tilespmem:s29], [sflag:$0x2], $0x80, s31, s31, $0xb8;
	[tilespmem:$0x1C180] =	vst v63  }
0x63: {  	_ =	swait.ge [sflag:s14], $0x4000  }
0x64: {  	[sflag:s14] =	ssyncset.done $0x0  }
0x65: {  	s19 =	sadd.s32 $0x0, s28;
	[sflag:s14] =	ssyncadd.s32 $0xFFFFC000  }
0x66: {  	[tilespmem:s2], [sflag:$0x4] =	stream.linear.gather [hbm4b:s19+s2], $0x80, $0x38;
	[tilespmem:$0x1C180] =	vst v63  }
0x67: {  	_ =	swait.ge [sflag:s30], $0x80  }
0x68: {  	[sflag:s30] =	ssyncset.done $0x0  }
0x69: {  	s20 =	sadd.s32 $0x0, s26;
	[sflag:s30] =	ssyncadd.s32 $0xFFFFFF80  }
0x6a: {  	[tilespmem:s3], [sflag:$0x4] =	stream.linear.gather [hbm4b:s20+s2], $0x80, $0x38;
	[tilespmem:$0x1C180] =	vst v63  }
0x6b: {  	_ =	swait.ge [sflag:s30], $0x80  }
0x6c: {  	[sflag:s30] =	ssyncset.done $0x0  }
0x6d: {  	[sflag:s30] =	ssyncadd.s32 $0xFFFFFF80  }
0x6e: {  	[tilespmem:s7], [sflag:$0x1] =	stream.indirect.gather [hbm4b:s4+s31], $0x80, s2, s31, $0xb8;
	[tilespmem:$0x1C180] =	vst v63  }
0x6f: {  	_ =	swait.ge [sflag:s0], $0x4000  }
0x70: {  	[sflag:s0] =	ssyncset.done $0x0  }
0x71: {  	s17 =	sadd.s32 $0x100, s25;
	s16 =	simm.s32 $0x20;
	[sflag:s0] =	ssyncadd.s32 $0xFFFFC000  }
.LBB2_2:
0x72: {  	[spmem:s1] =	stream.indirect.scatter.add.f32 [tilespmem:s7], [sflag:$0x3], $0x80, s3, s31, $0xb8;
	[tilespmem:$0x1C180] =	vst v63  }
0x73: {  	s18 =	smov.u32 s16  }
0x74: {  	p0 =	sne.s32 s16, $0x4A0;
	s16 =	sadd.s32 $0x20, s16;
	_ =	swait.ge [sflag:s13], $0x4000  }
0x75: {  	s19 =	sshrl.u32 s17, $0x3;
	[sflag:s13] =	ssyncset.done $0x0  }
0x76: {  	s20 =	sadd.s32 s5, s19;
	[sflag:s13] =	ssyncadd.s32 $0xFFFFC000  }
0x77: {  	[tilespmem:s2], [sflag:$0x4] =	stream.linear.gather [hbm4b:s20+s2], $0x80, $0x38;
	[tilespmem:$0x1C180] =	vst v63  }
0x78: {  	_ =	swait.ge [sflag:s30], $0x80  }
0x79: {  	[sflag:s30] =	ssyncset.done $0x0  }
0x7a: {  	s19 =	sadd.s32 s6, s19;
	[sflag:s30] =	ssyncadd.s32 $0xFFFFFF80  }
0x7b: {  	[tilespmem:s31], [sflag:$0x4] =	stream.linear.gather [hbm4b:s19+s2], $0x80, $0x38;
	[tilespmem:$0x1C180] =	vst v63  }
0x7c: {  	_ =	swait.ge [sflag:s30], $0x80  }
0x7d: {  	[sflag:s30] =	ssyncset.done $0x0  }
0x7e: {  	[sflag:s30] =	ssyncadd.s32 $0xFFFFFF80  }
0x7f: {  	[tilespmem:s29], [sflag:$0x1] =	stream.indirect.gather [hbm4b:s4+s31], $0x80, s2, s31, $0xb8;
	[tilespmem:$0x1C180] =	vst v63  }
0x80: {  	_ =	swait.ge [sflag:s0], $0x4000  }
0x81: {  	[sflag:s0] =	ssyncset.done $0x0  }
0x82: {  	[sflag:s0] =	ssyncadd.s32 $0xFFFFC000  }
0x83: {  	[spmem:s1] =	stream.indirect.scatter.add.f32 [tilespmem:s29], [sflag:$0x2], $0x80, s31, s31, $0xb8;
	[tilespmem:$0x1C180] =	vst v63  }
0x84: {  	_ =	swait.ge [sflag:s14], $0x4000  }
0x85: {  	[sflag:s14] =	ssyncset.done $0x0  }
0x86: {  	s19 =	sadd.s32 s18, s28;
	[sflag:s14] =	ssyncadd.s32 $0xFFFFC000  }
0x87: {  	[tilespmem:s2], [sflag:$0x4] =	stream.linear.gather [hbm4b:s19+s2], $0x80, $0x38;
	[tilespmem:$0x1C180] =	vst v63  }
0x88: {  	_ =	swait.ge [sflag:s30], $0x80  }
0x89: {  	[sflag:s30] =	ssyncset.done $0x0  }
0x8a: {  	s18 =	sadd.s32 s18, s26;
	[sflag:s30] =	ssyncadd.s32 $0xFFFFFF80  }
0x8b: {  	[tilespmem:s3], [sflag:$0x4] =	stream.linear.gather [hbm4b:s18+s2], $0x80, $0x38;
	[tilespmem:$0x1C180] =	vst v63  }
0x8c: {  	_ =	swait.ge [sflag:s30], $0x80  }
0x8d: {  	[sflag:s30] =	ssyncset.done $0x0  }
.Ltmp0:
0x8e: {  	[sflag:s30] =	ssyncadd.s32 $0xFFFFFF80;
	(pc) =	sbr.rel @p0 .LBB2_2-.Ltmp0, $4  }
0x8f: {  	[tilespmem:s7], [sflag:$0x1] =	stream.indirect.gather [hbm4b:s4+s31], $0x80, s2, s31, $0xb8;
	[tilespmem:$0x1C180] =	vst v63  }
0x90: {  	_ =	swait.ge [sflag:s0], $0x4000  }
0x91: {  	[sflag:s0] =	ssyncset.done $0x0  }
0x92: {  	s17 =	sadd.s32 $0x100, s17;
	[sflag:s0] =	ssyncadd.s32 $0xFFFFC000  }
0x93: {  	[spmem:s1] =	stream.indirect.scatter.add.f32 [tilespmem:s7], [sflag:$0x3], $0x80, s3, s31, $0xb8;
	[tilespmem:$0x1C180] =	vst v63  }
0x94: {  	_ =	swait.ge [sflag:s13], $0x4000  }
0x95: {  	[sflag:s13] =	ssyncset.done $0x0  }
0x96: {  	[sflag:s13] =	ssyncadd.s32 $0xFFFFC000  }
0x97: {  	_ =	swait.ge [sflag:s14], $0x4000  }
0x98: {  	[sflag:s14] =	ssyncset.done $0x0  }
0x99: {  	s16 =	rddreg [dreg:$0x4];
	[sflag:s14] =	ssyncadd.s32 $0xFFFFC000  }
0x9a: {  	[tilespmem:s2], [sflag:$0x4] =	stream.linear.gather [hbm4b:s16+s2], $0x80, $0x38;
	[tilespmem:$0x1C180] =	vst v63  }
0x9b: {  	_ =	swait.ge [sflag:s30], $0x80  }
0x9c: {  	[sflag:s30] =	ssyncset.done $0x0  }
0x9d: {  	s17 =	rddreg [dreg:$0x5];
	[sflag:s30] =	ssyncadd.s32 $0xFFFFFF80  }
0x9e: {  	[tilespmem:s31], [sflag:$0x4] =	stream.linear.gather [hbm4b:s17+s2], $0x80, $0x38;
	[tilespmem:$0x1C180] =	vst v63  }
0x9f: {  	_ =	swait.ge [sflag:s30], $0x80  }
0xa0: {  	[sflag:s30] =	ssyncset.done $0x0  }
0xa1: {  	[sflag:s30] =	ssyncadd.s32 $0xFFFFFF80  }
0xa2: {  	[tilespmem:s29], [sflag:$0x1] =	stream.indirect.gather [hbm4b:s4+s31], $0x80, s2, s31, $0xb8;
	[tilespmem:$0x1C180] =	vst v63  }
0xa3: {  	_ =	swait.ge [sflag:s0], $0x4000  }
0xa4: {  	[sflag:s0] =	ssyncset.done $0x0  }
0xa5: {  	[sflag:s0] =	ssyncadd.s32 $0xFFFFC000  }
0xa6: {  	[spmem:s1] =	stream.indirect.scatter.add.f32 [tilespmem:s29], [sflag:$0x4], $0x80, s31, s31, $0xb8;
	[tilespmem:$0x1C180] =	vst v63  }
0xa7: {  	_ =	swait.ge [sflag:s30], $0x4000  }
0xa8: {  	[sflag:s30] =	ssyncset.done $0x0  }
0xa9: {  	s18 =	stileid.u32;
	[sflag:s30] =	ssyncadd.s32 $0xFFFFC000  }
0xaa: {  	s16 =	sshll.u32 s18, $0x6;
	[bflag:$0x0] =	sbarrier.arrive $0xFFFF  }
0xab: {  	s16 =	sor.u32 $0x1C04, s16;
	s17 =	sshrl.u32 s8, $0x3;
	s18 =	rddreg [dreg:$0x6]  }
0xac: {  	[hbm:s18], [sflag:s16] =	dma.local [spmem:s17], $0x800  }
0xad: {  	_ =	swait.ge [sflag:s30], $0x800  }
0xae: {  	[sflag:s30] =	ssyncset.done $0x0  }
0xaf: {  	s19 =	sshrl.u32 s9, $0x3;
	s20 =	rddreg [dreg:$0x7];
	[sflag:s30] =	ssyncadd.s32 $0xFFFFF800  }
0xb0: {  	[hbm:s20], [sflag:s16] =	dma.local [spmem:s19], $0x800  }
0xb1: {  	_ =	swait.ge [sflag:s30], $0x800  }
0xb2: {  	[sflag:s30] =	ssyncset.done $0x0  }
0xb3: {  	s19 =	sshrl.u32 s10, $0x3;
	s20 =	rddreg [dreg:$0x8];
	[sflag:s30] =	ssyncadd.s32 $0xFFFFF800  }
0xb4: {  	[hbm:s20], [sflag:s16] =	dma.local [spmem:s19], $0x800  }
0xb5: {  	_ =	swait.ge [sflag:s30], $0x800  }
0xb6: {  	[sflag:s30] =	ssyncset.done $0x0  }
0xb7: {  	s19 =	sshrl.u32 s11, $0x3;
	s20 =	rddreg [dreg:$0x9];
	[sflag:s30] =	ssyncadd.s32 $0xFFFFF800  }
0xb8: {  	[hbm:s20], [sflag:s16] =	dma.local [spmem:s19], $0x800  }
0xb9: {  	_ =	swait.ge [sflag:s30], $0x800  }
0xba: {  	[sflag:s30] =	ssyncset.done $0x0  }
0xbb: {  	s18 =	sshrl.u32 s12, $0x3;
	s19 =	rddreg [dreg:$0xa];
	[sflag:s30] =	ssyncadd.s32 $0xFFFFF800  }
0xbc: {  	[hbm:s19], [sflag:s16] =	dma.local [spmem:s18], $0x800  }
0xbd: {  	_ =	swait.ge [sflag:s30], $0x800  }
0xbe: {  	s15 =	sadd.s32 $0x1, s15;
	s20 =	rddreg [dreg:$0xb]  }
0xbf: {  	p0 =	sne.s32 s15, s20  }
.Ltmp1:
0xc0: {  	_ = 	snop;
	(pc) =	sbr.rel @p0 .LBB2_1-.Ltmp1, $3  }
0xc1: {  	_ =	sdelay $0x1  }
0xc2: {  	[sflag:s30] =	ssyncset.done $0x0  }
0xc3: {  	[sflag:s30] =	ssyncadd.s32 $0xFFFFF800  }
0xc4: {  	_ =	sfence.sel $0x180000  }
0xc5: {  	[bflag:$0x0] =	sbarrier.arrive $0xFFFF  }
0xc6: {  	_ =	strace $0x90000050  }
0xc7: {  	s0 =	stileid.u32;
	[bflag:$0x2] =	sbarrier.arrive $0xFFFF  }
0xc8: {  	p0 =	sne.s32 s0, $0x0;
	s0 =	rddreg [dreg:$0x2]  }
0xc9: {  	s0 =	sadd.s32 @!p0 $0x100000, s0  }
0xca: {  	[sflag:s0] =	ssyncadd.tile.s32 @!p0 $0x1;
	_ =	shalt  }
.Lfunc_end2:
_tile_overlayer_lowered:
.L_overlay_start_2:
0xcb: {  	(tag) =	ssettag $0x2  }
0xcc: {  	s0 =	rddreg [dreg:$0x0];
	s2 =	stileid.u32  }
0xcd: {  	s1 =	rddreg [dreg:$0x1];
	p0 =	sne.s32 s2, $0x0  }
0xce: {  	s3 =	rddreg [dreg:$0x2];
	[bflag:$0x3] =	sbarrier.arrive $0xFFFF;
	s2 =	simm.s32 @!p0 $0x1C04  }
0xcf: {  	[timem:s3], [sflag:s2] =	dma.local @!p0 [hbm:s0], s1  }
0xd0: {  	s0 =	simm.s32 @!p0 $0x4  }
0xd1: {  	_ =	swait.ge @!p0 [sflag:s0], s1  }
0xd2: {  	s1 =	ssub.s32 @!p0 $0x0, s1;
	[sflag:s0] =	ssyncset.done @!p0 $0x0  }
0xd3: {  	[sflag:s0] =	ssyncadd.s32 @!p0 s1  }
0xd4: {  	[bflag:$0x3] =	sbarrier.arrive $0xFFFF  }
0xd5: {  	_ =	shalt  }

</sc_bundles>
